<compile_context>
chip_gen: v7x
topology: tpu7x:2x2x1
jax: 0.10.2.dev20260603
libtpu: 0.0.44.dev20260713+nightly
codegen_flags: <defaults>
</compile_context>

<pallas_src>
import functools

import jax
import jax.numpy as jnp
from jax import lax
from jax.experimental import pallas as pl
from jax.experimental.pallas import tpu as pltpu
from jax.experimental.pallas import tpu_sc as plsc

_H = 32
_NW = 32
_BB = 128
_CS = 2
_PR = 129
_PS = 201


def kernel(layer_indices, embedding_table):
    b, s = layer_indices.shape
    n_chunks = s // _CS
    n_grp = n_chunks // 2
    nbt = b // _BB

    mesh = plsc.VectorSubcoreMesh(core_axis_name="c", subcore_axis_name="s")

    @functools.partial(
        pl.kernel,
        mesh=mesh,
        out_type=jax.ShapeDtypeStruct((s * (_H // 8), nbt, 8, _BB), jnp.float32),
        scratch_types=[
            pltpu.VMEM((_BB, _PS), jnp.int32),
            pltpu.VMEM((s, _BB), jnp.int32),
            pltpu.VMEM((2, _CS * _BB, _H), jnp.float32),
            pltpu.VMEM((2, _CS * 4, 1, 8, _PR), jnp.float32),
            pltpu.SemaphoreType.DMA,
            pltpu.SemaphoreType.DMA,
            pltpu.SemaphoreType.DMA,
            pltpu.SemaphoreType.DMA,
        ],
        compiler_params=pltpu.CompilerParams(
            use_tc_tiling_on_sc=False, needs_layout_passes=False),
    )
    def emb(idx_hbm, table_hbm, out_hbm, idxb_v, idxs_v, gbuf, tbuf,
            gsem0, gsem1, osem0, osem1):
        gsems = (gsem0, gsem1)
        osems = (osem0, osem1)
        wid = lax.axis_index("s") * 2 + lax.axis_index("c")

        lanes = lax.iota(jnp.int32, 16)
        bvecs = [g * 16 + lanes for g in range(8)]
        zeros = jnp.zeros((16,), jnp.int32)
        rrvecs = [(q * 16 + lanes) // 8 for q in range(2)]
        hivecs = [lax.rem(q * 16 + lanes, 8) for q in range(2)]

        pltpu.sync_copy(idx_hbm.at[pl.ds(wid * _BB, _BB)],
                        idxb_v.at[:, pl.ds(0, s)])

        def idx_body(si, carry):
            sv = jnp.full((16,), si, jnp.int32)
            for g in range(8):
                v = plsc.load_gather(idxb_v, [bvecs[g], sv])
                idxs_v[si, pl.ds(g * 16, 16)] = v
            return carry

        lax.fori_loop(0, s, idx_body, 0, unroll=False)

        def gather_desc(k, slot, s1):
            return pltpu.make_async_copy(
                table_hbm.at[idxs_v.at[k * _CS + s1]],
                gbuf.at[slot, pl.ds(s1 * _BB, _BB), :],
                gsems[slot])

        def out_desc(k, slot):
            return pltpu.make_async_copy(
                tbuf.at[slot, :, :, :, pl.ds(0, _BB)],
                out_hbm.at[pl.ds(k * _CS * 4, _CS * 4), pl.ds(wid, 1), :, :],
                osems[slot])

        for s1 in range(_CS):
            gather_desc(0, 0, s1).start()

        def transpose_chunk(k, slot):
            tref = tbuf.at[slot]
            for s1 in range(_CS):
                gather_desc(k, slot, s1).wait()
                rr = [rv + s1 * 4 for rv in rrvecs]

                def b_body(bi, cv, s1=s1, rr=rr):
                    for q in range(2):
                        v = gbuf[slot, s1 * _BB + bi, pl.ds(q * 16, 16)]
                        plsc.store_scatter(tref, [rr[q], zeros, hivecs[q], cv], v)
                    return cv + 1

                lax.fori_loop(0, _BB, b_body, jnp.zeros((16,), jnp.int32),
                              unroll=16)

        def group_body(g2, carry):
            for p in range(2):
                k = g2 * 2 + p

                @pl.when(k + 1 < n_chunks)
                def _(p=p, k=k):
                    for s1 in range(_CS):
                        gather_desc(k + 1, 1 - p, s1).start()

                @pl.when(k >= 2)
                def _(p=p, k=k):
                    out_desc(k, p).wait()

                transpose_chunk(k, p)
                out_desc(k, p).start()
            return carry

        lax.fori_loop(0, n_grp, group_body, 0, unroll=False)

        out_desc(n_chunks - 2, 0).wait()
        out_desc(n_chunks - 1, 1).wait()

    out = emb(layer_indices, embedding_table)
    out = out.reshape(s, _H // 8, nbt, 8, _BB)
    return out.transpose(2, 4, 0, 1, 3).reshape(b, s, _H)

# --- scband reference (transcript-rebuilt; emitter-appended) ---
"""Pipeline reference for scband-layer-embedder-28415503630545 (READ-ONLY COPY).

The authoritative reference and input builder live on the scoring server;
editing this copy changes nothing except your own understanding.
"""

import jax, jax.numpy as jnp
import numpy as np

MAX_LAYERS = 100000
HIDDEN_SIZE = 32

def setup_inputs(seed: int = 0) -> dict:
    key = jax.random.key(seed)
    k_idx, k_emb = jax.random.split(key)
    layer_indices = jax.random.randint(k_idx, (4096, 200), 0, MAX_LAYERS, dtype=jnp.int64 if jax.config.read('jax_enable_x64') else jnp.int32)
    embedding_table = jax.random.normal(k_emb, (MAX_LAYERS, HIDDEN_SIZE), dtype=jnp.float32)
    return {"layer_indices": layer_indices, "embedding_table": embedding_table}

def reference(layer_indices, embedding_table):
    # nn.Embedding forward: gather rows of the table by index
    return jnp.take(embedding_table, layer_indices, axis=0)

if __name__ == "__main__":
    import jax
    _d = setup_inputs()
    print(jax.jit(kernel)(*tuple(_d.values())))

</pallas_src>

<mosaic_0001>
#map = affine_map<(d0, d1) -> (0, 0)>
#map1 = affine_map<(d0, d1) -> (0, 0, 0, 0)>
module attributes {stable_mosaic.version = 14 : i64} {
  func.func @emb(%arg0: i32, %arg1: i32, %arg2: memref<4096x200xi32, #tpu.memory_space<hbm>>, %arg3: memref<100000x32xf32, #tpu.memory_space<hbm>>, %arg4: memref<800x32x8x128xf32, #tpu.memory_space<hbm>>, %arg5: memref<128x201xi32, #tpu.memory_space<vmem>>, %arg6: memref<200x128xi32, #tpu.memory_space<vmem>>, %arg7: memref<2x256x32xf32, #tpu.memory_space<vmem>>, %arg8: memref<2x8x1x8x129xf32, #tpu.memory_space<vmem>>, %arg9: memref<!tpu.dma_semaphore, #tpu.memory_space<semaphore_mem>>, %arg10: memref<!tpu.dma_semaphore, #tpu.memory_space<semaphore_mem>>, %arg11: memref<!tpu.dma_semaphore, #tpu.memory_space<semaphore_mem>>, %arg12: memref<!tpu.dma_semaphore, #tpu.memory_space<semaphore_mem>>) attributes {dimension_semantics = [#tpu.dimension_semantics<core_parallel>, #tpu.dimension_semantics<subcore_parallel>], iteration_bounds = array<i64: 2, 16>, scalar_prefetch = 0 : i64, scratch_operands = 8 : i64, tpu.core_type = #tpu.core_type<sc_vector_subcore>, window_params = [{transform_indices = #map}, {transform_indices = #map}, {transform_indices = #map1}]} {
    %mul3A = arith.constant 2 : i32
    %mul3A_0 = arith.muli %arg1, %mul3A : i32
    %add3A = arith.addi %mul3A_0, %arg0 : i32
    %iota3A = tpu.iota {dimensions = array<i32: 0>} : vector<16xi32>
    %add3A_1 = arith.constant 0 : i32
    %add3A_2 = vector.broadcast %add3A_1 : i32 to vector<16xi32>
    %add3A_3 = arith.addi %add3A_2, %iota3A : vector<16xi32>
    %add3A_4 = arith.constant 16 : i32
    %add3A_5 = vector.broadcast %add3A_4 : i32 to vector<16xi32>
    %add3A_6 = arith.addi %add3A_5, %iota3A : vector<16xi32>
    %add3A_7 = arith.constant 32 : i32
    %add3A_8 = vector.broadcast %add3A_7 : i32 to vector<16xi32>
    %add3A_9 = arith.addi %add3A_8, %iota3A : vector<16xi32>
    %add3A_10 = arith.constant 48 : i32
    %add3A_11 = vector.broadcast %add3A_10 : i32 to vector<16xi32>
    %add3A_12 = arith.addi %add3A_11, %iota3A : vector<16xi32>
    %add3A_13 = arith.constant 64 : i32
    %add3A_14 = vector.broadcast %add3A_13 : i32 to vector<16xi32>
    %add3A_15 = arith.addi %add3A_14, %iota3A : vector<16xi32>
    %add3A_16 = arith.constant 80 : i32
    %add3A_17 = vector.broadcast %add3A_16 : i32 to vector<16xi32>
    %add3A_18 = arith.addi %add3A_17, %iota3A : vector<16xi32>
    %add3A_19 = arith.constant 96 : i32
    %add3A_20 = vector.broadcast %add3A_19 : i32 to vector<16xi32>
    %add3A_21 = arith.addi %add3A_20, %iota3A : vector<16xi32>
    %add3A_22 = arith.constant 112 : i32
    %add3A_23 = vector.broadcast %add3A_22 : i32 to vector<16xi32>
    %add3A_24 = arith.addi %add3A_23, %iota3A : vector<16xi32>
    %broadcast_in_dim3A = arith.constant 0 : i32
    %broadcast_in_dim3A_25 = vector.broadcast %broadcast_in_dim3A : i32 to vector<16xi32>
    %add3A_26 = arith.constant 0 : i32
    %add3A_27 = vector.broadcast %add3A_26 : i32 to vector<16xi32>
    %add3A_28 = arith.addi %add3A_27, %iota3A : vector<16xi32>
    %jit3A = arith.constant 8 : i32
    %div3A = vector.broadcast %jit3A : i32 to vector<16xi32>
    %div3A_29 = arith.divsi %add3A_28, %div3A : vector<16xi32>
    %sign3A = arith.constant 0 : i32
    %sign3A_30 = vector.broadcast %sign3A : i32 to vector<16xi32>
    %sign3A_31 = arith.cmpi sgt, %add3A_28, %sign3A_30 : vector<16xi32>
    %sign3A_32 = arith.extui %sign3A_31 : vector<16xi1> to vector<16xi32>
    %sign3A_33 = arith.constant 0 : i32
    %sign3A_34 = vector.broadcast %sign3A_33 : i32 to vector<16xi32>
    %sign3A_35 = arith.cmpi slt, %add3A_28, %sign3A_34 : vector<16xi32>
    %sign3A_36 = arith.extui %sign3A_35 : vector<16xi1> to vector<16xi32>
    %sign3A_37 = arith.subi %sign3A_32, %sign3A_36 : vector<16xi32>
    %sign3A_38 = arith.constant 0 : i32
    %sign3A_39 = arith.cmpi sgt, %jit3A, %sign3A_38 : i32
    %sign3A_40 = arith.extui %sign3A_39 : i1 to i32
    %sign3A_41 = arith.constant 0 : i32
    %sign3A_42 = arith.cmpi slt, %jit3A, %sign3A_41 : i32
    %sign3A_43 = arith.extui %sign3A_42 : i1 to i32
    %sign3A_44 = arith.subi %sign3A_40, %sign3A_43 : i32
    %ne3A = vector.broadcast %sign3A_44 : i32 to vector<16xi32>
    %ne3A_45 = arith.cmpi ne, %sign3A_37, %ne3A : vector<16xi32>
    %rem3A = vector.broadcast %jit3A : i32 to vector<16xi32>
    %rem3A_46 = arith.remsi %add3A_28, %rem3A : vector<16xi32>
    %ne3A_47 = arith.constant 0 : i32
    %ne3A_48 = vector.broadcast %ne3A_47 : i32 to vector<16xi32>
    %ne3A_49 = arith.cmpi ne, %rem3A_46, %ne3A_48 : vector<16xi32>
    %and3A = arith.andi %ne3A_45, %ne3A_49 : vector<16xi1>
    %sub3A = arith.constant 1 : i32
    %sub3A_50 = vector.broadcast %sub3A : i32 to vector<16xi32>
    %sub3A_51 = arith.subi %div3A_29, %sub3A_50 : vector<16xi32>
    %select_n3A = arith.select %and3A, %sub3A_51, %div3A_29 : vector<16xi1>, vector<16xi32>
    %add3A_52 = arith.constant 16 : i32
    %add3A_53 = vector.broadcast %add3A_52 : i32 to vector<16xi32>
    %add3A_54 = arith.addi %add3A_53, %iota3A : vector<16xi32>
    %jit3A_55 = arith.constant 8 : i32
    %div3A_56 = vector.broadcast %jit3A_55 : i32 to vector<16xi32>
    %div3A_57 = arith.divsi %add3A_54, %div3A_56 : vector<16xi32>
    %sign3A_58 = arith.constant 0 : i32
    %sign3A_59 = vector.broadcast %sign3A_58 : i32 to vector<16xi32>
    %sign3A_60 = arith.cmpi sgt, %add3A_54, %sign3A_59 : vector<16xi32>
    %sign3A_61 = arith.extui %sign3A_60 : vector<16xi1> to vector<16xi32>
    %sign3A_62 = arith.constant 0 : i32
    %sign3A_63 = vector.broadcast %sign3A_62 : i32 to vector<16xi32>
    %sign3A_64 = arith.cmpi slt, %add3A_54, %sign3A_63 : vector<16xi32>
    %sign3A_65 = arith.extui %sign3A_64 : vector<16xi1> to vector<16xi32>
    %sign3A_66 = arith.subi %sign3A_61, %sign3A_65 : vector<16xi32>
    %sign3A_67 = arith.constant 0 : i32
    %sign3A_68 = arith.cmpi sgt, %jit3A_55, %sign3A_67 : i32
    %sign3A_69 = arith.extui %sign3A_68 : i1 to i32
    %sign3A_70 = arith.constant 0 : i32
    %sign3A_71 = arith.cmpi slt, %jit3A_55, %sign3A_70 : i32
    %sign3A_72 = arith.extui %sign3A_71 : i1 to i32
    %sign3A_73 = arith.subi %sign3A_69, %sign3A_72 : i32
    %ne3A_74 = vector.broadcast %sign3A_73 : i32 to vector<16xi32>
    %ne3A_75 = arith.cmpi ne, %sign3A_66, %ne3A_74 : vector<16xi32>
    %rem3A_76 = vector.broadcast %jit3A_55 : i32 to vector<16xi32>
    %rem3A_77 = arith.remsi %add3A_54, %rem3A_76 : vector<16xi32>
    %ne3A_78 = arith.constant 0 : i32
    %ne3A_79 = vector.broadcast %ne3A_78 : i32 to vector<16xi32>
    %ne3A_80 = arith.cmpi ne, %rem3A_77, %ne3A_79 : vector<16xi32>
    %and3A_81 = arith.andi %ne3A_75, %ne3A_80 : vector<16xi1>
    %sub3A_82 = arith.constant 1 : i32
    %sub3A_83 = vector.broadcast %sub3A_82 : i32 to vector<16xi32>
    %sub3A_84 = arith.subi %div3A_57, %sub3A_83 : vector<16xi32>
    %select_n3A_85 = arith.select %and3A_81, %sub3A_84, %div3A_57 : vector<16xi1>, vector<16xi32>
    %add3A_86 = arith.constant 0 : i32
    %add3A_87 = vector.broadcast %add3A_86 : i32 to vector<16xi32>
    %add3A_88 = arith.addi %add3A_87, %iota3A : vector<16xi32>
    %rem3A_89 = arith.constant 8 : i32
    %rem3A_90 = vector.broadcast %rem3A_89 : i32 to vector<16xi32>
    %rem3A_91 = arith.remsi %add3A_88, %rem3A_90 : vector<16xi32>
    %add3A_92 = arith.constant 16 : i32
    %add3A_93 = vector.broadcast %add3A_92 : i32 to vector<16xi32>
    %add3A_94 = arith.addi %add3A_93, %iota3A : vector<16xi32>
    %rem3A_95 = arith.constant 8 : i32
    %rem3A_96 = vector.broadcast %rem3A_95 : i32 to vector<16xi32>
    %rem3A_97 = arith.remsi %add3A_94, %rem3A_96 : vector<16xi32>
    %mul3A_98 = arith.constant 128 : i32
    %mul3A_99 = arith.muli %add3A, %mul3A_98 : i32
    "tpu.region"() ({
      %run_scoped3A = tpu.sem_alloc : memref<!tpu.dma_semaphore, #tpu.memory_space<semaphore_mem>>
      %dma_start3A_175 = arith.constant 0 : i32
      %dma_start3A_176 = arith.constant 0 : i32
      %dma_start3A_177 = tpu.memref_slice %arg5[%dma_start3A_175, %dma_start3A_176] : memref<128x201xi32, #tpu.memory_space<vmem>> -> memref<128x200xi32, #tpu.memory_space<vmem>>
      %dma_start3A_178 = arith.constant 0 : i32
      %dma_start3A_179 = tpu.memref_slice %arg2[%mul3A_99, %dma_start3A_178] : memref<4096x200xi32, #tpu.memory_space<hbm>> -> memref<128x200xi32, #tpu.memory_space<hbm>>
      %dma_start3A_180 = arith.constant 0 : i32
      %dma_start3A_181 = arith.constant 0 : i32
      %dma_start3A_182 = tpu.memref_slice %arg5[%dma_start3A_180, %dma_start3A_181] : memref<128x201xi32, #tpu.memory_space<vmem>> -> memref<128x200xi32, #tpu.memory_space<vmem>>
      %dma_start3A_183 = arith.constant 0 : i32
      %dma_start3A_184 = tpu.memref_slice %arg2[%mul3A_99, %dma_start3A_183] : memref<4096x200xi32, #tpu.memory_space<hbm>> -> memref<128x200xi32, #tpu.memory_space<hbm>>
      tpu.enqueue_dma source(%dma_start3A_184 : memref<128x200xi32, #tpu.memory_space<hbm>>) target(%dma_start3A_182 : memref<128x200xi32, #tpu.memory_space<vmem>>) target_semaphore(%run_scoped3A : memref<!tpu.dma_semaphore, #tpu.memory_space<semaphore_mem>>)
      %dma_wait3A_185 = arith.constant 0 : i32
      %dma_wait3A_186 = arith.constant 0 : i32
      %dma_wait3A_187 = tpu.memref_slice %arg5[%dma_wait3A_185, %dma_wait3A_186] : memref<128x201xi32, #tpu.memory_space<vmem>> -> memref<128x200xi32, #tpu.memory_space<vmem>>
      %dma_wait3A_188 = arith.constant 0 : i32
      %dma_wait3A_189 = tpu.memref_slice %arg2[%mul3A_99, %dma_wait3A_188] : memref<4096x200xi32, #tpu.memory_space<hbm>> -> memref<128x200xi32, #tpu.memory_space<hbm>>
      %dma_wait3A_190 = arith.constant 0 : i32
      %dma_wait3A_191 = arith.constant 0 : i32
      %dma_wait3A_192 = tpu.memref_slice %arg5[%dma_wait3A_190, %dma_wait3A_191] : memref<128x201xi32, #tpu.memory_space<vmem>> -> memref<128x200xi32, #tpu.memory_space<vmem>>
      %dma_wait3A_193 = arith.constant 0 : i32
      %dma_wait3A_194 = tpu.memref_slice %arg2[%mul3A_99, %dma_wait3A_193] : memref<4096x200xi32, #tpu.memory_space<hbm>> -> memref<128x200xi32, #tpu.memory_space<hbm>>
      tpu.wait_dma2 semaphore(%run_scoped3A : memref<!tpu.dma_semaphore, #tpu.memory_space<semaphore_mem>>) src(%dma_wait3A_194 : memref<128x200xi32, #tpu.memory_space<hbm>>) dst(%dma_wait3A_192 : memref<128x200xi32, #tpu.memory_space<vmem>>)
      tpu.yield
    }) : () -> ()
    %scan3A = arith.constant 0 : i32
    %scan3A_100 = arith.constant 0 : i32
    %scan3A_101 = arith.constant 200 : i32
    %scan3A_102 = arith.addi %scan3A_100, %scan3A_101 : i32
    %scan3A_103 = arith.constant 1 : i32
    scf.for %scan3A_175 = %scan3A_100 to %scan3A_102 step %scan3A_103  : i32 {
      %broadcast_in_dim3A_176 = vector.broadcast %scan3A_175 : i32 to vector<16xi32>
      %gather3A = tpu.vector_load_idx %arg5[%add3A_3, %broadcast_in_dim3A_176] : memref<128x201xi32, #tpu.memory_space<vmem>>[vector<16xi32>, vector<16xi32>], vector<16xi32>,
      %swap3A = arith.index_cast %scan3A_175 : i32 to index
      %swap3A_177 = arith.constant 0 : index
      %swap3A_178 = tpu.vector_load %arg6[%swap3A, %swap3A_177] {strides = array<i32>} : memref<200x128xi32, #tpu.memory_space<vmem>>, vector<16xi32>,
      tpu.vector_store %arg6[%swap3A, %swap3A_177], %gather3A {strides = array<i32>} : memref<200x128xi32, #tpu.memory_space<vmem>>, vector<16xi32>,
      %gather3A_179 = tpu.vector_load_idx %arg5[%add3A_6, %broadcast_in_dim3A_176] : memref<128x201xi32, #tpu.memory_space<vmem>>[vector<16xi32>, vector<16xi32>], vector<16xi32>,
      %swap3A_180 = arith.index_cast %scan3A_175 : i32 to index
      %swap3A_181 = arith.constant 16 : index
      %swap3A_182 = tpu.vector_load %arg6[%swap3A_180, %swap3A_181] {strides = array<i32>} : memref<200x128xi32, #tpu.memory_space<vmem>>, vector<16xi32>,
      tpu.vector_store %arg6[%swap3A_180, %swap3A_181], %gather3A_179 {strides = array<i32>} : memref<200x128xi32, #tpu.memory_space<vmem>>, vector<16xi32>,
      %gather3A_183 = tpu.vector_load_idx %arg5[%add3A_9, %broadcast_in_dim3A_176] : memref<128x201xi32, #tpu.memory_space<vmem>>[vector<16xi32>, vector<16xi32>], vector<16xi32>,
      %swap3A_184 = arith.index_cast %scan3A_175 : i32 to index
      %swap3A_185 = arith.constant 32 : index
      %swap3A_186 = tpu.vector_load %arg6[%swap3A_184, %swap3A_185] {strides = array<i32>} : memref<200x128xi32, #tpu.memory_space<vmem>>, vector<16xi32>,
      tpu.vector_store %arg6[%swap3A_184, %swap3A_185], %gather3A_183 {strides = array<i32>} : memref<200x128xi32, #tpu.memory_space<vmem>>, vector<16xi32>,
      %gather3A_187 = tpu.vector_load_idx %arg5[%add3A_12, %broadcast_in_dim3A_176] : memref<128x201xi32, #tpu.memory_space<vmem>>[vector<16xi32>, vector<16xi32>], vector<16xi32>,
      %swap3A_188 = arith.index_cast %scan3A_175 : i32 to index
      %swap3A_189 = arith.constant 48 : index
      %swap3A_190 = tpu.vector_load %arg6[%swap3A_188, %swap3A_189] {strides = array<i32>} : memref<200x128xi32, #tpu.memory_space<vmem>>, vector<16xi32>,
      tpu.vector_store %arg6[%swap3A_188, %swap3A_189], %gather3A_187 {strides = array<i32>} : memref<200x128xi32, #tpu.memory_space<vmem>>, vector<16xi32>,
      %gather3A_191 = tpu.vector_load_idx %arg5[%add3A_15, %broadcast_in_dim3A_176] : memref<128x201xi32, #tpu.memory_space<vmem>>[vector<16xi32>, vector<16xi32>], vector<16xi32>,
      %swap3A_192 = arith.index_cast %scan3A_175 : i32 to index
      %swap3A_193 = arith.constant 64 : index
      %swap3A_194 = tpu.vector_load %arg6[%swap3A_192, %swap3A_193] {strides = array<i32>} : memref<200x128xi32, #tpu.memory_space<vmem>>, vector<16xi32>,
      tpu.vector_store %arg6[%swap3A_192, %swap3A_193], %gather3A_191 {strides = array<i32>} : memref<200x128xi32, #tpu.memory_space<vmem>>, vector<16xi32>,
      %gather3A_195 = tpu.vector_load_idx %arg5[%add3A_18, %broadcast_in_dim3A_176] : memref<128x201xi32, #tpu.memory_space<vmem>>[vector<16xi32>, vector<16xi32>], vector<16xi32>,
      %swap3A_196 = arith.index_cast %scan3A_175 : i32 to index
      %swap3A_197 = arith.constant 80 : index
      %swap3A_198 = tpu.vector_load %arg6[%swap3A_196, %swap3A_197] {strides = array<i32>} : memref<200x128xi32, #tpu.memory_space<vmem>>, vector<16xi32>,
      tpu.vector_store %arg6[%swap3A_196, %swap3A_197], %gather3A_195 {strides = array<i32>} : memref<200x128xi32, #tpu.memory_space<vmem>>, vector<16xi32>,
      %gather3A_199 = tpu.vector_load_idx %arg5[%add3A_21, %broadcast_in_dim3A_176] : memref<128x201xi32, #tpu.memory_space<vmem>>[vector<16xi32>, vector<16xi32>], vector<16xi32>,
      %swap3A_200 = arith.index_cast %scan3A_175 : i32 to index
      %swap3A_201 = arith.constant 96 : index
      %swap3A_202 = tpu.vector_load %arg6[%swap3A_200, %swap3A_201] {strides = array<i32>} : memref<200x128xi32, #tpu.memory_space<vmem>>, vector<16xi32>,
      tpu.vector_store %arg6[%swap3A_200, %swap3A_201], %gather3A_199 {strides = array<i32>} : memref<200x128xi32, #tpu.memory_space<vmem>>, vector<16xi32>,
      %gather3A_203 = tpu.vector_load_idx %arg5[%add3A_24, %broadcast_in_dim3A_176] : memref<128x201xi32, #tpu.memory_space<vmem>>[vector<16xi32>, vector<16xi32>], vector<16xi32>,
      %swap3A_204 = arith.index_cast %scan3A_175 : i32 to index
      %swap3A_205 = arith.constant 112 : index
      %swap3A_206 = tpu.vector_load %arg6[%swap3A_204, %swap3A_205] {strides = array<i32>} : memref<200x128xi32, #tpu.memory_space<vmem>>, vector<16xi32>,
      tpu.vector_store %arg6[%swap3A_204, %swap3A_205], %gather3A_203 {strides = array<i32>} : memref<200x128xi32, #tpu.memory_space<vmem>>, vector<16xi32>,
    }
    %scan3A_104 = arith.constant 200 : i32
    %dma_start3A = arith.constant 0 : i32
    %dma_start3A_105 = arith.constant 0 : i32
    %dma_start3A_106 = arith.constant 0 : i32
    %dma_start3A_107 = arith.constant 0 : i32
    %dma_start3A_108 = tpu.memref_slice %arg7[%dma_start3A_105, %dma_start3A_106, %dma_start3A_107] : memref<2x256x32xf32, #tpu.memory_space<vmem>> -> memref<1x128x32xf32, #tpu.memory_space<vmem>>
    %dma_start3A_109 = tpu.memref_squeeze %dma_start3A_108 : memref<1x128x32xf32, #tpu.memory_space<vmem>> -> memref<128x32xf32, #tpu.memory_space<vmem>>
    %dma_start3A_110 = arith.constant 0 : i32
    %dma_start3A_111 = tpu.memref_slice %arg6[%dma_start3A, %dma_start3A_110] : memref<200x128xi32, #tpu.memory_space<vmem>> -> memref<1x128xi32, #tpu.memory_space<vmem>>
    %dma_start3A_112 = tpu.memref_squeeze %dma_start3A_111 : memref<1x128xi32, #tpu.memory_space<vmem>> -> memref<128xi32, #tpu.memory_space<vmem>>
    %dma_start3A_113 = arith.constant 0 : i32
    %dma_start3A_114 = arith.constant 0 : i32
    %dma_start3A_115 = tpu.memref_slice %arg3[%dma_start3A_113, %dma_start3A_114] : memref<100000x32xf32, #tpu.memory_space<hbm>> -> memref<100000x32xf32, #tpu.memory_space<hbm>>
    tpu.enqueue_indirect_dma source(%dma_start3A_115 : memref<100000x32xf32, #tpu.memory_space<hbm>>) target(%dma_start3A_109 : memref<128x32xf32, #tpu.memory_space<vmem>>) offsets(%dma_start3A_112 : memref<128xi32, #tpu.memory_space<vmem>>) semaphore(%arg9 : memref<!tpu.dma_semaphore, #tpu.memory_space<semaphore_mem>>)
    %dma_start3A_116 = arith.constant 1 : i32
    %dma_start3A_117 = arith.constant 0 : i32
    %dma_start3A_118 = arith.constant 128 : i32
    %dma_start3A_119 = arith.constant 0 : i32
    %dma_start3A_120 = tpu.memref_slice %arg7[%dma_start3A_117, %dma_start3A_118, %dma_start3A_119] : memref<2x256x32xf32, #tpu.memory_space<vmem>> -> memref<1x128x32xf32, #tpu.memory_space<vmem>>
    %dma_start3A_121 = tpu.memref_squeeze %dma_start3A_120 : memref<1x128x32xf32, #tpu.memory_space<vmem>> -> memref<128x32xf32, #tpu.memory_space<vmem>>
    %dma_start3A_122 = arith.constant 0 : i32
    %dma_start3A_123 = tpu.memref_slice %arg6[%dma_start3A_116, %dma_start3A_122] : memref<200x128xi32, #tpu.memory_space<vmem>> -> memref<1x128xi32, #tpu.memory_space<vmem>>
    %dma_start3A_124 = tpu.memref_squeeze %dma_start3A_123 : memref<1x128xi32, #tpu.memory_space<vmem>> -> memref<128xi32, #tpu.memory_space<vmem>>
    %dma_start3A_125 = arith.constant 0 : i32
    %dma_start3A_126 = arith.constant 0 : i32
    %dma_start3A_127 = tpu.memref_slice %arg3[%dma_start3A_125, %dma_start3A_126] : memref<100000x32xf32, #tpu.memory_space<hbm>> -> memref<100000x32xf32, #tpu.memory_space<hbm>>
    tpu.enqueue_indirect_dma source(%dma_start3A_127 : memref<100000x32xf32, #tpu.memory_space<hbm>>) target(%dma_start3A_121 : memref<128x32xf32, #tpu.memory_space<vmem>>) offsets(%dma_start3A_124 : memref<128xi32, #tpu.memory_space<vmem>>) semaphore(%arg9 : memref<!tpu.dma_semaphore, #tpu.memory_space<semaphore_mem>>)
    %scan3A_128 = arith.constant 0 : i32
    %scan3A_129 = arith.constant 0 : i32
    %scan3A_130 = arith.constant 50 : i32
    %scan3A_131 = arith.addi %scan3A_129, %scan3A_130 : i32
    %scan3A_132 = arith.constant 1 : i32
    scf.for %scan3A_175 = %scan3A_129 to %scan3A_131 step %scan3A_132  : i32 {
      %mul3A_176 = arith.constant 2 : i32
      %mul3A_177 = arith.muli %scan3A_175, %mul3A_176 : i32
      %add3A_178 = arith.constant 0 : i32
      %add3A_179 = arith.addi %mul3A_177, %add3A_178 : i32
      %add3A_180 = arith.constant 1 : i32
      %add3A_181 = arith.addi %add3A_179, %add3A_180 : i32
      %lt3A = arith.constant 100 : i32
      %lt3A_182 = arith.cmpi slt, %add3A_181, %lt3A : i32
      %convert_element_type3A = arith.extui %lt3A_182 : i1 to i32
      %cond3A = arith.constant 0 : i32
      %cond3A_183 = arith.cmpi ne, %convert_element_type3A, %cond3A : i32
      scf.if %cond3A_183 {
        %add3A_370 = arith.constant 1 : i32
        %add3A_371 = arith.addi %add3A_179, %add3A_370 : i32
        %mul3A_372 = arith.constant 2 : i32
        %mul3A_373 = arith.muli %add3A_371, %mul3A_372 : i32
        %add3A_374 = arith.constant 0 : i32
        %add3A_375 = arith.addi %mul3A_373, %add3A_374 : i32
        %dma_start3A_376 = arith.constant 1 : i32
        %dma_start3A_377 = arith.constant 0 : i32
        %dma_start3A_378 = arith.constant 0 : i32
        %dma_start3A_379 = tpu.memref_slice %arg7[%dma_start3A_376, %dma_start3A_377, %dma_start3A_378] : memref<2x256x32xf32, #tpu.memory_space<vmem>> -> memref<1x128x32xf32, #tpu.memory_space<vmem>>
        %dma_start3A_380 = tpu.memref_squeeze %dma_start3A_379 : memref<1x128x32xf32, #tpu.memory_space<vmem>> -> memref<128x32xf32, #tpu.memory_space<vmem>>
        %dma_start3A_381 = arith.constant 0 : i32
        %dma_start3A_382 = tpu.memref_slice %arg6[%add3A_375, %dma_start3A_381] : memref<200x128xi32, #tpu.memory_space<vmem>> -> memref<1x128xi32, #tpu.memory_space<vmem>>
        %dma_start3A_383 = tpu.memref_squeeze %dma_start3A_382 : memref<1x128xi32, #tpu.memory_space<vmem>> -> memref<128xi32, #tpu.memory_space<vmem>>
        %dma_start3A_384 = arith.constant 0 : i32
        %dma_start3A_385 = arith.constant 0 : i32
        %dma_start3A_386 = tpu.memref_slice %arg3[%dma_start3A_384, %dma_start3A_385] : memref<100000x32xf32, #tpu.memory_space<hbm>> -> memref<100000x32xf32, #tpu.memory_space<hbm>>
        tpu.enqueue_indirect_dma source(%dma_start3A_386 : memref<100000x32xf32, #tpu.memory_space<hbm>>) target(%dma_start3A_380 : memref<128x32xf32, #tpu.memory_space<vmem>>) offsets(%dma_start3A_383 : memref<128xi32, #tpu.memory_space<vmem>>) semaphore(%arg10 : memref<!tpu.dma_semaphore, #tpu.memory_space<semaphore_mem>>)
        %add3A_387 = arith.constant 1 : i32
        %add3A_388 = arith.addi %add3A_179, %add3A_387 : i32
        %mul3A_389 = arith.constant 2 : i32
        %mul3A_390 = arith.muli %add3A_388, %mul3A_389 : i32
        %add3A_391 = arith.constant 1 : i32
        %add3A_392 = arith.addi %mul3A_390, %add3A_391 : i32
        %dma_start3A_393 = arith.constant 1 : i32
        %dma_start3A_394 = arith.constant 128 : i32
        %dma_start3A_395 = arith.constant 0 : i32
        %dma_start3A_396 = tpu.memref_slice %arg7[%dma_start3A_393, %dma_start3A_394, %dma_start3A_395] : memref<2x256x32xf32, #tpu.memory_space<vmem>> -> memref<1x128x32xf32, #tpu.memory_space<vmem>>
        %dma_start3A_397 = tpu.memref_squeeze %dma_start3A_396 : memref<1x128x32xf32, #tpu.memory_space<vmem>> -> memref<128x32xf32, #tpu.memory_space<vmem>>
        %dma_start3A_398 = arith.constant 0 : i32
        %dma_start3A_399 = tpu.memref_slice %arg6[%add3A_392, %dma_start3A_398] : memref<200x128xi32, #tpu.memory_space<vmem>> -> memref<1x128xi32, #tpu.memory_space<vmem>>
        %dma_start3A_400 = tpu.memref_squeeze %dma_start3A_399 : memref<1x128xi32, #tpu.memory_space<vmem>> -> memref<128xi32, #tpu.memory_space<vmem>>
        %dma_start3A_401 = arith.constant 0 : i32
        %dma_start3A_402 = arith.constant 0 : i32
        %dma_start3A_403 = tpu.memref_slice %arg3[%dma_start3A_401, %dma_start3A_402] : memref<100000x32xf32, #tpu.memory_space<hbm>> -> memref<100000x32xf32, #tpu.memory_space<hbm>>
        tpu.enqueue_indirect_dma source(%dma_start3A_403 : memref<100000x32xf32, #tpu.memory_space<hbm>>) target(%dma_start3A_397 : memref<128x32xf32, #tpu.memory_space<vmem>>) offsets(%dma_start3A_400 : memref<128xi32, #tpu.memory_space<vmem>>) semaphore(%arg10 : memref<!tpu.dma_semaphore, #tpu.memory_space<semaphore_mem>>)
      } else {
      }
      %ge3A = arith.constant 2 : i32
      %ge3A_184 = arith.cmpi sge, %add3A_179, %ge3A : i32
      %convert_element_type3A_185 = arith.extui %ge3A_184 : i1 to i32
      %cond3A_186 = arith.constant 0 : i32
      %cond3A_187 = arith.cmpi ne, %convert_element_type3A_185, %cond3A_186 : i32
      scf.if %cond3A_187 {
        %mul3A_370 = arith.constant 2 : i32
        %mul3A_371 = arith.muli %add3A_179, %mul3A_370 : i32
        %mul3A_372 = arith.constant 4 : i32
        %mul3A_373 = arith.muli %mul3A_371, %mul3A_372 : i32
        %dma_wait3A_374 = arith.constant 0 : i32
        %dma_wait3A_375 = arith.constant 0 : i32
        %dma_wait3A_376 = arith.constant 0 : i32
        %dma_wait3A_377 = arith.constant 0 : i32
        %dma_wait3A_378 = arith.constant 0 : i32
        %dma_wait3A_379 = tpu.memref_slice %arg8[%dma_wait3A_374, %dma_wait3A_375, %dma_wait3A_376, %dma_wait3A_377, %dma_wait3A_378] : memref<2x8x1x8x129xf32, #tpu.memory_space<vmem>> -> memref<1x8x1x8x128xf32, #tpu.memory_space<vmem>>
        %dma_wait3A_380 = tpu.memref_squeeze %dma_wait3A_379 : memref<1x8x1x8x128xf32, #tpu.memory_space<vmem>> -> memref<8x1x8x128xf32, #tpu.memory_space<vmem>>
        %dma_wait3A_381 = arith.constant 0 : i32
        %dma_wait3A_382 = arith.constant 0 : i32
        %dma_wait3A_383 = tpu.memref_slice %arg4[%mul3A_373, %add3A, %dma_wait3A_381, %dma_wait3A_382] : memref<800x32x8x128xf32, #tpu.memory_space<hbm>> -> memref<8x1x8x128xf32, #tpu.memory_space<hbm>>
        %dma_wait3A_384 = arith.constant 0 : i32
        %dma_wait3A_385 = arith.constant 0 : i32
        %dma_wait3A_386 = tpu.memref_slice %arg4[%mul3A_373, %add3A, %dma_wait3A_384, %dma_wait3A_385] : memref<800x32x8x128xf32, #tpu.memory_space<hbm>> -> memref<8x1x8x128xf32, #tpu.memory_space<hbm>>
        %dma_wait3A_387 = arith.constant 0 : i32
        %dma_wait3A_388 = arith.constant 0 : i32
        %dma_wait3A_389 = arith.constant 0 : i32
        %dma_wait3A_390 = arith.constant 0 : i32
        %dma_wait3A_391 = tpu.memref_slice %arg8[%dma_wait3A_374, %dma_wait3A_387, %dma_wait3A_388, %dma_wait3A_389, %dma_wait3A_390] : memref<2x8x1x8x129xf32, #tpu.memory_space<vmem>> -> memref<1x8x1x8x128xf32, #tpu.memory_space<vmem>>
        %dma_wait3A_392 = tpu.memref_squeeze %dma_wait3A_391 : memref<1x8x1x8x128xf32, #tpu.memory_space<vmem>> -> memref<8x1x8x128xf32, #tpu.memory_space<vmem>>
        tpu.wait_dma2 semaphore(%arg11 : memref<!tpu.dma_semaphore, #tpu.memory_space<semaphore_mem>>) src(%dma_wait3A_392 : memref<8x1x8x128xf32, #tpu.memory_space<vmem>>) dst(%dma_wait3A_386 : memref<8x1x8x128xf32, #tpu.memory_space<hbm>>)
      } else {
      }
      %mul3A_188 = arith.constant 2 : i32
      %mul3A_189 = arith.muli %add3A_179, %mul3A_188 : i32
      %add3A_190 = arith.constant 0 : i32
      %add3A_191 = arith.addi %mul3A_189, %add3A_190 : i32
      %dma_wait3A_192 = arith.constant 0 : i32
      %dma_wait3A_193 = arith.constant 0 : i32
      %dma_wait3A_194 = arith.constant 0 : i32
      %dma_wait3A_195 = tpu.memref_slice %arg7[%dma_wait3A_192, %dma_wait3A_193, %dma_wait3A_194] : memref<2x256x32xf32, #tpu.memory_space<vmem>> -> memref<1x128x32xf32, #tpu.memory_space<vmem>>
      %dma_wait3A_196 = tpu.memref_squeeze %dma_wait3A_195 : memref<1x128x32xf32, #tpu.memory_space<vmem>> -> memref<128x32xf32, #tpu.memory_space<vmem>>
      %dma_wait3A_197 = arith.constant 0 : i32
      %dma_wait3A_198 = tpu.memref_slice %arg6[%add3A_191, %dma_wait3A_197] : memref<200x128xi32, #tpu.memory_space<vmem>> -> memref<1x128xi32, #tpu.memory_space<vmem>>
      %dma_wait3A_199 = tpu.memref_squeeze %dma_wait3A_198 : memref<1x128xi32, #tpu.memory_space<vmem>> -> memref<128xi32, #tpu.memory_space<vmem>>
      %dma_wait3A_200 = arith.constant 0 : i32
      %dma_wait3A_201 = arith.constant 0 : i32
      %dma_wait3A_202 = tpu.memref_slice %arg3[%dma_wait3A_200, %dma_wait3A_201] : memref<100000x32xf32, #tpu.memory_space<hbm>> -> memref<100000x32xf32, #tpu.memory_space<hbm>>
      tpu.wait_indirect_dma semaphore(%arg9 : memref<!tpu.dma_semaphore, #tpu.memory_space<semaphore_mem>>) src(%dma_wait3A_202 : memref<100000x32xf32, #tpu.memory_space<hbm>>) dst(%dma_wait3A_196 : memref<128x32xf32, #tpu.memory_space<vmem>>)
      %add3A_203 = arith.constant 0 : i32
      %add3A_204 = vector.broadcast %add3A_203 : i32 to vector<16xi32>
      %add3A_205 = arith.addi %select_n3A, %add3A_204 : vector<16xi32>
      %add3A_206 = arith.constant 0 : i32
      %add3A_207 = vector.broadcast %add3A_206 : i32 to vector<16xi32>
      %add3A_208 = arith.addi %select_n3A_85, %add3A_207 : vector<16xi32>
      %broadcast_in_dim3A_209 = arith.constant 0 : i32
      %broadcast_in_dim3A_210 = vector.broadcast %broadcast_in_dim3A_209 : i32 to vector<16xi32>
      %scan3A_211 = arith.constant 0 : i32
      %scan3A_212 = arith.constant 0 : i32
      %scan3A_213 = arith.constant 128 : i32
      %scan3A_214 = arith.addi %scan3A_212, %scan3A_213 : i32
      %scan3A_215 = arith.constant 16 : i32
      %scan3A_216 = scf.for %scan3A_370 = %scan3A_212 to %scan3A_214 step %scan3A_215 iter_args(%scan3A_371 = %broadcast_in_dim3A_210) -> (vector<16xi32>)  : i32 {
        %add3A_372 = arith.constant 0 : i32
        %add3A_373 = arith.addi %add3A_372, %scan3A_370 : i32
        %get3A = arith.constant 0 : i32
        %get3A_374 = arith.index_cast %get3A : i32 to index
        %get3A_375 = arith.index_cast %add3A_373 : i32 to index
        %get3A_376 = arith.constant 0 : index
        %get3A_377 = tpu.vector_load %arg7[%get3A_374, %get3A_375, %get3A_376] {strides = array<i32>} : memref<2x256x32xf32, #tpu.memory_space<vmem>>, vector<16xf32>,
        %scatter3A = arith.constant 0 : i32
        %scatter3A_378 = arith.constant 0 : i32
        %scatter3A_379 = arith.constant 0 : i32
        %scatter3A_380 = arith.constant 0 : i32
        %scatter3A_381 = tpu.memref_slice %arg8[%scan3A_211, %scatter3A, %scatter3A_378, %scatter3A_379, %scatter3A_380] : memref<2x8x1x8x129xf32, #tpu.memory_space<vmem>> -> memref<1x8x1x8x129xf32, #tpu.memory_space<vmem>>
        %scatter3A_382 = tpu.memref_squeeze %scatter3A_381 : memref<1x8x1x8x129xf32, #tpu.memory_space<vmem>> -> memref<8x1x8x129xf32, #tpu.memory_space<vmem>>
        tpu.vector_store_idx %scatter3A_382[%add3A_205, %broadcast_in_dim3A_25, %rem3A_91, %scan3A_371], %get3A_377 : memref<8x1x8x129xf32, #tpu.memory_space<vmem>>[vector<16xi32>, vector<16xi32>, vector<16xi32>, vector<16xi32>], vector<16xf32>,
        %add3A_383 = arith.constant 0 : i32
        %add3A_384 = arith.addi %add3A_383, %scan3A_370 : i32
        %get3A_385 = arith.constant 0 : i32
        %get3A_386 = arith.index_cast %get3A_385 : i32 to index
        %get3A_387 = arith.index_cast %add3A_384 : i32 to index
        %get3A_388 = arith.constant 16 : index
        %get3A_389 = tpu.vector_load %arg7[%get3A_386, %get3A_387, %get3A_388] {strides = array<i32>} : memref<2x256x32xf32, #tpu.memory_space<vmem>>, vector<16xf32>,
        %scatter3A_390 = arith.constant 0 : i32
        %scatter3A_391 = arith.constant 0 : i32
        %scatter3A_392 = arith.constant 0 : i32
        %scatter3A_393 = arith.constant 0 : i32
        %scatter3A_394 = tpu.memref_slice %arg8[%scan3A_211, %scatter3A_390, %scatter3A_391, %scatter3A_392, %scatter3A_393] : memref<2x8x1x8x129xf32, #tpu.memory_space<vmem>> -> memref<1x8x1x8x129xf32, #tpu.memory_space<vmem>>
        %scatter3A_395 = tpu.memref_squeeze %scatter3A_394 : memref<1x8x1x8x129xf32, #tpu.memory_space<vmem>> -> memref<8x1x8x129xf32, #tpu.memory_space<vmem>>
        tpu.vector_store_idx %scatter3A_395[%add3A_208, %broadcast_in_dim3A_25, %rem3A_97, %scan3A_371], %get3A_389 : memref<8x1x8x129xf32, #tpu.memory_space<vmem>>[vector<16xi32>, vector<16xi32>, vector<16xi32>, vector<16xi32>], vector<16xf32>,
        %add3A_396 = arith.constant 1 : i32
        %add3A_397 = vector.broadcast %add3A_396 : i32 to vector<16xi32>
        %add3A_398 = arith.addi %scan3A_371, %add3A_397 : vector<16xi32>
        %scan3A_399 = arith.constant 1 : i32
        %scan3A_400 = arith.addi %scan3A_370, %scan3A_399 : i32
        %add3A_401 = arith.constant 0 : i32
        %add3A_402 = arith.addi %add3A_401, %scan3A_400 : i32
        %get3A_403 = arith.constant 0 : i32
        %get3A_404 = arith.index_cast %get3A_403 : i32 to index
        %get3A_405 = arith.index_cast %add3A_402 : i32 to index
        %get3A_406 = arith.constant 0 : index
        %get3A_407 = tpu.vector_load %arg7[%get3A_404, %get3A_405, %get3A_406] {strides = array<i32>} : memref<2x256x32xf32, #tpu.memory_space<vmem>>, vector<16xf32>,
        %scatter3A_408 = arith.constant 0 : i32
        %scatter3A_409 = arith.constant 0 : i32
        %scatter3A_410 = arith.constant 0 : i32
        %scatter3A_411 = arith.constant 0 : i32
        %scatter3A_412 = tpu.memref_slice %arg8[%scan3A_211, %scatter3A_408, %scatter3A_409, %scatter3A_410, %scatter3A_411] : memref<2x8x1x8x129xf32, #tpu.memory_space<vmem>> -> memref<1x8x1x8x129xf32, #tpu.memory_space<vmem>>
        %scatter3A_413 = tpu.memref_squeeze %scatter3A_412 : memref<1x8x1x8x129xf32, #tpu.memory_space<vmem>> -> memref<8x1x8x129xf32, #tpu.memory_space<vmem>>
        tpu.vector_store_idx %scatter3A_413[%add3A_205, %broadcast_in_dim3A_25, %rem3A_91, %add3A_398], %get3A_407 : memref<8x1x8x129xf32, #tpu.memory_space<vmem>>[vector<16xi32>, vector<16xi32>, vector<16xi32>, vector<16xi32>], vector<16xf32>,
        %add3A_414 = arith.constant 0 : i32
        %add3A_415 = arith.addi %add3A_414, %scan3A_400 : i32
        %get3A_416 = arith.constant 0 : i32
        %get3A_417 = arith.index_cast %get3A_416 : i32 to index
        %get3A_418 = arith.index_cast %add3A_415 : i32 to index
        %get3A_419 = arith.constant 16 : index
        %get3A_420 = tpu.vector_load %arg7[%get3A_417, %get3A_418, %get3A_419] {strides = array<i32>} : memref<2x256x32xf32, #tpu.memory_space<vmem>>, vector<16xf32>,
        %scatter3A_421 = arith.constant 0 : i32
        %scatter3A_422 = arith.constant 0 : i32
        %scatter3A_423 = arith.constant 0 : i32
        %scatter3A_424 = arith.constant 0 : i32
        %scatter3A_425 = tpu.memref_slice %arg8[%scan3A_211, %scatter3A_421, %scatter3A_422, %scatter3A_423, %scatter3A_424] : memref<2x8x1x8x129xf32, #tpu.memory_space<vmem>> -> memref<1x8x1x8x129xf32, #tpu.memory_space<vmem>>
        %scatter3A_426 = tpu.memref_squeeze %scatter3A_425 : memref<1x8x1x8x129xf32, #tpu.memory_space<vmem>> -> memref<8x1x8x129xf32, #tpu.memory_space<vmem>>
        tpu.vector_store_idx %scatter3A_426[%add3A_208, %broadcast_in_dim3A_25, %rem3A_97, %add3A_398], %get3A_420 : memref<8x1x8x129xf32, #tpu.memory_space<vmem>>[vector<16xi32>, vector<16xi32>, vector<16xi32>, vector<16xi32>], vector<16xf32>,
        %add3A_427 = arith.constant 1 : i32
        %add3A_428 = vector.broadcast %add3A_427 : i32 to vector<16xi32>
        %add3A_429 = arith.addi %add3A_398, %add3A_428 : vector<16xi32>
        %scan3A_430 = arith.constant 2 : i32
        %scan3A_431 = arith.addi %scan3A_370, %scan3A_430 : i32
        %add3A_432 = arith.constant 0 : i32
        %add3A_433 = arith.addi %add3A_432, %scan3A_431 : i32
        %get3A_434 = arith.constant 0 : i32
        %get3A_435 = arith.index_cast %get3A_434 : i32 to index
        %get3A_436 = arith.index_cast %add3A_433 : i32 to index
        %get3A_437 = arith.constant 0 : index
        %get3A_438 = tpu.vector_load %arg7[%get3A_435, %get3A_436, %get3A_437] {strides = array<i32>} : memref<2x256x32xf32, #tpu.memory_space<vmem>>, vector<16xf32>,
        %scatter3A_439 = arith.constant 0 : i32
        %scatter3A_440 = arith.constant 0 : i32
        %scatter3A_441 = arith.constant 0 : i32
        %scatter3A_442 = arith.constant 0 : i32
        %scatter3A_443 = tpu.memref_slice %arg8[%scan3A_211, %scatter3A_439, %scatter3A_440, %scatter3A_441, %scatter3A_442] : memref<2x8x1x8x129xf32, #tpu.memory_space<vmem>> -> memref<1x8x1x8x129xf32, #tpu.memory_space<vmem>>
        %scatter3A_444 = tpu.memref_squeeze %scatter3A_443 : memref<1x8x1x8x129xf32, #tpu.memory_space<vmem>> -> memref<8x1x8x129xf32, #tpu.memory_space<vmem>>
        tpu.vector_store_idx %scatter3A_444[%add3A_205, %broadcast_in_dim3A_25, %rem3A_91, %add3A_429], %get3A_438 : memref<8x1x8x129xf32, #tpu.memory_space<vmem>>[vector<16xi32>, vector<16xi32>, vector<16xi32>, vector<16xi32>], vector<16xf32>,
        %add3A_445 = arith.constant 0 : i32
        %add3A_446 = arith.addi %add3A_445, %scan3A_431 : i32
        %get3A_447 = arith.constant 0 : i32
        %get3A_448 = arith.index_cast %get3A_447 : i32 to index
        %get3A_449 = arith.index_cast %add3A_446 : i32 to index
        %get3A_450 = arith.constant 16 : index
        %get3A_451 = tpu.vector_load %arg7[%get3A_448, %get3A_449, %get3A_450] {strides = array<i32>} : memref<2x256x32xf32, #tpu.memory_space<vmem>>, vector<16xf32>,
        %scatter3A_452 = arith.constant 0 : i32
        %scatter3A_453 = arith.constant 0 : i32
        %scatter3A_454 = arith.constant 0 : i32
        %scatter3A_455 = arith.constant 0 : i32
        %scatter3A_456 = tpu.memref_slice %arg8[%scan3A_211, %scatter3A_452, %scatter3A_453, %scatter3A_454, %scatter3A_455] : memref<2x8x1x8x129xf32, #tpu.memory_space<vmem>> -> memref<1x8x1x8x129xf32, #tpu.memory_space<vmem>>
        %scatter3A_457 = tpu.memref_squeeze %scatter3A_456 : memref<1x8x1x8x129xf32, #tpu.memory_space<vmem>> -> memref<8x1x8x129xf32, #tpu.memory_space<vmem>>
        tpu.vector_store_idx %scatter3A_457[%add3A_208, %broadcast_in_dim3A_25, %rem3A_97, %add3A_429], %get3A_451 : memref<8x1x8x129xf32, #tpu.memory_space<vmem>>[vector<16xi32>, vector<16xi32>, vector<16xi32>, vector<16xi32>], vector<16xf32>,
        %add3A_458 = arith.constant 1 : i32
        %add3A_459 = vector.broadcast %add3A_458 : i32 to vector<16xi32>
        %add3A_460 = arith.addi %add3A_429, %add3A_459 : vector<16xi32>
        %scan3A_461 = arith.constant 3 : i32
        %scan3A_462 = arith.addi %scan3A_370, %scan3A_461 : i32
        %add3A_463 = arith.constant 0 : i32
        %add3A_464 = arith.addi %add3A_463, %scan3A_462 : i32
        %get3A_465 = arith.constant 0 : i32
        %get3A_466 = arith.index_cast %get3A_465 : i32 to index
        %get3A_467 = arith.index_cast %add3A_464 : i32 to index
        %get3A_468 = arith.constant 0 : index
        %get3A_469 = tpu.vector_load %arg7[%get3A_466, %get3A_467, %get3A_468] {strides = array<i32>} : memref<2x256x32xf32, #tpu.memory_space<vmem>>, vector<16xf32>,
        %scatter3A_470 = arith.constant 0 : i32
        %scatter3A_471 = arith.constant 0 : i32
        %scatter3A_472 = arith.constant 0 : i32
        %scatter3A_473 = arith.constant 0 : i32
        %scatter3A_474 = tpu.memref_slice %arg8[%scan3A_211, %scatter3A_470, %scatter3A_471, %scatter3A_472, %scatter3A_473] : memref<2x8x1x8x129xf32, #tpu.memory_space<vmem>> -> memref<1x8x1x8x129xf32, #tpu.memory_space<vmem>>
        %scatter3A_475 = tpu.memref_squeeze %scatter3A_474 : memref<1x8x1x8x129xf32, #tpu.memory_space<vmem>> -> memref<8x1x8x129xf32, #tpu.memory_space<vmem>>
        tpu.vector_store_idx %scatter3A_475[%add3A_205, %broadcast_in_dim3A_25, %rem3A_91, %add3A_460], %get3A_469 : memref<8x1x8x129xf32, #tpu.memory_space<vmem>>[vector<16xi32>, vector<16xi32>, vector<16xi32>, vector<16xi32>], vector<16xf32>,
        %add3A_476 = arith.constant 0 : i32
        %add3A_477 = arith.addi %add3A_476, %scan3A_462 : i32
        %get3A_478 = arith.constant 0 : i32
        %get3A_479 = arith.index_cast %get3A_478 : i32 to index
        %get3A_480 = arith.index_cast %add3A_477 : i32 to index
        %get3A_481 = arith.constant 16 : index
        %get3A_482 = tpu.vector_load %arg7[%get3A_479, %get3A_480, %get3A_481] {strides = array<i32>} : memref<2x256x32xf32, #tpu.memory_space<vmem>>, vector<16xf32>,
        %scatter3A_483 = arith.constant 0 : i32
        %scatter3A_484 = arith.constant 0 : i32
        %scatter3A_485 = arith.constant 0 : i32
        %scatter3A_486 = arith.constant 0 : i32
        %scatter3A_487 = tpu.memref_slice %arg8[%scan3A_211, %scatter3A_483, %scatter3A_484, %scatter3A_485, %scatter3A_486] : memref<2x8x1x8x129xf32, #tpu.memory_space<vmem>> -> memref<1x8x1x8x129xf32, #tpu.memory_space<vmem>>
        %scatter3A_488 = tpu.memref_squeeze %scatter3A_487 : memref<1x8x1x8x129xf32, #tpu.memory_space<vmem>> -> memref<8x1x8x129xf32, #tpu.memory_space<vmem>>
        tpu.vector_store_idx %scatter3A_488[%add3A_208, %broadcast_in_dim3A_25, %rem3A_97, %add3A_460], %get3A_482 : memref<8x1x8x129xf32, #tpu.memory_space<vmem>>[vector<16xi32>, vector<16xi32>, vector<16xi32>, vector<16xi32>], vector<16xf32>,
        %add3A_489 = arith.constant 1 : i32
        %add3A_490 = vector.broadcast %add3A_489 : i32 to vector<16xi32>
        %add3A_491 = arith.addi %add3A_460, %add3A_490 : vector<16xi32>
        %scan3A_492 = arith.constant 4 : i32
        %scan3A_493 = arith.addi %scan3A_370, %scan3A_492 : i32
        %add3A_494 = arith.constant 0 : i32
        %add3A_495 = arith.addi %add3A_494, %scan3A_493 : i32
        %get3A_496 = arith.constant 0 : i32
        %get3A_497 = arith.index_cast %get3A_496 : i32 to index
        %get3A_498 = arith.index_cast %add3A_495 : i32 to index
        %get3A_499 = arith.constant 0 : index
        %get3A_500 = tpu.vector_load %arg7[%get3A_497, %get3A_498, %get3A_499] {strides = array<i32>} : memref<2x256x32xf32, #tpu.memory_space<vmem>>, vector<16xf32>,
        %scatter3A_501 = arith.constant 0 : i32
        %scatter3A_502 = arith.constant 0 : i32
        %scatter3A_503 = arith.constant 0 : i32
        %scatter3A_504 = arith.constant 0 : i32
        %scatter3A_505 = tpu.memref_slice %arg8[%scan3A_211, %scatter3A_501, %scatter3A_502, %scatter3A_503, %scatter3A_504] : memref<2x8x1x8x129xf32, #tpu.memory_space<vmem>> -> memref<1x8x1x8x129xf32, #tpu.memory_space<vmem>>
        %scatter3A_506 = tpu.memref_squeeze %scatter3A_505 : memref<1x8x1x8x129xf32, #tpu.memory_space<vmem>> -> memref<8x1x8x129xf32, #tpu.memory_space<vmem>>
        tpu.vector_store_idx %scatter3A_506[%add3A_205, %broadcast_in_dim3A_25, %rem3A_91, %add3A_491], %get3A_500 : memref<8x1x8x129xf32, #tpu.memory_space<vmem>>[vector<16xi32>, vector<16xi32>, vector<16xi32>, vector<16xi32>], vector<16xf32>,
        %add3A_507 = arith.constant 0 : i32
        %add3A_508 = arith.addi %add3A_507, %scan3A_493 : i32
        %get3A_509 = arith.constant 0 : i32
        %get3A_510 = arith.index_cast %get3A_509 : i32 to index
        %get3A_511 = arith.index_cast %add3A_508 : i32 to index
        %get3A_512 = arith.constant 16 : index
        %get3A_513 = tpu.vector_load %arg7[%get3A_510, %get3A_511, %get3A_512] {strides = array<i32>} : memref<2x256x32xf32, #tpu.memory_space<vmem>>, vector<16xf32>,
        %scatter3A_514 = arith.constant 0 : i32
        %scatter3A_515 = arith.constant 0 : i32
        %scatter3A_516 = arith.constant 0 : i32
        %scatter3A_517 = arith.constant 0 : i32
        %scatter3A_518 = tpu.memref_slice %arg8[%scan3A_211, %scatter3A_514, %scatter3A_515, %scatter3A_516, %scatter3A_517] : memref<2x8x1x8x129xf32, #tpu.memory_space<vmem>> -> memref<1x8x1x8x129xf32, #tpu.memory_space<vmem>>
        %scatter3A_519 = tpu.memref_squeeze %scatter3A_518 : memref<1x8x1x8x129xf32, #tpu.memory_space<vmem>> -> memref<8x1x8x129xf32, #tpu.memory_space<vmem>>
        tpu.vector_store_idx %scatter3A_519[%add3A_208, %broadcast_in_dim3A_25, %rem3A_97, %add3A_491], %get3A_513 : memref<8x1x8x129xf32, #tpu.memory_space<vmem>>[vector<16xi32>, vector<16xi32>, vector<16xi32>, vector<16xi32>], vector<16xf32>,
        %add3A_520 = arith.constant 1 : i32
        %add3A_521 = vector.broadcast %add3A_520 : i32 to vector<16xi32>
        %add3A_522 = arith.addi %add3A_491, %add3A_521 : vector<16xi32>
        %scan3A_523 = arith.constant 5 : i32
        %scan3A_524 = arith.addi %scan3A_370, %scan3A_523 : i32
        %add3A_525 = arith.constant 0 : i32
        %add3A_526 = arith.addi %add3A_525, %scan3A_524 : i32
        %get3A_527 = arith.constant 0 : i32
        %get3A_528 = arith.index_cast %get3A_527 : i32 to index
        %get3A_529 = arith.index_cast %add3A_526 : i32 to index
        %get3A_530 = arith.constant 0 : index
        %get3A_531 = tpu.vector_load %arg7[%get3A_528, %get3A_529, %get3A_530] {strides = array<i32>} : memref<2x256x32xf32, #tpu.memory_space<vmem>>, vector<16xf32>,
        %scatter3A_532 = arith.constant 0 : i32
        %scatter3A_533 = arith.constant 0 : i32
        %scatter3A_534 = arith.constant 0 : i32
        %scatter3A_535 = arith.constant 0 : i32
        %scatter3A_536 = tpu.memref_slice %arg8[%scan3A_211, %scatter3A_532, %scatter3A_533, %scatter3A_534, %scatter3A_535] : memref<2x8x1x8x129xf32, #tpu.memory_space<vmem>> -> memref<1x8x1x8x129xf32, #tpu.memory_space<vmem>>
        %scatter3A_537 = tpu.memref_squeeze %scatter3A_536 : memref<1x8x1x8x129xf32, #tpu.memory_space<vmem>> -> memref<8x1x8x129xf32, #tpu.memory_space<vmem>>
        tpu.vector_store_idx %scatter3A_537[%add3A_205, %broadcast_in_dim3A_25, %rem3A_91, %add3A_522], %get3A_531 : memref<8x1x8x129xf32, #tpu.memory_space<vmem>>[vector<16xi32>, vector<16xi32>, vector<16xi32>, vector<16xi32>], vector<16xf32>,
        %add3A_538 = arith.constant 0 : i32
        %add3A_539 = arith.addi %add3A_538, %scan3A_524 : i32
        %get3A_540 = arith.constant 0 : i32
        %get3A_541 = arith.index_cast %get3A_540 : i32 to index
        %get3A_542 = arith.index_cast %add3A_539 : i32 to index
        %get3A_543 = arith.constant 16 : index
        %get3A_544 = tpu.vector_load %arg7[%get3A_541, %get3A_542, %get3A_543] {strides = array<i32>} : memref<2x256x32xf32, #tpu.memory_space<vmem>>, vector<16xf32>,
        %scatter3A_545 = arith.constant 0 : i32
        %scatter3A_546 = arith.constant 0 : i32
        %scatter3A_547 = arith.constant 0 : i32
        %scatter3A_548 = arith.constant 0 : i32
        %scatter3A_549 = tpu.memref_slice %arg8[%scan3A_211, %scatter3A_545, %scatter3A_546, %scatter3A_547, %scatter3A_548] : memref<2x8x1x8x129xf32, #tpu.memory_space<vmem>> -> memref<1x8x1x8x129xf32, #tpu.memory_space<vmem>>
        %scatter3A_550 = tpu.memref_squeeze %scatter3A_549 : memref<1x8x1x8x129xf32, #tpu.memory_space<vmem>> -> memref<8x1x8x129xf32, #tpu.memory_space<vmem>>
        tpu.vector_store_idx %scatter3A_550[%add3A_208, %broadcast_in_dim3A_25, %rem3A_97, %add3A_522], %get3A_544 : memref<8x1x8x129xf32, #tpu.memory_space<vmem>>[vector<16xi32>, vector<16xi32>, vector<16xi32>, vector<16xi32>], vector<16xf32>,
        %add3A_551 = arith.constant 1 : i32
        %add3A_552 = vector.broadcast %add3A_551 : i32 to vector<16xi32>
        %add3A_553 = arith.addi %add3A_522, %add3A_552 : vector<16xi32>
        %scan3A_554 = arith.constant 6 : i32
        %scan3A_555 = arith.addi %scan3A_370, %scan3A_554 : i32
        %add3A_556 = arith.constant 0 : i32
        %add3A_557 = arith.addi %add3A_556, %scan3A_555 : i32
        %get3A_558 = arith.constant 0 : i32
        %get3A_559 = arith.index_cast %get3A_558 : i32 to index
        %get3A_560 = arith.index_cast %add3A_557 : i32 to index
        %get3A_561 = arith.constant 0 : index
        %get3A_562 = tpu.vector_load %arg7[%get3A_559, %get3A_560, %get3A_561] {strides = array<i32>} : memref<2x256x32xf32, #tpu.memory_space<vmem>>, vector<16xf32>,
        %scatter3A_563 = arith.constant 0 : i32
        %scatter3A_564 = arith.constant 0 : i32
        %scatter3A_565 = arith.constant 0 : i32
        %scatter3A_566 = arith.constant 0 : i32
        %scatter3A_567 = tpu.memref_slice %arg8[%scan3A_211, %scatter3A_563, %scatter3A_564, %scatter3A_565, %scatter3A_566] : memref<2x8x1x8x129xf32, #tpu.memory_space<vmem>> -> memref<1x8x1x8x129xf32, #tpu.memory_space<vmem>>
        %scatter3A_568 = tpu.memref_squeeze %scatter3A_567 : memref<1x8x1x8x129xf32, #tpu.memory_space<vmem>> -> memref<8x1x8x129xf32, #tpu.memory_space<vmem>>
        tpu.vector_store_idx %scatter3A_568[%add3A_205, %broadcast_in_dim3A_25, %rem3A_91, %add3A_553], %get3A_562 : memref<8x1x8x129xf32, #tpu.memory_space<vmem>>[vector<16xi32>, vector<16xi32>, vector<16xi32>, vector<16xi32>], vector<16xf32>,
        %add3A_569 = arith.constant 0 : i32
        %add3A_570 = arith.addi %add3A_569, %scan3A_555 : i32
        %get3A_571 = arith.constant 0 : i32
        %get3A_572 = arith.index_cast %get3A_571 : i32 to index
        %get3A_573 = arith.index_cast %add3A_570 : i32 to index
        %get3A_574 = arith.constant 16 : index
        %get3A_575 = tpu.vector_load %arg7[%get3A_572, %get3A_573, %get3A_574] {strides = array<i32>} : memref<2x256x32xf32, #tpu.memory_space<vmem>>, vector<16xf32>,
        %scatter3A_576 = arith.constant 0 : i32
        %scatter3A_577 = arith.constant 0 : i32
        %scatter3A_578 = arith.constant 0 : i32
        %scatter3A_579 = arith.constant 0 : i32
        %scatter3A_580 = tpu.memref_slice %arg8[%scan3A_211, %scatter3A_576, %scatter3A_577, %scatter3A_578, %scatter3A_579] : memref<2x8x1x8x129xf32, #tpu.memory_space<vmem>> -> memref<1x8x1x8x129xf32, #tpu.memory_space<vmem>>
        %scatter3A_581 = tpu.memref_squeeze %scatter3A_580 : memref<1x8x1x8x129xf32, #tpu.memory_space<vmem>> -> memref<8x1x8x129xf32, #tpu.memory_space<vmem>>
        tpu.vector_store_idx %scatter3A_581[%add3A_208, %broadcast_in_dim3A_25, %rem3A_97, %add3A_553], %get3A_575 : memref<8x1x8x129xf32, #tpu.memory_space<vmem>>[vector<16xi32>, vector<16xi32>, vector<16xi32>, vector<16xi32>], vector<16xf32>,
        %add3A_582 = arith.constant 1 : i32
        %add3A_583 = vector.broadcast %add3A_582 : i32 to vector<16xi32>
        %add3A_584 = arith.addi %add3A_553, %add3A_583 : vector<16xi32>
        %scan3A_585 = arith.constant 7 : i32
        %scan3A_586 = arith.addi %scan3A_370, %scan3A_585 : i32
        %add3A_587 = arith.constant 0 : i32
        %add3A_588 = arith.addi %add3A_587, %scan3A_586 : i32
        %get3A_589 = arith.constant 0 : i32
        %get3A_590 = arith.index_cast %get3A_589 : i32 to index
        %get3A_591 = arith.index_cast %add3A_588 : i32 to index
        %get3A_592 = arith.constant 0 : index
        %get3A_593 = tpu.vector_load %arg7[%get3A_590, %get3A_591, %get3A_592] {strides = array<i32>} : memref<2x256x32xf32, #tpu.memory_space<vmem>>, vector<16xf32>,
        %scatter3A_594 = arith.constant 0 : i32
        %scatter3A_595 = arith.constant 0 : i32
        %scatter3A_596 = arith.constant 0 : i32
        %scatter3A_597 = arith.constant 0 : i32
        %scatter3A_598 = tpu.memref_slice %arg8[%scan3A_211, %scatter3A_594, %scatter3A_595, %scatter3A_596, %scatter3A_597] : memref<2x8x1x8x129xf32, #tpu.memory_space<vmem>> -> memref<1x8x1x8x129xf32, #tpu.memory_space<vmem>>
        %scatter3A_599 = tpu.memref_squeeze %scatter3A_598 : memref<1x8x1x8x129xf32, #tpu.memory_space<vmem>> -> memref<8x1x8x129xf32, #tpu.memory_space<vmem>>
        tpu.vector_store_idx %scatter3A_599[%add3A_205, %broadcast_in_dim3A_25, %rem3A_91, %add3A_584], %get3A_593 : memref<8x1x8x129xf32, #tpu.memory_space<vmem>>[vector<16xi32>, vector<16xi32>, vector<16xi32>, vector<16xi32>], vector<16xf32>,
        %add3A_600 = arith.constant 0 : i32
        %add3A_601 = arith.addi %add3A_600, %scan3A_586 : i32
        %get3A_602 = arith.constant 0 : i32
        %get3A_603 = arith.index_cast %get3A_602 : i32 to index
        %get3A_604 = arith.index_cast %add3A_601 : i32 to index
        %get3A_605 = arith.constant 16 : index
        %get3A_606 = tpu.vector_load %arg7[%get3A_603, %get3A_604, %get3A_605] {strides = array<i32>} : memref<2x256x32xf32, #tpu.memory_space<vmem>>, vector<16xf32>,
        %scatter3A_607 = arith.constant 0 : i32
        %scatter3A_608 = arith.constant 0 : i32
        %scatter3A_609 = arith.constant 0 : i32
        %scatter3A_610 = arith.constant 0 : i32
        %scatter3A_611 = tpu.memref_slice %arg8[%scan3A_211, %scatter3A_607, %scatter3A_608, %scatter3A_609, %scatter3A_610] : memref<2x8x1x8x129xf32, #tpu.memory_space<vmem>> -> memref<1x8x1x8x129xf32, #tpu.memory_space<vmem>>
        %scatter3A_612 = tpu.memref_squeeze %scatter3A_611 : memref<1x8x1x8x129xf32, #tpu.memory_space<vmem>> -> memref<8x1x8x129xf32, #tpu.memory_space<vmem>>
        tpu.vector_store_idx %scatter3A_612[%add3A_208, %broadcast_in_dim3A_25, %rem3A_97, %add3A_584], %get3A_606 : memref<8x1x8x129xf32, #tpu.memory_space<vmem>>[vector<16xi32>, vector<16xi32>, vector<16xi32>, vector<16xi32>], vector<16xf32>,
        %add3A_613 = arith.constant 1 : i32
        %add3A_614 = vector.broadcast %add3A_613 : i32 to vector<16xi32>
        %add3A_615 = arith.addi %add3A_584, %add3A_614 : vector<16xi32>
        %scan3A_616 = arith.constant 8 : i32
        %scan3A_617 = arith.addi %scan3A_370, %scan3A_616 : i32
        %add3A_618 = arith.constant 0 : i32
        %add3A_619 = arith.addi %add3A_618, %scan3A_617 : i32
        %get3A_620 = arith.constant 0 : i32
        %get3A_621 = arith.index_cast %get3A_620 : i32 to index
        %get3A_622 = arith.index_cast %add3A_619 : i32 to index
        %get3A_623 = arith.constant 0 : index
        %get3A_624 = tpu.vector_load %arg7[%get3A_621, %get3A_622, %get3A_623] {strides = array<i32>} : memref<2x256x32xf32, #tpu.memory_space<vmem>>, vector<16xf32>,
        %scatter3A_625 = arith.constant 0 : i32
        %scatter3A_626 = arith.constant 0 : i32
        %scatter3A_627 = arith.constant 0 : i32
        %scatter3A_628 = arith.constant 0 : i32
        %scatter3A_629 = tpu.memref_slice %arg8[%scan3A_211, %scatter3A_625, %scatter3A_626, %scatter3A_627, %scatter3A_628] : memref<2x8x1x8x129xf32, #tpu.memory_space<vmem>> -> memref<1x8x1x8x129xf32, #tpu.memory_space<vmem>>
        %scatter3A_630 = tpu.memref_squeeze %scatter3A_629 : memref<1x8x1x8x129xf32, #tpu.memory_space<vmem>> -> memref<8x1x8x129xf32, #tpu.memory_space<vmem>>
        tpu.vector_store_idx %scatter3A_630[%add3A_205, %broadcast_in_dim3A_25, %rem3A_91, %add3A_615], %get3A_624 : memref<8x1x8x129xf32, #tpu.memory_space<vmem>>[vector<16xi32>, vector<16xi32>, vector<16xi32>, vector<16xi32>], vector<16xf32>,
        %add3A_631 = arith.constant 0 : i32
        %add3A_632 = arith.addi %add3A_631, %scan3A_617 : i32
        %get3A_633 = arith.constant 0 : i32
        %get3A_634 = arith.index_cast %get3A_633 : i32 to index
        %get3A_635 = arith.index_cast %add3A_632 : i32 to index
        %get3A_636 = arith.constant 16 : index
        %get3A_637 = tpu.vector_load %arg7[%get3A_634, %get3A_635, %get3A_636] {strides = array<i32>} : memref<2x256x32xf32, #tpu.memory_space<vmem>>, vector<16xf32>,
        %scatter3A_638 = arith.constant 0 : i32
        %scatter3A_639 = arith.constant 0 : i32
        %scatter3A_640 = arith.constant 0 : i32
        %scatter3A_641 = arith.constant 0 : i32
        %scatter3A_642 = tpu.memref_slice %arg8[%scan3A_211, %scatter3A_638, %scatter3A_639, %scatter3A_640, %scatter3A_641] : memref<2x8x1x8x129xf32, #tpu.memory_space<vmem>> -> memref<1x8x1x8x129xf32, #tpu.memory_space<vmem>>
        %scatter3A_643 = tpu.memref_squeeze %scatter3A_642 : memref<1x8x1x8x129xf32, #tpu.memory_space<vmem>> -> memref<8x1x8x129xf32, #tpu.memory_space<vmem>>
        tpu.vector_store_idx %scatter3A_643[%add3A_208, %broadcast_in_dim3A_25, %rem3A_97, %add3A_615], %get3A_637 : memref<8x1x8x129xf32, #tpu.memory_space<vmem>>[vector<16xi32>, vector<16xi32>, vector<16xi32>, vector<16xi32>], vector<16xf32>,
        %add3A_644 = arith.constant 1 : i32
        %add3A_645 = vector.broadcast %add3A_644 : i32 to vector<16xi32>
        %add3A_646 = arith.addi %add3A_615, %add3A_645 : vector<16xi32>
        %scan3A_647 = arith.constant 9 : i32
        %scan3A_648 = arith.addi %scan3A_370, %scan3A_647 : i32
        %add3A_649 = arith.constant 0 : i32
        %add3A_650 = arith.addi %add3A_649, %scan3A_648 : i32
        %get3A_651 = arith.constant 0 : i32
        %get3A_652 = arith.index_cast %get3A_651 : i32 to index
        %get3A_653 = arith.index_cast %add3A_650 : i32 to index
        %get3A_654 = arith.constant 0 : index
        %get3A_655 = tpu.vector_load %arg7[%get3A_652, %get3A_653, %get3A_654] {strides = array<i32>} : memref<2x256x32xf32, #tpu.memory_space<vmem>>, vector<16xf32>,
        %scatter3A_656 = arith.constant 0 : i32
        %scatter3A_657 = arith.constant 0 : i32
        %scatter3A_658 = arith.constant 0 : i32
        %scatter3A_659 = arith.constant 0 : i32
        %scatter3A_660 = tpu.memref_slice %arg8[%scan3A_211, %scatter3A_656, %scatter3A_657, %scatter3A_658, %scatter3A_659] : memref<2x8x1x8x129xf32, #tpu.memory_space<vmem>> -> memref<1x8x1x8x129xf32, #tpu.memory_space<vmem>>
        %scatter3A_661 = tpu.memref_squeeze %scatter3A_660 : memref<1x8x1x8x129xf32, #tpu.memory_space<vmem>> -> memref<8x1x8x129xf32, #tpu.memory_space<vmem>>
        tpu.vector_store_idx %scatter3A_661[%add3A_205, %broadcast_in_dim3A_25, %rem3A_91, %add3A_646], %get3A_655 : memref<8x1x8x129xf32, #tpu.memory_space<vmem>>[vector<16xi32>, vector<16xi32>, vector<16xi32>, vector<16xi32>], vector<16xf32>,
        %add3A_662 = arith.constant 0 : i32
        %add3A_663 = arith.addi %add3A_662, %scan3A_648 : i32
        %get3A_664 = arith.constant 0 : i32
        %get3A_665 = arith.index_cast %get3A_664 : i32 to index
        %get3A_666 = arith.index_cast %add3A_663 : i32 to index
        %get3A_667 = arith.constant 16 : index
        %get3A_668 = tpu.vector_load %arg7[%get3A_665, %get3A_666, %get3A_667] {strides = array<i32>} : memref<2x256x32xf32, #tpu.memory_space<vmem>>, vector<16xf32>,
        %scatter3A_669 = arith.constant 0 : i32
        %scatter3A_670 = arith.constant 0 : i32
        %scatter3A_671 = arith.constant 0 : i32
        %scatter3A_672 = arith.constant 0 : i32
        %scatter3A_673 = tpu.memref_slice %arg8[%scan3A_211, %scatter3A_669, %scatter3A_670, %scatter3A_671, %scatter3A_672] : memref<2x8x1x8x129xf32, #tpu.memory_space<vmem>> -> memref<1x8x1x8x129xf32, #tpu.memory_space<vmem>>
        %scatter3A_674 = tpu.memref_squeeze %scatter3A_673 : memref<1x8x1x8x129xf32, #tpu.memory_space<vmem>> -> memref<8x1x8x129xf32, #tpu.memory_space<vmem>>
        tpu.vector_store_idx %scatter3A_674[%add3A_208, %broadcast_in_dim3A_25, %rem3A_97, %add3A_646], %get3A_668 : memref<8x1x8x129xf32, #tpu.memory_space<vmem>>[vector<16xi32>, vector<16xi32>, vector<16xi32>, vector<16xi32>], vector<16xf32>,
        %add3A_675 = arith.constant 1 : i32
        %add3A_676 = vector.broadcast %add3A_675 : i32 to vector<16xi32>
        %add3A_677 = arith.addi %add3A_646, %add3A_676 : vector<16xi32>
        %scan3A_678 = arith.constant 10 : i32
        %scan3A_679 = arith.addi %scan3A_370, %scan3A_678 : i32
        %add3A_680 = arith.constant 0 : i32
        %add3A_681 = arith.addi %add3A_680, %scan3A_679 : i32
        %get3A_682 = arith.constant 0 : i32
        %get3A_683 = arith.index_cast %get3A_682 : i32 to index
        %get3A_684 = arith.index_cast %add3A_681 : i32 to index
        %get3A_685 = arith.constant 0 : index
        %get3A_686 = tpu.vector_load %arg7[%get3A_683, %get3A_684, %get3A_685] {strides = array<i32>} : memref<2x256x32xf32, #tpu.memory_space<vmem>>, vector<16xf32>,
        %scatter3A_687 = arith.constant 0 : i32
        %scatter3A_688 = arith.constant 0 : i32
        %scatter3A_689 = arith.constant 0 : i32
        %scatter3A_690 = arith.constant 0 : i32
        %scatter3A_691 = tpu.memref_slice %arg8[%scan3A_211, %scatter3A_687, %scatter3A_688, %scatter3A_689, %scatter3A_690] : memref<2x8x1x8x129xf32, #tpu.memory_space<vmem>> -> memref<1x8x1x8x129xf32, #tpu.memory_space<vmem>>
        %scatter3A_692 = tpu.memref_squeeze %scatter3A_691 : memref<1x8x1x8x129xf32, #tpu.memory_space<vmem>> -> memref<8x1x8x129xf32, #tpu.memory_space<vmem>>
        tpu.vector_store_idx %scatter3A_692[%add3A_205, %broadcast_in_dim3A_25, %rem3A_91, %add3A_677], %get3A_686 : memref<8x1x8x129xf32, #tpu.memory_space<vmem>>[vector<16xi32>, vector<16xi32>, vector<16xi32>, vector<16xi32>], vector<16xf32>,
        %add3A_693 = arith.constant 0 : i32
        %add3A_694 = arith.addi %add3A_693, %scan3A_679 : i32
        %get3A_695 = arith.constant 0 : i32
        %get3A_696 = arith.index_cast %get3A_695 : i32 to index
        %get3A_697 = arith.index_cast %add3A_694 : i32 to index
        %get3A_698 = arith.constant 16 : index
        %get3A_699 = tpu.vector_load %arg7[%get3A_696, %get3A_697, %get3A_698] {strides = array<i32>} : memref<2x256x32xf32, #tpu.memory_space<vmem>>, vector<16xf32>,
        %scatter3A_700 = arith.constant 0 : i32
        %scatter3A_701 = arith.constant 0 : i32
        %scatter3A_702 = arith.constant 0 : i32
        %scatter3A_703 = arith.constant 0 : i32
        %scatter3A_704 = tpu.memref_slice %arg8[%scan3A_211, %scatter3A_700, %scatter3A_701, %scatter3A_702, %scatter3A_703] : memref<2x8x1x8x129xf32, #tpu.memory_space<vmem>> -> memref<1x8x1x8x129xf32, #tpu.memory_space<vmem>>
        %scatter3A_705 = tpu.memref_squeeze %scatter3A_704 : memref<1x8x1x8x129xf32, #tpu.memory_space<vmem>> -> memref<8x1x8x129xf32, #tpu.memory_space<vmem>>
        tpu.vector_store_idx %scatter3A_705[%add3A_208, %broadcast_in_dim3A_25, %rem3A_97, %add3A_677], %get3A_699 : memref<8x1x8x129xf32, #tpu.memory_space<vmem>>[vector<16xi32>, vector<16xi32>, vector<16xi32>, vector<16xi32>], vector<16xf32>,
        %add3A_706 = arith.constant 1 : i32
        %add3A_707 = vector.broadcast %add3A_706 : i32 to vector<16xi32>
        %add3A_708 = arith.addi %add3A_677, %add3A_707 : vector<16xi32>
        %scan3A_709 = arith.constant 11 : i32
        %scan3A_710 = arith.addi %scan3A_370, %scan3A_709 : i32
        %add3A_711 = arith.constant 0 : i32
        %add3A_712 = arith.addi %add3A_711, %scan3A_710 : i32
        %get3A_713 = arith.constant 0 : i32
        %get3A_714 = arith.index_cast %get3A_713 : i32 to index
        %get3A_715 = arith.index_cast %add3A_712 : i32 to index
        %get3A_716 = arith.constant 0 : index
        %get3A_717 = tpu.vector_load %arg7[%get3A_714, %get3A_715, %get3A_716] {strides = array<i32>} : memref<2x256x32xf32, #tpu.memory_space<vmem>>, vector<16xf32>,
        %scatter3A_718 = arith.constant 0 : i32
        %scatter3A_719 = arith.constant 0 : i32
        %scatter3A_720 = arith.constant 0 : i32
        %scatter3A_721 = arith.constant 0 : i32
        %scatter3A_722 = tpu.memref_slice %arg8[%scan3A_211, %scatter3A_718, %scatter3A_719, %scatter3A_720, %scatter3A_721] : memref<2x8x1x8x129xf32, #tpu.memory_space<vmem>> -> memref<1x8x1x8x129xf32, #tpu.memory_space<vmem>>
        %scatter3A_723 = tpu.memref_squeeze %scatter3A_722 : memref<1x8x1x8x129xf32, #tpu.memory_space<vmem>> -> memref<8x1x8x129xf32, #tpu.memory_space<vmem>>
        tpu.vector_store_idx %scatter3A_723[%add3A_205, %broadcast_in_dim3A_25, %rem3A_91, %add3A_708], %get3A_717 : memref<8x1x8x129xf32, #tpu.memory_space<vmem>>[vector<16xi32>, vector<16xi32>, vector<16xi32>, vector<16xi32>], vector<16xf32>,
        %add3A_724 = arith.constant 0 : i32
        %add3A_725 = arith.addi %add3A_724, %scan3A_710 : i32
        %get3A_726 = arith.constant 0 : i32
        %get3A_727 = arith.index_cast %get3A_726 : i32 to index
        %get3A_728 = arith.index_cast %add3A_725 : i32 to index
        %get3A_729 = arith.constant 16 : index
        %get3A_730 = tpu.vector_load %arg7[%get3A_727, %get3A_728, %get3A_729] {strides = array<i32>} : memref<2x256x32xf32, #tpu.memory_space<vmem>>, vector<16xf32>,
        %scatter3A_731 = arith.constant 0 : i32
        %scatter3A_732 = arith.constant 0 : i32
        %scatter3A_733 = arith.constant 0 : i32
        %scatter3A_734 = arith.constant 0 : i32
        %scatter3A_735 = tpu.memref_slice %arg8[%scan3A_211, %scatter3A_731, %scatter3A_732, %scatter3A_733, %scatter3A_734] : memref<2x8x1x8x129xf32, #tpu.memory_space<vmem>> -> memref<1x8x1x8x129xf32, #tpu.memory_space<vmem>>
        %scatter3A_736 = tpu.memref_squeeze %scatter3A_735 : memref<1x8x1x8x129xf32, #tpu.memory_space<vmem>> -> memref<8x1x8x129xf32, #tpu.memory_space<vmem>>
        tpu.vector_store_idx %scatter3A_736[%add3A_208, %broadcast_in_dim3A_25, %rem3A_97, %add3A_708], %get3A_730 : memref<8x1x8x129xf32, #tpu.memory_space<vmem>>[vector<16xi32>, vector<16xi32>, vector<16xi32>, vector<16xi32>], vector<16xf32>,
        %add3A_737 = arith.constant 1 : i32
        %add3A_738 = vector.broadcast %add3A_737 : i32 to vector<16xi32>
        %add3A_739 = arith.addi %add3A_708, %add3A_738 : vector<16xi32>
        %scan3A_740 = arith.constant 12 : i32
        %scan3A_741 = arith.addi %scan3A_370, %scan3A_740 : i32
        %add3A_742 = arith.constant 0 : i32
        %add3A_743 = arith.addi %add3A_742, %scan3A_741 : i32
        %get3A_744 = arith.constant 0 : i32
        %get3A_745 = arith.index_cast %get3A_744 : i32 to index
        %get3A_746 = arith.index_cast %add3A_743 : i32 to index
        %get3A_747 = arith.constant 0 : index
        %get3A_748 = tpu.vector_load %arg7[%get3A_745, %get3A_746, %get3A_747] {strides = array<i32>} : memref<2x256x32xf32, #tpu.memory_space<vmem>>, vector<16xf32>,
        %scatter3A_749 = arith.constant 0 : i32
        %scatter3A_750 = arith.constant 0 : i32
        %scatter3A_751 = arith.constant 0 : i32
        %scatter3A_752 = arith.constant 0 : i32
        %scatter3A_753 = tpu.memref_slice %arg8[%scan3A_211, %scatter3A_749, %scatter3A_750, %scatter3A_751, %scatter3A_752] : memref<2x8x1x8x129xf32, #tpu.memory_space<vmem>> -> memref<1x8x1x8x129xf32, #tpu.memory_space<vmem>>
        %scatter3A_754 = tpu.memref_squeeze %scatter3A_753 : memref<1x8x1x8x129xf32, #tpu.memory_space<vmem>> -> memref<8x1x8x129xf32, #tpu.memory_space<vmem>>
        tpu.vector_store_idx %scatter3A_754[%add3A_205, %broadcast_in_dim3A_25, %rem3A_91, %add3A_739], %get3A_748 : memref<8x1x8x129xf32, #tpu.memory_space<vmem>>[vector<16xi32>, vector<16xi32>, vector<16xi32>, vector<16xi32>], vector<16xf32>,
        %add3A_755 = arith.constant 0 : i32
        %add3A_756 = arith.addi %add3A_755, %scan3A_741 : i32
        %get3A_757 = arith.constant 0 : i32
        %get3A_758 = arith.index_cast %get3A_757 : i32 to index
        %get3A_759 = arith.index_cast %add3A_756 : i32 to index
        %get3A_760 = arith.constant 16 : index
        %get3A_761 = tpu.vector_load %arg7[%get3A_758, %get3A_759, %get3A_760] {strides = array<i32>} : memref<2x256x32xf32, #tpu.memory_space<vmem>>, vector<16xf32>,
        %scatter3A_762 = arith.constant 0 : i32
        %scatter3A_763 = arith.constant 0 : i32
        %scatter3A_764 = arith.constant 0 : i32
        %scatter3A_765 = arith.constant 0 : i32
        %scatter3A_766 = tpu.memref_slice %arg8[%scan3A_211, %scatter3A_762, %scatter3A_763, %scatter3A_764, %scatter3A_765] : memref<2x8x1x8x129xf32, #tpu.memory_space<vmem>> -> memref<1x8x1x8x129xf32, #tpu.memory_space<vmem>>
        %scatter3A_767 = tpu.memref_squeeze %scatter3A_766 : memref<1x8x1x8x129xf32, #tpu.memory_space<vmem>> -> memref<8x1x8x129xf32, #tpu.memory_space<vmem>>
        tpu.vector_store_idx %scatter3A_767[%add3A_208, %broadcast_in_dim3A_25, %rem3A_97, %add3A_739], %get3A_761 : memref<8x1x8x129xf32, #tpu.memory_space<vmem>>[vector<16xi32>, vector<16xi32>, vector<16xi32>, vector<16xi32>], vector<16xf32>,
        %add3A_768 = arith.constant 1 : i32
        %add3A_769 = vector.broadcast %add3A_768 : i32 to vector<16xi32>
        %add3A_770 = arith.addi %add3A_739, %add3A_769 : vector<16xi32>
        %scan3A_771 = arith.constant 13 : i32
        %scan3A_772 = arith.addi %scan3A_370, %scan3A_771 : i32
        %add3A_773 = arith.constant 0 : i32
        %add3A_774 = arith.addi %add3A_773, %scan3A_772 : i32
        %get3A_775 = arith.constant 0 : i32
        %get3A_776 = arith.index_cast %get3A_775 : i32 to index
        %get3A_777 = arith.index_cast %add3A_774 : i32 to index
        %get3A_778 = arith.constant 0 : index
        %get3A_779 = tpu.vector_load %arg7[%get3A_776, %get3A_777, %get3A_778] {strides = array<i32>} : memref<2x256x32xf32, #tpu.memory_space<vmem>>, vector<16xf32>,
        %scatter3A_780 = arith.constant 0 : i32
        %scatter3A_781 = arith.constant 0 : i32
        %scatter3A_782 = arith.constant 0 : i32
        %scatter3A_783 = arith.constant 0 : i32
        %scatter3A_784 = tpu.memref_slice %arg8[%scan3A_211, %scatter3A_780, %scatter3A_781, %scatter3A_782, %scatter3A_783] : memref<2x8x1x8x129xf32, #tpu.memory_space<vmem>> -> memref<1x8x1x8x129xf32, #tpu.memory_space<vmem>>
        %scatter3A_785 = tpu.memref_squeeze %scatter3A_784 : memref<1x8x1x8x129xf32, #tpu.memory_space<vmem>> -> memref<8x1x8x129xf32, #tpu.memory_space<vmem>>
        tpu.vector_store_idx %scatter3A_785[%add3A_205, %broadcast_in_dim3A_25, %rem3A_91, %add3A_770], %get3A_779 : memref<8x1x8x129xf32, #tpu.memory_space<vmem>>[vector<16xi32>, vector<16xi32>, vector<16xi32>, vector<16xi32>], vector<16xf32>,
        %add3A_786 = arith.constant 0 : i32
        %add3A_787 = arith.addi %add3A_786, %scan3A_772 : i32
        %get3A_788 = arith.constant 0 : i32
        %get3A_789 = arith.index_cast %get3A_788 : i32 to index
        %get3A_790 = arith.index_cast %add3A_787 : i32 to index
        %get3A_791 = arith.constant 16 : index
        %get3A_792 = tpu.vector_load %arg7[%get3A_789, %get3A_790, %get3A_791] {strides = array<i32>} : memref<2x256x32xf32, #tpu.memory_space<vmem>>, vector<16xf32>,
        %scatter3A_793 = arith.constant 0 : i32
        %scatter3A_794 = arith.constant 0 : i32
        %scatter3A_795 = arith.constant 0 : i32
        %scatter3A_796 = arith.constant 0 : i32
        %scatter3A_797 = tpu.memref_slice %arg8[%scan3A_211, %scatter3A_793, %scatter3A_794, %scatter3A_795, %scatter3A_796] : memref<2x8x1x8x129xf32, #tpu.memory_space<vmem>> -> memref<1x8x1x8x129xf32, #tpu.memory_space<vmem>>
        %scatter3A_798 = tpu.memref_squeeze %scatter3A_797 : memref<1x8x1x8x129xf32, #tpu.memory_space<vmem>> -> memref<8x1x8x129xf32, #tpu.memory_space<vmem>>
        tpu.vector_store_idx %scatter3A_798[%add3A_208, %broadcast_in_dim3A_25, %rem3A_97, %add3A_770], %get3A_792 : memref<8x1x8x129xf32, #tpu.memory_space<vmem>>[vector<16xi32>, vector<16xi32>, vector<16xi32>, vector<16xi32>], vector<16xf32>,
        %add3A_799 = arith.constant 1 : i32
        %add3A_800 = vector.broadcast %add3A_799 : i32 to vector<16xi32>
        %add3A_801 = arith.addi %add3A_770, %add3A_800 : vector<16xi32>
        %scan3A_802 = arith.constant 14 : i32
        %scan3A_803 = arith.addi %scan3A_370, %scan3A_802 : i32
        %add3A_804 = arith.constant 0 : i32
        %add3A_805 = arith.addi %add3A_804, %scan3A_803 : i32
        %get3A_806 = arith.constant 0 : i32
        %get3A_807 = arith.index_cast %get3A_806 : i32 to index
        %get3A_808 = arith.index_cast %add3A_805 : i32 to index
        %get3A_809 = arith.constant 0 : index
        %get3A_810 = tpu.vector_load %arg7[%get3A_807, %get3A_808, %get3A_809] {strides = array<i32>} : memref<2x256x32xf32, #tpu.memory_space<vmem>>, vector<16xf32>,
        %scatter3A_811 = arith.constant 0 : i32
        %scatter3A_812 = arith.constant 0 : i32
        %scatter3A_813 = arith.constant 0 : i32
        %scatter3A_814 = arith.constant 0 : i32
        %scatter3A_815 = tpu.memref_slice %arg8[%scan3A_211, %scatter3A_811, %scatter3A_812, %scatter3A_813, %scatter3A_814] : memref<2x8x1x8x129xf32, #tpu.memory_space<vmem>> -> memref<1x8x1x8x129xf32, #tpu.memory_space<vmem>>
        %scatter3A_816 = tpu.memref_squeeze %scatter3A_815 : memref<1x8x1x8x129xf32, #tpu.memory_space<vmem>> -> memref<8x1x8x129xf32, #tpu.memory_space<vmem>>
        tpu.vector_store_idx %scatter3A_816[%add3A_205, %broadcast_in_dim3A_25, %rem3A_91, %add3A_801], %get3A_810 : memref<8x1x8x129xf32, #tpu.memory_space<vmem>>[vector<16xi32>, vector<16xi32>, vector<16xi32>, vector<16xi32>], vector<16xf32>,
        %add3A_817 = arith.constant 0 : i32
        %add3A_818 = arith.addi %add3A_817, %scan3A_803 : i32
        %get3A_819 = arith.constant 0 : i32
        %get3A_820 = arith.index_cast %get3A_819 : i32 to index
        %get3A_821 = arith.index_cast %add3A_818 : i32 to index
        %get3A_822 = arith.constant 16 : index
        %get3A_823 = tpu.vector_load %arg7[%get3A_820, %get3A_821, %get3A_822] {strides = array<i32>} : memref<2x256x32xf32, #tpu.memory_space<vmem>>, vector<16xf32>,
        %scatter3A_824 = arith.constant 0 : i32
        %scatter3A_825 = arith.constant 0 : i32
        %scatter3A_826 = arith.constant 0 : i32
        %scatter3A_827 = arith.constant 0 : i32
        %scatter3A_828 = tpu.memref_slice %arg8[%scan3A_211, %scatter3A_824, %scatter3A_825, %scatter3A_826, %scatter3A_827] : memref<2x8x1x8x129xf32, #tpu.memory_space<vmem>> -> memref<1x8x1x8x129xf32, #tpu.memory_space<vmem>>
        %scatter3A_829 = tpu.memref_squeeze %scatter3A_828 : memref<1x8x1x8x129xf32, #tpu.memory_space<vmem>> -> memref<8x1x8x129xf32, #tpu.memory_space<vmem>>
        tpu.vector_store_idx %scatter3A_829[%add3A_208, %broadcast_in_dim3A_25, %rem3A_97, %add3A_801], %get3A_823 : memref<8x1x8x129xf32, #tpu.memory_space<vmem>>[vector<16xi32>, vector<16xi32>, vector<16xi32>, vector<16xi32>], vector<16xf32>,
        %add3A_830 = arith.constant 1 : i32
        %add3A_831 = vector.broadcast %add3A_830 : i32 to vector<16xi32>
        %add3A_832 = arith.addi %add3A_801, %add3A_831 : vector<16xi32>
        %scan3A_833 = arith.constant 15 : i32
        %scan3A_834 = arith.addi %scan3A_370, %scan3A_833 : i32
        %add3A_835 = arith.constant 0 : i32
        %add3A_836 = arith.addi %add3A_835, %scan3A_834 : i32
        %get3A_837 = arith.constant 0 : i32
        %get3A_838 = arith.index_cast %get3A_837 : i32 to index
        %get3A_839 = arith.index_cast %add3A_836 : i32 to index
        %get3A_840 = arith.constant 0 : index
        %get3A_841 = tpu.vector_load %arg7[%get3A_838, %get3A_839, %get3A_840] {strides = array<i32>} : memref<2x256x32xf32, #tpu.memory_space<vmem>>, vector<16xf32>,
        %scatter3A_842 = arith.constant 0 : i32
        %scatter3A_843 = arith.constant 0 : i32
        %scatter3A_844 = arith.constant 0 : i32
        %scatter3A_845 = arith.constant 0 : i32
        %scatter3A_846 = tpu.memref_slice %arg8[%scan3A_211, %scatter3A_842, %scatter3A_843, %scatter3A_844, %scatter3A_845] : memref<2x8x1x8x129xf32, #tpu.memory_space<vmem>> -> memref<1x8x1x8x129xf32, #tpu.memory_space<vmem>>
        %scatter3A_847 = tpu.memref_squeeze %scatter3A_846 : memref<1x8x1x8x129xf32, #tpu.memory_space<vmem>> -> memref<8x1x8x129xf32, #tpu.memory_space<vmem>>
        tpu.vector_store_idx %scatter3A_847[%add3A_205, %broadcast_in_dim3A_25, %rem3A_91, %add3A_832], %get3A_841 : memref<8x1x8x129xf32, #tpu.memory_space<vmem>>[vector<16xi32>, vector<16xi32>, vector<16xi32>, vector<16xi32>], vector<16xf32>,
        %add3A_848 = arith.constant 0 : i32
        %add3A_849 = arith.addi %add3A_848, %scan3A_834 : i32
        %get3A_850 = arith.constant 0 : i32
        %get3A_851 = arith.index_cast %get3A_850 : i32 to index
        %get3A_852 = arith.index_cast %add3A_849 : i32 to index
        %get3A_853 = arith.constant 16 : index
        %get3A_854 = tpu.vector_load %arg7[%get3A_851, %get3A_852, %get3A_853] {strides = array<i32>} : memref<2x256x32xf32, #tpu.memory_space<vmem>>, vector<16xf32>,
        %scatter3A_855 = arith.constant 0 : i32
        %scatter3A_856 = arith.constant 0 : i32
        %scatter3A_857 = arith.constant 0 : i32
        %scatter3A_858 = arith.constant 0 : i32
        %scatter3A_859 = tpu.memref_slice %arg8[%scan3A_211, %scatter3A_855, %scatter3A_856, %scatter3A_857, %scatter3A_858] : memref<2x8x1x8x129xf32, #tpu.memory_space<vmem>> -> memref<1x8x1x8x129xf32, #tpu.memory_space<vmem>>
        %scatter3A_860 = tpu.memref_squeeze %scatter3A_859 : memref<1x8x1x8x129xf32, #tpu.memory_space<vmem>> -> memref<8x1x8x129xf32, #tpu.memory_space<vmem>>
        tpu.vector_store_idx %scatter3A_860[%add3A_208, %broadcast_in_dim3A_25, %rem3A_97, %add3A_832], %get3A_854 : memref<8x1x8x129xf32, #tpu.memory_space<vmem>>[vector<16xi32>, vector<16xi32>, vector<16xi32>, vector<16xi32>], vector<16xf32>,
        %add3A_861 = arith.constant 1 : i32
        %add3A_862 = vector.broadcast %add3A_861 : i32 to vector<16xi32>
        %add3A_863 = arith.addi %add3A_832, %add3A_862 : vector<16xi32>
        scf.yield %add3A_863 : vector<16xi32>
      }
      %scan3A_217 = arith.constant 128 : i32
      %mul3A_218 = arith.constant 2 : i32
      %mul3A_219 = arith.muli %add3A_179, %mul3A_218 : i32
      %add3A_220 = arith.constant 1 : i32
      %add3A_221 = arith.addi %mul3A_219, %add3A_220 : i32
      %dma_wait3A_222 = arith.constant 0 : i32
      %dma_wait3A_223 = arith.constant 128 : i32
      %dma_wait3A_224 = arith.constant 0 : i32
      %dma_wait3A_225 = tpu.memref_slice %arg7[%dma_wait3A_222, %dma_wait3A_223, %dma_wait3A_224] : memref<2x256x32xf32, #tpu.memory_space<vmem>> -> memref<1x128x32xf32, #tpu.memory_space<vmem>>
      %dma_wait3A_226 = tpu.memref_squeeze %dma_wait3A_225 : memref<1x128x32xf32, #tpu.memory_space<vmem>> -> memref<128x32xf32, #tpu.memory_space<vmem>>
      %dma_wait3A_227 = arith.constant 0 : i32
      %dma_wait3A_228 = tpu.memref_slice %arg6[%add3A_221, %dma_wait3A_227] : memref<200x128xi32, #tpu.memory_space<vmem>> -> memref<1x128xi32, #tpu.memory_space<vmem>>
      %dma_wait3A_229 = tpu.memref_squeeze %dma_wait3A_228 : memref<1x128xi32, #tpu.memory_space<vmem>> -> memref<128xi32, #tpu.memory_space<vmem>>
      %dma_wait3A_230 = arith.constant 0 : i32
      %dma_wait3A_231 = arith.constant 0 : i32
      %dma_wait3A_232 = tpu.memref_slice %arg3[%dma_wait3A_230, %dma_wait3A_231] : memref<100000x32xf32, #tpu.memory_space<hbm>> -> memref<100000x32xf32, #tpu.memory_space<hbm>>
      tpu.wait_indirect_dma semaphore(%arg9 : memref<!tpu.dma_semaphore, #tpu.memory_space<semaphore_mem>>) src(%dma_wait3A_232 : memref<100000x32xf32, #tpu.memory_space<hbm>>) dst(%dma_wait3A_226 : memref<128x32xf32, #tpu.memory_space<vmem>>)
      %add3A_233 = arith.constant 4 : i32
      %add3A_234 = vector.broadcast %add3A_233 : i32 to vector<16xi32>
      %add3A_235 = arith.addi %select_n3A, %add3A_234 : vector<16xi32>
      %add3A_236 = arith.constant 4 : i32
      %add3A_237 = vector.broadcast %add3A_236 : i32 to vector<16xi32>
      %add3A_238 = arith.addi %select_n3A_85, %add3A_237 : vector<16xi32>
      %broadcast_in_dim3A_239 = arith.constant 0 : i32
      %broadcast_in_dim3A_240 = vector.broadcast %broadcast_in_dim3A_239 : i32 to vector<16xi32>
      %scan3A_241 = arith.constant 0 : i32
      %scan3A_242 = arith.constant 0 : i32
      %scan3A_243 = arith.constant 128 : i32
      %scan3A_244 = arith.addi %scan3A_242, %scan3A_243 : i32
      %scan3A_245 = arith.constant 16 : i32
      %scan3A_246 = scf.for %scan3A_370 = %scan3A_242 to %scan3A_244 step %scan3A_245 iter_args(%scan3A_371 = %broadcast_in_dim3A_240) -> (vector<16xi32>)  : i32 {
        %add3A_372 = arith.constant 128 : i32
        %add3A_373 = arith.addi %add3A_372, %scan3A_370 : i32
        %get3A = arith.constant 0 : i32
        %get3A_374 = arith.index_cast %get3A : i32 to index
        %get3A_375 = arith.index_cast %add3A_373 : i32 to index
        %get3A_376 = arith.constant 0 : index
        %get3A_377 = tpu.vector_load %arg7[%get3A_374, %get3A_375, %get3A_376] {strides = array<i32>} : memref<2x256x32xf32, #tpu.memory_space<vmem>>, vector<16xf32>,
        %scatter3A = arith.constant 0 : i32
        %scatter3A_378 = arith.constant 0 : i32
        %scatter3A_379 = arith.constant 0 : i32
        %scatter3A_380 = arith.constant 0 : i32
        %scatter3A_381 = tpu.memref_slice %arg8[%scan3A_241, %scatter3A, %scatter3A_378, %scatter3A_379, %scatter3A_380] : memref<2x8x1x8x129xf32, #tpu.memory_space<vmem>> -> memref<1x8x1x8x129xf32, #tpu.memory_space<vmem>>
        %scatter3A_382 = tpu.memref_squeeze %scatter3A_381 : memref<1x8x1x8x129xf32, #tpu.memory_space<vmem>> -> memref<8x1x8x129xf32, #tpu.memory_space<vmem>>
        tpu.vector_store_idx %scatter3A_382[%add3A_235, %broadcast_in_dim3A_25, %rem3A_91, %scan3A_371], %get3A_377 : memref<8x1x8x129xf32, #tpu.memory_space<vmem>>[vector<16xi32>, vector<16xi32>, vector<16xi32>, vector<16xi32>], vector<16xf32>,
        %add3A_383 = arith.constant 128 : i32
        %add3A_384 = arith.addi %add3A_383, %scan3A_370 : i32
        %get3A_385 = arith.constant 0 : i32
        %get3A_386 = arith.index_cast %get3A_385 : i32 to index
        %get3A_387 = arith.index_cast %add3A_384 : i32 to index
        %get3A_388 = arith.constant 16 : index
        %get3A_389 = tpu.vector_load %arg7[%get3A_386, %get3A_387, %get3A_388] {strides = array<i32>} : memref<2x256x32xf32, #tpu.memory_space<vmem>>, vector<16xf32>,
        %scatter3A_390 = arith.constant 0 : i32
        %scatter3A_391 = arith.constant 0 : i32
        %scatter3A_392 = arith.constant 0 : i32
        %scatter3A_393 = arith.constant 0 : i32
        %scatter3A_394 = tpu.memref_slice %arg8[%scan3A_241, %scatter3A_390, %scatter3A_391, %scatter3A_392, %scatter3A_393] : memref<2x8x1x8x129xf32, #tpu.memory_space<vmem>> -> memref<1x8x1x8x129xf32, #tpu.memory_space<vmem>>
        %scatter3A_395 = tpu.memref_squeeze %scatter3A_394 : memref<1x8x1x8x129xf32, #tpu.memory_space<vmem>> -> memref<8x1x8x129xf32, #tpu.memory_space<vmem>>
        tpu.vector_store_idx %scatter3A_395[%add3A_238, %broadcast_in_dim3A_25, %rem3A_97, %scan3A_371], %get3A_389 : memref<8x1x8x129xf32, #tpu.memory_space<vmem>>[vector<16xi32>, vector<16xi32>, vector<16xi32>, vector<16xi32>], vector<16xf32>,
        %add3A_396 = arith.constant 1 : i32
        %add3A_397 = vector.broadcast %add3A_396 : i32 to vector<16xi32>
        %add3A_398 = arith.addi %scan3A_371, %add3A_397 : vector<16xi32>
        %scan3A_399 = arith.constant 1 : i32
        %scan3A_400 = arith.addi %scan3A_370, %scan3A_399 : i32
        %add3A_401 = arith.constant 128 : i32
        %add3A_402 = arith.addi %add3A_401, %scan3A_400 : i32
        %get3A_403 = arith.constant 0 : i32
        %get3A_404 = arith.index_cast %get3A_403 : i32 to index
        %get3A_405 = arith.index_cast %add3A_402 : i32 to index
        %get3A_406 = arith.constant 0 : index
        %get3A_407 = tpu.vector_load %arg7[%get3A_404, %get3A_405, %get3A_406] {strides = array<i32>} : memref<2x256x32xf32, #tpu.memory_space<vmem>>, vector<16xf32>,
        %scatter3A_408 = arith.constant 0 : i32
        %scatter3A_409 = arith.constant 0 : i32
        %scatter3A_410 = arith.constant 0 : i32
        %scatter3A_411 = arith.constant 0 : i32
        %scatter3A_412 = tpu.memref_slice %arg8[%scan3A_241, %scatter3A_408, %scatter3A_409, %scatter3A_410, %scatter3A_411] : memref<2x8x1x8x129xf32, #tpu.memory_space<vmem>> -> memref<1x8x1x8x129xf32, #tpu.memory_space<vmem>>
        %scatter3A_413 = tpu.memref_squeeze %scatter3A_412 : memref<1x8x1x8x129xf32, #tpu.memory_space<vmem>> -> memref<8x1x8x129xf32, #tpu.memory_space<vmem>>
        tpu.vector_store_idx %scatter3A_413[%add3A_235, %broadcast_in_dim3A_25, %rem3A_91, %add3A_398], %get3A_407 : memref<8x1x8x129xf32, #tpu.memory_space<vmem>>[vector<16xi32>, vector<16xi32>, vector<16xi32>, vector<16xi32>], vector<16xf32>,
        %add3A_414 = arith.constant 128 : i32
        %add3A_415 = arith.addi %add3A_414, %scan3A_400 : i32
        %get3A_416 = arith.constant 0 : i32
        %get3A_417 = arith.index_cast %get3A_416 : i32 to index
        %get3A_418 = arith.index_cast %add3A_415 : i32 to index
        %get3A_419 = arith.constant 16 : index
        %get3A_420 = tpu.vector_load %arg7[%get3A_417, %get3A_418, %get3A_419] {strides = array<i32>} : memref<2x256x32xf32, #tpu.memory_space<vmem>>, vector<16xf32>,
        %scatter3A_421 = arith.constant 0 : i32
        %scatter3A_422 = arith.constant 0 : i32
        %scatter3A_423 = arith.constant 0 : i32
        %scatter3A_424 = arith.constant 0 : i32
        %scatter3A_425 = tpu.memref_slice %arg8[%scan3A_241, %scatter3A_421, %scatter3A_422, %scatter3A_423, %scatter3A_424] : memref<2x8x1x8x129xf32, #tpu.memory_space<vmem>> -> memref<1x8x1x8x129xf32, #tpu.memory_space<vmem>>
        %scatter3A_426 = tpu.memref_squeeze %scatter3A_425 : memref<1x8x1x8x129xf32, #tpu.memory_space<vmem>> -> memref<8x1x8x129xf32, #tpu.memory_space<vmem>>
        tpu.vector_store_idx %scatter3A_426[%add3A_238, %broadcast_in_dim3A_25, %rem3A_97, %add3A_398], %get3A_420 : memref<8x1x8x129xf32, #tpu.memory_space<vmem>>[vector<16xi32>, vector<16xi32>, vector<16xi32>, vector<16xi32>], vector<16xf32>,
        %add3A_427 = arith.constant 1 : i32
        %add3A_428 = vector.broadcast %add3A_427 : i32 to vector<16xi32>
        %add3A_429 = arith.addi %add3A_398, %add3A_428 : vector<16xi32>
        %scan3A_430 = arith.constant 2 : i32
        %scan3A_431 = arith.addi %scan3A_370, %scan3A_430 : i32
        %add3A_432 = arith.constant 128 : i32
        %add3A_433 = arith.addi %add3A_432, %scan3A_431 : i32
        %get3A_434 = arith.constant 0 : i32
        %get3A_435 = arith.index_cast %get3A_434 : i32 to index
        %get3A_436 = arith.index_cast %add3A_433 : i32 to index
        %get3A_437 = arith.constant 0 : index
        %get3A_438 = tpu.vector_load %arg7[%get3A_435, %get3A_436, %get3A_437] {strides = array<i32>} : memref<2x256x32xf32, #tpu.memory_space<vmem>>, vector<16xf32>,
        %scatter3A_439 = arith.constant 0 : i32
        %scatter3A_440 = arith.constant 0 : i32
        %scatter3A_441 = arith.constant 0 : i32
        %scatter3A_442 = arith.constant 0 : i32
        %scatter3A_443 = tpu.memref_slice %arg8[%scan3A_241, %scatter3A_439, %scatter3A_440, %scatter3A_441, %scatter3A_442] : memref<2x8x1x8x129xf32, #tpu.memory_space<vmem>> -> memref<1x8x1x8x129xf32, #tpu.memory_space<vmem>>
        %scatter3A_444 = tpu.memref_squeeze %scatter3A_443 : memref<1x8x1x8x129xf32, #tpu.memory_space<vmem>> -> memref<8x1x8x129xf32, #tpu.memory_space<vmem>>
        tpu.vector_store_idx %scatter3A_444[%add3A_235, %broadcast_in_dim3A_25, %rem3A_91, %add3A_429], %get3A_438 : memref<8x1x8x129xf32, #tpu.memory_space<vmem>>[vector<16xi32>, vector<16xi32>, vector<16xi32>, vector<16xi32>], vector<16xf32>,
        %add3A_445 = arith.constant 128 : i32
        %add3A_446 = arith.addi %add3A_445, %scan3A_431 : i32
        %get3A_447 = arith.constant 0 : i32
        %get3A_448 = arith.index_cast %get3A_447 : i32 to index
        %get3A_449 = arith.index_cast %add3A_446 : i32 to index
        %get3A_450 = arith.constant 16 : index
        %get3A_451 = tpu.vector_load %arg7[%get3A_448, %get3A_449, %get3A_450] {strides = array<i32>} : memref<2x256x32xf32, #tpu.memory_space<vmem>>, vector<16xf32>,
        %scatter3A_452 = arith.constant 0 : i32
        %scatter3A_453 = arith.constant 0 : i32
        %scatter3A_454 = arith.constant 0 : i32
        %scatter3A_455 = arith.constant 0 : i32
        %scatter3A_456 = tpu.memref_slice %arg8[%scan3A_241, %scatter3A_452, %scatter3A_453, %scatter3A_454, %scatter3A_455] : memref<2x8x1x8x129xf32, #tpu.memory_space<vmem>> -> memref<1x8x1x8x129xf32, #tpu.memory_space<vmem>>
        %scatter3A_457 = tpu.memref_squeeze %scatter3A_456 : memref<1x8x1x8x129xf32, #tpu.memory_space<vmem>> -> memref<8x1x8x129xf32, #tpu.memory_space<vmem>>
        tpu.vector_store_idx %scatter3A_457[%add3A_238, %broadcast_in_dim3A_25, %rem3A_97, %add3A_429], %get3A_451 : memref<8x1x8x129xf32, #tpu.memory_space<vmem>>[vector<16xi32>, vector<16xi32>, vector<16xi32>, vector<16xi32>], vector<16xf32>,
        %add3A_458 = arith.constant 1 : i32
        %add3A_459 = vector.broadcast %add3A_458 : i32 to vector<16xi32>
        %add3A_460 = arith.addi %add3A_429, %add3A_459 : vector<16xi32>
        %scan3A_461 = arith.constant 3 : i32
        %scan3A_462 = arith.addi %scan3A_370, %scan3A_461 : i32
        %add3A_463 = arith.constant 128 : i32
        %add3A_464 = arith.addi %add3A_463, %scan3A_462 : i32
        %get3A_465 = arith.constant 0 : i32
        %get3A_466 = arith.index_cast %get3A_465 : i32 to index
        %get3A_467 = arith.index_cast %add3A_464 : i32 to index
        %get3A_468 = arith.constant 0 : index
        %get3A_469 = tpu.vector_load %arg7[%get3A_466, %get3A_467, %get3A_468] {strides = array<i32>} : memref<2x256x32xf32, #tpu.memory_space<vmem>>, vector<16xf32>,
        %scatter3A_470 = arith.constant 0 : i32
        %scatter3A_471 = arith.constant 0 : i32
        %scatter3A_472 = arith.constant 0 : i32
        %scatter3A_473 = arith.constant 0 : i32
        %scatter3A_474 = tpu.memref_slice %arg8[%scan3A_241, %scatter3A_470, %scatter3A_471, %scatter3A_472, %scatter3A_473] : memref<2x8x1x8x129xf32, #tpu.memory_space<vmem>> -> memref<1x8x1x8x129xf32, #tpu.memory_space<vmem>>
        %scatter3A_475 = tpu.memref_squeeze %scatter3A_474 : memref<1x8x1x8x129xf32, #tpu.memory_space<vmem>> -> memref<8x1x8x129xf32, #tpu.memory_space<vmem>>
        tpu.vector_store_idx %scatter3A_475[%add3A_235, %broadcast_in_dim3A_25, %rem3A_91, %add3A_460], %get3A_469 : memref<8x1x8x129xf32, #tpu.memory_space<vmem>>[vector<16xi32>, vector<16xi32>, vector<16xi32>, vector<16xi32>], vector<16xf32>,
        %add3A_476 = arith.constant 128 : i32
        %add3A_477 = arith.addi %add3A_476, %scan3A_462 : i32
        %get3A_478 = arith.constant 0 : i32
        %get3A_479 = arith.index_cast %get3A_478 : i32 to index
        %get3A_480 = arith.index_cast %add3A_477 : i32 to index
        %get3A_481 = arith.constant 16 : index
        %get3A_482 = tpu.vector_load %arg7[%get3A_479, %get3A_480, %get3A_481] {strides = array<i32>} : memref<2x256x32xf32, #tpu.memory_space<vmem>>, vector<16xf32>,
        %scatter3A_483 = arith.constant 0 : i32
        %scatter3A_484 = arith.constant 0 : i32
        %scatter3A_485 = arith.constant 0 : i32
        %scatter3A_486 = arith.constant 0 : i32
        %scatter3A_487 = tpu.memref_slice %arg8[%scan3A_241, %scatter3A_483, %scatter3A_484, %scatter3A_485, %scatter3A_486] : memref<2x8x1x8x129xf32, #tpu.memory_space<vmem>> -> memref<1x8x1x8x129xf32, #tpu.memory_space<vmem>>
        %scatter3A_488 = tpu.memref_squeeze %scatter3A_487 : memref<1x8x1x8x129xf32, #tpu.memory_space<vmem>> -> memref<8x1x8x129xf32, #tpu.memory_space<vmem>>
        tpu.vector_store_idx %scatter3A_488[%add3A_238, %broadcast_in_dim3A_25, %rem3A_97, %add3A_460], %get3A_482 : memref<8x1x8x129xf32, #tpu.memory_space<vmem>>[vector<16xi32>, vector<16xi32>, vector<16xi32>, vector<16xi32>], vector<16xf32>,
        %add3A_489 = arith.constant 1 : i32
        %add3A_490 = vector.broadcast %add3A_489 : i32 to vector<16xi32>
        %add3A_491 = arith.addi %add3A_460, %add3A_490 : vector<16xi32>
        %scan3A_492 = arith.constant 4 : i32
        %scan3A_493 = arith.addi %scan3A_370, %scan3A_492 : i32
        %add3A_494 = arith.constant 128 : i32
        %add3A_495 = arith.addi %add3A_494, %scan3A_493 : i32
        %get3A_496 = arith.constant 0 : i32
        %get3A_497 = arith.index_cast %get3A_496 : i32 to index
        %get3A_498 = arith.index_cast %add3A_495 : i32 to index
        %get3A_499 = arith.constant 0 : index
        %get3A_500 = tpu.vector_load %arg7[%get3A_497, %get3A_498, %get3A_499] {strides = array<i32>} : memref<2x256x32xf32, #tpu.memory_space<vmem>>, vector<16xf32>,
        %scatter3A_501 = arith.constant 0 : i32
        %scatter3A_502 = arith.constant 0 : i32
        %scatter3A_503 = arith.constant 0 : i32
        %scatter3A_504 = arith.constant 0 : i32
        %scatter3A_505 = tpu.memref_slice %arg8[%scan3A_241, %scatter3A_501, %scatter3A_502, %scatter3A_503, %scatter3A_504] : memref<2x8x1x8x129xf32, #tpu.memory_space<vmem>> -> memref<1x8x1x8x129xf32, #tpu.memory_space<vmem>>
        %scatter3A_506 = tpu.memref_squeeze %scatter3A_505 : memref<1x8x1x8x129xf32, #tpu.memory_space<vmem>> -> memref<8x1x8x129xf32, #tpu.memory_space<vmem>>
        tpu.vector_store_idx %scatter3A_506[%add3A_235, %broadcast_in_dim3A_25, %rem3A_91, %add3A_491], %get3A_500 : memref<8x1x8x129xf32, #tpu.memory_space<vmem>>[vector<16xi32>, vector<16xi32>, vector<16xi32>, vector<16xi32>], vector<16xf32>,
        %add3A_507 = arith.constant 128 : i32
        %add3A_508 = arith.addi %add3A_507, %scan3A_493 : i32
        %get3A_509 = arith.constant 0 : i32
        %get3A_510 = arith.index_cast %get3A_509 : i32 to index
        %get3A_511 = arith.index_cast %add3A_508 : i32 to index
        %get3A_512 = arith.constant 16 : index
        %get3A_513 = tpu.vector_load %arg7[%get3A_510, %get3A_511, %get3A_512] {strides = array<i32>} : memref<2x256x32xf32, #tpu.memory_space<vmem>>, vector<16xf32>,
        %scatter3A_514 = arith.constant 0 : i32
        %scatter3A_515 = arith.constant 0 : i32
        %scatter3A_516 = arith.constant 0 : i32
        %scatter3A_517 = arith.constant 0 : i32
        %scatter3A_518 = tpu.memref_slice %arg8[%scan3A_241, %scatter3A_514, %scatter3A_515, %scatter3A_516, %scatter3A_517] : memref<2x8x1x8x129xf32, #tpu.memory_space<vmem>> -> memref<1x8x1x8x129xf32, #tpu.memory_space<vmem>>
        %scatter3A_519 = tpu.memref_squeeze %scatter3A_518 : memref<1x8x1x8x129xf32, #tpu.memory_space<vmem>> -> memref<8x1x8x129xf32, #tpu.memory_space<vmem>>
        tpu.vector_store_idx %scatter3A_519[%add3A_238, %broadcast_in_dim3A_25, %rem3A_97, %add3A_491], %get3A_513 : memref<8x1x8x129xf32, #tpu.memory_space<vmem>>[vector<16xi32>, vector<16xi32>, vector<16xi32>, vector<16xi32>], vector<16xf32>,
        %add3A_520 = arith.constant 1 : i32
        %add3A_521 = vector.broadcast %add3A_520 : i32 to vector<16xi32>
        %add3A_522 = arith.addi %add3A_491, %add3A_521 : vector<16xi32>
        %scan3A_523 = arith.constant 5 : i32
        %scan3A_524 = arith.addi %scan3A_370, %scan3A_523 : i32
        %add3A_525 = arith.constant 128 : i32
        %add3A_526 = arith.addi %add3A_525, %scan3A_524 : i32
        %get3A_527 = arith.constant 0 : i32
        %get3A_528 = arith.index_cast %get3A_527 : i32 to index
        %get3A_529 = arith.index_cast %add3A_526 : i32 to index
        %get3A_530 = arith.constant 0 : index
        %get3A_531 = tpu.vector_load %arg7[%get3A_528, %get3A_529, %get3A_530] {strides = array<i32>} : memref<2x256x32xf32, #tpu.memory_space<vmem>>, vector<16xf32>,
        %scatter3A_532 = arith.constant 0 : i32
        %scatter3A_533 = arith.constant 0 : i32
        %scatter3A_534 = arith.constant 0 : i32
        %scatter3A_535 = arith.constant 0 : i32
        %scatter3A_536 = tpu.memref_slice %arg8[%scan3A_241, %scatter3A_532, %scatter3A_533, %scatter3A_534, %scatter3A_535] : memref<2x8x1x8x129xf32, #tpu.memory_space<vmem>> -> memref<1x8x1x8x129xf32, #tpu.memory_space<vmem>>
        %scatter3A_537 = tpu.memref_squeeze %scatter3A_536 : memref<1x8x1x8x129xf32, #tpu.memory_space<vmem>> -> memref<8x1x8x129xf32, #tpu.memory_space<vmem>>
        tpu.vector_store_idx %scatter3A_537[%add3A_235, %broadcast_in_dim3A_25, %rem3A_91, %add3A_522], %get3A_531 : memref<8x1x8x129xf32, #tpu.memory_space<vmem>>[vector<16xi32>, vector<16xi32>, vector<16xi32>, vector<16xi32>], vector<16xf32>,
        %add3A_538 = arith.constant 128 : i32
        %add3A_539 = arith.addi %add3A_538, %scan3A_524 : i32
        %get3A_540 = arith.constant 0 : i32
        %get3A_541 = arith.index_cast %get3A_540 : i32 to index
        %get3A_542 = arith.index_cast %add3A_539 : i32 to index
        %get3A_543 = arith.constant 16 : index
        %get3A_544 = tpu.vector_load %arg7[%get3A_541, %get3A_542, %get3A_543] {strides = array<i32>} : memref<2x256x32xf32, #tpu.memory_space<vmem>>, vector<16xf32>,
        %scatter3A_545 = arith.constant 0 : i32
        %scatter3A_546 = arith.constant 0 : i32
        %scatter3A_547 = arith.constant 0 : i32
        %scatter3A_548 = arith.constant 0 : i32
        %scatter3A_549 = tpu.memref_slice %arg8[%scan3A_241, %scatter3A_545, %scatter3A_546, %scatter3A_547, %scatter3A_548] : memref<2x8x1x8x129xf32, #tpu.memory_space<vmem>> -> memref<1x8x1x8x129xf32, #tpu.memory_space<vmem>>
        %scatter3A_550 = tpu.memref_squeeze %scatter3A_549 : memref<1x8x1x8x129xf32, #tpu.memory_space<vmem>> -> memref<8x1x8x129xf32, #tpu.memory_space<vmem>>
        tpu.vector_store_idx %scatter3A_550[%add3A_238, %broadcast_in_dim3A_25, %rem3A_97, %add3A_522], %get3A_544 : memref<8x1x8x129xf32, #tpu.memory_space<vmem>>[vector<16xi32>, vector<16xi32>, vector<16xi32>, vector<16xi32>], vector<16xf32>,
        %add3A_551 = arith.constant 1 : i32
        %add3A_552 = vector.broadcast %add3A_551 : i32 to vector<16xi32>
        %add3A_553 = arith.addi %add3A_522, %add3A_552 : vector<16xi32>
        %scan3A_554 = arith.constant 6 : i32
        %scan3A_555 = arith.addi %scan3A_370, %scan3A_554 : i32
        %add3A_556 = arith.constant 128 : i32
        %add3A_557 = arith.addi %add3A_556, %scan3A_555 : i32
        %get3A_558 = arith.constant 0 : i32
        %get3A_559 = arith.index_cast %get3A_558 : i32 to index
        %get3A_560 = arith.index_cast %add3A_557 : i32 to index
        %get3A_561 = arith.constant 0 : index
        %get3A_562 = tpu.vector_load %arg7[%get3A_559, %get3A_560, %get3A_561] {strides = array<i32>} : memref<2x256x32xf32, #tpu.memory_space<vmem>>, vector<16xf32>,
        %scatter3A_563 = arith.constant 0 : i32
        %scatter3A_564 = arith.constant 0 : i32
        %scatter3A_565 = arith.constant 0 : i32
        %scatter3A_566 = arith.constant 0 : i32
        %scatter3A_567 = tpu.memref_slice %arg8[%scan3A_241, %scatter3A_563, %scatter3A_564, %scatter3A_565, %scatter3A_566] : memref<2x8x1x8x129xf32, #tpu.memory_space<vmem>> -> memref<1x8x1x8x129xf32, #tpu.memory_space<vmem>>
        %scatter3A_568 = tpu.memref_squeeze %scatter3A_567 : memref<1x8x1x8x129xf32, #tpu.memory_space<vmem>> -> memref<8x1x8x129xf32, #tpu.memory_space<vmem>>
        tpu.vector_store_idx %scatter3A_568[%add3A_235, %broadcast_in_dim3A_25, %rem3A_91, %add3A_553], %get3A_562 : memref<8x1x8x129xf32, #tpu.memory_space<vmem>>[vector<16xi32>, vector<16xi32>, vector<16xi32>, vector<16xi32>], vector<16xf32>,
        %add3A_569 = arith.constant 128 : i32
        %add3A_570 = arith.addi %add3A_569, %scan3A_555 : i32
        %get3A_571 = arith.constant 0 : i32
        %get3A_572 = arith.index_cast %get3A_571 : i32 to index
        %get3A_573 = arith.index_cast %add3A_570 : i32 to index
        %get3A_574 = arith.constant 16 : index
        %get3A_575 = tpu.vector_load %arg7[%get3A_572, %get3A_573, %get3A_574] {strides = array<i32>} : memref<2x256x32xf32, #tpu.memory_space<vmem>>, vector<16xf32>,
        %scatter3A_576 = arith.constant 0 : i32
        %scatter3A_577 = arith.constant 0 : i32
        %scatter3A_578 = arith.constant 0 : i32
        %scatter3A_579 = arith.constant 0 : i32
        %scatter3A_580 = tpu.memref_slice %arg8[%scan3A_241, %scatter3A_576, %scatter3A_577, %scatter3A_578, %scatter3A_579] : memref<2x8x1x8x129xf32, #tpu.memory_space<vmem>> -> memref<1x8x1x8x129xf32, #tpu.memory_space<vmem>>
        %scatter3A_581 = tpu.memref_squeeze %scatter3A_580 : memref<1x8x1x8x129xf32, #tpu.memory_space<vmem>> -> memref<8x1x8x129xf32, #tpu.memory_space<vmem>>
        tpu.vector_store_idx %scatter3A_581[%add3A_238, %broadcast_in_dim3A_25, %rem3A_97, %add3A_553], %get3A_575 : memref<8x1x8x129xf32, #tpu.memory_space<vmem>>[vector<16xi32>, vector<16xi32>, vector<16xi32>, vector<16xi32>], vector<16xf32>,
        %add3A_582 = arith.constant 1 : i32
        %add3A_583 = vector.broadcast %add3A_582 : i32 to vector<16xi32>
        %add3A_584 = arith.addi %add3A_553, %add3A_583 : vector<16xi32>
        %scan3A_585 = arith.constant 7 : i32
        %scan3A_586 = arith.addi %scan3A_370, %scan3A_585 : i32
        %add3A_587 = arith.constant 128 : i32
        %add3A_588 = arith.addi %add3A_587, %scan3A_586 : i32
        %get3A_589 = arith.constant 0 : i32
        %get3A_590 = arith.index_cast %get3A_589 : i32 to index
        %get3A_591 = arith.index_cast %add3A_588 : i32 to index
        %get3A_592 = arith.constant 0 : index
        %get3A_593 = tpu.vector_load %arg7[%get3A_590, %get3A_591, %get3A_592] {strides = array<i32>} : memref<2x256x32xf32, #tpu.memory_space<vmem>>, vector<16xf32>,
        %scatter3A_594 = arith.constant 0 : i32
        %scatter3A_595 = arith.constant 0 : i32
        %scatter3A_596 = arith.constant 0 : i32
        %scatter3A_597 = arith.constant 0 : i32
        %scatter3A_598 = tpu.memref_slice %arg8[%scan3A_241, %scatter3A_594, %scatter3A_595, %scatter3A_596, %scatter3A_597] : memref<2x8x1x8x129xf32, #tpu.memory_space<vmem>> -> memref<1x8x1x8x129xf32, #tpu.memory_space<vmem>>
        %scatter3A_599 = tpu.memref_squeeze %scatter3A_598 : memref<1x8x1x8x129xf32, #tpu.memory_space<vmem>> -> memref<8x1x8x129xf32, #tpu.memory_space<vmem>>
        tpu.vector_store_idx %scatter3A_599[%add3A_235, %broadcast_in_dim3A_25, %rem3A_91, %add3A_584], %get3A_593 : memref<8x1x8x129xf32, #tpu.memory_space<vmem>>[vector<16xi32>, vector<16xi32>, vector<16xi32>, vector<16xi32>], vector<16xf32>,
        %add3A_600 = arith.constant 128 : i32
        %add3A_601 = arith.addi %add3A_600, %scan3A_586 : i32
        %get3A_602 = arith.constant 0 : i32
        %get3A_603 = arith.index_cast %get3A_602 : i32 to index
        %get3A_604 = arith.index_cast %add3A_601 : i32 to index
        %get3A_605 = arith.constant 16 : index
        %get3A_606 = tpu.vector_load %arg7[%get3A_603, %get3A_604, %get3A_605] {strides = array<i32>} : memref<2x256x32xf32, #tpu.memory_space<vmem>>, vector<16xf32>,
        %scatter3A_607 = arith.constant 0 : i32
        %scatter3A_608 = arith.constant 0 : i32
        %scatter3A_609 = arith.constant 0 : i32
        %scatter3A_610 = arith.constant 0 : i32
        %scatter3A_611 = tpu.memref_slice %arg8[%scan3A_241, %scatter3A_607, %scatter3A_608, %scatter3A_609, %scatter3A_610] : memref<2x8x1x8x129xf32, #tpu.memory_space<vmem>> -> memref<1x8x1x8x129xf32, #tpu.memory_space<vmem>>
        %scatter3A_612 = tpu.memref_squeeze %scatter3A_611 : memref<1x8x1x8x129xf32, #tpu.memory_space<vmem>> -> memref<8x1x8x129xf32, #tpu.memory_space<vmem>>
        tpu.vector_store_idx %scatter3A_612[%add3A_238, %broadcast_in_dim3A_25, %rem3A_97, %add3A_584], %get3A_606 : memref<8x1x8x129xf32, #tpu.memory_space<vmem>>[vector<16xi32>, vector<16xi32>, vector<16xi32>, vector<16xi32>], vector<16xf32>,
        %add3A_613 = arith.constant 1 : i32
        %add3A_614 = vector.broadcast %add3A_613 : i32 to vector<16xi32>
        %add3A_615 = arith.addi %add3A_584, %add3A_614 : vector<16xi32>
        %scan3A_616 = arith.constant 8 : i32
        %scan3A_617 = arith.addi %scan3A_370, %scan3A_616 : i32
        %add3A_618 = arith.constant 128 : i32
        %add3A_619 = arith.addi %add3A_618, %scan3A_617 : i32
        %get3A_620 = arith.constant 0 : i32
        %get3A_621 = arith.index_cast %get3A_620 : i32 to index
        %get3A_622 = arith.index_cast %add3A_619 : i32 to index
        %get3A_623 = arith.constant 0 : index
        %get3A_624 = tpu.vector_load %arg7[%get3A_621, %get3A_622, %get3A_623] {strides = array<i32>} : memref<2x256x32xf32, #tpu.memory_space<vmem>>, vector<16xf32>,
        %scatter3A_625 = arith.constant 0 : i32
        %scatter3A_626 = arith.constant 0 : i32
        %scatter3A_627 = arith.constant 0 : i32
        %scatter3A_628 = arith.constant 0 : i32
        %scatter3A_629 = tpu.memref_slice %arg8[%scan3A_241, %scatter3A_625, %scatter3A_626, %scatter3A_627, %scatter3A_628] : memref<2x8x1x8x129xf32, #tpu.memory_space<vmem>> -> memref<1x8x1x8x129xf32, #tpu.memory_space<vmem>>
        %scatter3A_630 = tpu.memref_squeeze %scatter3A_629 : memref<1x8x1x8x129xf32, #tpu.memory_space<vmem>> -> memref<8x1x8x129xf32, #tpu.memory_space<vmem>>
        tpu.vector_store_idx %scatter3A_630[%add3A_235, %broadcast_in_dim3A_25, %rem3A_91, %add3A_615], %get3A_624 : memref<8x1x8x129xf32, #tpu.memory_space<vmem>>[vector<16xi32>, vector<16xi32>, vector<16xi32>, vector<16xi32>], vector<16xf32>,
        %add3A_631 = arith.constant 128 : i32
        %add3A_632 = arith.addi %add3A_631, %scan3A_617 : i32
        %get3A_633 = arith.constant 0 : i32
        %get3A_634 = arith.index_cast %get3A_633 : i32 to index
        %get3A_635 = arith.index_cast %add3A_632 : i32 to index
        %get3A_636 = arith.constant 16 : index
        %get3A_637 = tpu.vector_load %arg7[%get3A_634, %get3A_635, %get3A_636] {strides = array<i32>} : memref<2x256x32xf32, #tpu.memory_space<vmem>>, vector<16xf32>,
        %scatter3A_638 = arith.constant 0 : i32
        %scatter3A_639 = arith.constant 0 : i32
        %scatter3A_640 = arith.constant 0 : i32
        %scatter3A_641 = arith.constant 0 : i32
        %scatter3A_642 = tpu.memref_slice %arg8[%scan3A_241, %scatter3A_638, %scatter3A_639, %scatter3A_640, %scatter3A_641] : memref<2x8x1x8x129xf32, #tpu.memory_space<vmem>> -> memref<1x8x1x8x129xf32, #tpu.memory_space<vmem>>
        %scatter3A_643 = tpu.memref_squeeze %scatter3A_642 : memref<1x8x1x8x129xf32, #tpu.memory_space<vmem>> -> memref<8x1x8x129xf32, #tpu.memory_space<vmem>>
        tpu.vector_store_idx %scatter3A_643[%add3A_238, %broadcast_in_dim3A_25, %rem3A_97, %add3A_615], %get3A_637 : memref<8x1x8x129xf32, #tpu.memory_space<vmem>>[vector<16xi32>, vector<16xi32>, vector<16xi32>, vector<16xi32>], vector<16xf32>,
        %add3A_644 = arith.constant 1 : i32
        %add3A_645 = vector.broadcast %add3A_644 : i32 to vector<16xi32>
        %add3A_646 = arith.addi %add3A_615, %add3A_645 : vector<16xi32>
        %scan3A_647 = arith.constant 9 : i32
        %scan3A_648 = arith.addi %scan3A_370, %scan3A_647 : i32
        %add3A_649 = arith.constant 128 : i32
        %add3A_650 = arith.addi %add3A_649, %scan3A_648 : i32
        %get3A_651 = arith.constant 0 : i32
        %get3A_652 = arith.index_cast %get3A_651 : i32 to index
        %get3A_653 = arith.index_cast %add3A_650 : i32 to index
        %get3A_654 = arith.constant 0 : index
        %get3A_655 = tpu.vector_load %arg7[%get3A_652, %get3A_653, %get3A_654] {strides = array<i32>} : memref<2x256x32xf32, #tpu.memory_space<vmem>>, vector<16xf32>,
        %scatter3A_656 = arith.constant 0 : i32
        %scatter3A_657 = arith.constant 0 : i32
        %scatter3A_658 = arith.constant 0 : i32
        %scatter3A_659 = arith.constant 0 : i32
        %scatter3A_660 = tpu.memref_slice %arg8[%scan3A_241, %scatter3A_656, %scatter3A_657, %scatter3A_658, %scatter3A_659] : memref<2x8x1x8x129xf32, #tpu.memory_space<vmem>> -> memref<1x8x1x8x129xf32, #tpu.memory_space<vmem>>
        %scatter3A_661 = tpu.memref_squeeze %scatter3A_660 : memref<1x8x1x8x129xf32, #tpu.memory_space<vmem>> -> memref<8x1x8x129xf32, #tpu.memory_space<vmem>>
        tpu.vector_store_idx %scatter3A_661[%add3A_235, %broadcast_in_dim3A_25, %rem3A_91, %add3A_646], %get3A_655 : memref<8x1x8x129xf32, #tpu.memory_space<vmem>>[vector<16xi32>, vector<16xi32>, vector<16xi32>, vector<16xi32>], vector<16xf32>,
        %add3A_662 = arith.constant 128 : i32
        %add3A_663 = arith.addi %add3A_662, %scan3A_648 : i32
        %get3A_664 = arith.constant 0 : i32
        %get3A_665 = arith.index_cast %get3A_664 : i32 to index
        %get3A_666 = arith.index_cast %add3A_663 : i32 to index
        %get3A_667 = arith.constant 16 : index
        %get3A_668 = tpu.vector_load %arg7[%get3A_665, %get3A_666, %get3A_667] {strides = array<i32>} : memref<2x256x32xf32, #tpu.memory_space<vmem>>, vector<16xf32>,
        %scatter3A_669 = arith.constant 0 : i32
        %scatter3A_670 = arith.constant 0 : i32
        %scatter3A_671 = arith.constant 0 : i32
        %scatter3A_672 = arith.constant 0 : i32
        %scatter3A_673 = tpu.memref_slice %arg8[%scan3A_241, %scatter3A_669, %scatter3A_670, %scatter3A_671, %scatter3A_672] : memref<2x8x1x8x129xf32, #tpu.memory_space<vmem>> -> memref<1x8x1x8x129xf32, #tpu.memory_space<vmem>>
        %scatter3A_674 = tpu.memref_squeeze %scatter3A_673 : memref<1x8x1x8x129xf32, #tpu.memory_space<vmem>> -> memref<8x1x8x129xf32, #tpu.memory_space<vmem>>
        tpu.vector_store_idx %scatter3A_674[%add3A_238, %broadcast_in_dim3A_25, %rem3A_97, %add3A_646], %get3A_668 : memref<8x1x8x129xf32, #tpu.memory_space<vmem>>[vector<16xi32>, vector<16xi32>, vector<16xi32>, vector<16xi32>], vector<16xf32>,
        %add3A_675 = arith.constant 1 : i32
        %add3A_676 = vector.broadcast %add3A_675 : i32 to vector<16xi32>
        %add3A_677 = arith.addi %add3A_646, %add3A_676 : vector<16xi32>
        %scan3A_678 = arith.constant 10 : i32
        %scan3A_679 = arith.addi %scan3A_370, %scan3A_678 : i32
        %add3A_680 = arith.constant 128 : i32
        %add3A_681 = arith.addi %add3A_680, %scan3A_679 : i32
        %get3A_682 = arith.constant 0 : i32
        %get3A_683 = arith.index_cast %get3A_682 : i32 to index
        %get3A_684 = arith.index_cast %add3A_681 : i32 to index
        %get3A_685 = arith.constant 0 : index
        %get3A_686 = tpu.vector_load %arg7[%get3A_683, %get3A_684, %get3A_685] {strides = array<i32>} : memref<2x256x32xf32, #tpu.memory_space<vmem>>, vector<16xf32>,
        %scatter3A_687 = arith.constant 0 : i32
        %scatter3A_688 = arith.constant 0 : i32
        %scatter3A_689 = arith.constant 0 : i32
        %scatter3A_690 = arith.constant 0 : i32
        %scatter3A_691 = tpu.memref_slice %arg8[%scan3A_241, %scatter3A_687, %scatter3A_688, %scatter3A_689, %scatter3A_690] : memref<2x8x1x8x129xf32, #tpu.memory_space<vmem>> -> memref<1x8x1x8x129xf32, #tpu.memory_space<vmem>>
        %scatter3A_692 = tpu.memref_squeeze %scatter3A_691 : memref<1x8x1x8x129xf32, #tpu.memory_space<vmem>> -> memref<8x1x8x129xf32, #tpu.memory_space<vmem>>
        tpu.vector_store_idx %scatter3A_692[%add3A_235, %broadcast_in_dim3A_25, %rem3A_91, %add3A_677], %get3A_686 : memref<8x1x8x129xf32, #tpu.memory_space<vmem>>[vector<16xi32>, vector<16xi32>, vector<16xi32>, vector<16xi32>], vector<16xf32>,
        %add3A_693 = arith.constant 128 : i32
        %add3A_694 = arith.addi %add3A_693, %scan3A_679 : i32
        %get3A_695 = arith.constant 0 : i32
        %get3A_696 = arith.index_cast %get3A_695 : i32 to index
        %get3A_697 = arith.index_cast %add3A_694 : i32 to index
        %get3A_698 = arith.constant 16 : index
        %get3A_699 = tpu.vector_load %arg7[%get3A_696, %get3A_697, %get3A_698] {strides = array<i32>} : memref<2x256x32xf32, #tpu.memory_space<vmem>>, vector<16xf32>,
        %scatter3A_700 = arith.constant 0 : i32
        %scatter3A_701 = arith.constant 0 : i32
        %scatter3A_702 = arith.constant 0 : i32
        %scatter3A_703 = arith.constant 0 : i32
        %scatter3A_704 = tpu.memref_slice %arg8[%scan3A_241, %scatter3A_700, %scatter3A_701, %scatter3A_702, %scatter3A_703] : memref<2x8x1x8x129xf32, #tpu.memory_space<vmem>> -> memref<1x8x1x8x129xf32, #tpu.memory_space<vmem>>
        %scatter3A_705 = tpu.memref_squeeze %scatter3A_704 : memref<1x8x1x8x129xf32, #tpu.memory_space<vmem>> -> memref<8x1x8x129xf32, #tpu.memory_space<vmem>>
        tpu.vector_store_idx %scatter3A_705[%add3A_238, %broadcast_in_dim3A_25, %rem3A_97, %add3A_677], %get3A_699 : memref<8x1x8x129xf32, #tpu.memory_space<vmem>>[vector<16xi32>, vector<16xi32>, vector<16xi32>, vector<16xi32>], vector<16xf32>,
        %add3A_706 = arith.constant 1 : i32
        %add3A_707 = vector.broadcast %add3A_706 : i32 to vector<16xi32>
        %add3A_708 = arith.addi %add3A_677, %add3A_707 : vector<16xi32>
        %scan3A_709 = arith.constant 11 : i32
        %scan3A_710 = arith.addi %scan3A_370, %scan3A_709 : i32
        %add3A_711 = arith.constant 128 : i32
        %add3A_712 = arith.addi %add3A_711, %scan3A_710 : i32
        %get3A_713 = arith.constant 0 : i32
        %get3A_714 = arith.index_cast %get3A_713 : i32 to index
        %get3A_715 = arith.index_cast %add3A_712 : i32 to index
        %get3A_716 = arith.constant 0 : index
        %get3A_717 = tpu.vector_load %arg7[%get3A_714, %get3A_715, %get3A_716] {strides = array<i32>} : memref<2x256x32xf32, #tpu.memory_space<vmem>>, vector<16xf32>,
        %scatter3A_718 = arith.constant 0 : i32
        %scatter3A_719 = arith.constant 0 : i32
        %scatter3A_720 = arith.constant 0 : i32
        %scatter3A_721 = arith.constant 0 : i32
        %scatter3A_722 = tpu.memref_slice %arg8[%scan3A_241, %scatter3A_718, %scatter3A_719, %scatter3A_720, %scatter3A_721] : memref<2x8x1x8x129xf32, #tpu.memory_space<vmem>> -> memref<1x8x1x8x129xf32, #tpu.memory_space<vmem>>
        %scatter3A_723 = tpu.memref_squeeze %scatter3A_722 : memref<1x8x1x8x129xf32, #tpu.memory_space<vmem>> -> memref<8x1x8x129xf32, #tpu.memory_space<vmem>>
        tpu.vector_store_idx %scatter3A_723[%add3A_235, %broadcast_in_dim3A_25, %rem3A_91, %add3A_708], %get3A_717 : memref<8x1x8x129xf32, #tpu.memory_space<vmem>>[vector<16xi32>, vector<16xi32>, vector<16xi32>, vector<16xi32>], vector<16xf32>,
        %add3A_724 = arith.constant 128 : i32
        %add3A_725 = arith.addi %add3A_724, %scan3A_710 : i32
        %get3A_726 = arith.constant 0 : i32
        %get3A_727 = arith.index_cast %get3A_726 : i32 to index
        %get3A_728 = arith.index_cast %add3A_725 : i32 to index
        %get3A_729 = arith.constant 16 : index
        %get3A_730 = tpu.vector_load %arg7[%get3A_727, %get3A_728, %get3A_729] {strides = array<i32>} : memref<2x256x32xf32, #tpu.memory_space<vmem>>, vector<16xf32>,
        %scatter3A_731 = arith.constant 0 : i32
        %scatter3A_732 = arith.constant 0 : i32
        %scatter3A_733 = arith.constant 0 : i32
        %scatter3A_734 = arith.constant 0 : i32
        %scatter3A_735 = tpu.memref_slice %arg8[%scan3A_241, %scatter3A_731, %scatter3A_732, %scatter3A_733, %scatter3A_734] : memref<2x8x1x8x129xf32, #tpu.memory_space<vmem>> -> memref<1x8x1x8x129xf32, #tpu.memory_space<vmem>>
        %scatter3A_736 = tpu.memref_squeeze %scatter3A_735 : memref<1x8x1x8x129xf32, #tpu.memory_space<vmem>> -> memref<8x1x8x129xf32, #tpu.memory_space<vmem>>
        tpu.vector_store_idx %scatter3A_736[%add3A_238, %broadcast_in_dim3A_25, %rem3A_97, %add3A_708], %get3A_730 : memref<8x1x8x129xf32, #tpu.memory_space<vmem>>[vector<16xi32>, vector<16xi32>, vector<16xi32>, vector<16xi32>], vector<16xf32>,
        %add3A_737 = arith.constant 1 : i32
        %add3A_738 = vector.broadcast %add3A_737 : i32 to vector<16xi32>
        %add3A_739 = arith.addi %add3A_708, %add3A_738 : vector<16xi32>
        %scan3A_740 = arith.constant 12 : i32
        %scan3A_741 = arith.addi %scan3A_370, %scan3A_740 : i32
        %add3A_742 = arith.constant 128 : i32
        %add3A_743 = arith.addi %add3A_742, %scan3A_741 : i32
        %get3A_744 = arith.constant 0 : i32
        %get3A_745 = arith.index_cast %get3A_744 : i32 to index
        %get3A_746 = arith.index_cast %add3A_743 : i32 to index
        %get3A_747 = arith.constant 0 : index
        %get3A_748 = tpu.vector_load %arg7[%get3A_745, %get3A_746, %get3A_747] {strides = array<i32>} : memref<2x256x32xf32, #tpu.memory_space<vmem>>, vector<16xf32>,
        %scatter3A_749 = arith.constant 0 : i32
        %scatter3A_750 = arith.constant 0 : i32
        %scatter3A_751 = arith.constant 0 : i32
        %scatter3A_752 = arith.constant 0 : i32
        %scatter3A_753 = tpu.memref_slice %arg8[%scan3A_241, %scatter3A_749, %scatter3A_750, %scatter3A_751, %scatter3A_752] : memref<2x8x1x8x129xf32, #tpu.memory_space<vmem>> -> memref<1x8x1x8x129xf32, #tpu.memory_space<vmem>>
        %scatter3A_754 = tpu.memref_squeeze %scatter3A_753 : memref<1x8x1x8x129xf32, #tpu.memory_space<vmem>> -> memref<8x1x8x129xf32, #tpu.memory_space<vmem>>
        tpu.vector_store_idx %scatter3A_754[%add3A_235, %broadcast_in_dim3A_25, %rem3A_91, %add3A_739], %get3A_748 : memref<8x1x8x129xf32, #tpu.memory_space<vmem>>[vector<16xi32>, vector<16xi32>, vector<16xi32>, vector<16xi32>], vector<16xf32>,
        %add3A_755 = arith.constant 128 : i32
        %add3A_756 = arith.addi %add3A_755, %scan3A_741 : i32
        %get3A_757 = arith.constant 0 : i32
        %get3A_758 = arith.index_cast %get3A_757 : i32 to index
        %get3A_759 = arith.index_cast %add3A_756 : i32 to index
        %get3A_760 = arith.constant 16 : index
        %get3A_761 = tpu.vector_load %arg7[%get3A_758, %get3A_759, %get3A_760] {strides = array<i32>} : memref<2x256x32xf32, #tpu.memory_space<vmem>>, vector<16xf32>,
        %scatter3A_762 = arith.constant 0 : i32
        %scatter3A_763 = arith.constant 0 : i32
        %scatter3A_764 = arith.constant 0 : i32
        %scatter3A_765 = arith.constant 0 : i32
        %scatter3A_766 = tpu.memref_slice %arg8[%scan3A_241, %scatter3A_762, %scatter3A_763, %scatter3A_764, %scatter3A_765] : memref<2x8x1x8x129xf32, #tpu.memory_space<vmem>> -> memref<1x8x1x8x129xf32, #tpu.memory_space<vmem>>
        %scatter3A_767 = tpu.memref_squeeze %scatter3A_766 : memref<1x8x1x8x129xf32, #tpu.memory_space<vmem>> -> memref<8x1x8x129xf32, #tpu.memory_space<vmem>>
        tpu.vector_store_idx %scatter3A_767[%add3A_238, %broadcast_in_dim3A_25, %rem3A_97, %add3A_739], %get3A_761 : memref<8x1x8x129xf32, #tpu.memory_space<vmem>>[vector<16xi32>, vector<16xi32>, vector<16xi32>, vector<16xi32>], vector<16xf32>,
        %add3A_768 = arith.constant 1 : i32
        %add3A_769 = vector.broadcast %add3A_768 : i32 to vector<16xi32>
        %add3A_770 = arith.addi %add3A_739, %add3A_769 : vector<16xi32>
        %scan3A_771 = arith.constant 13 : i32
        %scan3A_772 = arith.addi %scan3A_370, %scan3A_771 : i32
        %add3A_773 = arith.constant 128 : i32
        %add3A_774 = arith.addi %add3A_773, %scan3A_772 : i32
        %get3A_775 = arith.constant 0 : i32
        %get3A_776 = arith.index_cast %get3A_775 : i32 to index
        %get3A_777 = arith.index_cast %add3A_774 : i32 to index
        %get3A_778 = arith.constant 0 : index
        %get3A_779 = tpu.vector_load %arg7[%get3A_776, %get3A_777, %get3A_778] {strides = array<i32>} : memref<2x256x32xf32, #tpu.memory_space<vmem>>, vector<16xf32>,
        %scatter3A_780 = arith.constant 0 : i32
        %scatter3A_781 = arith.constant 0 : i32
        %scatter3A_782 = arith.constant 0 : i32
        %scatter3A_783 = arith.constant 0 : i32
        %scatter3A_784 = tpu.memref_slice %arg8[%scan3A_241, %scatter3A_780, %scatter3A_781, %scatter3A_782, %scatter3A_783] : memref<2x8x1x8x129xf32, #tpu.memory_space<vmem>> -> memref<1x8x1x8x129xf32, #tpu.memory_space<vmem>>
        %scatter3A_785 = tpu.memref_squeeze %scatter3A_784 : memref<1x8x1x8x129xf32, #tpu.memory_space<vmem>> -> memref<8x1x8x129xf32, #tpu.memory_space<vmem>>
        tpu.vector_store_idx %scatter3A_785[%add3A_235, %broadcast_in_dim3A_25, %rem3A_91, %add3A_770], %get3A_779 : memref<8x1x8x129xf32, #tpu.memory_space<vmem>>[vector<16xi32>, vector<16xi32>, vector<16xi32>, vector<16xi32>], vector<16xf32>,
        %add3A_786 = arith.constant 128 : i32
        %add3A_787 = arith.addi %add3A_786, %scan3A_772 : i32
        %get3A_788 = arith.constant 0 : i32
        %get3A_789 = arith.index_cast %get3A_788 : i32 to index
        %get3A_790 = arith.index_cast %add3A_787 : i32 to index
        %get3A_791 = arith.constant 16 : index
        %get3A_792 = tpu.vector_load %arg7[%get3A_789, %get3A_790, %get3A_791] {strides = array<i32>} : memref<2x256x32xf32, #tpu.memory_space<vmem>>, vector<16xf32>,
        %scatter3A_793 = arith.constant 0 : i32
        %scatter3A_794 = arith.constant 0 : i32
        %scatter3A_795 = arith.constant 0 : i32
        %scatter3A_796 = arith.constant 0 : i32
        %scatter3A_797 = tpu.memref_slice %arg8[%scan3A_241, %scatter3A_793, %scatter3A_794, %scatter3A_795, %scatter3A_796] : memref<2x8x1x8x129xf32, #tpu.memory_space<vmem>> -> memref<1x8x1x8x129xf32, #tpu.memory_space<vmem>>
        %scatter3A_798 = tpu.memref_squeeze %scatter3A_797 : memref<1x8x1x8x129xf32, #tpu.memory_space<vmem>> -> memref<8x1x8x129xf32, #tpu.memory_space<vmem>>
        tpu.vector_store_idx %scatter3A_798[%add3A_238, %broadcast_in_dim3A_25, %rem3A_97, %add3A_770], %get3A_792 : memref<8x1x8x129xf32, #tpu.memory_space<vmem>>[vector<16xi32>, vector<16xi32>, vector<16xi32>, vector<16xi32>], vector<16xf32>,
        %add3A_799 = arith.constant 1 : i32
        %add3A_800 = vector.broadcast %add3A_799 : i32 to vector<16xi32>
        %add3A_801 = arith.addi %add3A_770, %add3A_800 : vector<16xi32>
        %scan3A_802 = arith.constant 14 : i32
        %scan3A_803 = arith.addi %scan3A_370, %scan3A_802 : i32
        %add3A_804 = arith.constant 128 : i32
        %add3A_805 = arith.addi %add3A_804, %scan3A_803 : i32
        %get3A_806 = arith.constant 0 : i32
        %get3A_807 = arith.index_cast %get3A_806 : i32 to index
        %get3A_808 = arith.index_cast %add3A_805 : i32 to index
        %get3A_809 = arith.constant 0 : index
        %get3A_810 = tpu.vector_load %arg7[%get3A_807, %get3A_808, %get3A_809] {strides = array<i32>} : memref<2x256x32xf32, #tpu.memory_space<vmem>>, vector<16xf32>,
        %scatter3A_811 = arith.constant 0 : i32
        %scatter3A_812 = arith.constant 0 : i32
        %scatter3A_813 = arith.constant 0 : i32
        %scatter3A_814 = arith.constant 0 : i32
        %scatter3A_815 = tpu.memref_slice %arg8[%scan3A_241, %scatter3A_811, %scatter3A_812, %scatter3A_813, %scatter3A_814] : memref<2x8x1x8x129xf32, #tpu.memory_space<vmem>> -> memref<1x8x1x8x129xf32, #tpu.memory_space<vmem>>
        %scatter3A_816 = tpu.memref_squeeze %scatter3A_815 : memref<1x8x1x8x129xf32, #tpu.memory_space<vmem>> -> memref<8x1x8x129xf32, #tpu.memory_space<vmem>>
        tpu.vector_store_idx %scatter3A_816[%add3A_235, %broadcast_in_dim3A_25, %rem3A_91, %add3A_801], %get3A_810 : memref<8x1x8x129xf32, #tpu.memory_space<vmem>>[vector<16xi32>, vector<16xi32>, vector<16xi32>, vector<16xi32>], vector<16xf32>,
        %add3A_817 = arith.constant 128 : i32
        %add3A_818 = arith.addi %add3A_817, %scan3A_803 : i32
        %get3A_819 = arith.constant 0 : i32
        %get3A_820 = arith.index_cast %get3A_819 : i32 to index
        %get3A_821 = arith.index_cast %add3A_818 : i32 to index
        %get3A_822 = arith.constant 16 : index
        %get3A_823 = tpu.vector_load %arg7[%get3A_820, %get3A_821, %get3A_822] {strides = array<i32>} : memref<2x256x32xf32, #tpu.memory_space<vmem>>, vector<16xf32>,
        %scatter3A_824 = arith.constant 0 : i32
        %scatter3A_825 = arith.constant 0 : i32
        %scatter3A_826 = arith.constant 0 : i32
        %scatter3A_827 = arith.constant 0 : i32
        %scatter3A_828 = tpu.memref_slice %arg8[%scan3A_241, %scatter3A_824, %scatter3A_825, %scatter3A_826, %scatter3A_827] : memref<2x8x1x8x129xf32, #tpu.memory_space<vmem>> -> memref<1x8x1x8x129xf32, #tpu.memory_space<vmem>>
        %scatter3A_829 = tpu.memref_squeeze %scatter3A_828 : memref<1x8x1x8x129xf32, #tpu.memory_space<vmem>> -> memref<8x1x8x129xf32, #tpu.memory_space<vmem>>
        tpu.vector_store_idx %scatter3A_829[%add3A_238, %broadcast_in_dim3A_25, %rem3A_97, %add3A_801], %get3A_823 : memref<8x1x8x129xf32, #tpu.memory_space<vmem>>[vector<16xi32>, vector<16xi32>, vector<16xi32>, vector<16xi32>], vector<16xf32>,
        %add3A_830 = arith.constant 1 : i32
        %add3A_831 = vector.broadcast %add3A_830 : i32 to vector<16xi32>
        %add3A_832 = arith.addi %add3A_801, %add3A_831 : vector<16xi32>
        %scan3A_833 = arith.constant 15 : i32
        %scan3A_834 = arith.addi %scan3A_370, %scan3A_833 : i32
        %add3A_835 = arith.constant 128 : i32
        %add3A_836 = arith.addi %add3A_835, %scan3A_834 : i32
        %get3A_837 = arith.constant 0 : i32
        %get3A_838 = arith.index_cast %get3A_837 : i32 to index
        %get3A_839 = arith.index_cast %add3A_836 : i32 to index
        %get3A_840 = arith.constant 0 : index
        %get3A_841 = tpu.vector_load %arg7[%get3A_838, %get3A_839, %get3A_840] {strides = array<i32>} : memref<2x256x32xf32, #tpu.memory_space<vmem>>, vector<16xf32>,
        %scatter3A_842 = arith.constant 0 : i32
        %scatter3A_843 = arith.constant 0 : i32
        %scatter3A_844 = arith.constant 0 : i32
        %scatter3A_845 = arith.constant 0 : i32
        %scatter3A_846 = tpu.memref_slice %arg8[%scan3A_241, %scatter3A_842, %scatter3A_843, %scatter3A_844, %scatter3A_845] : memref<2x8x1x8x129xf32, #tpu.memory_space<vmem>> -> memref<1x8x1x8x129xf32, #tpu.memory_space<vmem>>
        %scatter3A_847 = tpu.memref_squeeze %scatter3A_846 : memref<1x8x1x8x129xf32, #tpu.memory_space<vmem>> -> memref<8x1x8x129xf32, #tpu.memory_space<vmem>>
        tpu.vector_store_idx %scatter3A_847[%add3A_235, %broadcast_in_dim3A_25, %rem3A_91, %add3A_832], %get3A_841 : memref<8x1x8x129xf32, #tpu.memory_space<vmem>>[vector<16xi32>, vector<16xi32>, vector<16xi32>, vector<16xi32>], vector<16xf32>,
        %add3A_848 = arith.constant 128 : i32
        %add3A_849 = arith.addi %add3A_848, %scan3A_834 : i32
        %get3A_850 = arith.constant 0 : i32
        %get3A_851 = arith.index_cast %get3A_850 : i32 to index
        %get3A_852 = arith.index_cast %add3A_849 : i32 to index
        %get3A_853 = arith.constant 16 : index
        %get3A_854 = tpu.vector_load %arg7[%get3A_851, %get3A_852, %get3A_853] {strides = array<i32>} : memref<2x256x32xf32, #tpu.memory_space<vmem>>, vector<16xf32>,
        %scatter3A_855 = arith.constant 0 : i32
        %scatter3A_856 = arith.constant 0 : i32
        %scatter3A_857 = arith.constant 0 : i32
        %scatter3A_858 = arith.constant 0 : i32
        %scatter3A_859 = tpu.memref_slice %arg8[%scan3A_241, %scatter3A_855, %scatter3A_856, %scatter3A_857, %scatter3A_858] : memref<2x8x1x8x129xf32, #tpu.memory_space<vmem>> -> memref<1x8x1x8x129xf32, #tpu.memory_space<vmem>>
        %scatter3A_860 = tpu.memref_squeeze %scatter3A_859 : memref<1x8x1x8x129xf32, #tpu.memory_space<vmem>> -> memref<8x1x8x129xf32, #tpu.memory_space<vmem>>
        tpu.vector_store_idx %scatter3A_860[%add3A_238, %broadcast_in_dim3A_25, %rem3A_97, %add3A_832], %get3A_854 : memref<8x1x8x129xf32, #tpu.memory_space<vmem>>[vector<16xi32>, vector<16xi32>, vector<16xi32>, vector<16xi32>], vector<16xf32>,
        %add3A_861 = arith.constant 1 : i32
        %add3A_862 = vector.broadcast %add3A_861 : i32 to vector<16xi32>
        %add3A_863 = arith.addi %add3A_832, %add3A_862 : vector<16xi32>
        scf.yield %add3A_863 : vector<16xi32>
      }
      %scan3A_247 = arith.constant 128 : i32
      %mul3A_248 = arith.constant 2 : i32
      %mul3A_249 = arith.muli %add3A_179, %mul3A_248 : i32
      %mul3A_250 = arith.constant 4 : i32
      %mul3A_251 = arith.muli %mul3A_249, %mul3A_250 : i32
      %dma_start3A_252 = arith.constant 0 : i32
      %dma_start3A_253 = arith.constant 0 : i32
      %dma_start3A_254 = arith.constant 0 : i32
      %dma_start3A_255 = arith.constant 0 : i32
      %dma_start3A_256 = arith.constant 0 : i32
      %dma_start3A_257 = tpu.memref_slice %arg8[%dma_start3A_252, %dma_start3A_253, %dma_start3A_254, %dma_start3A_255, %dma_start3A_256] : memref<2x8x1x8x129xf32, #tpu.memory_space<vmem>> -> memref<1x8x1x8x128xf32, #tpu.memory_space<vmem>>
      %dma_start3A_258 = tpu.memref_squeeze %dma_start3A_257 : memref<1x8x1x8x128xf32, #tpu.memory_space<vmem>> -> memref<8x1x8x128xf32, #tpu.memory_space<vmem>>
      %dma_start3A_259 = arith.constant 0 : i32
      %dma_start3A_260 = arith.constant 0 : i32
      %dma_start3A_261 = tpu.memref_slice %arg4[%mul3A_251, %add3A, %dma_start3A_259, %dma_start3A_260] : memref<800x32x8x128xf32, #tpu.memory_space<hbm>> -> memref<8x1x8x128xf32, #tpu.memory_space<hbm>>
      %dma_start3A_262 = arith.constant 0 : i32
      %dma_start3A_263 = arith.constant 0 : i32
      %dma_start3A_264 = tpu.memref_slice %arg4[%mul3A_251, %add3A, %dma_start3A_262, %dma_start3A_263] : memref<800x32x8x128xf32, #tpu.memory_space<hbm>> -> memref<8x1x8x128xf32, #tpu.memory_space<hbm>>
      %dma_start3A_265 = arith.constant 0 : i32
      %dma_start3A_266 = arith.constant 0 : i32
      %dma_start3A_267 = arith.constant 0 : i32
      %dma_start3A_268 = arith.constant 0 : i32
      %dma_start3A_269 = tpu.memref_slice %arg8[%dma_start3A_252, %dma_start3A_265, %dma_start3A_266, %dma_start3A_267, %dma_start3A_268] : memref<2x8x1x8x129xf32, #tpu.memory_space<vmem>> -> memref<1x8x1x8x128xf32, #tpu.memory_space<vmem>>
      %dma_start3A_270 = tpu.memref_squeeze %dma_start3A_269 : memref<1x8x1x8x128xf32, #tpu.memory_space<vmem>> -> memref<8x1x8x128xf32, #tpu.memory_space<vmem>>
      tpu.enqueue_dma source(%dma_start3A_270 : memref<8x1x8x128xf32, #tpu.memory_space<vmem>>) target(%dma_start3A_264 : memref<8x1x8x128xf32, #tpu.memory_space<hbm>>) target_semaphore(%arg11 : memref<!tpu.dma_semaphore, #tpu.memory_space<semaphore_mem>>)
      %mul3A_271 = arith.constant 2 : i32
      %mul3A_272 = arith.muli %scan3A_175, %mul3A_271 : i32
      %add3A_273 = arith.constant 1 : i32
      %add3A_274 = arith.addi %mul3A_272, %add3A_273 : i32
      %add3A_275 = arith.constant 1 : i32
      %add3A_276 = arith.addi %add3A_274, %add3A_275 : i32
      %lt3A_277 = arith.constant 100 : i32
      %lt3A_278 = arith.cmpi slt, %add3A_276, %lt3A_277 : i32
      %convert_element_type3A_279 = arith.extui %lt3A_278 : i1 to i32
      %cond3A_280 = arith.constant 0 : i32
      %cond3A_281 = arith.cmpi ne, %convert_element_type3A_279, %cond3A_280 : i32
      scf.if %cond3A_281 {
        %add3A_370 = arith.constant 1 : i32
        %add3A_371 = arith.addi %add3A_274, %add3A_370 : i32
        %mul3A_372 = arith.constant 2 : i32
        %mul3A_373 = arith.muli %add3A_371, %mul3A_372 : i32
        %add3A_374 = arith.constant 0 : i32
        %add3A_375 = arith.addi %mul3A_373, %add3A_374 : i32
        %dma_start3A_376 = arith.constant 0 : i32
        %dma_start3A_377 = arith.constant 0 : i32
        %dma_start3A_378 = arith.constant 0 : i32
        %dma_start3A_379 = tpu.memref_slice %arg7[%dma_start3A_376, %dma_start3A_377, %dma_start3A_378] : memref<2x256x32xf32, #tpu.memory_space<vmem>> -> memref<1x128x32xf32, #tpu.memory_space<vmem>>
        %dma_start3A_380 = tpu.memref_squeeze %dma_start3A_379 : memref<1x128x32xf32, #tpu.memory_space<vmem>> -> memref<128x32xf32, #tpu.memory_space<vmem>>
        %dma_start3A_381 = arith.constant 0 : i32
        %dma_start3A_382 = tpu.memref_slice %arg6[%add3A_375, %dma_start3A_381] : memref<200x128xi32, #tpu.memory_space<vmem>> -> memref<1x128xi32, #tpu.memory_space<vmem>>
        %dma_start3A_383 = tpu.memref_squeeze %dma_start3A_382 : memref<1x128xi32, #tpu.memory_space<vmem>> -> memref<128xi32, #tpu.memory_space<vmem>>
        %dma_start3A_384 = arith.constant 0 : i32
        %dma_start3A_385 = arith.constant 0 : i32
        %dma_start3A_386 = tpu.memref_slice %arg3[%dma_start3A_384, %dma_start3A_385] : memref<100000x32xf32, #tpu.memory_space<hbm>> -> memref<100000x32xf32, #tpu.memory_space<hbm>>
        tpu.enqueue_indirect_dma source(%dma_start3A_386 : memref<100000x32xf32, #tpu.memory_space<hbm>>) target(%dma_start3A_380 : memref<128x32xf32, #tpu.memory_space<vmem>>) offsets(%dma_start3A_383 : memref<128xi32, #tpu.memory_space<vmem>>) semaphore(%arg9 : memref<!tpu.dma_semaphore, #tpu.memory_space<semaphore_mem>>)
        %add3A_387 = arith.constant 1 : i32
        %add3A_388 = arith.addi %add3A_274, %add3A_387 : i32
        %mul3A_389 = arith.constant 2 : i32
        %mul3A_390 = arith.muli %add3A_388, %mul3A_389 : i32
        %add3A_391 = arith.constant 1 : i32
        %add3A_392 = arith.addi %mul3A_390, %add3A_391 : i32
        %dma_start3A_393 = arith.constant 0 : i32
        %dma_start3A_394 = arith.constant 128 : i32
        %dma_start3A_395 = arith.constant 0 : i32
        %dma_start3A_396 = tpu.memref_slice %arg7[%dma_start3A_393, %dma_start3A_394, %dma_start3A_395] : memref<2x256x32xf32, #tpu.memory_space<vmem>> -> memref<1x128x32xf32, #tpu.memory_space<vmem>>
        %dma_start3A_397 = tpu.memref_squeeze %dma_start3A_396 : memref<1x128x32xf32, #tpu.memory_space<vmem>> -> memref<128x32xf32, #tpu.memory_space<vmem>>
        %dma_start3A_398 = arith.constant 0 : i32
        %dma_start3A_399 = tpu.memref_slice %arg6[%add3A_392, %dma_start3A_398] : memref<200x128xi32, #tpu.memory_space<vmem>> -> memref<1x128xi32, #tpu.memory_space<vmem>>
        %dma_start3A_400 = tpu.memref_squeeze %dma_start3A_399 : memref<1x128xi32, #tpu.memory_space<vmem>> -> memref<128xi32, #tpu.memory_space<vmem>>
        %dma_start3A_401 = arith.constant 0 : i32
        %dma_start3A_402 = arith.constant 0 : i32
        %dma_start3A_403 = tpu.memref_slice %arg3[%dma_start3A_401, %dma_start3A_402] : memref<100000x32xf32, #tpu.memory_space<hbm>> -> memref<100000x32xf32, #tpu.memory_space<hbm>>
        tpu.enqueue_indirect_dma source(%dma_start3A_403 : memref<100000x32xf32, #tpu.memory_space<hbm>>) target(%dma_start3A_397 : memref<128x32xf32, #tpu.memory_space<vmem>>) offsets(%dma_start3A_400 : memref<128xi32, #tpu.memory_space<vmem>>) semaphore(%arg9 : memref<!tpu.dma_semaphore, #tpu.memory_space<semaphore_mem>>)
      } else {
      }
      %ge3A_282 = arith.constant 2 : i32
      %ge3A_283 = arith.cmpi sge, %add3A_274, %ge3A_282 : i32
      %convert_element_type3A_284 = arith.extui %ge3A_283 : i1 to i32
      %cond3A_285 = arith.constant 0 : i32
      %cond3A_286 = arith.cmpi ne, %convert_element_type3A_284, %cond3A_285 : i32
      scf.if %cond3A_286 {
        %mul3A_370 = arith.constant 2 : i32
        %mul3A_371 = arith.muli %add3A_274, %mul3A_370 : i32
        %mul3A_372 = arith.constant 4 : i32
        %mul3A_373 = arith.muli %mul3A_371, %mul3A_372 : i32
        %dma_wait3A_374 = arith.constant 1 : i32
        %dma_wait3A_375 = arith.constant 0 : i32
        %dma_wait3A_376 = arith.constant 0 : i32
        %dma_wait3A_377 = arith.constant 0 : i32
        %dma_wait3A_378 = arith.constant 0 : i32
        %dma_wait3A_379 = tpu.memref_slice %arg8[%dma_wait3A_374, %dma_wait3A_375, %dma_wait3A_376, %dma_wait3A_377, %dma_wait3A_378] : memref<2x8x1x8x129xf32, #tpu.memory_space<vmem>> -> memref<1x8x1x8x128xf32, #tpu.memory_space<vmem>>
        %dma_wait3A_380 = tpu.memref_squeeze %dma_wait3A_379 : memref<1x8x1x8x128xf32, #tpu.memory_space<vmem>> -> memref<8x1x8x128xf32, #tpu.memory_space<vmem>>
        %dma_wait3A_381 = arith.constant 0 : i32
        %dma_wait3A_382 = arith.constant 0 : i32
        %dma_wait3A_383 = tpu.memref_slice %arg4[%mul3A_373, %add3A, %dma_wait3A_381, %dma_wait3A_382] : memref<800x32x8x128xf32, #tpu.memory_space<hbm>> -> memref<8x1x8x128xf32, #tpu.memory_space<hbm>>
        %dma_wait3A_384 = arith.constant 0 : i32
        %dma_wait3A_385 = arith.constant 0 : i32
        %dma_wait3A_386 = tpu.memref_slice %arg4[%mul3A_373, %add3A, %dma_wait3A_384, %dma_wait3A_385] : memref<800x32x8x128xf32, #tpu.memory_space<hbm>> -> memref<8x1x8x128xf32, #tpu.memory_space<hbm>>
        %dma_wait3A_387 = arith.constant 0 : i32
        %dma_wait3A_388 = arith.constant 0 : i32
        %dma_wait3A_389 = arith.constant 0 : i32
        %dma_wait3A_390 = arith.constant 0 : i32
        %dma_wait3A_391 = tpu.memref_slice %arg8[%dma_wait3A_374, %dma_wait3A_387, %dma_wait3A_388, %dma_wait3A_389, %dma_wait3A_390] : memref<2x8x1x8x129xf32, #tpu.memory_space<vmem>> -> memref<1x8x1x8x128xf32, #tpu.memory_space<vmem>>
        %dma_wait3A_392 = tpu.memref_squeeze %dma_wait3A_391 : memref<1x8x1x8x128xf32, #tpu.memory_space<vmem>> -> memref<8x1x8x128xf32, #tpu.memory_space<vmem>>
        tpu.wait_dma2 semaphore(%arg12 : memref<!tpu.dma_semaphore, #tpu.memory_space<semaphore_mem>>) src(%dma_wait3A_392 : memref<8x1x8x128xf32, #tpu.memory_space<vmem>>) dst(%dma_wait3A_386 : memref<8x1x8x128xf32, #tpu.memory_space<hbm>>)
      } else {
      }
      %mul3A_287 = arith.constant 2 : i32
      %mul3A_288 = arith.muli %add3A_274, %mul3A_287 : i32
      %add3A_289 = arith.constant 0 : i32
      %add3A_290 = arith.addi %mul3A_288, %add3A_289 : i32
      %dma_wait3A_291 = arith.constant 1 : i32
      %dma_wait3A_292 = arith.constant 0 : i32
      %dma_wait3A_293 = arith.constant 0 : i32
      %dma_wait3A_294 = tpu.memref_slice %arg7[%dma_wait3A_291, %dma_wait3A_292, %dma_wait3A_293] : memref<2x256x32xf32, #tpu.memory_space<vmem>> -> memref<1x128x32xf32, #tpu.memory_space<vmem>>
      %dma_wait3A_295 = tpu.memref_squeeze %dma_wait3A_294 : memref<1x128x32xf32, #tpu.memory_space<vmem>> -> memref<128x32xf32, #tpu.memory_space<vmem>>
      %dma_wait3A_296 = arith.constant 0 : i32
      %dma_wait3A_297 = tpu.memref_slice %arg6[%add3A_290, %dma_wait3A_296] : memref<200x128xi32, #tpu.memory_space<vmem>> -> memref<1x128xi32, #tpu.memory_space<vmem>>
      %dma_wait3A_298 = tpu.memref_squeeze %dma_wait3A_297 : memref<1x128xi32, #tpu.memory_space<vmem>> -> memref<128xi32, #tpu.memory_space<vmem>>
      %dma_wait3A_299 = arith.constant 0 : i32
      %dma_wait3A_300 = arith.constant 0 : i32
      %dma_wait3A_301 = tpu.memref_slice %arg3[%dma_wait3A_299, %dma_wait3A_300] : memref<100000x32xf32, #tpu.memory_space<hbm>> -> memref<100000x32xf32, #tpu.memory_space<hbm>>
      tpu.wait_indirect_dma semaphore(%arg10 : memref<!tpu.dma_semaphore, #tpu.memory_space<semaphore_mem>>) src(%dma_wait3A_301 : memref<100000x32xf32, #tpu.memory_space<hbm>>) dst(%dma_wait3A_295 : memref<128x32xf32, #tpu.memory_space<vmem>>)
      %add3A_302 = arith.constant 0 : i32
      %add3A_303 = vector.broadcast %add3A_302 : i32 to vector<16xi32>
      %add3A_304 = arith.addi %select_n3A, %add3A_303 : vector<16xi32>
      %add3A_305 = arith.constant 0 : i32
      %add3A_306 = vector.broadcast %add3A_305 : i32 to vector<16xi32>
      %add3A_307 = arith.addi %select_n3A_85, %add3A_306 : vector<16xi32>
      %broadcast_in_dim3A_308 = arith.constant 0 : i32
      %broadcast_in_dim3A_309 = vector.broadcast %broadcast_in_dim3A_308 : i32 to vector<16xi32>
      %scan3A_310 = arith.constant 1 : i32
      %scan3A_311 = arith.constant 0 : i32
      %scan3A_312 = arith.constant 128 : i32
      %scan3A_313 = arith.addi %scan3A_311, %scan3A_312 : i32
      %scan3A_314 = arith.constant 16 : i32
      %scan3A_315 = scf.for %scan3A_370 = %scan3A_311 to %scan3A_313 step %scan3A_314 iter_args(%scan3A_371 = %broadcast_in_dim3A_309) -> (vector<16xi32>)  : i32 {
        %add3A_372 = arith.constant 0 : i32
        %add3A_373 = arith.addi %add3A_372, %scan3A_370 : i32
        %get3A = arith.constant 1 : i32
        %get3A_374 = arith.index_cast %get3A : i32 to index
        %get3A_375 = arith.index_cast %add3A_373 : i32 to index
        %get3A_376 = arith.constant 0 : index
        %get3A_377 = tpu.vector_load %arg7[%get3A_374, %get3A_375, %get3A_376] {strides = array<i32>} : memref<2x256x32xf32, #tpu.memory_space<vmem>>, vector<16xf32>,
        %scatter3A = arith.constant 0 : i32
        %scatter3A_378 = arith.constant 0 : i32
        %scatter3A_379 = arith.constant 0 : i32
        %scatter3A_380 = arith.constant 0 : i32
        %scatter3A_381 = tpu.memref_slice %arg8[%scan3A_310, %scatter3A, %scatter3A_378, %scatter3A_379, %scatter3A_380] : memref<2x8x1x8x129xf32, #tpu.memory_space<vmem>> -> memref<1x8x1x8x129xf32, #tpu.memory_space<vmem>>
        %scatter3A_382 = tpu.memref_squeeze %scatter3A_381 : memref<1x8x1x8x129xf32, #tpu.memory_space<vmem>> -> memref<8x1x8x129xf32, #tpu.memory_space<vmem>>
        tpu.vector_store_idx %scatter3A_382[%add3A_304, %broadcast_in_dim3A_25, %rem3A_91, %scan3A_371], %get3A_377 : memref<8x1x8x129xf32, #tpu.memory_space<vmem>>[vector<16xi32>, vector<16xi32>, vector<16xi32>, vector<16xi32>], vector<16xf32>,
        %add3A_383 = arith.constant 0 : i32
        %add3A_384 = arith.addi %add3A_383, %scan3A_370 : i32
        %get3A_385 = arith.constant 1 : i32
        %get3A_386 = arith.index_cast %get3A_385 : i32 to index
        %get3A_387 = arith.index_cast %add3A_384 : i32 to index
        %get3A_388 = arith.constant 16 : index
        %get3A_389 = tpu.vector_load %arg7[%get3A_386, %get3A_387, %get3A_388] {strides = array<i32>} : memref<2x256x32xf32, #tpu.memory_space<vmem>>, vector<16xf32>,
        %scatter3A_390 = arith.constant 0 : i32
        %scatter3A_391 = arith.constant 0 : i32
        %scatter3A_392 = arith.constant 0 : i32
        %scatter3A_393 = arith.constant 0 : i32
        %scatter3A_394 = tpu.memref_slice %arg8[%scan3A_310, %scatter3A_390, %scatter3A_391, %scatter3A_392, %scatter3A_393] : memref<2x8x1x8x129xf32, #tpu.memory_space<vmem>> -> memref<1x8x1x8x129xf32, #tpu.memory_space<vmem>>
        %scatter3A_395 = tpu.memref_squeeze %scatter3A_394 : memref<1x8x1x8x129xf32, #tpu.memory_space<vmem>> -> memref<8x1x8x129xf32, #tpu.memory_space<vmem>>
        tpu.vector_store_idx %scatter3A_395[%add3A_307, %broadcast_in_dim3A_25, %rem3A_97, %scan3A_371], %get3A_389 : memref<8x1x8x129xf32, #tpu.memory_space<vmem>>[vector<16xi32>, vector<16xi32>, vector<16xi32>, vector<16xi32>], vector<16xf32>,
        %add3A_396 = arith.constant 1 : i32
        %add3A_397 = vector.broadcast %add3A_396 : i32 to vector<16xi32>
        %add3A_398 = arith.addi %scan3A_371, %add3A_397 : vector<16xi32>
        %scan3A_399 = arith.constant 1 : i32
        %scan3A_400 = arith.addi %scan3A_370, %scan3A_399 : i32
        %add3A_401 = arith.constant 0 : i32
        %add3A_402 = arith.addi %add3A_401, %scan3A_400 : i32
        %get3A_403 = arith.constant 1 : i32
        %get3A_404 = arith.index_cast %get3A_403 : i32 to index
        %get3A_405 = arith.index_cast %add3A_402 : i32 to index
        %get3A_406 = arith.constant 0 : index
        %get3A_407 = tpu.vector_load %arg7[%get3A_404, %get3A_405, %get3A_406] {strides = array<i32>} : memref<2x256x32xf32, #tpu.memory_space<vmem>>, vector<16xf32>,
        %scatter3A_408 = arith.constant 0 : i32
        %scatter3A_409 = arith.constant 0 : i32
        %scatter3A_410 = arith.constant 0 : i32
        %scatter3A_411 = arith.constant 0 : i32
        %scatter3A_412 = tpu.memref_slice %arg8[%scan3A_310, %scatter3A_408, %scatter3A_409, %scatter3A_410, %scatter3A_411] : memref<2x8x1x8x129xf32, #tpu.memory_space<vmem>> -> memref<1x8x1x8x129xf32, #tpu.memory_space<vmem>>
        %scatter3A_413 = tpu.memref_squeeze %scatter3A_412 : memref<1x8x1x8x129xf32, #tpu.memory_space<vmem>> -> memref<8x1x8x129xf32, #tpu.memory_space<vmem>>
        tpu.vector_store_idx %scatter3A_413[%add3A_304, %broadcast_in_dim3A_25, %rem3A_91, %add3A_398], %get3A_407 : memref<8x1x8x129xf32, #tpu.memory_space<vmem>>[vector<16xi32>, vector<16xi32>, vector<16xi32>, vector<16xi32>], vector<16xf32>,
        %add3A_414 = arith.constant 0 : i32
        %add3A_415 = arith.addi %add3A_414, %scan3A_400 : i32
        %get3A_416 = arith.constant 1 : i32
        %get3A_417 = arith.index_cast %get3A_416 : i32 to index
        %get3A_418 = arith.index_cast %add3A_415 : i32 to index
        %get3A_419 = arith.constant 16 : index
        %get3A_420 = tpu.vector_load %arg7[%get3A_417, %get3A_418, %get3A_419] {strides = array<i32>} : memref<2x256x32xf32, #tpu.memory_space<vmem>>, vector<16xf32>,
        %scatter3A_421 = arith.constant 0 : i32
        %scatter3A_422 = arith.constant 0 : i32
        %scatter3A_423 = arith.constant 0 : i32
        %scatter3A_424 = arith.constant 0 : i32
        %scatter3A_425 = tpu.memref_slice %arg8[%scan3A_310, %scatter3A_421, %scatter3A_422, %scatter3A_423, %scatter3A_424] : memref<2x8x1x8x129xf32, #tpu.memory_space<vmem>> -> memref<1x8x1x8x129xf32, #tpu.memory_space<vmem>>
        %scatter3A_426 = tpu.memref_squeeze %scatter3A_425 : memref<1x8x1x8x129xf32, #tpu.memory_space<vmem>> -> memref<8x1x8x129xf32, #tpu.memory_space<vmem>>
        tpu.vector_store_idx %scatter3A_426[%add3A_307, %broadcast_in_dim3A_25, %rem3A_97, %add3A_398], %get3A_420 : memref<8x1x8x129xf32, #tpu.memory_space<vmem>>[vector<16xi32>, vector<16xi32>, vector<16xi32>, vector<16xi32>], vector<16xf32>,
        %add3A_427 = arith.constant 1 : i32
        %add3A_428 = vector.broadcast %add3A_427 : i32 to vector<16xi32>
        %add3A_429 = arith.addi %add3A_398, %add3A_428 : vector<16xi32>
        %scan3A_430 = arith.constant 2 : i32
        %scan3A_431 = arith.addi %scan3A_370, %scan3A_430 : i32
        %add3A_432 = arith.constant 0 : i32
        %add3A_433 = arith.addi %add3A_432, %scan3A_431 : i32
        %get3A_434 = arith.constant 1 : i32
        %get3A_435 = arith.index_cast %get3A_434 : i32 to index
        %get3A_436 = arith.index_cast %add3A_433 : i32 to index
        %get3A_437 = arith.constant 0 : index
        %get3A_438 = tpu.vector_load %arg7[%get3A_435, %get3A_436, %get3A_437] {strides = array<i32>} : memref<2x256x32xf32, #tpu.memory_space<vmem>>, vector<16xf32>,
        %scatter3A_439 = arith.constant 0 : i32
        %scatter3A_440 = arith.constant 0 : i32
        %scatter3A_441 = arith.constant 0 : i32
        %scatter3A_442 = arith.constant 0 : i32
        %scatter3A_443 = tpu.memref_slice %arg8[%scan3A_310, %scatter3A_439, %scatter3A_440, %scatter3A_441, %scatter3A_442] : memref<2x8x1x8x129xf32, #tpu.memory_space<vmem>> -> memref<1x8x1x8x129xf32, #tpu.memory_space<vmem>>
        %scatter3A_444 = tpu.memref_squeeze %scatter3A_443 : memref<1x8x1x8x129xf32, #tpu.memory_space<vmem>> -> memref<8x1x8x129xf32, #tpu.memory_space<vmem>>
        tpu.vector_store_idx %scatter3A_444[%add3A_304, %broadcast_in_dim3A_25, %rem3A_91, %add3A_429], %get3A_438 : memref<8x1x8x129xf32, #tpu.memory_space<vmem>>[vector<16xi32>, vector<16xi32>, vector<16xi32>, vector<16xi32>], vector<16xf32>,
        %add3A_445 = arith.constant 0 : i32
        %add3A_446 = arith.addi %add3A_445, %scan3A_431 : i32
        %get3A_447 = arith.constant 1 : i32
        %get3A_448 = arith.index_cast %get3A_447 : i32 to index
        %get3A_449 = arith.index_cast %add3A_446 : i32 to index
        %get3A_450 = arith.constant 16 : index
        %get3A_451 = tpu.vector_load %arg7[%get3A_448, %get3A_449, %get3A_450] {strides = array<i32>} : memref<2x256x32xf32, #tpu.memory_space<vmem>>, vector<16xf32>,
        %scatter3A_452 = arith.constant 0 : i32
        %scatter3A_453 = arith.constant 0 : i32
        %scatter3A_454 = arith.constant 0 : i32
        %scatter3A_455 = arith.constant 0 : i32
        %scatter3A_456 = tpu.memref_slice %arg8[%scan3A_310, %scatter3A_452, %scatter3A_453, %scatter3A_454, %scatter3A_455] : memref<2x8x1x8x129xf32, #tpu.memory_space<vmem>> -> memref<1x8x1x8x129xf32, #tpu.memory_space<vmem>>
        %scatter3A_457 = tpu.memref_squeeze %scatter3A_456 : memref<1x8x1x8x129xf32, #tpu.memory_space<vmem>> -> memref<8x1x8x129xf32, #tpu.memory_space<vmem>>
        tpu.vector_store_idx %scatter3A_457[%add3A_307, %broadcast_in_dim3A_25, %rem3A_97, %add3A_429], %get3A_451 : memref<8x1x8x129xf32, #tpu.memory_space<vmem>>[vector<16xi32>, vector<16xi32>, vector<16xi32>, vector<16xi32>], vector<16xf32>,
        %add3A_458 = arith.constant 1 : i32
        %add3A_459 = vector.broadcast %add3A_458 : i32 to vector<16xi32>
        %add3A_460 = arith.addi %add3A_429, %add3A_459 : vector<16xi32>
        %scan3A_461 = arith.constant 3 : i32
        %scan3A_462 = arith.addi %scan3A_370, %scan3A_461 : i32
        %add3A_463 = arith.constant 0 : i32
        %add3A_464 = arith.addi %add3A_463, %scan3A_462 : i32
        %get3A_465 = arith.constant 1 : i32
        %get3A_466 = arith.index_cast %get3A_465 : i32 to index
        %get3A_467 = arith.index_cast %add3A_464 : i32 to index
        %get3A_468 = arith.constant 0 : index
        %get3A_469 = tpu.vector_load %arg7[%get3A_466, %get3A_467, %get3A_468] {strides = array<i32>} : memref<2x256x32xf32, #tpu.memory_space<vmem>>, vector<16xf32>,
        %scatter3A_470 = arith.constant 0 : i32
        %scatter3A_471 = arith.constant 0 : i32
        %scatter3A_472 = arith.constant 0 : i32
        %scatter3A_473 = arith.constant 0 : i32
        %scatter3A_474 = tpu.memref_slice %arg8[%scan3A_310, %scatter3A_470, %scatter3A_471, %scatter3A_472, %scatter3A_473] : memref<2x8x1x8x129xf32, #tpu.memory_space<vmem>> -> memref<1x8x1x8x129xf32, #tpu.memory_space<vmem>>
        %scatter3A_475 = tpu.memref_squeeze %scatter3A_474 : memref<1x8x1x8x129xf32, #tpu.memory_space<vmem>> -> memref<8x1x8x129xf32, #tpu.memory_space<vmem>>
        tpu.vector_store_idx %scatter3A_475[%add3A_304, %broadcast_in_dim3A_25, %rem3A_91, %add3A_460], %get3A_469 : memref<8x1x8x129xf32, #tpu.memory_space<vmem>>[vector<16xi32>, vector<16xi32>, vector<16xi32>, vector<16xi32>], vector<16xf32>,
        %add3A_476 = arith.constant 0 : i32
        %add3A_477 = arith.addi %add3A_476, %scan3A_462 : i32
        %get3A_478 = arith.constant 1 : i32
        %get3A_479 = arith.index_cast %get3A_478 : i32 to index
        %get3A_480 = arith.index_cast %add3A_477 : i32 to index
        %get3A_481 = arith.constant 16 : index
        %get3A_482 = tpu.vector_load %arg7[%get3A_479, %get3A_480, %get3A_481] {strides = array<i32>} : memref<2x256x32xf32, #tpu.memory_space<vmem>>, vector<16xf32>,
        %scatter3A_483 = arith.constant 0 : i32
        %scatter3A_484 = arith.constant 0 : i32
        %scatter3A_485 = arith.constant 0 : i32
        %scatter3A_486 = arith.constant 0 : i32
        %scatter3A_487 = tpu.memref_slice %arg8[%scan3A_310, %scatter3A_483, %scatter3A_484, %scatter3A_485, %scatter3A_486] : memref<2x8x1x8x129xf32, #tpu.memory_space<vmem>> -> memref<1x8x1x8x129xf32, #tpu.memory_space<vmem>>
        %scatter3A_488 = tpu.memref_squeeze %scatter3A_487 : memref<1x8x1x8x129xf32, #tpu.memory_space<vmem>> -> memref<8x1x8x129xf32, #tpu.memory_space<vmem>>
        tpu.vector_store_idx %scatter3A_488[%add3A_307, %broadcast_in_dim3A_25, %rem3A_97, %add3A_460], %get3A_482 : memref<8x1x8x129xf32, #tpu.memory_space<vmem>>[vector<16xi32>, vector<16xi32>, vector<16xi32>, vector<16xi32>], vector<16xf32>,
        %add3A_489 = arith.constant 1 : i32
        %add3A_490 = vector.broadcast %add3A_489 : i32 to vector<16xi32>
        %add3A_491 = arith.addi %add3A_460, %add3A_490 : vector<16xi32>
        %scan3A_492 = arith.constant 4 : i32
        %scan3A_493 = arith.addi %scan3A_370, %scan3A_492 : i32
        %add3A_494 = arith.constant 0 : i32
        %add3A_495 = arith.addi %add3A_494, %scan3A_493 : i32
        %get3A_496 = arith.constant 1 : i32
        %get3A_497 = arith.index_cast %get3A_496 : i32 to index
        %get3A_498 = arith.index_cast %add3A_495 : i32 to index
        %get3A_499 = arith.constant 0 : index
        %get3A_500 = tpu.vector_load %arg7[%get3A_497, %get3A_498, %get3A_499] {strides = array<i32>} : memref<2x256x32xf32, #tpu.memory_space<vmem>>, vector<16xf32>,
        %scatter3A_501 = arith.constant 0 : i32
        %scatter3A_502 = arith.constant 0 : i32
        %scatter3A_503 = arith.constant 0 : i32
        %scatter3A_504 = arith.constant 0 : i32
        %scatter3A_505 = tpu.memref_slice %arg8[%scan3A_310, %scatter3A_501, %scatter3A_502, %scatter3A_503, %scatter3A_504] : memref<2x8x1x8x129xf32, #tpu.memory_space<vmem>> -> memref<1x8x1x8x129xf32, #tpu.memory_space<vmem>>
        %scatter3A_506 = tpu.memref_squeeze %scatter3A_505 : memref<1x8x1x8x129xf32, #tpu.memory_space<vmem>> -> memref<8x1x8x129xf32, #tpu.memory_space<vmem>>
        tpu.vector_store_idx %scatter3A_506[%add3A_304, %broadcast_in_dim3A_25, %rem3A_91, %add3A_491], %get3A_500 : memref<8x1x8x129xf32, #tpu.memory_space<vmem>>[vector<16xi32>, vector<16xi32>, vector<16xi32>, vector<16xi32>], vector<16xf32>,
        %add3A_507 = arith.constant 0 : i32
        %add3A_508 = arith.addi %add3A_507, %scan3A_493 : i32
        %get3A_509 = arith.constant 1 : i32
        %get3A_510 = arith.index_cast %get3A_509 : i32 to index
        %get3A_511 = arith.index_cast %add3A_508 : i32 to index
        %get3A_512 = arith.constant 16 : index
        %get3A_513 = tpu.vector_load %arg7[%get3A_510, %get3A_511, %get3A_512] {strides = array<i32>} : memref<2x256x32xf32, #tpu.memory_space<vmem>>, vector<16xf32>,
        %scatter3A_514 = arith.constant 0 : i32
        %scatter3A_515 = arith.constant 0 : i32
        %scatter3A_516 = arith.constant 0 : i32
        %scatter3A_517 = arith.constant 0 : i32
        %scatter3A_518 = tpu.memref_slice %arg8[%scan3A_310, %scatter3A_514, %scatter3A_515, %scatter3A_516, %scatter3A_517] : memref<2x8x1x8x129xf32, #tpu.memory_space<vmem>> -> memref<1x8x1x8x129xf32, #tpu.memory_space<vmem>>
        %scatter3A_519 = tpu.memref_squeeze %scatter3A_518 : memref<1x8x1x8x129xf32, #tpu.memory_space<vmem>> -> memref<8x1x8x129xf32, #tpu.memory_space<vmem>>
        tpu.vector_store_idx %scatter3A_519[%add3A_307, %broadcast_in_dim3A_25, %rem3A_97, %add3A_491], %get3A_513 : memref<8x1x8x129xf32, #tpu.memory_space<vmem>>[vector<16xi32>, vector<16xi32>, vector<16xi32>, vector<16xi32>], vector<16xf32>,
        %add3A_520 = arith.constant 1 : i32
        %add3A_521 = vector.broadcast %add3A_520 : i32 to vector<16xi32>
        %add3A_522 = arith.addi %add3A_491, %add3A_521 : vector<16xi32>
        %scan3A_523 = arith.constant 5 : i32
        %scan3A_524 = arith.addi %scan3A_370, %scan3A_523 : i32
        %add3A_525 = arith.constant 0 : i32
        %add3A_526 = arith.addi %add3A_525, %scan3A_524 : i32
        %get3A_527 = arith.constant 1 : i32
        %get3A_528 = arith.index_cast %get3A_527 : i32 to index
        %get3A_529 = arith.index_cast %add3A_526 : i32 to index
        %get3A_530 = arith.constant 0 : index
        %get3A_531 = tpu.vector_load %arg7[%get3A_528, %get3A_529, %get3A_530] {strides = array<i32>} : memref<2x256x32xf32, #tpu.memory_space<vmem>>, vector<16xf32>,
        %scatter3A_532 = arith.constant 0 : i32
        %scatter3A_533 = arith.constant 0 : i32
        %scatter3A_534 = arith.constant 0 : i32
        %scatter3A_535 = arith.constant 0 : i32
        %scatter3A_536 = tpu.memref_slice %arg8[%scan3A_310, %scatter3A_532, %scatter3A_533, %scatter3A_534, %scatter3A_535] : memref<2x8x1x8x129xf32, #tpu.memory_space<vmem>> -> memref<1x8x1x8x129xf32, #tpu.memory_space<vmem>>
        %scatter3A_537 = tpu.memref_squeeze %scatter3A_536 : memref<1x8x1x8x129xf32, #tpu.memory_space<vmem>> -> memref<8x1x8x129xf32, #tpu.memory_space<vmem>>
        tpu.vector_store_idx %scatter3A_537[%add3A_304, %broadcast_in_dim3A_25, %rem3A_91, %add3A_522], %get3A_531 : memref<8x1x8x129xf32, #tpu.memory_space<vmem>>[vector<16xi32>, vector<16xi32>, vector<16xi32>, vector<16xi32>], vector<16xf32>,
        %add3A_538 = arith.constant 0 : i32
        %add3A_539 = arith.addi %add3A_538, %scan3A_524 : i32
        %get3A_540 = arith.constant 1 : i32
        %get3A_541 = arith.index_cast %get3A_540 : i32 to index
        %get3A_542 = arith.index_cast %add3A_539 : i32 to index
        %get3A_543 = arith.constant 16 : index
        %get3A_544 = tpu.vector_load %arg7[%get3A_541, %get3A_542, %get3A_543] {strides = array<i32>} : memref<2x256x32xf32, #tpu.memory_space<vmem>>, vector<16xf32>,
        %scatter3A_545 = arith.constant 0 : i32
        %scatter3A_546 = arith.constant 0 : i32
        %scatter3A_547 = arith.constant 0 : i32
        %scatter3A_548 = arith.constant 0 : i32
        %scatter3A_549 = tpu.memref_slice %arg8[%scan3A_310, %scatter3A_545, %scatter3A_546, %scatter3A_547, %scatter3A_548] : memref<2x8x1x8x129xf32, #tpu.memory_space<vmem>> -> memref<1x8x1x8x129xf32, #tpu.memory_space<vmem>>
        %scatter3A_550 = tpu.memref_squeeze %scatter3A_549 : memref<1x8x1x8x129xf32, #tpu.memory_space<vmem>> -> memref<8x1x8x129xf32, #tpu.memory_space<vmem>>
        tpu.vector_store_idx %scatter3A_550[%add3A_307, %broadcast_in_dim3A_25, %rem3A_97, %add3A_522], %get3A_544 : memref<8x1x8x129xf32, #tpu.memory_space<vmem>>[vector<16xi32>, vector<16xi32>, vector<16xi32>, vector<16xi32>], vector<16xf32>,
        %add3A_551 = arith.constant 1 : i32
        %add3A_552 = vector.broadcast %add3A_551 : i32 to vector<16xi32>
        %add3A_553 = arith.addi %add3A_522, %add3A_552 : vector<16xi32>
        %scan3A_554 = arith.constant 6 : i32
        %scan3A_555 = arith.addi %scan3A_370, %scan3A_554 : i32
        %add3A_556 = arith.constant 0 : i32
        %add3A_557 = arith.addi %add3A_556, %scan3A_555 : i32
        %get3A_558 = arith.constant 1 : i32
        %get3A_559 = arith.index_cast %get3A_558 : i32 to index
        %get3A_560 = arith.index_cast %add3A_557 : i32 to index
        %get3A_561 = arith.constant 0 : index
        %get3A_562 = tpu.vector_load %arg7[%get3A_559, %get3A_560, %get3A_561] {strides = array<i32>} : memref<2x256x32xf32, #tpu.memory_space<vmem>>, vector<16xf32>,
        %scatter3A_563 = arith.constant 0 : i32
        %scatter3A_564 = arith.constant 0 : i32
        %scatter3A_565 = arith.constant 0 : i32
        %scatter3A_566 = arith.constant 0 : i32
        %scatter3A_567 = tpu.memref_slice %arg8[%scan3A_310, %scatter3A_563, %scatter3A_564, %scatter3A_565, %scatter3A_566] : memref<2x8x1x8x129xf32, #tpu.memory_space<vmem>> -> memref<1x8x1x8x129xf32, #tpu.memory_space<vmem>>
        %scatter3A_568 = tpu.memref_squeeze %scatter3A_567 : memref<1x8x1x8x129xf32, #tpu.memory_space<vmem>> -> memref<8x1x8x129xf32, #tpu.memory_space<vmem>>
        tpu.vector_store_idx %scatter3A_568[%add3A_304, %broadcast_in_dim3A_25, %rem3A_91, %add3A_553], %get3A_562 : memref<8x1x8x129xf32, #tpu.memory_space<vmem>>[vector<16xi32>, vector<16xi32>, vector<16xi32>, vector<16xi32>], vector<16xf32>,
        %add3A_569 = arith.constant 0 : i32
        %add3A_570 = arith.addi %add3A_569, %scan3A_555 : i32
        %get3A_571 = arith.constant 1 : i32
        %get3A_572 = arith.index_cast %get3A_571 : i32 to index
        %get3A_573 = arith.index_cast %add3A_570 : i32 to index
        %get3A_574 = arith.constant 16 : index
        %get3A_575 = tpu.vector_load %arg7[%get3A_572, %get3A_573, %get3A_574] {strides = array<i32>} : memref<2x256x32xf32, #tpu.memory_space<vmem>>, vector<16xf32>,
        %scatter3A_576 = arith.constant 0 : i32
        %scatter3A_577 = arith.constant 0 : i32
        %scatter3A_578 = arith.constant 0 : i32
        %scatter3A_579 = arith.constant 0 : i32
        %scatter3A_580 = tpu.memref_slice %arg8[%scan3A_310, %scatter3A_576, %scatter3A_577, %scatter3A_578, %scatter3A_579] : memref<2x8x1x8x129xf32, #tpu.memory_space<vmem>> -> memref<1x8x1x8x129xf32, #tpu.memory_space<vmem>>
        %scatter3A_581 = tpu.memref_squeeze %scatter3A_580 : memref<1x8x1x8x129xf32, #tpu.memory_space<vmem>> -> memref<8x1x8x129xf32, #tpu.memory_space<vmem>>
        tpu.vector_store_idx %scatter3A_581[%add3A_307, %broadcast_in_dim3A_25, %rem3A_97, %add3A_553], %get3A_575 : memref<8x1x8x129xf32, #tpu.memory_space<vmem>>[vector<16xi32>, vector<16xi32>, vector<16xi32>, vector<16xi32>], vector<16xf32>,
        %add3A_582 = arith.constant 1 : i32
        %add3A_583 = vector.broadcast %add3A_582 : i32 to vector<16xi32>
        %add3A_584 = arith.addi %add3A_553, %add3A_583 : vector<16xi32>
        %scan3A_585 = arith.constant 7 : i32
        %scan3A_586 = arith.addi %scan3A_370, %scan3A_585 : i32
        %add3A_587 = arith.constant 0 : i32
        %add3A_588 = arith.addi %add3A_587, %scan3A_586 : i32
        %get3A_589 = arith.constant 1 : i32
        %get3A_590 = arith.index_cast %get3A_589 : i32 to index
        %get3A_591 = arith.index_cast %add3A_588 : i32 to index
        %get3A_592 = arith.constant 0 : index
        %get3A_593 = tpu.vector_load %arg7[%get3A_590, %get3A_591, %get3A_592] {strides = array<i32>} : memref<2x256x32xf32, #tpu.memory_space<vmem>>, vector<16xf32>,
        %scatter3A_594 = arith.constant 0 : i32
        %scatter3A_595 = arith.constant 0 : i32
        %scatter3A_596 = arith.constant 0 : i32
        %scatter3A_597 = arith.constant 0 : i32
        %scatter3A_598 = tpu.memref_slice %arg8[%scan3A_310, %scatter3A_594, %scatter3A_595, %scatter3A_596, %scatter3A_597] : memref<2x8x1x8x129xf32, #tpu.memory_space<vmem>> -> memref<1x8x1x8x129xf32, #tpu.memory_space<vmem>>
        %scatter3A_599 = tpu.memref_squeeze %scatter3A_598 : memref<1x8x1x8x129xf32, #tpu.memory_space<vmem>> -> memref<8x1x8x129xf32, #tpu.memory_space<vmem>>
        tpu.vector_store_idx %scatter3A_599[%add3A_304, %broadcast_in_dim3A_25, %rem3A_91, %add3A_584], %get3A_593 : memref<8x1x8x129xf32, #tpu.memory_space<vmem>>[vector<16xi32>, vector<16xi32>, vector<16xi32>, vector<16xi32>], vector<16xf32>,
        %add3A_600 = arith.constant 0 : i32
        %add3A_601 = arith.addi %add3A_600, %scan3A_586 : i32
        %get3A_602 = arith.constant 1 : i32
        %get3A_603 = arith.index_cast %get3A_602 : i32 to index
        %get3A_604 = arith.index_cast %add3A_601 : i32 to index
        %get3A_605 = arith.constant 16 : index
        %get3A_606 = tpu.vector_load %arg7[%get3A_603, %get3A_604, %get3A_605] {strides = array<i32>} : memref<2x256x32xf32, #tpu.memory_space<vmem>>, vector<16xf32>,
        %scatter3A_607 = arith.constant 0 : i32
        %scatter3A_608 = arith.constant 0 : i32
        %scatter3A_609 = arith.constant 0 : i32
        %scatter3A_610 = arith.constant 0 : i32
        %scatter3A_611 = tpu.memref_slice %arg8[%scan3A_310, %scatter3A_607, %scatter3A_608, %scatter3A_609, %scatter3A_610] : memref<2x8x1x8x129xf32, #tpu.memory_space<vmem>> -> memref<1x8x1x8x129xf32, #tpu.memory_space<vmem>>
        %scatter3A_612 = tpu.memref_squeeze %scatter3A_611 : memref<1x8x1x8x129xf32, #tpu.memory_space<vmem>> -> memref<8x1x8x129xf32, #tpu.memory_space<vmem>>
        tpu.vector_store_idx %scatter3A_612[%add3A_307, %broadcast_in_dim3A_25, %rem3A_97, %add3A_584], %get3A_606 : memref<8x1x8x129xf32, #tpu.memory_space<vmem>>[vector<16xi32>, vector<16xi32>, vector<16xi32>, vector<16xi32>], vector<16xf32>,
        %add3A_613 = arith.constant 1 : i32
        %add3A_614 = vector.broadcast %add3A_613 : i32 to vector<16xi32>
        %add3A_615 = arith.addi %add3A_584, %add3A_614 : vector<16xi32>
        %scan3A_616 = arith.constant 8 : i32
        %scan3A_617 = arith.addi %scan3A_370, %scan3A_616 : i32
        %add3A_618 = arith.constant 0 : i32
        %add3A_619 = arith.addi %add3A_618, %scan3A_617 : i32
        %get3A_620 = arith.constant 1 : i32
        %get3A_621 = arith.index_cast %get3A_620 : i32 to index
        %get3A_622 = arith.index_cast %add3A_619 : i32 to index
        %get3A_623 = arith.constant 0 : index
        %get3A_624 = tpu.vector_load %arg7[%get3A_621, %get3A_622, %get3A_623] {strides = array<i32>} : memref<2x256x32xf32, #tpu.memory_space<vmem>>, vector<16xf32>,
        %scatter3A_625 = arith.constant 0 : i32
        %scatter3A_626 = arith.constant 0 : i32
        %scatter3A_627 = arith.constant 0 : i32
        %scatter3A_628 = arith.constant 0 : i32
        %scatter3A_629 = tpu.memref_slice %arg8[%scan3A_310, %scatter3A_625, %scatter3A_626, %scatter3A_627, %scatter3A_628] : memref<2x8x1x8x129xf32, #tpu.memory_space<vmem>> -> memref<1x8x1x8x129xf32, #tpu.memory_space<vmem>>
        %scatter3A_630 = tpu.memref_squeeze %scatter3A_629 : memref<1x8x1x8x129xf32, #tpu.memory_space<vmem>> -> memref<8x1x8x129xf32, #tpu.memory_space<vmem>>
        tpu.vector_store_idx %scatter3A_630[%add3A_304, %broadcast_in_dim3A_25, %rem3A_91, %add3A_615], %get3A_624 : memref<8x1x8x129xf32, #tpu.memory_space<vmem>>[vector<16xi32>, vector<16xi32>, vector<16xi32>, vector<16xi32>], vector<16xf32>,
        %add3A_631 = arith.constant 0 : i32
        %add3A_632 = arith.addi %add3A_631, %scan3A_617 : i32
        %get3A_633 = arith.constant 1 : i32
        %get3A_634 = arith.index_cast %get3A_633 : i32 to index
        %get3A_635 = arith.index_cast %add3A_632 : i32 to index
        %get3A_636 = arith.constant 16 : index
        %get3A_637 = tpu.vector_load %arg7[%get3A_634, %get3A_635, %get3A_636] {strides = array<i32>} : memref<2x256x32xf32, #tpu.memory_space<vmem>>, vector<16xf32>,
        %scatter3A_638 = arith.constant 0 : i32
        %scatter3A_639 = arith.constant 0 : i32
        %scatter3A_640 = arith.constant 0 : i32
        %scatter3A_641 = arith.constant 0 : i32
        %scatter3A_642 = tpu.memref_slice %arg8[%scan3A_310, %scatter3A_638, %scatter3A_639, %scatter3A_640, %scatter3A_641] : memref<2x8x1x8x129xf32, #tpu.memory_space<vmem>> -> memref<1x8x1x8x129xf32, #tpu.memory_space<vmem>>
        %scatter3A_643 = tpu.memref_squeeze %scatter3A_642 : memref<1x8x1x8x129xf32, #tpu.memory_space<vmem>> -> memref<8x1x8x129xf32, #tpu.memory_space<vmem>>
        tpu.vector_store_idx %scatter3A_643[%add3A_307, %broadcast_in_dim3A_25, %rem3A_97, %add3A_615], %get3A_637 : memref<8x1x8x129xf32, #tpu.memory_space<vmem>>[vector<16xi32>, vector<16xi32>, vector<16xi32>, vector<16xi32>], vector<16xf32>,
        %add3A_644 = arith.constant 1 : i32
        %add3A_645 = vector.broadcast %add3A_644 : i32 to vector<16xi32>
        %add3A_646 = arith.addi %add3A_615, %add3A_645 : vector<16xi32>
        %scan3A_647 = arith.constant 9 : i32
        %scan3A_648 = arith.addi %scan3A_370, %scan3A_647 : i32
        %add3A_649 = arith.constant 0 : i32
        %add3A_650 = arith.addi %add3A_649, %scan3A_648 : i32
        %get3A_651 = arith.constant 1 : i32
        %get3A_652 = arith.index_cast %get3A_651 : i32 to index
        %get3A_653 = arith.index_cast %add3A_650 : i32 to index
        %get3A_654 = arith.constant 0 : index
        %get3A_655 = tpu.vector_load %arg7[%get3A_652, %get3A_653, %get3A_654] {strides = array<i32>} : memref<2x256x32xf32, #tpu.memory_space<vmem>>, vector<16xf32>,
        %scatter3A_656 = arith.constant 0 : i32
        %scatter3A_657 = arith.constant 0 : i32
        %scatter3A_658 = arith.constant 0 : i32
        %scatter3A_659 = arith.constant 0 : i32
        %scatter3A_660 = tpu.memref_slice %arg8[%scan3A_310, %scatter3A_656, %scatter3A_657, %scatter3A_658, %scatter3A_659] : memref<2x8x1x8x129xf32, #tpu.memory_space<vmem>> -> memref<1x8x1x8x129xf32, #tpu.memory_space<vmem>>
        %scatter3A_661 = tpu.memref_squeeze %scatter3A_660 : memref<1x8x1x8x129xf32, #tpu.memory_space<vmem>> -> memref<8x1x8x129xf32, #tpu.memory_space<vmem>>
        tpu.vector_store_idx %scatter3A_661[%add3A_304, %broadcast_in_dim3A_25, %rem3A_91, %add3A_646], %get3A_655 : memref<8x1x8x129xf32, #tpu.memory_space<vmem>>[vector<16xi32>, vector<16xi32>, vector<16xi32>, vector<16xi32>], vector<16xf32>,
        %add3A_662 = arith.constant 0 : i32
        %add3A_663 = arith.addi %add3A_662, %scan3A_648 : i32
        %get3A_664 = arith.constant 1 : i32
        %get3A_665 = arith.index_cast %get3A_664 : i32 to index
        %get3A_666 = arith.index_cast %add3A_663 : i32 to index
        %get3A_667 = arith.constant 16 : index
        %get3A_668 = tpu.vector_load %arg7[%get3A_665, %get3A_666, %get3A_667] {strides = array<i32>} : memref<2x256x32xf32, #tpu.memory_space<vmem>>, vector<16xf32>,
        %scatter3A_669 = arith.constant 0 : i32
        %scatter3A_670 = arith.constant 0 : i32
        %scatter3A_671 = arith.constant 0 : i32
        %scatter3A_672 = arith.constant 0 : i32
        %scatter3A_673 = tpu.memref_slice %arg8[%scan3A_310, %scatter3A_669, %scatter3A_670, %scatter3A_671, %scatter3A_672] : memref<2x8x1x8x129xf32, #tpu.memory_space<vmem>> -> memref<1x8x1x8x129xf32, #tpu.memory_space<vmem>>
        %scatter3A_674 = tpu.memref_squeeze %scatter3A_673 : memref<1x8x1x8x129xf32, #tpu.memory_space<vmem>> -> memref<8x1x8x129xf32, #tpu.memory_space<vmem>>
        tpu.vector_store_idx %scatter3A_674[%add3A_307, %broadcast_in_dim3A_25, %rem3A_97, %add3A_646], %get3A_668 : memref<8x1x8x129xf32, #tpu.memory_space<vmem>>[vector<16xi32>, vector<16xi32>, vector<16xi32>, vector<16xi32>], vector<16xf32>,
        %add3A_675 = arith.constant 1 : i32
        %add3A_676 = vector.broadcast %add3A_675 : i32 to vector<16xi32>
        %add3A_677 = arith.addi %add3A_646, %add3A_676 : vector<16xi32>
        %scan3A_678 = arith.constant 10 : i32
        %scan3A_679 = arith.addi %scan3A_370, %scan3A_678 : i32
        %add3A_680 = arith.constant 0 : i32
        %add3A_681 = arith.addi %add3A_680, %scan3A_679 : i32
        %get3A_682 = arith.constant 1 : i32
        %get3A_683 = arith.index_cast %get3A_682 : i32 to index
        %get3A_684 = arith.index_cast %add3A_681 : i32 to index
        %get3A_685 = arith.constant 0 : index
        %get3A_686 = tpu.vector_load %arg7[%get3A_683, %get3A_684, %get3A_685] {strides = array<i32>} : memref<2x256x32xf32, #tpu.memory_space<vmem>>, vector<16xf32>,
        %scatter3A_687 = arith.constant 0 : i32
        %scatter3A_688 = arith.constant 0 : i32
        %scatter3A_689 = arith.constant 0 : i32
        %scatter3A_690 = arith.constant 0 : i32
        %scatter3A_691 = tpu.memref_slice %arg8[%scan3A_310, %scatter3A_687, %scatter3A_688, %scatter3A_689, %scatter3A_690] : memref<2x8x1x8x129xf32, #tpu.memory_space<vmem>> -> memref<1x8x1x8x129xf32, #tpu.memory_space<vmem>>
        %scatter3A_692 = tpu.memref_squeeze %scatter3A_691 : memref<1x8x1x8x129xf32, #tpu.memory_space<vmem>> -> memref<8x1x8x129xf32, #tpu.memory_space<vmem>>
        tpu.vector_store_idx %scatter3A_692[%add3A_304, %broadcast_in_dim3A_25, %rem3A_91, %add3A_677], %get3A_686 : memref<8x1x8x129xf32, #tpu.memory_space<vmem>>[vector<16xi32>, vector<16xi32>, vector<16xi32>, vector<16xi32>], vector<16xf32>,
        %add3A_693 = arith.constant 0 : i32
        %add3A_694 = arith.addi %add3A_693, %scan3A_679 : i32
        %get3A_695 = arith.constant 1 : i32
        %get3A_696 = arith.index_cast %get3A_695 : i32 to index
        %get3A_697 = arith.index_cast %add3A_694 : i32 to index
        %get3A_698 = arith.constant 16 : index
        %get3A_699 = tpu.vector_load %arg7[%get3A_696, %get3A_697, %get3A_698] {strides = array<i32>} : memref<2x256x32xf32, #tpu.memory_space<vmem>>, vector<16xf32>,
        %scatter3A_700 = arith.constant 0 : i32
        %scatter3A_701 = arith.constant 0 : i32
        %scatter3A_702 = arith.constant 0 : i32
        %scatter3A_703 = arith.constant 0 : i32
        %scatter3A_704 = tpu.memref_slice %arg8[%scan3A_310, %scatter3A_700, %scatter3A_701, %scatter3A_702, %scatter3A_703] : memref<2x8x1x8x129xf32, #tpu.memory_space<vmem>> -> memref<1x8x1x8x129xf32, #tpu.memory_space<vmem>>
        %scatter3A_705 = tpu.memref_squeeze %scatter3A_704 : memref<1x8x1x8x129xf32, #tpu.memory_space<vmem>> -> memref<8x1x8x129xf32, #tpu.memory_space<vmem>>
        tpu.vector_store_idx %scatter3A_705[%add3A_307, %broadcast_in_dim3A_25, %rem3A_97, %add3A_677], %get3A_699 : memref<8x1x8x129xf32, #tpu.memory_space<vmem>>[vector<16xi32>, vector<16xi32>, vector<16xi32>, vector<16xi32>], vector<16xf32>,
        %add3A_706 = arith.constant 1 : i32
        %add3A_707 = vector.broadcast %add3A_706 : i32 to vector<16xi32>
        %add3A_708 = arith.addi %add3A_677, %add3A_707 : vector<16xi32>
        %scan3A_709 = arith.constant 11 : i32
        %scan3A_710 = arith.addi %scan3A_370, %scan3A_709 : i32
        %add3A_711 = arith.constant 0 : i32
        %add3A_712 = arith.addi %add3A_711, %scan3A_710 : i32
        %get3A_713 = arith.constant 1 : i32
        %get3A_714 = arith.index_cast %get3A_713 : i32 to index
        %get3A_715 = arith.index_cast %add3A_712 : i32 to index
        %get3A_716 = arith.constant 0 : index
        %get3A_717 = tpu.vector_load %arg7[%get3A_714, %get3A_715, %get3A_716] {strides = array<i32>} : memref<2x256x32xf32, #tpu.memory_space<vmem>>, vector<16xf32>,
        %scatter3A_718 = arith.constant 0 : i32
        %scatter3A_719 = arith.constant 0 : i32
        %scatter3A_720 = arith.constant 0 : i32
        %scatter3A_721 = arith.constant 0 : i32
        %scatter3A_722 = tpu.memref_slice %arg8[%scan3A_310, %scatter3A_718, %scatter3A_719, %scatter3A_720, %scatter3A_721] : memref<2x8x1x8x129xf32, #tpu.memory_space<vmem>> -> memref<1x8x1x8x129xf32, #tpu.memory_space<vmem>>
        %scatter3A_723 = tpu.memref_squeeze %scatter3A_722 : memref<1x8x1x8x129xf32, #tpu.memory_space<vmem>> -> memref<8x1x8x129xf32, #tpu.memory_space<vmem>>
        tpu.vector_store_idx %scatter3A_723[%add3A_304, %broadcast_in_dim3A_25, %rem3A_91, %add3A_708], %get3A_717 : memref<8x1x8x129xf32, #tpu.memory_space<vmem>>[vector<16xi32>, vector<16xi32>, vector<16xi32>, vector<16xi32>], vector<16xf32>,
        %add3A_724 = arith.constant 0 : i32
        %add3A_725 = arith.addi %add3A_724, %scan3A_710 : i32
        %get3A_726 = arith.constant 1 : i32
        %get3A_727 = arith.index_cast %get3A_726 : i32 to index
        %get3A_728 = arith.index_cast %add3A_725 : i32 to index
        %get3A_729 = arith.constant 16 : index
        %get3A_730 = tpu.vector_load %arg7[%get3A_727, %get3A_728, %get3A_729] {strides = array<i32>} : memref<2x256x32xf32, #tpu.memory_space<vmem>>, vector<16xf32>,
        %scatter3A_731 = arith.constant 0 : i32
        %scatter3A_732 = arith.constant 0 : i32
        %scatter3A_733 = arith.constant 0 : i32
        %scatter3A_734 = arith.constant 0 : i32
        %scatter3A_735 = tpu.memref_slice %arg8[%scan3A_310, %scatter3A_731, %scatter3A_732, %scatter3A_733, %scatter3A_734] : memref<2x8x1x8x129xf32, #tpu.memory_space<vmem>> -> memref<1x8x1x8x129xf32, #tpu.memory_space<vmem>>
        %scatter3A_736 = tpu.memref_squeeze %scatter3A_735 : memref<1x8x1x8x129xf32, #tpu.memory_space<vmem>> -> memref<8x1x8x129xf32, #tpu.memory_space<vmem>>
        tpu.vector_store_idx %scatter3A_736[%add3A_307, %broadcast_in_dim3A_25, %rem3A_97, %add3A_708], %get3A_730 : memref<8x1x8x129xf32, #tpu.memory_space<vmem>>[vector<16xi32>, vector<16xi32>, vector<16xi32>, vector<16xi32>], vector<16xf32>,
        %add3A_737 = arith.constant 1 : i32
        %add3A_738 = vector.broadcast %add3A_737 : i32 to vector<16xi32>
        %add3A_739 = arith.addi %add3A_708, %add3A_738 : vector<16xi32>
        %scan3A_740 = arith.constant 12 : i32
        %scan3A_741 = arith.addi %scan3A_370, %scan3A_740 : i32
        %add3A_742 = arith.constant 0 : i32
        %add3A_743 = arith.addi %add3A_742, %scan3A_741 : i32
        %get3A_744 = arith.constant 1 : i32
        %get3A_745 = arith.index_cast %get3A_744 : i32 to index
        %get3A_746 = arith.index_cast %add3A_743 : i32 to index
        %get3A_747 = arith.constant 0 : index
        %get3A_748 = tpu.vector_load %arg7[%get3A_745, %get3A_746, %get3A_747] {strides = array<i32>} : memref<2x256x32xf32, #tpu.memory_space<vmem>>, vector<16xf32>,
        %scatter3A_749 = arith.constant 0 : i32
        %scatter3A_750 = arith.constant 0 : i32
        %scatter3A_751 = arith.constant 0 : i32
        %scatter3A_752 = arith.constant 0 : i32
        %scatter3A_753 = tpu.memref_slice %arg8[%scan3A_310, %scatter3A_749, %scatter3A_750, %scatter3A_751, %scatter3A_752] : memref<2x8x1x8x129xf32, #tpu.memory_space<vmem>> -> memref<1x8x1x8x129xf32, #tpu.memory_space<vmem>>
        %scatter3A_754 = tpu.memref_squeeze %scatter3A_753 : memref<1x8x1x8x129xf32, #tpu.memory_space<vmem>> -> memref<8x1x8x129xf32, #tpu.memory_space<vmem>>
        tpu.vector_store_idx %scatter3A_754[%add3A_304, %broadcast_in_dim3A_25, %rem3A_91, %add3A_739], %get3A_748 : memref<8x1x8x129xf32, #tpu.memory_space<vmem>>[vector<16xi32>, vector<16xi32>, vector<16xi32>, vector<16xi32>], vector<16xf32>,
        %add3A_755 = arith.constant 0 : i32
        %add3A_756 = arith.addi %add3A_755, %scan3A_741 : i32
        %get3A_757 = arith.constant 1 : i32
        %get3A_758 = arith.index_cast %get3A_757 : i32 to index
        %get3A_759 = arith.index_cast %add3A_756 : i32 to index
        %get3A_760 = arith.constant 16 : index
        %get3A_761 = tpu.vector_load %arg7[%get3A_758, %get3A_759, %get3A_760] {strides = array<i32>} : memref<2x256x32xf32, #tpu.memory_space<vmem>>, vector<16xf32>,
        %scatter3A_762 = arith.constant 0 : i32
        %scatter3A_763 = arith.constant 0 : i32
        %scatter3A_764 = arith.constant 0 : i32
        %scatter3A_765 = arith.constant 0 : i32
        %scatter3A_766 = tpu.memref_slice %arg8[%scan3A_310, %scatter3A_762, %scatter3A_763, %scatter3A_764, %scatter3A_765] : memref<2x8x1x8x129xf32, #tpu.memory_space<vmem>> -> memref<1x8x1x8x129xf32, #tpu.memory_space<vmem>>
        %scatter3A_767 = tpu.memref_squeeze %scatter3A_766 : memref<1x8x1x8x129xf32, #tpu.memory_space<vmem>> -> memref<8x1x8x129xf32, #tpu.memory_space<vmem>>
        tpu.vector_store_idx %scatter3A_767[%add3A_307, %broadcast_in_dim3A_25, %rem3A_97, %add3A_739], %get3A_761 : memref<8x1x8x129xf32, #tpu.memory_space<vmem>>[vector<16xi32>, vector<16xi32>, vector<16xi32>, vector<16xi32>], vector<16xf32>,
        %add3A_768 = arith.constant 1 : i32
        %add3A_769 = vector.broadcast %add3A_768 : i32 to vector<16xi32>
        %add3A_770 = arith.addi %add3A_739, %add3A_769 : vector<16xi32>
        %scan3A_771 = arith.constant 13 : i32
        %scan3A_772 = arith.addi %scan3A_370, %scan3A_771 : i32
        %add3A_773 = arith.constant 0 : i32
        %add3A_774 = arith.addi %add3A_773, %scan3A_772 : i32
        %get3A_775 = arith.constant 1 : i32
        %get3A_776 = arith.index_cast %get3A_775 : i32 to index
        %get3A_777 = arith.index_cast %add3A_774 : i32 to index
        %get3A_778 = arith.constant 0 : index
        %get3A_779 = tpu.vector_load %arg7[%get3A_776, %get3A_777, %get3A_778] {strides = array<i32>} : memref<2x256x32xf32, #tpu.memory_space<vmem>>, vector<16xf32>,
        %scatter3A_780 = arith.constant 0 : i32
        %scatter3A_781 = arith.constant 0 : i32
        %scatter3A_782 = arith.constant 0 : i32
        %scatter3A_783 = arith.constant 0 : i32
        %scatter3A_784 = tpu.memref_slice %arg8[%scan3A_310, %scatter3A_780, %scatter3A_781, %scatter3A_782, %scatter3A_783] : memref<2x8x1x8x129xf32, #tpu.memory_space<vmem>> -> memref<1x8x1x8x129xf32, #tpu.memory_space<vmem>>
        %scatter3A_785 = tpu.memref_squeeze %scatter3A_784 : memref<1x8x1x8x129xf32, #tpu.memory_space<vmem>> -> memref<8x1x8x129xf32, #tpu.memory_space<vmem>>
        tpu.vector_store_idx %scatter3A_785[%add3A_304, %broadcast_in_dim3A_25, %rem3A_91, %add3A_770], %get3A_779 : memref<8x1x8x129xf32, #tpu.memory_space<vmem>>[vector<16xi32>, vector<16xi32>, vector<16xi32>, vector<16xi32>], vector<16xf32>,
        %add3A_786 = arith.constant 0 : i32
        %add3A_787 = arith.addi %add3A_786, %scan3A_772 : i32
        %get3A_788 = arith.constant 1 : i32
        %get3A_789 = arith.index_cast %get3A_788 : i32 to index
        %get3A_790 = arith.index_cast %add3A_787 : i32 to index
        %get3A_791 = arith.constant 16 : index
        %get3A_792 = tpu.vector_load %arg7[%get3A_789, %get3A_790, %get3A_791] {strides = array<i32>} : memref<2x256x32xf32, #tpu.memory_space<vmem>>, vector<16xf32>,
        %scatter3A_793 = arith.constant 0 : i32
        %scatter3A_794 = arith.constant 0 : i32
        %scatter3A_795 = arith.constant 0 : i32
        %scatter3A_796 = arith.constant 0 : i32
        %scatter3A_797 = tpu.memref_slice %arg8[%scan3A_310, %scatter3A_793, %scatter3A_794, %scatter3A_795, %scatter3A_796] : memref<2x8x1x8x129xf32, #tpu.memory_space<vmem>> -> memref<1x8x1x8x129xf32, #tpu.memory_space<vmem>>
        %scatter3A_798 = tpu.memref_squeeze %scatter3A_797 : memref<1x8x1x8x129xf32, #tpu.memory_space<vmem>> -> memref<8x1x8x129xf32, #tpu.memory_space<vmem>>
        tpu.vector_store_idx %scatter3A_798[%add3A_307, %broadcast_in_dim3A_25, %rem3A_97, %add3A_770], %get3A_792 : memref<8x1x8x129xf32, #tpu.memory_space<vmem>>[vector<16xi32>, vector<16xi32>, vector<16xi32>, vector<16xi32>], vector<16xf32>,
        %add3A_799 = arith.constant 1 : i32
        %add3A_800 = vector.broadcast %add3A_799 : i32 to vector<16xi32>
        %add3A_801 = arith.addi %add3A_770, %add3A_800 : vector<16xi32>
        %scan3A_802 = arith.constant 14 : i32
        %scan3A_803 = arith.addi %scan3A_370, %scan3A_802 : i32
        %add3A_804 = arith.constant 0 : i32
        %add3A_805 = arith.addi %add3A_804, %scan3A_803 : i32
        %get3A_806 = arith.constant 1 : i32
        %get3A_807 = arith.index_cast %get3A_806 : i32 to index
        %get3A_808 = arith.index_cast %add3A_805 : i32 to index
        %get3A_809 = arith.constant 0 : index
        %get3A_810 = tpu.vector_load %arg7[%get3A_807, %get3A_808, %get3A_809] {strides = array<i32>} : memref<2x256x32xf32, #tpu.memory_space<vmem>>, vector<16xf32>,
        %scatter3A_811 = arith.constant 0 : i32
        %scatter3A_812 = arith.constant 0 : i32
        %scatter3A_813 = arith.constant 0 : i32
        %scatter3A_814 = arith.constant 0 : i32
        %scatter3A_815 = tpu.memref_slice %arg8[%scan3A_310, %scatter3A_811, %scatter3A_812, %scatter3A_813, %scatter3A_814] : memref<2x8x1x8x129xf32, #tpu.memory_space<vmem>> -> memref<1x8x1x8x129xf32, #tpu.memory_space<vmem>>
        %scatter3A_816 = tpu.memref_squeeze %scatter3A_815 : memref<1x8x1x8x129xf32, #tpu.memory_space<vmem>> -> memref<8x1x8x129xf32, #tpu.memory_space<vmem>>
        tpu.vector_store_idx %scatter3A_816[%add3A_304, %broadcast_in_dim3A_25, %rem3A_91, %add3A_801], %get3A_810 : memref<8x1x8x129xf32, #tpu.memory_space<vmem>>[vector<16xi32>, vector<16xi32>, vector<16xi32>, vector<16xi32>], vector<16xf32>,
        %add3A_817 = arith.constant 0 : i32
        %add3A_818 = arith.addi %add3A_817, %scan3A_803 : i32
        %get3A_819 = arith.constant 1 : i32
        %get3A_820 = arith.index_cast %get3A_819 : i32 to index
        %get3A_821 = arith.index_cast %add3A_818 : i32 to index
        %get3A_822 = arith.constant 16 : index
        %get3A_823 = tpu.vector_load %arg7[%get3A_820, %get3A_821, %get3A_822] {strides = array<i32>} : memref<2x256x32xf32, #tpu.memory_space<vmem>>, vector<16xf32>,
        %scatter3A_824 = arith.constant 0 : i32
        %scatter3A_825 = arith.constant 0 : i32
        %scatter3A_826 = arith.constant 0 : i32
        %scatter3A_827 = arith.constant 0 : i32
        %scatter3A_828 = tpu.memref_slice %arg8[%scan3A_310, %scatter3A_824, %scatter3A_825, %scatter3A_826, %scatter3A_827] : memref<2x8x1x8x129xf32, #tpu.memory_space<vmem>> -> memref<1x8x1x8x129xf32, #tpu.memory_space<vmem>>
        %scatter3A_829 = tpu.memref_squeeze %scatter3A_828 : memref<1x8x1x8x129xf32, #tpu.memory_space<vmem>> -> memref<8x1x8x129xf32, #tpu.memory_space<vmem>>
        tpu.vector_store_idx %scatter3A_829[%add3A_307, %broadcast_in_dim3A_25, %rem3A_97, %add3A_801], %get3A_823 : memref<8x1x8x129xf32, #tpu.memory_space<vmem>>[vector<16xi32>, vector<16xi32>, vector<16xi32>, vector<16xi32>], vector<16xf32>,
        %add3A_830 = arith.constant 1 : i32
        %add3A_831 = vector.broadcast %add3A_830 : i32 to vector<16xi32>
        %add3A_832 = arith.addi %add3A_801, %add3A_831 : vector<16xi32>
        %scan3A_833 = arith.constant 15 : i32
        %scan3A_834 = arith.addi %scan3A_370, %scan3A_833 : i32
        %add3A_835 = arith.constant 0 : i32
        %add3A_836 = arith.addi %add3A_835, %scan3A_834 : i32
        %get3A_837 = arith.constant 1 : i32
        %get3A_838 = arith.index_cast %get3A_837 : i32 to index
        %get3A_839 = arith.index_cast %add3A_836 : i32 to index
        %get3A_840 = arith.constant 0 : index
        %get3A_841 = tpu.vector_load %arg7[%get3A_838, %get3A_839, %get3A_840] {strides = array<i32>} : memref<2x256x32xf32, #tpu.memory_space<vmem>>, vector<16xf32>,
        %scatter3A_842 = arith.constant 0 : i32
        %scatter3A_843 = arith.constant 0 : i32
        %scatter3A_844 = arith.constant 0 : i32
        %scatter3A_845 = arith.constant 0 : i32
        %scatter3A_846 = tpu.memref_slice %arg8[%scan3A_310, %scatter3A_842, %scatter3A_843, %scatter3A_844, %scatter3A_845] : memref<2x8x1x8x129xf32, #tpu.memory_space<vmem>> -> memref<1x8x1x8x129xf32, #tpu.memory_space<vmem>>
        %scatter3A_847 = tpu.memref_squeeze %scatter3A_846 : memref<1x8x1x8x129xf32, #tpu.memory_space<vmem>> -> memref<8x1x8x129xf32, #tpu.memory_space<vmem>>
        tpu.vector_store_idx %scatter3A_847[%add3A_304, %broadcast_in_dim3A_25, %rem3A_91, %add3A_832], %get3A_841 : memref<8x1x8x129xf32, #tpu.memory_space<vmem>>[vector<16xi32>, vector<16xi32>, vector<16xi32>, vector<16xi32>], vector<16xf32>,
        %add3A_848 = arith.constant 0 : i32
        %add3A_849 = arith.addi %add3A_848, %scan3A_834 : i32
        %get3A_850 = arith.constant 1 : i32
        %get3A_851 = arith.index_cast %get3A_850 : i32 to index
        %get3A_852 = arith.index_cast %add3A_849 : i32 to index
        %get3A_853 = arith.constant 16 : index
        %get3A_854 = tpu.vector_load %arg7[%get3A_851, %get3A_852, %get3A_853] {strides = array<i32>} : memref<2x256x32xf32, #tpu.memory_space<vmem>>, vector<16xf32>,
        %scatter3A_855 = arith.constant 0 : i32
        %scatter3A_856 = arith.constant 0 : i32
        %scatter3A_857 = arith.constant 0 : i32
        %scatter3A_858 = arith.constant 0 : i32
        %scatter3A_859 = tpu.memref_slice %arg8[%scan3A_310, %scatter3A_855, %scatter3A_856, %scatter3A_857, %scatter3A_858] : memref<2x8x1x8x129xf32, #tpu.memory_space<vmem>> -> memref<1x8x1x8x129xf32, #tpu.memory_space<vmem>>
        %scatter3A_860 = tpu.memref_squeeze %scatter3A_859 : memref<1x8x1x8x129xf32, #tpu.memory_space<vmem>> -> memref<8x1x8x129xf32, #tpu.memory_space<vmem>>
        tpu.vector_store_idx %scatter3A_860[%add3A_307, %broadcast_in_dim3A_25, %rem3A_97, %add3A_832], %get3A_854 : memref<8x1x8x129xf32, #tpu.memory_space<vmem>>[vector<16xi32>, vector<16xi32>, vector<16xi32>, vector<16xi32>], vector<16xf32>,
        %add3A_861 = arith.constant 1 : i32
        %add3A_862 = vector.broadcast %add3A_861 : i32 to vector<16xi32>
        %add3A_863 = arith.addi %add3A_832, %add3A_862 : vector<16xi32>
        scf.yield %add3A_863 : vector<16xi32>
      }
      %scan3A_316 = arith.constant 128 : i32
      %mul3A_317 = arith.constant 2 : i32
      %mul3A_318 = arith.muli %add3A_274, %mul3A_317 : i32
      %add3A_319 = arith.constant 1 : i32
      %add3A_320 = arith.addi %mul3A_318, %add3A_319 : i32
      %dma_wait3A_321 = arith.constant 1 : i32
      %dma_wait3A_322 = arith.constant 128 : i32
      %dma_wait3A_323 = arith.constant 0 : i32
      %dma_wait3A_324 = tpu.memref_slice %arg7[%dma_wait3A_321, %dma_wait3A_322, %dma_wait3A_323] : memref<2x256x32xf32, #tpu.memory_space<vmem>> -> memref<1x128x32xf32, #tpu.memory_space<vmem>>
      %dma_wait3A_325 = tpu.memref_squeeze %dma_wait3A_324 : memref<1x128x32xf32, #tpu.memory_space<vmem>> -> memref<128x32xf32, #tpu.memory_space<vmem>>
      %dma_wait3A_326 = arith.constant 0 : i32
      %dma_wait3A_327 = tpu.memref_slice %arg6[%add3A_320, %dma_wait3A_326] : memref<200x128xi32, #tpu.memory_space<vmem>> -> memref<1x128xi32, #tpu.memory_space<vmem>>
      %dma_wait3A_328 = tpu.memref_squeeze %dma_wait3A_327 : memref<1x128xi32, #tpu.memory_space<vmem>> -> memref<128xi32, #tpu.memory_space<vmem>>
      %dma_wait3A_329 = arith.constant 0 : i32
      %dma_wait3A_330 = arith.constant 0 : i32
      %dma_wait3A_331 = tpu.memref_slice %arg3[%dma_wait3A_329, %dma_wait3A_330] : memref<100000x32xf32, #tpu.memory_space<hbm>> -> memref<100000x32xf32, #tpu.memory_space<hbm>>
      tpu.wait_indirect_dma semaphore(%arg10 : memref<!tpu.dma_semaphore, #tpu.memory_space<semaphore_mem>>) src(%dma_wait3A_331 : memref<100000x32xf32, #tpu.memory_space<hbm>>) dst(%dma_wait3A_325 : memref<128x32xf32, #tpu.memory_space<vmem>>)
      %add3A_332 = arith.constant 4 : i32
      %add3A_333 = vector.broadcast %add3A_332 : i32 to vector<16xi32>
      %add3A_334 = arith.addi %select_n3A, %add3A_333 : vector<16xi32>
      %add3A_335 = arith.constant 4 : i32
      %add3A_336 = vector.broadcast %add3A_335 : i32 to vector<16xi32>
      %add3A_337 = arith.addi %select_n3A_85, %add3A_336 : vector<16xi32>
      %broadcast_in_dim3A_338 = arith.constant 0 : i32
      %broadcast_in_dim3A_339 = vector.broadcast %broadcast_in_dim3A_338 : i32 to vector<16xi32>
      %scan3A_340 = arith.constant 1 : i32
      %scan3A_341 = arith.constant 0 : i32
      %scan3A_342 = arith.constant 128 : i32
      %scan3A_343 = arith.addi %scan3A_341, %scan3A_342 : i32
      %scan3A_344 = arith.constant 16 : i32
      %scan3A_345 = scf.for %scan3A_370 = %scan3A_341 to %scan3A_343 step %scan3A_344 iter_args(%scan3A_371 = %broadcast_in_dim3A_339) -> (vector<16xi32>)  : i32 {
        %add3A_372 = arith.constant 128 : i32
        %add3A_373 = arith.addi %add3A_372, %scan3A_370 : i32
        %get3A = arith.constant 1 : i32
        %get3A_374 = arith.index_cast %get3A : i32 to index
        %get3A_375 = arith.index_cast %add3A_373 : i32 to index
        %get3A_376 = arith.constant 0 : index
        %get3A_377 = tpu.vector_load %arg7[%get3A_374, %get3A_375, %get3A_376] {strides = array<i32>} : memref<2x256x32xf32, #tpu.memory_space<vmem>>, vector<16xf32>,
        %scatter3A = arith.constant 0 : i32
        %scatter3A_378 = arith.constant 0 : i32
        %scatter3A_379 = arith.constant 0 : i32
        %scatter3A_380 = arith.constant 0 : i32
        %scatter3A_381 = tpu.memref_slice %arg8[%scan3A_340, %scatter3A, %scatter3A_378, %scatter3A_379, %scatter3A_380] : memref<2x8x1x8x129xf32, #tpu.memory_space<vmem>> -> memref<1x8x1x8x129xf32, #tpu.memory_space<vmem>>
        %scatter3A_382 = tpu.memref_squeeze %scatter3A_381 : memref<1x8x1x8x129xf32, #tpu.memory_space<vmem>> -> memref<8x1x8x129xf32, #tpu.memory_space<vmem>>
        tpu.vector_store_idx %scatter3A_382[%add3A_334, %broadcast_in_dim3A_25, %rem3A_91, %scan3A_371], %get3A_377 : memref<8x1x8x129xf32, #tpu.memory_space<vmem>>[vector<16xi32>, vector<16xi32>, vector<16xi32>, vector<16xi32>], vector<16xf32>,
        %add3A_383 = arith.constant 128 : i32
        %add3A_384 = arith.addi %add3A_383, %scan3A_370 : i32
        %get3A_385 = arith.constant 1 : i32
        %get3A_386 = arith.index_cast %get3A_385 : i32 to index
        %get3A_387 = arith.index_cast %add3A_384 : i32 to index
        %get3A_388 = arith.constant 16 : index
        %get3A_389 = tpu.vector_load %arg7[%get3A_386, %get3A_387, %get3A_388] {strides = array<i32>} : memref<2x256x32xf32, #tpu.memory_space<vmem>>, vector<16xf32>,
        %scatter3A_390 = arith.constant 0 : i32
        %scatter3A_391 = arith.constant 0 : i32
        %scatter3A_392 = arith.constant 0 : i32
        %scatter3A_393 = arith.constant 0 : i32
        %scatter3A_394 = tpu.memref_slice %arg8[%scan3A_340, %scatter3A_390, %scatter3A_391, %scatter3A_392, %scatter3A_393] : memref<2x8x1x8x129xf32, #tpu.memory_space<vmem>> -> memref<1x8x1x8x129xf32, #tpu.memory_space<vmem>>
        %scatter3A_395 = tpu.memref_squeeze %scatter3A_394 : memref<1x8x1x8x129xf32, #tpu.memory_space<vmem>> -> memref<8x1x8x129xf32, #tpu.memory_space<vmem>>
        tpu.vector_store_idx %scatter3A_395[%add3A_337, %broadcast_in_dim3A_25, %rem3A_97, %scan3A_371], %get3A_389 : memref<8x1x8x129xf32, #tpu.memory_space<vmem>>[vector<16xi32>, vector<16xi32>, vector<16xi32>, vector<16xi32>], vector<16xf32>,
        %add3A_396 = arith.constant 1 : i32
        %add3A_397 = vector.broadcast %add3A_396 : i32 to vector<16xi32>
        %add3A_398 = arith.addi %scan3A_371, %add3A_397 : vector<16xi32>
        %scan3A_399 = arith.constant 1 : i32
        %scan3A_400 = arith.addi %scan3A_370, %scan3A_399 : i32
        %add3A_401 = arith.constant 128 : i32
        %add3A_402 = arith.addi %add3A_401, %scan3A_400 : i32
        %get3A_403 = arith.constant 1 : i32
        %get3A_404 = arith.index_cast %get3A_403 : i32 to index
        %get3A_405 = arith.index_cast %add3A_402 : i32 to index
        %get3A_406 = arith.constant 0 : index
        %get3A_407 = tpu.vector_load %arg7[%get3A_404, %get3A_405, %get3A_406] {strides = array<i32>} : memref<2x256x32xf32, #tpu.memory_space<vmem>>, vector<16xf32>,
        %scatter3A_408 = arith.constant 0 : i32
        %scatter3A_409 = arith.constant 0 : i32
        %scatter3A_410 = arith.constant 0 : i32
        %scatter3A_411 = arith.constant 0 : i32
        %scatter3A_412 = tpu.memref_slice %arg8[%scan3A_340, %scatter3A_408, %scatter3A_409, %scatter3A_410, %scatter3A_411] : memref<2x8x1x8x129xf32, #tpu.memory_space<vmem>> -> memref<1x8x1x8x129xf32, #tpu.memory_space<vmem>>
        %scatter3A_413 = tpu.memref_squeeze %scatter3A_412 : memref<1x8x1x8x129xf32, #tpu.memory_space<vmem>> -> memref<8x1x8x129xf32, #tpu.memory_space<vmem>>
        tpu.vector_store_idx %scatter3A_413[%add3A_334, %broadcast_in_dim3A_25, %rem3A_91, %add3A_398], %get3A_407 : memref<8x1x8x129xf32, #tpu.memory_space<vmem>>[vector<16xi32>, vector<16xi32>, vector<16xi32>, vector<16xi32>], vector<16xf32>,
        %add3A_414 = arith.constant 128 : i32
        %add3A_415 = arith.addi %add3A_414, %scan3A_400 : i32
        %get3A_416 = arith.constant 1 : i32
        %get3A_417 = arith.index_cast %get3A_416 : i32 to index
        %get3A_418 = arith.index_cast %add3A_415 : i32 to index
        %get3A_419 = arith.constant 16 : index
        %get3A_420 = tpu.vector_load %arg7[%get3A_417, %get3A_418, %get3A_419] {strides = array<i32>} : memref<2x256x32xf32, #tpu.memory_space<vmem>>, vector<16xf32>,
        %scatter3A_421 = arith.constant 0 : i32
        %scatter3A_422 = arith.constant 0 : i32
        %scatter3A_423 = arith.constant 0 : i32
        %scatter3A_424 = arith.constant 0 : i32
        %scatter3A_425 = tpu.memref_slice %arg8[%scan3A_340, %scatter3A_421, %scatter3A_422, %scatter3A_423, %scatter3A_424] : memref<2x8x1x8x129xf32, #tpu.memory_space<vmem>> -> memref<1x8x1x8x129xf32, #tpu.memory_space<vmem>>
        %scatter3A_426 = tpu.memref_squeeze %scatter3A_425 : memref<1x8x1x8x129xf32, #tpu.memory_space<vmem>> -> memref<8x1x8x129xf32, #tpu.memory_space<vmem>>
        tpu.vector_store_idx %scatter3A_426[%add3A_337, %broadcast_in_dim3A_25, %rem3A_97, %add3A_398], %get3A_420 : memref<8x1x8x129xf32, #tpu.memory_space<vmem>>[vector<16xi32>, vector<16xi32>, vector<16xi32>, vector<16xi32>], vector<16xf32>,
        %add3A_427 = arith.constant 1 : i32
        %add3A_428 = vector.broadcast %add3A_427 : i32 to vector<16xi32>
        %add3A_429 = arith.addi %add3A_398, %add3A_428 : vector<16xi32>
        %scan3A_430 = arith.constant 2 : i32
        %scan3A_431 = arith.addi %scan3A_370, %scan3A_430 : i32
        %add3A_432 = arith.constant 128 : i32
        %add3A_433 = arith.addi %add3A_432, %scan3A_431 : i32
        %get3A_434 = arith.constant 1 : i32
        %get3A_435 = arith.index_cast %get3A_434 : i32 to index
        %get3A_436 = arith.index_cast %add3A_433 : i32 to index
        %get3A_437 = arith.constant 0 : index
        %get3A_438 = tpu.vector_load %arg7[%get3A_435, %get3A_436, %get3A_437] {strides = array<i32>} : memref<2x256x32xf32, #tpu.memory_space<vmem>>, vector<16xf32>,
        %scatter3A_439 = arith.constant 0 : i32
        %scatter3A_440 = arith.constant 0 : i32
        %scatter3A_441 = arith.constant 0 : i32
        %scatter3A_442 = arith.constant 0 : i32
        %scatter3A_443 = tpu.memref_slice %arg8[%scan3A_340, %scatter3A_439, %scatter3A_440, %scatter3A_441, %scatter3A_442] : memref<2x8x1x8x129xf32, #tpu.memory_space<vmem>> -> memref<1x8x1x8x129xf32, #tpu.memory_space<vmem>>
        %scatter3A_444 = tpu.memref_squeeze %scatter3A_443 : memref<1x8x1x8x129xf32, #tpu.memory_space<vmem>> -> memref<8x1x8x129xf32, #tpu.memory_space<vmem>>
        tpu.vector_store_idx %scatter3A_444[%add3A_334, %broadcast_in_dim3A_25, %rem3A_91, %add3A_429], %get3A_438 : memref<8x1x8x129xf32, #tpu.memory_space<vmem>>[vector<16xi32>, vector<16xi32>, vector<16xi32>, vector<16xi32>], vector<16xf32>,
        %add3A_445 = arith.constant 128 : i32
        %add3A_446 = arith.addi %add3A_445, %scan3A_431 : i32
        %get3A_447 = arith.constant 1 : i32
        %get3A_448 = arith.index_cast %get3A_447 : i32 to index
        %get3A_449 = arith.index_cast %add3A_446 : i32 to index
        %get3A_450 = arith.constant 16 : index
        %get3A_451 = tpu.vector_load %arg7[%get3A_448, %get3A_449, %get3A_450] {strides = array<i32>} : memref<2x256x32xf32, #tpu.memory_space<vmem>>, vector<16xf32>,
        %scatter3A_452 = arith.constant 0 : i32
        %scatter3A_453 = arith.constant 0 : i32
        %scatter3A_454 = arith.constant 0 : i32
        %scatter3A_455 = arith.constant 0 : i32
        %scatter3A_456 = tpu.memref_slice %arg8[%scan3A_340, %scatter3A_452, %scatter3A_453, %scatter3A_454, %scatter3A_455] : memref<2x8x1x8x129xf32, #tpu.memory_space<vmem>> -> memref<1x8x1x8x129xf32, #tpu.memory_space<vmem>>
        %scatter3A_457 = tpu.memref_squeeze %scatter3A_456 : memref<1x8x1x8x129xf32, #tpu.memory_space<vmem>> -> memref<8x1x8x129xf32, #tpu.memory_space<vmem>>
        tpu.vector_store_idx %scatter3A_457[%add3A_337, %broadcast_in_dim3A_25, %rem3A_97, %add3A_429], %get3A_451 : memref<8x1x8x129xf32, #tpu.memory_space<vmem>>[vector<16xi32>, vector<16xi32>, vector<16xi32>, vector<16xi32>], vector<16xf32>,
        %add3A_458 = arith.constant 1 : i32
        %add3A_459 = vector.broadcast %add3A_458 : i32 to vector<16xi32>
        %add3A_460 = arith.addi %add3A_429, %add3A_459 : vector<16xi32>
        %scan3A_461 = arith.constant 3 : i32
        %scan3A_462 = arith.addi %scan3A_370, %scan3A_461 : i32
        %add3A_463 = arith.constant 128 : i32
        %add3A_464 = arith.addi %add3A_463, %scan3A_462 : i32
        %get3A_465 = arith.constant 1 : i32
        %get3A_466 = arith.index_cast %get3A_465 : i32 to index
        %get3A_467 = arith.index_cast %add3A_464 : i32 to index
        %get3A_468 = arith.constant 0 : index
        %get3A_469 = tpu.vector_load %arg7[%get3A_466, %get3A_467, %get3A_468] {strides = array<i32>} : memref<2x256x32xf32, #tpu.memory_space<vmem>>, vector<16xf32>,
        %scatter3A_470 = arith.constant 0 : i32
        %scatter3A_471 = arith.constant 0 : i32
        %scatter3A_472 = arith.constant 0 : i32
        %scatter3A_473 = arith.constant 0 : i32
        %scatter3A_474 = tpu.memref_slice %arg8[%scan3A_340, %scatter3A_470, %scatter3A_471, %scatter3A_472, %scatter3A_473] : memref<2x8x1x8x129xf32, #tpu.memory_space<vmem>> -> memref<1x8x1x8x129xf32, #tpu.memory_space<vmem>>
        %scatter3A_475 = tpu.memref_squeeze %scatter3A_474 : memref<1x8x1x8x129xf32, #tpu.memory_space<vmem>> -> memref<8x1x8x129xf32, #tpu.memory_space<vmem>>
        tpu.vector_store_idx %scatter3A_475[%add3A_334, %broadcast_in_dim3A_25, %rem3A_91, %add3A_460], %get3A_469 : memref<8x1x8x129xf32, #tpu.memory_space<vmem>>[vector<16xi32>, vector<16xi32>, vector<16xi32>, vector<16xi32>], vector<16xf32>,
        %add3A_476 = arith.constant 128 : i32
        %add3A_477 = arith.addi %add3A_476, %scan3A_462 : i32
        %get3A_478 = arith.constant 1 : i32
        %get3A_479 = arith.index_cast %get3A_478 : i32 to index
        %get3A_480 = arith.index_cast %add3A_477 : i32 to index
        %get3A_481 = arith.constant 16 : index
        %get3A_482 = tpu.vector_load %arg7[%get3A_479, %get3A_480, %get3A_481] {strides = array<i32>} : memref<2x256x32xf32, #tpu.memory_space<vmem>>, vector<16xf32>,
        %scatter3A_483 = arith.constant 0 : i32
        %scatter3A_484 = arith.constant 0 : i32
        %scatter3A_485 = arith.constant 0 : i32
        %scatter3A_486 = arith.constant 0 : i32
        %scatter3A_487 = tpu.memref_slice %arg8[%scan3A_340, %scatter3A_483, %scatter3A_484, %scatter3A_485, %scatter3A_486] : memref<2x8x1x8x129xf32, #tpu.memory_space<vmem>> -> memref<1x8x1x8x129xf32, #tpu.memory_space<vmem>>
        %scatter3A_488 = tpu.memref_squeeze %scatter3A_487 : memref<1x8x1x8x129xf32, #tpu.memory_space<vmem>> -> memref<8x1x8x129xf32, #tpu.memory_space<vmem>>
        tpu.vector_store_idx %scatter3A_488[%add3A_337, %broadcast_in_dim3A_25, %rem3A_97, %add3A_460], %get3A_482 : memref<8x1x8x129xf32, #tpu.memory_space<vmem>>[vector<16xi32>, vector<16xi32>, vector<16xi32>, vector<16xi32>], vector<16xf32>,
        %add3A_489 = arith.constant 1 : i32
        %add3A_490 = vector.broadcast %add3A_489 : i32 to vector<16xi32>
        %add3A_491 = arith.addi %add3A_460, %add3A_490 : vector<16xi32>
        %scan3A_492 = arith.constant 4 : i32
        %scan3A_493 = arith.addi %scan3A_370, %scan3A_492 : i32
        %add3A_494 = arith.constant 128 : i32
        %add3A_495 = arith.addi %add3A_494, %scan3A_493 : i32
        %get3A_496 = arith.constant 1 : i32
        %get3A_497 = arith.index_cast %get3A_496 : i32 to index
        %get3A_498 = arith.index_cast %add3A_495 : i32 to index
        %get3A_499 = arith.constant 0 : index
        %get3A_500 = tpu.vector_load %arg7[%get3A_497, %get3A_498, %get3A_499] {strides = array<i32>} : memref<2x256x32xf32, #tpu.memory_space<vmem>>, vector<16xf32>,
        %scatter3A_501 = arith.constant 0 : i32
        %scatter3A_502 = arith.constant 0 : i32
        %scatter3A_503 = arith.constant 0 : i32
        %scatter3A_504 = arith.constant 0 : i32
        %scatter3A_505 = tpu.memref_slice %arg8[%scan3A_340, %scatter3A_501, %scatter3A_502, %scatter3A_503, %scatter3A_504] : memref<2x8x1x8x129xf32, #tpu.memory_space<vmem>> -> memref<1x8x1x8x129xf32, #tpu.memory_space<vmem>>
        %scatter3A_506 = tpu.memref_squeeze %scatter3A_505 : memref<1x8x1x8x129xf32, #tpu.memory_space<vmem>> -> memref<8x1x8x129xf32, #tpu.memory_space<vmem>>
        tpu.vector_store_idx %scatter3A_506[%add3A_334, %broadcast_in_dim3A_25, %rem3A_91, %add3A_491], %get3A_500 : memref<8x1x8x129xf32, #tpu.memory_space<vmem>>[vector<16xi32>, vector<16xi32>, vector<16xi32>, vector<16xi32>], vector<16xf32>,
        %add3A_507 = arith.constant 128 : i32
        %add3A_508 = arith.addi %add3A_507, %scan3A_493 : i32
        %get3A_509 = arith.constant 1 : i32
        %get3A_510 = arith.index_cast %get3A_509 : i32 to index
        %get3A_511 = arith.index_cast %add3A_508 : i32 to index
        %get3A_512 = arith.constant 16 : index
        %get3A_513 = tpu.vector_load %arg7[%get3A_510, %get3A_511, %get3A_512] {strides = array<i32>} : memref<2x256x32xf32, #tpu.memory_space<vmem>>, vector<16xf32>,
        %scatter3A_514 = arith.constant 0 : i32
        %scatter3A_515 = arith.constant 0 : i32
        %scatter3A_516 = arith.constant 0 : i32
        %scatter3A_517 = arith.constant 0 : i32
        %scatter3A_518 = tpu.memref_slice %arg8[%scan3A_340, %scatter3A_514, %scatter3A_515, %scatter3A_516, %scatter3A_517] : memref<2x8x1x8x129xf32, #tpu.memory_space<vmem>> -> memref<1x8x1x8x129xf32, #tpu.memory_space<vmem>>
        %scatter3A_519 = tpu.memref_squeeze %scatter3A_518 : memref<1x8x1x8x129xf32, #tpu.memory_space<vmem>> -> memref<8x1x8x129xf32, #tpu.memory_space<vmem>>
        tpu.vector_store_idx %scatter3A_519[%add3A_337, %broadcast_in_dim3A_25, %rem3A_97, %add3A_491], %get3A_513 : memref<8x1x8x129xf32, #tpu.memory_space<vmem>>[vector<16xi32>, vector<16xi32>, vector<16xi32>, vector<16xi32>], vector<16xf32>,
        %add3A_520 = arith.constant 1 : i32
        %add3A_521 = vector.broadcast %add3A_520 : i32 to vector<16xi32>
        %add3A_522 = arith.addi %add3A_491, %add3A_521 : vector<16xi32>
        %scan3A_523 = arith.constant 5 : i32
        %scan3A_524 = arith.addi %scan3A_370, %scan3A_523 : i32
        %add3A_525 = arith.constant 128 : i32
        %add3A_526 = arith.addi %add3A_525, %scan3A_524 : i32
        %get3A_527 = arith.constant 1 : i32
        %get3A_528 = arith.index_cast %get3A_527 : i32 to index
        %get3A_529 = arith.index_cast %add3A_526 : i32 to index
        %get3A_530 = arith.constant 0 : index
        %get3A_531 = tpu.vector_load %arg7[%get3A_528, %get3A_529, %get3A_530] {strides = array<i32>} : memref<2x256x32xf32, #tpu.memory_space<vmem>>, vector<16xf32>,
        %scatter3A_532 = arith.constant 0 : i32
        %scatter3A_533 = arith.constant 0 : i32
        %scatter3A_534 = arith.constant 0 : i32
        %scatter3A_535 = arith.constant 0 : i32
        %scatter3A_536 = tpu.memref_slice %arg8[%scan3A_340, %scatter3A_532, %scatter3A_533, %scatter3A_534, %scatter3A_535] : memref<2x8x1x8x129xf32, #tpu.memory_space<vmem>> -> memref<1x8x1x8x129xf32, #tpu.memory_space<vmem>>
        %scatter3A_537 = tpu.memref_squeeze %scatter3A_536 : memref<1x8x1x8x129xf32, #tpu.memory_space<vmem>> -> memref<8x1x8x129xf32, #tpu.memory_space<vmem>>
        tpu.vector_store_idx %scatter3A_537[%add3A_334, %broadcast_in_dim3A_25, %rem3A_91, %add3A_522], %get3A_531 : memref<8x1x8x129xf32, #tpu.memory_space<vmem>>[vector<16xi32>, vector<16xi32>, vector<16xi32>, vector<16xi32>], vector<16xf32>,
        %add3A_538 = arith.constant 128 : i32
        %add3A_539 = arith.addi %add3A_538, %scan3A_524 : i32
        %get3A_540 = arith.constant 1 : i32
        %get3A_541 = arith.index_cast %get3A_540 : i32 to index
        %get3A_542 = arith.index_cast %add3A_539 : i32 to index
        %get3A_543 = arith.constant 16 : index
        %get3A_544 = tpu.vector_load %arg7[%get3A_541, %get3A_542, %get3A_543] {strides = array<i32>} : memref<2x256x32xf32, #tpu.memory_space<vmem>>, vector<16xf32>,
        %scatter3A_545 = arith.constant 0 : i32
        %scatter3A_546 = arith.constant 0 : i32
        %scatter3A_547 = arith.constant 0 : i32
        %scatter3A_548 = arith.constant 0 : i32
        %scatter3A_549 = tpu.memref_slice %arg8[%scan3A_340, %scatter3A_545, %scatter3A_546, %scatter3A_547, %scatter3A_548] : memref<2x8x1x8x129xf32, #tpu.memory_space<vmem>> -> memref<1x8x1x8x129xf32, #tpu.memory_space<vmem>>
        %scatter3A_550 = tpu.memref_squeeze %scatter3A_549 : memref<1x8x1x8x129xf32, #tpu.memory_space<vmem>> -> memref<8x1x8x129xf32, #tpu.memory_space<vmem>>
        tpu.vector_store_idx %scatter3A_550[%add3A_337, %broadcast_in_dim3A_25, %rem3A_97, %add3A_522], %get3A_544 : memref<8x1x8x129xf32, #tpu.memory_space<vmem>>[vector<16xi32>, vector<16xi32>, vector<16xi32>, vector<16xi32>], vector<16xf32>,
        %add3A_551 = arith.constant 1 : i32
        %add3A_552 = vector.broadcast %add3A_551 : i32 to vector<16xi32>
        %add3A_553 = arith.addi %add3A_522, %add3A_552 : vector<16xi32>
        %scan3A_554 = arith.constant 6 : i32
        %scan3A_555 = arith.addi %scan3A_370, %scan3A_554 : i32
        %add3A_556 = arith.constant 128 : i32
        %add3A_557 = arith.addi %add3A_556, %scan3A_555 : i32
        %get3A_558 = arith.constant 1 : i32
        %get3A_559 = arith.index_cast %get3A_558 : i32 to index
        %get3A_560 = arith.index_cast %add3A_557 : i32 to index
        %get3A_561 = arith.constant 0 : index
        %get3A_562 = tpu.vector_load %arg7[%get3A_559, %get3A_560, %get3A_561] {strides = array<i32>} : memref<2x256x32xf32, #tpu.memory_space<vmem>>, vector<16xf32>,
        %scatter3A_563 = arith.constant 0 : i32
        %scatter3A_564 = arith.constant 0 : i32
        %scatter3A_565 = arith.constant 0 : i32
        %scatter3A_566 = arith.constant 0 : i32
        %scatter3A_567 = tpu.memref_slice %arg8[%scan3A_340, %scatter3A_563, %scatter3A_564, %scatter3A_565, %scatter3A_566] : memref<2x8x1x8x129xf32, #tpu.memory_space<vmem>> -> memref<1x8x1x8x129xf32, #tpu.memory_space<vmem>>
        %scatter3A_568 = tpu.memref_squeeze %scatter3A_567 : memref<1x8x1x8x129xf32, #tpu.memory_space<vmem>> -> memref<8x1x8x129xf32, #tpu.memory_space<vmem>>
        tpu.vector_store_idx %scatter3A_568[%add3A_334, %broadcast_in_dim3A_25, %rem3A_91, %add3A_553], %get3A_562 : memref<8x1x8x129xf32, #tpu.memory_space<vmem>>[vector<16xi32>, vector<16xi32>, vector<16xi32>, vector<16xi32>], vector<16xf32>,
        %add3A_569 = arith.constant 128 : i32
        %add3A_570 = arith.addi %add3A_569, %scan3A_555 : i32
        %get3A_571 = arith.constant 1 : i32
        %get3A_572 = arith.index_cast %get3A_571 : i32 to index
        %get3A_573 = arith.index_cast %add3A_570 : i32 to index
        %get3A_574 = arith.constant 16 : index
        %get3A_575 = tpu.vector_load %arg7[%get3A_572, %get3A_573, %get3A_574] {strides = array<i32>} : memref<2x256x32xf32, #tpu.memory_space<vmem>>, vector<16xf32>,
        %scatter3A_576 = arith.constant 0 : i32
        %scatter3A_577 = arith.constant 0 : i32
        %scatter3A_578 = arith.constant 0 : i32
        %scatter3A_579 = arith.constant 0 : i32
        %scatter3A_580 = tpu.memref_slice %arg8[%scan3A_340, %scatter3A_576, %scatter3A_577, %scatter3A_578, %scatter3A_579] : memref<2x8x1x8x129xf32, #tpu.memory_space<vmem>> -> memref<1x8x1x8x129xf32, #tpu.memory_space<vmem>>
        %scatter3A_581 = tpu.memref_squeeze %scatter3A_580 : memref<1x8x1x8x129xf32, #tpu.memory_space<vmem>> -> memref<8x1x8x129xf32, #tpu.memory_space<vmem>>
        tpu.vector_store_idx %scatter3A_581[%add3A_337, %broadcast_in_dim3A_25, %rem3A_97, %add3A_553], %get3A_575 : memref<8x1x8x129xf32, #tpu.memory_space<vmem>>[vector<16xi32>, vector<16xi32>, vector<16xi32>, vector<16xi32>], vector<16xf32>,
        %add3A_582 = arith.constant 1 : i32
        %add3A_583 = vector.broadcast %add3A_582 : i32 to vector<16xi32>
        %add3A_584 = arith.addi %add3A_553, %add3A_583 : vector<16xi32>
        %scan3A_585 = arith.constant 7 : i32
        %scan3A_586 = arith.addi %scan3A_370, %scan3A_585 : i32
        %add3A_587 = arith.constant 128 : i32
        %add3A_588 = arith.addi %add3A_587, %scan3A_586 : i32
        %get3A_589 = arith.constant 1 : i32
        %get3A_590 = arith.index_cast %get3A_589 : i32 to index
        %get3A_591 = arith.index_cast %add3A_588 : i32 to index
        %get3A_592 = arith.constant 0 : index
        %get3A_593 = tpu.vector_load %arg7[%get3A_590, %get3A_591, %get3A_592] {strides = array<i32>} : memref<2x256x32xf32, #tpu.memory_space<vmem>>, vector<16xf32>,
        %scatter3A_594 = arith.constant 0 : i32
        %scatter3A_595 = arith.constant 0 : i32
        %scatter3A_596 = arith.constant 0 : i32
        %scatter3A_597 = arith.constant 0 : i32
        %scatter3A_598 = tpu.memref_slice %arg8[%scan3A_340, %scatter3A_594, %scatter3A_595, %scatter3A_596, %scatter3A_597] : memref<2x8x1x8x129xf32, #tpu.memory_space<vmem>> -> memref<1x8x1x8x129xf32, #tpu.memory_space<vmem>>
        %scatter3A_599 = tpu.memref_squeeze %scatter3A_598 : memref<1x8x1x8x129xf32, #tpu.memory_space<vmem>> -> memref<8x1x8x129xf32, #tpu.memory_space<vmem>>
        tpu.vector_store_idx %scatter3A_599[%add3A_334, %broadcast_in_dim3A_25, %rem3A_91, %add3A_584], %get3A_593 : memref<8x1x8x129xf32, #tpu.memory_space<vmem>>[vector<16xi32>, vector<16xi32>, vector<16xi32>, vector<16xi32>], vector<16xf32>,
        %add3A_600 = arith.constant 128 : i32
        %add3A_601 = arith.addi %add3A_600, %scan3A_586 : i32
        %get3A_602 = arith.constant 1 : i32
        %get3A_603 = arith.index_cast %get3A_602 : i32 to index
        %get3A_604 = arith.index_cast %add3A_601 : i32 to index
        %get3A_605 = arith.constant 16 : index
        %get3A_606 = tpu.vector_load %arg7[%get3A_603, %get3A_604, %get3A_605] {strides = array<i32>} : memref<2x256x32xf32, #tpu.memory_space<vmem>>, vector<16xf32>,
        %scatter3A_607 = arith.constant 0 : i32
        %scatter3A_608 = arith.constant 0 : i32
        %scatter3A_609 = arith.constant 0 : i32
        %scatter3A_610 = arith.constant 0 : i32
        %scatter3A_611 = tpu.memref_slice %arg8[%scan3A_340, %scatter3A_607, %scatter3A_608, %scatter3A_609, %scatter3A_610] : memref<2x8x1x8x129xf32, #tpu.memory_space<vmem>> -> memref<1x8x1x8x129xf32, #tpu.memory_space<vmem>>
        %scatter3A_612 = tpu.memref_squeeze %scatter3A_611 : memref<1x8x1x8x129xf32, #tpu.memory_space<vmem>> -> memref<8x1x8x129xf32, #tpu.memory_space<vmem>>
        tpu.vector_store_idx %scatter3A_612[%add3A_337, %broadcast_in_dim3A_25, %rem3A_97, %add3A_584], %get3A_606 : memref<8x1x8x129xf32, #tpu.memory_space<vmem>>[vector<16xi32>, vector<16xi32>, vector<16xi32>, vector<16xi32>], vector<16xf32>,
        %add3A_613 = arith.constant 1 : i32
        %add3A_614 = vector.broadcast %add3A_613 : i32 to vector<16xi32>
        %add3A_615 = arith.addi %add3A_584, %add3A_614 : vector<16xi32>
        %scan3A_616 = arith.constant 8 : i32
        %scan3A_617 = arith.addi %scan3A_370, %scan3A_616 : i32
        %add3A_618 = arith.constant 128 : i32
        %add3A_619 = arith.addi %add3A_618, %scan3A_617 : i32
        %get3A_620 = arith.constant 1 : i32
        %get3A_621 = arith.index_cast %get3A_620 : i32 to index
        %get3A_622 = arith.index_cast %add3A_619 : i32 to index
        %get3A_623 = arith.constant 0 : index
        %get3A_624 = tpu.vector_load %arg7[%get3A_621, %get3A_622, %get3A_623] {strides = array<i32>} : memref<2x256x32xf32, #tpu.memory_space<vmem>>, vector<16xf32>,
        %scatter3A_625 = arith.constant 0 : i32
        %scatter3A_626 = arith.constant 0 : i32
        %scatter3A_627 = arith.constant 0 : i32
        %scatter3A_628 = arith.constant 0 : i32
        %scatter3A_629 = tpu.memref_slice %arg8[%scan3A_340, %scatter3A_625, %scatter3A_626, %scatter3A_627, %scatter3A_628] : memref<2x8x1x8x129xf32, #tpu.memory_space<vmem>> -> memref<1x8x1x8x129xf32, #tpu.memory_space<vmem>>
        %scatter3A_630 = tpu.memref_squeeze %scatter3A_629 : memref<1x8x1x8x129xf32, #tpu.memory_space<vmem>> -> memref<8x1x8x129xf32, #tpu.memory_space<vmem>>
        tpu.vector_store_idx %scatter3A_630[%add3A_334, %broadcast_in_dim3A_25, %rem3A_91, %add3A_615], %get3A_624 : memref<8x1x8x129xf32, #tpu.memory_space<vmem>>[vector<16xi32>, vector<16xi32>, vector<16xi32>, vector<16xi32>], vector<16xf32>,
        %add3A_631 = arith.constant 128 : i32
        %add3A_632 = arith.addi %add3A_631, %scan3A_617 : i32
        %get3A_633 = arith.constant 1 : i32
        %get3A_634 = arith.index_cast %get3A_633 : i32 to index
        %get3A_635 = arith.index_cast %add3A_632 : i32 to index
        %get3A_636 = arith.constant 16 : index
        %get3A_637 = tpu.vector_load %arg7[%get3A_634, %get3A_635, %get3A_636] {strides = array<i32>} : memref<2x256x32xf32, #tpu.memory_space<vmem>>, vector<16xf32>,
        %scatter3A_638 = arith.constant 0 : i32
        %scatter3A_639 = arith.constant 0 : i32
        %scatter3A_640 = arith.constant 0 : i32
        %scatter3A_641 = arith.constant 0 : i32
        %scatter3A_642 = tpu.memref_slice %arg8[%scan3A_340, %scatter3A_638, %scatter3A_639, %scatter3A_640, %scatter3A_641] : memref<2x8x1x8x129xf32, #tpu.memory_space<vmem>> -> memref<1x8x1x8x129xf32, #tpu.memory_space<vmem>>
        %scatter3A_643 = tpu.memref_squeeze %scatter3A_642 : memref<1x8x1x8x129xf32, #tpu.memory_space<vmem>> -> memref<8x1x8x129xf32, #tpu.memory_space<vmem>>
        tpu.vector_store_idx %scatter3A_643[%add3A_337, %broadcast_in_dim3A_25, %rem3A_97, %add3A_615], %get3A_637 : memref<8x1x8x129xf32, #tpu.memory_space<vmem>>[vector<16xi32>, vector<16xi32>, vector<16xi32>, vector<16xi32>], vector<16xf32>,
        %add3A_644 = arith.constant 1 : i32
        %add3A_645 = vector.broadcast %add3A_644 : i32 to vector<16xi32>
        %add3A_646 = arith.addi %add3A_615, %add3A_645 : vector<16xi32>
        %scan3A_647 = arith.constant 9 : i32
        %scan3A_648 = arith.addi %scan3A_370, %scan3A_647 : i32
        %add3A_649 = arith.constant 128 : i32
        %add3A_650 = arith.addi %add3A_649, %scan3A_648 : i32
        %get3A_651 = arith.constant 1 : i32
        %get3A_652 = arith.index_cast %get3A_651 : i32 to index
        %get3A_653 = arith.index_cast %add3A_650 : i32 to index
        %get3A_654 = arith.constant 0 : index
        %get3A_655 = tpu.vector_load %arg7[%get3A_652, %get3A_653, %get3A_654] {strides = array<i32>} : memref<2x256x32xf32, #tpu.memory_space<vmem>>, vector<16xf32>,
        %scatter3A_656 = arith.constant 0 : i32
        %scatter3A_657 = arith.constant 0 : i32
        %scatter3A_658 = arith.constant 0 : i32
        %scatter3A_659 = arith.constant 0 : i32
        %scatter3A_660 = tpu.memref_slice %arg8[%scan3A_340, %scatter3A_656, %scatter3A_657, %scatter3A_658, %scatter3A_659] : memref<2x8x1x8x129xf32, #tpu.memory_space<vmem>> -> memref<1x8x1x8x129xf32, #tpu.memory_space<vmem>>
        %scatter3A_661 = tpu.memref_squeeze %scatter3A_660 : memref<1x8x1x8x129xf32, #tpu.memory_space<vmem>> -> memref<8x1x8x129xf32, #tpu.memory_space<vmem>>
        tpu.vector_store_idx %scatter3A_661[%add3A_334, %broadcast_in_dim3A_25, %rem3A_91, %add3A_646], %get3A_655 : memref<8x1x8x129xf32, #tpu.memory_space<vmem>>[vector<16xi32>, vector<16xi32>, vector<16xi32>, vector<16xi32>], vector<16xf32>,
        %add3A_662 = arith.constant 128 : i32
        %add3A_663 = arith.addi %add3A_662, %scan3A_648 : i32
        %get3A_664 = arith.constant 1 : i32
        %get3A_665 = arith.index_cast %get3A_664 : i32 to index
        %get3A_666 = arith.index_cast %add3A_663 : i32 to index
        %get3A_667 = arith.constant 16 : index
        %get3A_668 = tpu.vector_load %arg7[%get3A_665, %get3A_666, %get3A_667] {strides = array<i32>} : memref<2x256x32xf32, #tpu.memory_space<vmem>>, vector<16xf32>,
        %scatter3A_669 = arith.constant 0 : i32
        %scatter3A_670 = arith.constant 0 : i32
        %scatter3A_671 = arith.constant 0 : i32
        %scatter3A_672 = arith.constant 0 : i32
        %scatter3A_673 = tpu.memref_slice %arg8[%scan3A_340, %scatter3A_669, %scatter3A_670, %scatter3A_671, %scatter3A_672] : memref<2x8x1x8x129xf32, #tpu.memory_space<vmem>> -> memref<1x8x1x8x129xf32, #tpu.memory_space<vmem>>
        %scatter3A_674 = tpu.memref_squeeze %scatter3A_673 : memref<1x8x1x8x129xf32, #tpu.memory_space<vmem>> -> memref<8x1x8x129xf32, #tpu.memory_space<vmem>>
        tpu.vector_store_idx %scatter3A_674[%add3A_337, %broadcast_in_dim3A_25, %rem3A_97, %add3A_646], %get3A_668 : memref<8x1x8x129xf32, #tpu.memory_space<vmem>>[vector<16xi32>, vector<16xi32>, vector<16xi32>, vector<16xi32>], vector<16xf32>,
        %add3A_675 = arith.constant 1 : i32
        %add3A_676 = vector.broadcast %add3A_675 : i32 to vector<16xi32>
        %add3A_677 = arith.addi %add3A_646, %add3A_676 : vector<16xi32>
        %scan3A_678 = arith.constant 10 : i32
        %scan3A_679 = arith.addi %scan3A_370, %scan3A_678 : i32
        %add3A_680 = arith.constant 128 : i32
        %add3A_681 = arith.addi %add3A_680, %scan3A_679 : i32
        %get3A_682 = arith.constant 1 : i32
        %get3A_683 = arith.index_cast %get3A_682 : i32 to index
        %get3A_684 = arith.index_cast %add3A_681 : i32 to index
        %get3A_685 = arith.constant 0 : index
        %get3A_686 = tpu.vector_load %arg7[%get3A_683, %get3A_684, %get3A_685] {strides = array<i32>} : memref<2x256x32xf32, #tpu.memory_space<vmem>>, vector<16xf32>,
        %scatter3A_687 = arith.constant 0 : i32
        %scatter3A_688 = arith.constant 0 : i32
        %scatter3A_689 = arith.constant 0 : i32
        %scatter3A_690 = arith.constant 0 : i32
        %scatter3A_691 = tpu.memref_slice %arg8[%scan3A_340, %scatter3A_687, %scatter3A_688, %scatter3A_689, %scatter3A_690] : memref<2x8x1x8x129xf32, #tpu.memory_space<vmem>> -> memref<1x8x1x8x129xf32, #tpu.memory_space<vmem>>
        %scatter3A_692 = tpu.memref_squeeze %scatter3A_691 : memref<1x8x1x8x129xf32, #tpu.memory_space<vmem>> -> memref<8x1x8x129xf32, #tpu.memory_space<vmem>>
        tpu.vector_store_idx %scatter3A_692[%add3A_334, %broadcast_in_dim3A_25, %rem3A_91, %add3A_677], %get3A_686 : memref<8x1x8x129xf32, #tpu.memory_space<vmem>>[vector<16xi32>, vector<16xi32>, vector<16xi32>, vector<16xi32>], vector<16xf32>,
        %add3A_693 = arith.constant 128 : i32
        %add3A_694 = arith.addi %add3A_693, %scan3A_679 : i32
        %get3A_695 = arith.constant 1 : i32
        %get3A_696 = arith.index_cast %get3A_695 : i32 to index
        %get3A_697 = arith.index_cast %add3A_694 : i32 to index
        %get3A_698 = arith.constant 16 : index
        %get3A_699 = tpu.vector_load %arg7[%get3A_696, %get3A_697, %get3A_698] {strides = array<i32>} : memref<2x256x32xf32, #tpu.memory_space<vmem>>, vector<16xf32>,
        %scatter3A_700 = arith.constant 0 : i32
        %scatter3A_701 = arith.constant 0 : i32
        %scatter3A_702 = arith.constant 0 : i32
        %scatter3A_703 = arith.constant 0 : i32
        %scatter3A_704 = tpu.memref_slice %arg8[%scan3A_340, %scatter3A_700, %scatter3A_701, %scatter3A_702, %scatter3A_703] : memref<2x8x1x8x129xf32, #tpu.memory_space<vmem>> -> memref<1x8x1x8x129xf32, #tpu.memory_space<vmem>>
        %scatter3A_705 = tpu.memref_squeeze %scatter3A_704 : memref<1x8x1x8x129xf32, #tpu.memory_space<vmem>> -> memref<8x1x8x129xf32, #tpu.memory_space<vmem>>
        tpu.vector_store_idx %scatter3A_705[%add3A_337, %broadcast_in_dim3A_25, %rem3A_97, %add3A_677], %get3A_699 : memref<8x1x8x129xf32, #tpu.memory_space<vmem>>[vector<16xi32>, vector<16xi32>, vector<16xi32>, vector<16xi32>], vector<16xf32>,
        %add3A_706 = arith.constant 1 : i32
        %add3A_707 = vector.broadcast %add3A_706 : i32 to vector<16xi32>
        %add3A_708 = arith.addi %add3A_677, %add3A_707 : vector<16xi32>
        %scan3A_709 = arith.constant 11 : i32
        %scan3A_710 = arith.addi %scan3A_370, %scan3A_709 : i32
        %add3A_711 = arith.constant 128 : i32
        %add3A_712 = arith.addi %add3A_711, %scan3A_710 : i32
        %get3A_713 = arith.constant 1 : i32
        %get3A_714 = arith.index_cast %get3A_713 : i32 to index
        %get3A_715 = arith.index_cast %add3A_712 : i32 to index
        %get3A_716 = arith.constant 0 : index
        %get3A_717 = tpu.vector_load %arg7[%get3A_714, %get3A_715, %get3A_716] {strides = array<i32>} : memref<2x256x32xf32, #tpu.memory_space<vmem>>, vector<16xf32>,
        %scatter3A_718 = arith.constant 0 : i32
        %scatter3A_719 = arith.constant 0 : i32
        %scatter3A_720 = arith.constant 0 : i32
        %scatter3A_721 = arith.constant 0 : i32
        %scatter3A_722 = tpu.memref_slice %arg8[%scan3A_340, %scatter3A_718, %scatter3A_719, %scatter3A_720, %scatter3A_721] : memref<2x8x1x8x129xf32, #tpu.memory_space<vmem>> -> memref<1x8x1x8x129xf32, #tpu.memory_space<vmem>>
        %scatter3A_723 = tpu.memref_squeeze %scatter3A_722 : memref<1x8x1x8x129xf32, #tpu.memory_space<vmem>> -> memref<8x1x8x129xf32, #tpu.memory_space<vmem>>
        tpu.vector_store_idx %scatter3A_723[%add3A_334, %broadcast_in_dim3A_25, %rem3A_91, %add3A_708], %get3A_717 : memref<8x1x8x129xf32, #tpu.memory_space<vmem>>[vector<16xi32>, vector<16xi32>, vector<16xi32>, vector<16xi32>], vector<16xf32>,
        %add3A_724 = arith.constant 128 : i32
        %add3A_725 = arith.addi %add3A_724, %scan3A_710 : i32
        %get3A_726 = arith.constant 1 : i32
        %get3A_727 = arith.index_cast %get3A_726 : i32 to index
        %get3A_728 = arith.index_cast %add3A_725 : i32 to index
        %get3A_729 = arith.constant 16 : index
        %get3A_730 = tpu.vector_load %arg7[%get3A_727, %get3A_728, %get3A_729] {strides = array<i32>} : memref<2x256x32xf32, #tpu.memory_space<vmem>>, vector<16xf32>,
        %scatter3A_731 = arith.constant 0 : i32
        %scatter3A_732 = arith.constant 0 : i32
        %scatter3A_733 = arith.constant 0 : i32
        %scatter3A_734 = arith.constant 0 : i32
        %scatter3A_735 = tpu.memref_slice %arg8[%scan3A_340, %scatter3A_731, %scatter3A_732, %scatter3A_733, %scatter3A_734] : memref<2x8x1x8x129xf32, #tpu.memory_space<vmem>> -> memref<1x8x1x8x129xf32, #tpu.memory_space<vmem>>
        %scatter3A_736 = tpu.memref_squeeze %scatter3A_735 : memref<1x8x1x8x129xf32, #tpu.memory_space<vmem>> -> memref<8x1x8x129xf32, #tpu.memory_space<vmem>>
        tpu.vector_store_idx %scatter3A_736[%add3A_337, %broadcast_in_dim3A_25, %rem3A_97, %add3A_708], %get3A_730 : memref<8x1x8x129xf32, #tpu.memory_space<vmem>>[vector<16xi32>, vector<16xi32>, vector<16xi32>, vector<16xi32>], vector<16xf32>,
        %add3A_737 = arith.constant 1 : i32
        %add3A_738 = vector.broadcast %add3A_737 : i32 to vector<16xi32>
        %add3A_739 = arith.addi %add3A_708, %add3A_738 : vector<16xi32>
        %scan3A_740 = arith.constant 12 : i32
        %scan3A_741 = arith.addi %scan3A_370, %scan3A_740 : i32
        %add3A_742 = arith.constant 128 : i32
        %add3A_743 = arith.addi %add3A_742, %scan3A_741 : i32
        %get3A_744 = arith.constant 1 : i32
        %get3A_745 = arith.index_cast %get3A_744 : i32 to index
        %get3A_746 = arith.index_cast %add3A_743 : i32 to index
        %get3A_747 = arith.constant 0 : index
        %get3A_748 = tpu.vector_load %arg7[%get3A_745, %get3A_746, %get3A_747] {strides = array<i32>} : memref<2x256x32xf32, #tpu.memory_space<vmem>>, vector<16xf32>,
        %scatter3A_749 = arith.constant 0 : i32
        %scatter3A_750 = arith.constant 0 : i32
        %scatter3A_751 = arith.constant 0 : i32
        %scatter3A_752 = arith.constant 0 : i32
        %scatter3A_753 = tpu.memref_slice %arg8[%scan3A_340, %scatter3A_749, %scatter3A_750, %scatter3A_751, %scatter3A_752] : memref<2x8x1x8x129xf32, #tpu.memory_space<vmem>> -> memref<1x8x1x8x129xf32, #tpu.memory_space<vmem>>
        %scatter3A_754 = tpu.memref_squeeze %scatter3A_753 : memref<1x8x1x8x129xf32, #tpu.memory_space<vmem>> -> memref<8x1x8x129xf32, #tpu.memory_space<vmem>>
        tpu.vector_store_idx %scatter3A_754[%add3A_334, %broadcast_in_dim3A_25, %rem3A_91, %add3A_739], %get3A_748 : memref<8x1x8x129xf32, #tpu.memory_space<vmem>>[vector<16xi32>, vector<16xi32>, vector<16xi32>, vector<16xi32>], vector<16xf32>,
        %add3A_755 = arith.constant 128 : i32
        %add3A_756 = arith.addi %add3A_755, %scan3A_741 : i32
        %get3A_757 = arith.constant 1 : i32
        %get3A_758 = arith.index_cast %get3A_757 : i32 to index
        %get3A_759 = arith.index_cast %add3A_756 : i32 to index
        %get3A_760 = arith.constant 16 : index
        %get3A_761 = tpu.vector_load %arg7[%get3A_758, %get3A_759, %get3A_760] {strides = array<i32>} : memref<2x256x32xf32, #tpu.memory_space<vmem>>, vector<16xf32>,
        %scatter3A_762 = arith.constant 0 : i32
        %scatter3A_763 = arith.constant 0 : i32
        %scatter3A_764 = arith.constant 0 : i32
        %scatter3A_765 = arith.constant 0 : i32
        %scatter3A_766 = tpu.memref_slice %arg8[%scan3A_340, %scatter3A_762, %scatter3A_763, %scatter3A_764, %scatter3A_765] : memref<2x8x1x8x129xf32, #tpu.memory_space<vmem>> -> memref<1x8x1x8x129xf32, #tpu.memory_space<vmem>>
        %scatter3A_767 = tpu.memref_squeeze %scatter3A_766 : memref<1x8x1x8x129xf32, #tpu.memory_space<vmem>> -> memref<8x1x8x129xf32, #tpu.memory_space<vmem>>
        tpu.vector_store_idx %scatter3A_767[%add3A_337, %broadcast_in_dim3A_25, %rem3A_97, %add3A_739], %get3A_761 : memref<8x1x8x129xf32, #tpu.memory_space<vmem>>[vector<16xi32>, vector<16xi32>, vector<16xi32>, vector<16xi32>], vector<16xf32>,
        %add3A_768 = arith.constant 1 : i32
        %add3A_769 = vector.broadcast %add3A_768 : i32 to vector<16xi32>
        %add3A_770 = arith.addi %add3A_739, %add3A_769 : vector<16xi32>
        %scan3A_771 = arith.constant 13 : i32
        %scan3A_772 = arith.addi %scan3A_370, %scan3A_771 : i32
        %add3A_773 = arith.constant 128 : i32
        %add3A_774 = arith.addi %add3A_773, %scan3A_772 : i32
        %get3A_775 = arith.constant 1 : i32
        %get3A_776 = arith.index_cast %get3A_775 : i32 to index
        %get3A_777 = arith.index_cast %add3A_774 : i32 to index
        %get3A_778 = arith.constant 0 : index
        %get3A_779 = tpu.vector_load %arg7[%get3A_776, %get3A_777, %get3A_778] {strides = array<i32>} : memref<2x256x32xf32, #tpu.memory_space<vmem>>, vector<16xf32>,
        %scatter3A_780 = arith.constant 0 : i32
        %scatter3A_781 = arith.constant 0 : i32
        %scatter3A_782 = arith.constant 0 : i32
        %scatter3A_783 = arith.constant 0 : i32
        %scatter3A_784 = tpu.memref_slice %arg8[%scan3A_340, %scatter3A_780, %scatter3A_781, %scatter3A_782, %scatter3A_783] : memref<2x8x1x8x129xf32, #tpu.memory_space<vmem>> -> memref<1x8x1x8x129xf32, #tpu.memory_space<vmem>>
        %scatter3A_785 = tpu.memref_squeeze %scatter3A_784 : memref<1x8x1x8x129xf32, #tpu.memory_space<vmem>> -> memref<8x1x8x129xf32, #tpu.memory_space<vmem>>
        tpu.vector_store_idx %scatter3A_785[%add3A_334, %broadcast_in_dim3A_25, %rem3A_91, %add3A_770], %get3A_779 : memref<8x1x8x129xf32, #tpu.memory_space<vmem>>[vector<16xi32>, vector<16xi32>, vector<16xi32>, vector<16xi32>], vector<16xf32>,
        %add3A_786 = arith.constant 128 : i32
        %add3A_787 = arith.addi %add3A_786, %scan3A_772 : i32
        %get3A_788 = arith.constant 1 : i32
        %get3A_789 = arith.index_cast %get3A_788 : i32 to index
        %get3A_790 = arith.index_cast %add3A_787 : i32 to index
        %get3A_791 = arith.constant 16 : index
        %get3A_792 = tpu.vector_load %arg7[%get3A_789, %get3A_790, %get3A_791] {strides = array<i32>} : memref<2x256x32xf32, #tpu.memory_space<vmem>>, vector<16xf32>,
        %scatter3A_793 = arith.constant 0 : i32
        %scatter3A_794 = arith.constant 0 : i32
        %scatter3A_795 = arith.constant 0 : i32
        %scatter3A_796 = arith.constant 0 : i32
        %scatter3A_797 = tpu.memref_slice %arg8[%scan3A_340, %scatter3A_793, %scatter3A_794, %scatter3A_795, %scatter3A_796] : memref<2x8x1x8x129xf32, #tpu.memory_space<vmem>> -> memref<1x8x1x8x129xf32, #tpu.memory_space<vmem>>
        %scatter3A_798 = tpu.memref_squeeze %scatter3A_797 : memref<1x8x1x8x129xf32, #tpu.memory_space<vmem>> -> memref<8x1x8x129xf32, #tpu.memory_space<vmem>>
        tpu.vector_store_idx %scatter3A_798[%add3A_337, %broadcast_in_dim3A_25, %rem3A_97, %add3A_770], %get3A_792 : memref<8x1x8x129xf32, #tpu.memory_space<vmem>>[vector<16xi32>, vector<16xi32>, vector<16xi32>, vector<16xi32>], vector<16xf32>,
        %add3A_799 = arith.constant 1 : i32
        %add3A_800 = vector.broadcast %add3A_799 : i32 to vector<16xi32>
        %add3A_801 = arith.addi %add3A_770, %add3A_800 : vector<16xi32>
        %scan3A_802 = arith.constant 14 : i32
        %scan3A_803 = arith.addi %scan3A_370, %scan3A_802 : i32
        %add3A_804 = arith.constant 128 : i32
        %add3A_805 = arith.addi %add3A_804, %scan3A_803 : i32
        %get3A_806 = arith.constant 1 : i32
        %get3A_807 = arith.index_cast %get3A_806 : i32 to index
        %get3A_808 = arith.index_cast %add3A_805 : i32 to index
        %get3A_809 = arith.constant 0 : index
        %get3A_810 = tpu.vector_load %arg7[%get3A_807, %get3A_808, %get3A_809] {strides = array<i32>} : memref<2x256x32xf32, #tpu.memory_space<vmem>>, vector<16xf32>,
        %scatter3A_811 = arith.constant 0 : i32
        %scatter3A_812 = arith.constant 0 : i32
        %scatter3A_813 = arith.constant 0 : i32
        %scatter3A_814 = arith.constant 0 : i32
        %scatter3A_815 = tpu.memref_slice %arg8[%scan3A_340, %scatter3A_811, %scatter3A_812, %scatter3A_813, %scatter3A_814] : memref<2x8x1x8x129xf32, #tpu.memory_space<vmem>> -> memref<1x8x1x8x129xf32, #tpu.memory_space<vmem>>
        %scatter3A_816 = tpu.memref_squeeze %scatter3A_815 : memref<1x8x1x8x129xf32, #tpu.memory_space<vmem>> -> memref<8x1x8x129xf32, #tpu.memory_space<vmem>>
        tpu.vector_store_idx %scatter3A_816[%add3A_334, %broadcast_in_dim3A_25, %rem3A_91, %add3A_801], %get3A_810 : memref<8x1x8x129xf32, #tpu.memory_space<vmem>>[vector<16xi32>, vector<16xi32>, vector<16xi32>, vector<16xi32>], vector<16xf32>,
        %add3A_817 = arith.constant 128 : i32
        %add3A_818 = arith.addi %add3A_817, %scan3A_803 : i32
        %get3A_819 = arith.constant 1 : i32
        %get3A_820 = arith.index_cast %get3A_819 : i32 to index
        %get3A_821 = arith.index_cast %add3A_818 : i32 to index
        %get3A_822 = arith.constant 16 : index
        %get3A_823 = tpu.vector_load %arg7[%get3A_820, %get3A_821, %get3A_822] {strides = array<i32>} : memref<2x256x32xf32, #tpu.memory_space<vmem>>, vector<16xf32>,
        %scatter3A_824 = arith.constant 0 : i32
        %scatter3A_825 = arith.constant 0 : i32
        %scatter3A_826 = arith.constant 0 : i32
        %scatter3A_827 = arith.constant 0 : i32
        %scatter3A_828 = tpu.memref_slice %arg8[%scan3A_340, %scatter3A_824, %scatter3A_825, %scatter3A_826, %scatter3A_827] : memref<2x8x1x8x129xf32, #tpu.memory_space<vmem>> -> memref<1x8x1x8x129xf32, #tpu.memory_space<vmem>>
        %scatter3A_829 = tpu.memref_squeeze %scatter3A_828 : memref<1x8x1x8x129xf32, #tpu.memory_space<vmem>> -> memref<8x1x8x129xf32, #tpu.memory_space<vmem>>
        tpu.vector_store_idx %scatter3A_829[%add3A_337, %broadcast_in_dim3A_25, %rem3A_97, %add3A_801], %get3A_823 : memref<8x1x8x129xf32, #tpu.memory_space<vmem>>[vector<16xi32>, vector<16xi32>, vector<16xi32>, vector<16xi32>], vector<16xf32>,
        %add3A_830 = arith.constant 1 : i32
        %add3A_831 = vector.broadcast %add3A_830 : i32 to vector<16xi32>
        %add3A_832 = arith.addi %add3A_801, %add3A_831 : vector<16xi32>
        %scan3A_833 = arith.constant 15 : i32
        %scan3A_834 = arith.addi %scan3A_370, %scan3A_833 : i32
        %add3A_835 = arith.constant 128 : i32
        %add3A_836 = arith.addi %add3A_835, %scan3A_834 : i32
        %get3A_837 = arith.constant 1 : i32
        %get3A_838 = arith.index_cast %get3A_837 : i32 to index
        %get3A_839 = arith.index_cast %add3A_836 : i32 to index
        %get3A_840 = arith.constant 0 : index
        %get3A_841 = tpu.vector_load %arg7[%get3A_838, %get3A_839, %get3A_840] {strides = array<i32>} : memref<2x256x32xf32, #tpu.memory_space<vmem>>, vector<16xf32>,
        %scatter3A_842 = arith.constant 0 : i32
        %scatter3A_843 = arith.constant 0 : i32
        %scatter3A_844 = arith.constant 0 : i32
        %scatter3A_845 = arith.constant 0 : i32
        %scatter3A_846 = tpu.memref_slice %arg8[%scan3A_340, %scatter3A_842, %scatter3A_843, %scatter3A_844, %scatter3A_845] : memref<2x8x1x8x129xf32, #tpu.memory_space<vmem>> -> memref<1x8x1x8x129xf32, #tpu.memory_space<vmem>>
        %scatter3A_847 = tpu.memref_squeeze %scatter3A_846 : memref<1x8x1x8x129xf32, #tpu.memory_space<vmem>> -> memref<8x1x8x129xf32, #tpu.memory_space<vmem>>
        tpu.vector_store_idx %scatter3A_847[%add3A_334, %broadcast_in_dim3A_25, %rem3A_91, %add3A_832], %get3A_841 : memref<8x1x8x129xf32, #tpu.memory_space<vmem>>[vector<16xi32>, vector<16xi32>, vector<16xi32>, vector<16xi32>], vector<16xf32>,
        %add3A_848 = arith.constant 128 : i32
        %add3A_849 = arith.addi %add3A_848, %scan3A_834 : i32
        %get3A_850 = arith.constant 1 : i32
        %get3A_851 = arith.index_cast %get3A_850 : i32 to index
        %get3A_852 = arith.index_cast %add3A_849 : i32 to index
        %get3A_853 = arith.constant 16 : index
        %get3A_854 = tpu.vector_load %arg7[%get3A_851, %get3A_852, %get3A_853] {strides = array<i32>} : memref<2x256x32xf32, #tpu.memory_space<vmem>>, vector<16xf32>,
        %scatter3A_855 = arith.constant 0 : i32
        %scatter3A_856 = arith.constant 0 : i32
        %scatter3A_857 = arith.constant 0 : i32
        %scatter3A_858 = arith.constant 0 : i32
        %scatter3A_859 = tpu.memref_slice %arg8[%scan3A_340, %scatter3A_855, %scatter3A_856, %scatter3A_857, %scatter3A_858] : memref<2x8x1x8x129xf32, #tpu.memory_space<vmem>> -> memref<1x8x1x8x129xf32, #tpu.memory_space<vmem>>
        %scatter3A_860 = tpu.memref_squeeze %scatter3A_859 : memref<1x8x1x8x129xf32, #tpu.memory_space<vmem>> -> memref<8x1x8x129xf32, #tpu.memory_space<vmem>>
        tpu.vector_store_idx %scatter3A_860[%add3A_337, %broadcast_in_dim3A_25, %rem3A_97, %add3A_832], %get3A_854 : memref<8x1x8x129xf32, #tpu.memory_space<vmem>>[vector<16xi32>, vector<16xi32>, vector<16xi32>, vector<16xi32>], vector<16xf32>,
        %add3A_861 = arith.constant 1 : i32
        %add3A_862 = vector.broadcast %add3A_861 : i32 to vector<16xi32>
        %add3A_863 = arith.addi %add3A_832, %add3A_862 : vector<16xi32>
        scf.yield %add3A_863 : vector<16xi32>
      }
      %scan3A_346 = arith.constant 128 : i32
      %mul3A_347 = arith.constant 2 : i32
      %mul3A_348 = arith.muli %add3A_274, %mul3A_347 : i32
      %mul3A_349 = arith.constant 4 : i32
      %mul3A_350 = arith.muli %mul3A_348, %mul3A_349 : i32
      %dma_start3A_351 = arith.constant 1 : i32
      %dma_start3A_352 = arith.constant 0 : i32
      %dma_start3A_353 = arith.constant 0 : i32
      %dma_start3A_354 = arith.constant 0 : i32
      %dma_start3A_355 = arith.constant 0 : i32
      %dma_start3A_356 = tpu.memref_slice %arg8[%dma_start3A_351, %dma_start3A_352, %dma_start3A_353, %dma_start3A_354, %dma_start3A_355] : memref<2x8x1x8x129xf32, #tpu.memory_space<vmem>> -> memref<1x8x1x8x128xf32, #tpu.memory_space<vmem>>
      %dma_start3A_357 = tpu.memref_squeeze %dma_start3A_356 : memref<1x8x1x8x128xf32, #tpu.memory_space<vmem>> -> memref<8x1x8x128xf32, #tpu.memory_space<vmem>>
      %dma_start3A_358 = arith.constant 0 : i32
      %dma_start3A_359 = arith.constant 0 : i32
      %dma_start3A_360 = tpu.memref_slice %arg4[%mul3A_350, %add3A, %dma_start3A_358, %dma_start3A_359] : memref<800x32x8x128xf32, #tpu.memory_space<hbm>> -> memref<8x1x8x128xf32, #tpu.memory_space<hbm>>
      %dma_start3A_361 = arith.constant 0 : i32
      %dma_start3A_362 = arith.constant 0 : i32
      %dma_start3A_363 = tpu.memref_slice %arg4[%mul3A_350, %add3A, %dma_start3A_361, %dma_start3A_362] : memref<800x32x8x128xf32, #tpu.memory_space<hbm>> -> memref<8x1x8x128xf32, #tpu.memory_space<hbm>>
      %dma_start3A_364 = arith.constant 0 : i32
      %dma_start3A_365 = arith.constant 0 : i32
      %dma_start3A_366 = arith.constant 0 : i32
      %dma_start3A_367 = arith.constant 0 : i32
      %dma_start3A_368 = tpu.memref_slice %arg8[%dma_start3A_351, %dma_start3A_364, %dma_start3A_365, %dma_start3A_366, %dma_start3A_367] : memref<2x8x1x8x129xf32, #tpu.memory_space<vmem>> -> memref<1x8x1x8x128xf32, #tpu.memory_space<vmem>>
      %dma_start3A_369 = tpu.memref_squeeze %dma_start3A_368 : memref<1x8x1x8x128xf32, #tpu.memory_space<vmem>> -> memref<8x1x8x128xf32, #tpu.memory_space<vmem>>
      tpu.enqueue_dma source(%dma_start3A_369 : memref<8x1x8x128xf32, #tpu.memory_space<vmem>>) target(%dma_start3A_363 : memref<8x1x8x128xf32, #tpu.memory_space<hbm>>) target_semaphore(%arg12 : memref<!tpu.dma_semaphore, #tpu.memory_space<semaphore_mem>>)
    }
    %scan3A_133 = arith.constant 50 : i32
    %dma_wait3A = arith.constant 0 : i32
    %dma_wait3A_134 = arith.constant 0 : i32
    %dma_wait3A_135 = arith.constant 0 : i32
    %dma_wait3A_136 = arith.constant 0 : i32
    %dma_wait3A_137 = arith.constant 0 : i32
    %dma_wait3A_138 = tpu.memref_slice %arg8[%dma_wait3A, %dma_wait3A_134, %dma_wait3A_135, %dma_wait3A_136, %dma_wait3A_137] : memref<2x8x1x8x129xf32, #tpu.memory_space<vmem>> -> memref<1x8x1x8x128xf32, #tpu.memory_space<vmem>>
    %dma_wait3A_139 = tpu.memref_squeeze %dma_wait3A_138 : memref<1x8x1x8x128xf32, #tpu.memory_space<vmem>> -> memref<8x1x8x128xf32, #tpu.memory_space<vmem>>
    %dma_wait3A_140 = arith.constant 784 : i32
    %dma_wait3A_141 = arith.constant 0 : i32
    %dma_wait3A_142 = arith.constant 0 : i32
    %dma_wait3A_143 = tpu.memref_slice %arg4[%dma_wait3A_140, %add3A, %dma_wait3A_141, %dma_wait3A_142] : memref<800x32x8x128xf32, #tpu.memory_space<hbm>> -> memref<8x1x8x128xf32, #tpu.memory_space<hbm>>
    %dma_wait3A_144 = arith.constant 784 : i32
    %dma_wait3A_145 = arith.constant 0 : i32
    %dma_wait3A_146 = arith.constant 0 : i32
    %dma_wait3A_147 = tpu.memref_slice %arg4[%dma_wait3A_144, %add3A, %dma_wait3A_145, %dma_wait3A_146] : memref<800x32x8x128xf32, #tpu.memory_space<hbm>> -> memref<8x1x8x128xf32, #tpu.memory_space<hbm>>
    %dma_wait3A_148 = arith.constant 0 : i32
    %dma_wait3A_149 = arith.constant 0 : i32
    %dma_wait3A_150 = arith.constant 0 : i32
    %dma_wait3A_151 = arith.constant 0 : i32
    %dma_wait3A_152 = tpu.memref_slice %arg8[%dma_wait3A, %dma_wait3A_148, %dma_wait3A_149, %dma_wait3A_150, %dma_wait3A_151] : memref<2x8x1x8x129xf32, #tpu.memory_space<vmem>> -> memref<1x8x1x8x128xf32, #tpu.memory_space<vmem>>
    %dma_wait3A_153 = tpu.memref_squeeze %dma_wait3A_152 : memref<1x8x1x8x128xf32, #tpu.memory_space<vmem>> -> memref<8x1x8x128xf32, #tpu.memory_space<vmem>>
    tpu.wait_dma2 semaphore(%arg11 : memref<!tpu.dma_semaphore, #tpu.memory_space<semaphore_mem>>) src(%dma_wait3A_153 : memref<8x1x8x128xf32, #tpu.memory_space<vmem>>) dst(%dma_wait3A_147 : memref<8x1x8x128xf32, #tpu.memory_space<hbm>>)
    %dma_wait3A_154 = arith.constant 1 : i32
    %dma_wait3A_155 = arith.constant 0 : i32
    %dma_wait3A_156 = arith.constant 0 : i32
    %dma_wait3A_157 = arith.constant 0 : i32
    %dma_wait3A_158 = arith.constant 0 : i32
    %dma_wait3A_159 = tpu.memref_slice %arg8[%dma_wait3A_154, %dma_wait3A_155, %dma_wait3A_156, %dma_wait3A_157, %dma_wait3A_158] : memref<2x8x1x8x129xf32, #tpu.memory_space<vmem>> -> memref<1x8x1x8x128xf32, #tpu.memory_space<vmem>>
    %dma_wait3A_160 = tpu.memref_squeeze %dma_wait3A_159 : memref<1x8x1x8x128xf32, #tpu.memory_space<vmem>> -> memref<8x1x8x128xf32, #tpu.memory_space<vmem>>
    %dma_wait3A_161 = arith.constant 792 : i32
    %dma_wait3A_162 = arith.constant 0 : i32
    %dma_wait3A_163 = arith.constant 0 : i32
    %dma_wait3A_164 = tpu.memref_slice %arg4[%dma_wait3A_161, %add3A, %dma_wait3A_162, %dma_wait3A_163] : memref<800x32x8x128xf32, #tpu.memory_space<hbm>> -> memref<8x1x8x128xf32, #tpu.memory_space<hbm>>
    %dma_wait3A_165 = arith.constant 792 : i32
    %dma_wait3A_166 = arith.constant 0 : i32
    %dma_wait3A_167 = arith.constant 0 : i32
    %dma_wait3A_168 = tpu.memref_slice %arg4[%dma_wait3A_165, %add3A, %dma_wait3A_166, %dma_wait3A_167] : memref<800x32x8x128xf32, #tpu.memory_space<hbm>> -> memref<8x1x8x128xf32, #tpu.memory_space<hbm>>
    %dma_wait3A_169 = arith.constant 0 : i32
    %dma_wait3A_170 = arith.constant 0 : i32
    %dma_wait3A_171 = arith.constant 0 : i32
    %dma_wait3A_172 = arith.constant 0 : i32
    %dma_wait3A_173 = tpu.memref_slice %arg8[%dma_wait3A_154, %dma_wait3A_169, %dma_wait3A_170, %dma_wait3A_171, %dma_wait3A_172] : memref<2x8x1x8x129xf32, #tpu.memory_space<vmem>> -> memref<1x8x1x8x128xf32, #tpu.memory_space<vmem>>
    %dma_wait3A_174 = tpu.memref_squeeze %dma_wait3A_173 : memref<1x8x1x8x128xf32, #tpu.memory_space<vmem>> -> memref<8x1x8x128xf32, #tpu.memory_space<vmem>>
    tpu.wait_dma2 semaphore(%arg12 : memref<!tpu.dma_semaphore, #tpu.memory_space<semaphore_mem>>) src(%dma_wait3A_174 : memref<8x1x8x128xf32, #tpu.memory_space<vmem>>) dst(%dma_wait3A_168 : memref<8x1x8x128xf32, #tpu.memory_space<hbm>>)
    return
  }
}

</mosaic_0001>

<sc_bundles>
// kernel: kernel.3.cloned.1.call-start
scs
__scs_entry_jumppad:
0x0: {  	(pc) =	sbr.rel $0x88, $3  }
0x1: {  	(tag) =	ssettag $0x0;
	lr =	simm.s32 $0x1  }
0x2: {  	[smem:$0x3F9F] =	sst lr;
	_ =	strace $0xD0000000  }
0x3: {  	_ = 	snop  }
0x4: {  	_ = 	snop  }
0x5: {  	_ = 	snop  }
0x6: {  	_ = 	snop  }
0x7: {  	_ = 	snop  }
__scs_overlays_trampoline_lowered:
0x8: {  	[smem:$0x3FAE] =	sst s0  }
0x9: {  	[smem:$0x3FAF] =	sst s1  }
0xa: {  	[smem:$0x3FB0] =	sst s2  }
0xb: {  	[smem:$0x3FB1] =	sst s3  }
0xc: {  	[smem:$0x3FB2] =	sst s4  }
0xd: {  	[smem:$0x3FB3] =	sst s5  }
0xe: {  	[smem:$0x3FB4] =	sst s6  }
0xf: {  	[smem:$0x3FB5] =	sst s7  }
0x10: {  	[smem:$0x3FB6] =	sst s8  }
0x11: {  	[smem:$0x3FB7] =	sst s9;
	s0 =	simm.s32 @!p0 $0x0  }
0x12: {  	s1 =	sld [smem:$0x3F9D];
	s0 =	simm.s32 @p0 $0x1  }
0x13: {  	[smem:$0x3FB8] =	sst s0;
	s0 =	simm.s32 @!p1 $0x0  }
0x14: {  	s2 =	sld [smem:$0x3F9C];
	s0 =	simm.s32 @p1 $0x1  }
0x15: {  	[smem:$0x3FB9] =	sst s0;
	s0 =	simm.s32 @!p2 $0x0  }
0x16: {  	s3 =	sld [smem:$0x3FDB];
	s0 =	simm.s32 @p2 $0x1  }
0x17: {  	s4 =	simm.s32 $0x1BF5;
	[smem:$0x3FBB] =	sst s0  }
0x18: {  	s0 =	sld [smem:$0x3F9E];
	_ =	swait.ge [sflag:s4], $0x0  }
0x19: {  	s7 =	sld [smem:$0x3F9F]  }
0x1a: {  	s8 =	sadd.s32 $0xFFFFE003, lr  }
0x1b: {  	s9 =	sadd.s32 $0xFFFFFEF7, lr;
	s5 =	simm.s32 $0xFFFFFFFF;
	p2 =	slt.u32 s8, $0xFFFFF086  }
0x1c: {  	p1 =	slt.u32 s9, $0xF7A;
	s5 =	simm.s32 @!p2 $0x0  }
0x1d: {  	s5 =	simm.s32 @p1 $0x1;
	p0 =	seq.s32 s7, s2  }
0x1e: {  	s7 =	smul.u32 @!p0 $0xF7A, s2;
	p2 =	seq.s32 @!p0 s5, $0x0  }
0x1f: {  	s9 =	smul.u32 $0xF7A, s1;
	s8 =	simm.s32 @!p0 $0x1BF5;
	p2 =	por !p2, p0  }
0x20: {  	[sflag:s8] =	ssyncset.s32 @!p0 $0xFFFFF086;
	s6 =	sadd.s32 @!p0 s3, s7;
	s7 =	simm.s32 @!p0 $0x108  }
0x21: {  	s3 =	sadd.s32 s3, s9;
	s6 =	sadd.s32 @!p0 $0x88, s6;
	s7 =	simm.s32 @p2 $0x1082  }
0x22: {  	[simem:s7], [sflag:s8] =	dma.local @!p0 [hbm:s6], $0xF7A  }
0x23: {  	s9 =	sor.u32 $0xD0000000, s2;
	s6 =	simm.s32 $0x108;
	_ =	swait.ge @!p0 [sflag:s8], $0x0  }
0x24: {  	s3 =	sadd.s32 $0x88, s3;
	s6 =	simm.s32 @!p1 $0x1082;
	[sflag:s4] =	ssyncset.s32 $0xFFFFF086  }
0x25: {  	[simem:s6], [sflag:s4] =	dma.local [hbm:s3], $0xF7A  }
0x26: {  	[smem:$0x3F9F] =	sst s1;
	(tag) =	ssettag s2;
	_ =	strace s9  }
0x27: {  	s1 =	sld [smem:$0x3FAF]  }
0x28: {  	s2 =	sld [smem:$0x3FB0]  }
0x29: {  	s4 =	sld [smem:$0x3FB2]  }
0x2a: {  	p0 =	seq.s32 s5, $0x0;
	s5 =	sld [smem:$0x3FB3]  }
0x2b: {  	s6 =	sld [smem:$0x3FB4]  }
0x2c: {  	s7 =	sld [smem:$0x3FB5]  }
0x2d: {  	s3 =	simm.s32 $0x108;
	s8 =	sld [smem:$0x3FB6]  }
0x2e: {  	s3 =	simm.s32 @!p0 $0x1082;
	s9 =	sld [smem:$0x3FB7]  }
0x2f: {  	lr =	sadd.s32 s0, s3;
	s0 =	sld [smem:$0x3FAE]  }
0x30: {  	s3 =	sld [smem:$0x3FB1]  }
0x31: {  	[smem:$0x3FBA] =	sst s10  }
0x32: {  	s10 =	sld [smem:$0x3FB8];
	_ =	sdelay $0x3  }
0x33: {  	p0 =	seq.s32 s10, $0x1;
	s10 =	sld [smem:$0x3FBA];
	_ =	sdelay $0x3  }
0x34: {  	[smem:$0x3FBA] =	sst s10  }
0x35: {  	s10 =	sld [smem:$0x3FB9];
	_ =	sdelay $0x3  }
0x36: {  	p1 =	seq.s32 s10, $0x1;
	s10 =	sld [smem:$0x3FBA];
	_ =	sdelay $0x3  }
0x37: {  	[smem:$0x3FBA] =	sst s10  }
0x38: {  	s10 =	sld [smem:$0x3FBB]  }
0x39: {  	_ = 	snop;
	(pc) =	sbr.ind lr, $3  }
0x3a: {  	_ = 	snop  }
0x3b: {  	_ = 	snop  }
0x3c: {  	p2 =	seq.s32 s10, $0x1;
	s10 =	sld [smem:$0x3FBA]  }
0x3d: {  	_ =	shalt  }
0x3e: {  	_ =	shalt  }
0x3f: {  	_ =	shalt  }
0x40: {  	_ =	shalt  }
0x41: {  	_ =	shalt  }
0x42: {  	_ =	shalt  }
0x43: {  	_ =	shalt  }
0x44: {  	_ =	shalt  }
0x45: {  	_ =	shalt  }
0x46: {  	_ =	shalt  }
0x47: {  	_ =	shalt  }
0x48: {  	_ =	shalt  }
0x49: {  	_ =	shalt  }
0x4a: {  	_ =	shalt  }
0x4b: {  	_ =	shalt  }
0x4c: {  	_ =	shalt  }
0x4d: {  	_ =	shalt  }
0x4e: {  	_ =	shalt  }
0x4f: {  	_ =	shalt  }
0x50: {  	_ =	shalt  }
0x51: {  	_ =	shalt  }
0x52: {  	_ =	shalt  }
0x53: {  	_ =	shalt  }
0x54: {  	_ =	shalt  }
0x55: {  	_ =	shalt  }
0x56: {  	_ =	shalt  }
0x57: {  	_ =	shalt  }
0x58: {  	_ =	shalt  }
0x59: {  	_ =	shalt  }
0x5a: {  	_ =	shalt  }
0x5b: {  	_ =	shalt  }
0x5c: {  	_ =	shalt  }
0x5d: {  	_ =	shalt  }
0x5e: {  	_ =	shalt  }
0x5f: {  	_ =	shalt  }
0x60: {  	_ =	shalt  }
0x61: {  	_ =	shalt  }
0x62: {  	_ =	shalt  }
0x63: {  	_ =	shalt  }
0x64: {  	_ =	shalt  }
0x65: {  	_ =	shalt  }
0x66: {  	_ =	shalt  }
0x67: {  	_ =	shalt  }
0x68: {  	_ =	shalt  }
0x69: {  	_ =	shalt  }
0x6a: {  	_ =	shalt  }
0x6b: {  	_ =	shalt  }
0x6c: {  	_ =	shalt  }
0x6d: {  	_ =	shalt  }
0x6e: {  	_ =	shalt  }
0x6f: {  	_ =	shalt  }
0x70: {  	_ =	shalt  }
0x71: {  	_ =	shalt  }
0x72: {  	_ =	shalt  }
0x73: {  	_ =	shalt  }
0x74: {  	_ =	shalt  }
0x75: {  	_ =	shalt  }
0x76: {  	_ =	shalt  }
0x77: {  	_ =	shalt  }
0x78: {  	_ =	shalt  }
0x79: {  	_ =	shalt  }
0x7a: {  	_ =	shalt  }
0x7b: {  	_ =	shalt  }
0x7c: {  	_ =	shalt  }
0x7d: {  	_ =	shalt  }
0x7e: {  	_ =	shalt  }
0x7f: {  	_ =	shalt  }
0x80: {  	_ =	shalt  }
0x81: {  	_ =	shalt  }
0x82: {  	_ =	shalt  }
0x83: {  	_ =	shalt  }
0x84: {  	_ =	shalt  }
0x85: {  	_ =	shalt  }
0x86: {  	_ =	shalt  }
0x87: {  	_ =	shalt  }
.Lfunc_end0:
.L_simem_size_0:
called_computation_lowered:
.L_overlay_start_0:
0x88: {  	s2 =	sld [smem:$0x3FD9]  }
0x89: {  	s3 =	sld [smem:$0x3FFE];
	_ =	sdelay $0x1  }
0x8a: {  	s1 =	srdreg.scid  }
0x8b: {  	s0 =	sand.u32 $0x1, s1  }
0x8c: {  	s17 =	sshll.u32 s0, $0xA;
	s2 =	sadd.s32 s3, s2  }
0x8d: {  	s2 =	sadd.s32 s2, s17  }
0x8e: {  	[smem:$0x3FC6] =	sst s2  }
0x8f: {  	_ = 	snop  }
0x90: {  	s2 =	sld [smem:$0x3FD0];
	(tm) =	ssettm $0x1  }
0x91: {  	s18 =	sld [smem:$0x3FFB];
	_ =	sdelay $0x3  }
0x92: {  	_ =	strace s18  }
0x93: {  	s3 =	sld [smem:$0x3FFC];
	_ =	sdelay $0x3  }
0x94: {  	_ =	strace s3  }
0x95: {  	s3 =	sld [smem:$0x3FFD];
	_ =	sdelay $0x3  }
0x96: {  	_ =	strace s3  }
0x97: {  	_ =	strace $0x8FFFFFFF  }
0x98: {  	s19 =	sld [smem:$0x3FDB];
	_ =	sdelay $0x1  }
0x99: {  	s4 =	simm.s32 $_scs_section_size  }
0x9a: {  	s5 =	simm.s32 $_size__tile_overlayer_lowered;
	s6 =	simm.s32 $_tile_overlayer_lowered  }
0x9b: {  	s22 =	simm.s32 $0x1BFF;
	s21 =	sshll.u32 s6, $0x1;
	s3 =	sadd.s32 s4, s19  }
0x9c: {  	s7 =	simm.s32 $0x0;
	s20 =	sshll.u32 s5, $0x1;
	s5 =	sadd.s32 s21, s3  }
0x9d: {  	[timem:s7], [sflag:s22] =	dma.local [hbm:s5], s20  }
0x9e: {  	_ =	swait.ge [sflag:s22], s20  }
0x9f: {  	s4 =	ssub.s32 $0x0, s20;
	[sflag:s22] =	ssyncset.done $0x0  }
0xa0: {  	[sflag:s22] =	ssyncadd.s32 s4;
	_ =	sdelay $0x1  }
0xa1: {  	s23 =	simm.s32 $0x1B8B  }
0xa2: {  	_ =	swait.ge [sflag:s23], $0x1  }
0xa3: {  	[sflag:s23] =	ssyncset.done $0x0  }
0xa4: {  	s25 =	simm.s32 $0x1B8E;
	s24 =	sld [smem:$0x3FFE];
	[sflag:s23] =	ssyncadd.s32 $0xFFFFFFFF  }
0xa5: {  	s26 =	simm.s32 $execute0_lowered;
	[smem:$0x3FD2] =	sst s25  }
0xa6: {  	s5 =	sshll.u32 s26, $0x1;
	_ =	strace $0x80000046;
	[dreg:$0x1] =	wrdreg $0xFFFFFFFF  }
0xa7: {  	s28 =	simm.s32 $_size_execute0_lowered;
	s3 =	sadd.s32 s3, s5;
	[dreg:$0x0] =	wrdreg $0x0  }
0xa8: {  	s5 =	sshll.u32 s28, $0x1;
	[dreg:$0x2] =	wrdreg s3  }
0xa9: {  	[dreg:$0x3] =	wrdreg s5  }
0xaa: {  	[dreg:$0x4] =	wrdreg $0xC0  }
0xab: {  	_ =	task [dreg:s7], $0x5FFFF  }
0xac: {  	[dreg:$0x1] =	wrdreg $0xFFFFFFFF  }
0xad: {  	[dreg:$0x0] =	wrdreg $0x60  }
0xae: {  	[dreg:$0x2] =	wrdreg s24  }
0xaf: {  	[dreg:$0x3] =	wrdreg s2  }
0xb0: {  	[dreg:$0x4] =	wrdreg $0x9  }
0xb1: {  	_ =	task.clear_ibuf [dreg:s7], $0x5FFFF;
	_ =	strace $0x90000046  }
0xb2: {  	s29 =	simm.s32 $0x9;
	_ =	strace $0x80000048  }
0xb3: {  	_ =	swait.ge [sflag:s29], $0x1  }
0xb4: {  	[sflag:s29] =	ssyncadd.s32 $0xFFFFFFFF  }
0xb5: {  	_ =	strace $0x90000048  }
0xb6: {  	_ =	sfence  }
0xb7: {  	s30 =	sld [smem:$0x0];
	_ =	sdelay $0x2  }
0xb8: {  	s31 =	sshll.u32 s1, $0xD;
	s1 =	sshrl.u32 s1, $0x2  }
0xb9: {  	s3 =	sand.u32 $0x4000, s31;
	s1 =	sadd.s32 s1, s30  }
0xba: {  	s0 =	sor.u32 s3, s0;
	s1 =	sshll.u32 s1, $0x11  }
0xbb: {  	s0 =	sor.u32 s1, s0  }
0xbc: {  	s0 =	sadd.s32 $0x8F2B, s0  }
0xbd: {  	[sflag:s0] =	ssyncadd.remote.s32 $0x1  }
0xbe: {  	_ =	sfence.sel $0xFFFF  }
0xbf: {  	[dreg:$0x0] =	wrdreg $0xFFFFFFFF;
	(pc) =	sbr.abs _section_cstart, $3  }
0xc0: {  	[dreg:$0x1] =	wrdreg $0xFFFFFFFF  }
0xc1: {  	_ =	task.clear_ibuf [dreg:s7], $0x2FFFF;
	_ =	strace $0x9FFFFFFF  }
0xc2: {  	(tm) =	ssettm $0x7FFFFFFF  }
0xc3: {  	_ =	shalt  }
tec
execute0_lowered:
.L_overlay_start_1:
0x0: {  	(tag) =	ssettag $0x1  }
0x1: {  	v0 =	vlaneseq.u32  }
0x2: {  	v3 =	vmul.u32 $0x88, v0  }
0x3: {  	s4 =	rddreg [dreg:$0x0]  }
0x4: {  	s2 =	rddreg [dreg:$0x1];
	s3 =	simm.s32 $0x0;
	v4 =	vmul.u32 $0xD0, v0;
	v0 =	vadd.s32 $0x880, v3  }
0x5: {  	s1 =	srdreg.scid;
	[smem:$0x7FF] =	sst s3;
	[tilespmem:$0x1FD50] =	vst v0;
	v0 =	vadd.s32 $0x1980, v3  }
0x6: {  	s5 =	sand.u32 $0x1, s1;
	s1 =	rddreg [dreg:$0x2];
	_ =	strace $0x80000047;
	[tilespmem:$0x1FD60] =	vst v0  }
0x7: {  	v5 =	vadd.s32 $0xD00, v4;
	[tilespmem:$0x1FD80] =	vst v4  }
0x8: {  	v6 =	vadd.s32 $0x1A00, v4;
	[tilespmem:$0x1FD90] =	vst v5  }
0x9: {  	v7 =	vadd.s32 $0x2700, v4;
	[tilespmem:$0x1FDA0] =	vst v6  }
0xa: {  	v8 =	vadd.s32 $0x3400, v4;
	[tilespmem:$0x1FDB0] =	vst v7  }
0xb: {  	v9 =	vadd.s32 $0x4100, v4;
	[tilespmem:$0x1FDC0] =	vst v8  }
0xc: {  	v10 =	vadd.s32 $0x4E00, v4;
	[tilespmem:$0x1FDD0] =	vst v9  }
0xd: {  	v11 =	vadd.s32 $0x5B00, v4;
	[tilespmem:$0x1FDE0] =	vst v10  }
0xe: {  	v12 =	vor.u32 $0x1, v3;
	[tilespmem:$0x1FDF0] =	vst v11  }
0xf: {  	v13 =	vadd.s32 $0x881, v3;
	[tilespmem:$0x1FE00] =	vst v12  }
0x10: {  	v14 =	vor.u32 $0x2, v3;
	[tilespmem:$0x1FE10] =	vst v13  }
0x11: {  	v15 =	vadd.s32 $0x882, v3;
	[tilespmem:$0x1FE20] =	vst v14  }
0x12: {  	v16 =	vor.u32 $0x3, v3;
	[tilespmem:$0x1FE30] =	vst v15  }
0x13: {  	v17 =	vadd.s32 $0x883, v3;
	[tilespmem:$0x1FE40] =	vst v16  }
0x14: {  	v18 =	vor.u32 $0x4, v3;
	[tilespmem:$0x1FE50] =	vst v17  }
0x15: {  	v19 =	vadd.s32 $0x884, v3;
	[tilespmem:$0x1FE60] =	vst v18  }
0x16: {  	v20 =	vor.u32 $0x5, v3;
	[tilespmem:$0x1FE70] =	vst v19  }
0x17: {  	v21 =	vadd.s32 $0x885, v3;
	[tilespmem:$0x1FE80] =	vst v20  }
0x18: {  	v22 =	vor.u32 $0x6, v3;
	[tilespmem:$0x1FE90] =	vst v21  }
0x19: {  	v23 =	vadd.s32 $0x886, v3;
	[tilespmem:$0x1FEA0] =	vst v22  }
0x1a: {  	v24 =	vor.u32 $0x7, v3;
	[tilespmem:$0x1FEB0] =	vst v23  }
0x1b: {  	v25 =	vadd.s32 $0x887, v3;
	[tilespmem:$0x1FEC0] =	vst v24  }
0x1c: {  	v26 =	vadd.s32 $0x8, v3;
	[tilespmem:$0x1FED0] =	vst v25  }
0x1d: {  	v27 =	vadd.s32 $0x888, v3;
	[tilespmem:$0x1FEE0] =	vst v26  }
0x1e: {  	v28 =	vadd.s32 $0x9, v3;
	[tilespmem:$0x1FEF0] =	vst v27  }
0x1f: {  	v29 =	vadd.s32 $0x889, v3;
	[tilespmem:$0x1FF00] =	vst v28  }
0x20: {  	v30 =	vadd.s32 $0xA, v3;
	[tilespmem:$0x1FF10] =	vst v29  }
0x21: {  	v31 =	vadd.s32 $0x88A, v3;
	[tilespmem:$0x1FF20] =	vst v30  }
0x22: {  	v32 =	vadd.s32 $0xB, v3;
	[tilespmem:$0x1FF30] =	vst v31  }
0x23: {  	v33 =	vadd.s32 $0x88B, v3;
	[tilespmem:$0x1FF40] =	vst v32  }
0x24: {  	v34 =	vadd.s32 $0xC, v3;
	[tilespmem:$0x1FF50] =	vst v33  }
0x25: {  	v35 =	vadd.s32 $0x88C, v3;
	[tilespmem:$0x1FF60] =	vst v34  }
0x26: {  	v36 =	vadd.s32 $0xD, v3;
	v37 =	vadd.s32 $0x88D, v3;
	[tilespmem:$0x1FF70] =	vst v35  }
0x27: {  	s0 =	stileid.u32;
	s10 =	simm.s32 $0x6800;
	s11 =	simm.s32 $0xCC00;
	v38 =	vadd.s32 $0xE, v3;
	v39 =	vadd.s32 $0x88E, v3;
	v40 =	vadd.s32 $0xF, v3;
	[tilespmem:$0x1FF80] =	vst v36  }
0x28: {  	s9 =	simm.s32 $0x80;
	s12 =	simm.s32 $0x6880;
	s13 =	simm.s32 $0xDC00;
	v41 =	vadd.s32 $0x88F, v3;
	v42 =	vadd.s32 $0x1100, v3;
	v43 =	vadd.s32 $0x1981, v3;
	[tilespmem:$0x1FF90] =	vst v37  }
0x29: {  	s14 =	simm.s32 $0xEC00;
	s15 =	simm.s32 $0xFC00;
	s16 =	simm.s32 $0x1;
	v44 =	vadd.s32 $0x1102, v3;
	v45 =	vadd.s32 $0x1982, v3;
	v46 =	vadd.s32 $0x1103, v3;
	[tilespmem:$0x1FFA0] =	vst v38  }
0x2a: {  	s17 =	simm.s32 $0x10C00;
	s18 =	simm.s32 $0x2;
	s6 =	sshll.u32 s0, $0x1;
	v47 =	vadd.s32 $0x1983, v3;
	v48 =	vadd.s32 $0x1104, v3;
	v49 =	vadd.s32 $0x1984, v3;
	[tilespmem:$0x1FFB0] =	vst v39  }
0x2b: {  	s19 =	simm.s32 $0x12E00;
	s20 =	simm.s32 $0x3;
	s6 =	sor.u32 s5, s6;
	v50 =	vadd.s32 $0x1105, v3;
	v51 =	vadd.s32 $0x1985, v3;
	v52 =	vadd.s32 $0x1106, v3;
	[tilespmem:$0x1FFC0] =	vst v40  }
0x2c: {  	s21 =	simm.s32 $0x4;
	s5 =	ssub.s32 $0x2, s5;
	s7 =	smul.u32 $0xC80, s6;
	v53 =	vadd.s32 $0x1986, v3;
	v54 =	vadd.s32 $0x1107, v3;
	v55 =	vadd.s32 $0x1987, v3;
	[tilespmem:$0x1FFD0] =	vst v41  }
0x2d: {  	s22 =	simm.s32 $0x0;
	s8 =	sshrl.u32 s5, $0x1;
	s6 =	sshll.u32 s6, $0xA;
	v56 =	vadd.s32 $0x1108, v3;
	v57 =	vadd.s32 $0x1988, v3;
	v58 =	vadd.s32 $0x1109, v3;
	[tilespmem:$0x1FFE0] =	vst v42  }
0x2e: {  	v59 =	vadd.s32 $0x1989, v3;
	v60 =	vadd.s32 $0x110A, v3;
	s8 =	ssub.s32 s5, s8;
	v0 =	vadd.s32 $0x1101, v3;
	s7 =	sadd.s32 s7, s4;
	s4 =	sadd.s32 $0x19600, s4;
	[tilespmem:$0x1FFF0] =	vst v3  }
0x2f: {  	v61 =	vadd.s32 $0x198A, v3;
	v62 =	vadd.s32 $0x110B, v3;
	v63 =	vadd.s32 $0x198B, v3;
	[tilespmem:$0x1FD70] =	vst v0;
	s5 =	sadd.s32 $0x600, s7;
	s7 =	smax.u32 s8, $0x1;
	s8 =	simm.s32 $0x5  }
.LBB2_1:
0x30: {  	s24 =	simm.s32 $0x19  }
0x31: {  	s26 =	sadd.s32 $0x0, s5;
	s25 =	simm.s32 $0xD0;
	s23 =	simm.s32 $0x0  }
.LBB2_2:
0x32: {  	[tilespmem:s23], [sflag:$0x5] =	stream.linear.gather [hbm4b:s26+s3], $0xC8, $0x38;
	[tilespmem:$0x15000] =	vst v63  }
0x33: {  	s26 =	smov.u32 s24;
	s23 =	smov.u32 s25;
	p0 =	sne.s32 s24, $0xC67  }
.Ltmp0:
0x34: {  	s24 =	sadd.s32 $0x19, s24;
	(pc) =	sbr.rel @p0 .LBB2_2-.Ltmp0, $2  }
0x35: {  	_ =	sdelay $0x2  }
0x36: {  	s25 =	sadd.s32 $0xD0, s25;
	s26 =	sadd.s32 s26, s5  }
0x37: {  	s24 =	simm.s32 $0x0  }
0x38: {  	v0 =	vmov s24  }
0x39: {  	v0 =	vand.u32 $0xFF, v0  }
0x3a: {  	v1 =	vadd.s32 v4, v0  }
0x3b: {  	[tilespmem:s23], [sflag:$0x5] =	stream.linear.gather [hbm4b:s26+s3], $0xC8, $0x38;
	[tilespmem:$0x15000] =	vst v63  }
0x3c: {  	_ =	swait.ge [sflag:s8], $0x6400  }
0x3d: {  	[sflag:s8] =	ssyncset.done $0x0  }
0x3e: {  	[sflag:s8] =	ssyncadd.s32 $0xFFFF9C00  }
0x3f: {  	v1 =	vld.idx.msk [tilespmem:v1+s3+$0x0], $0xffff  }
0x40: {  	v2 =	vadd.s32 v5, v0;
	_ =	sdelay $0x2  }
0x41: {  	s23 =	simm.s32 $0x6840  }
0x42: {  	[tilespmem:s23+$0xFFFFFFC0] =	vst v1  }
0x43: {  	v1 =	vld.idx.msk [tilespmem:v2+s3+$0x0], $0xffff  }
0x44: {  	v2 =	vadd.s32 v6, v0;
	_ =	sdelay $0x3  }
0x45: {  	[tilespmem:s23+$0xFFFFFFD0] =	vst v1  }
0x46: {  	v1 =	vld.idx.msk [tilespmem:v2+s3+$0x0], $0xffff  }
0x47: {  	v2 =	vadd.s32 v7, v0;
	_ =	sdelay $0x3  }
0x48: {  	[tilespmem:s23+$0xFFFFFFE0] =	vst v1  }
0x49: {  	v1 =	vld.idx.msk [tilespmem:v2+s3+$0x0], $0xffff  }
0x4a: {  	v2 =	vadd.s32 v8, v0;
	_ =	sdelay $0x3  }
0x4b: {  	[tilespmem:s23+$0xFFFFFFF0] =	vst v1  }
0x4c: {  	v1 =	vld.idx.msk [tilespmem:v2+s3+$0x0], $0xffff  }
0x4d: {  	v2 =	vadd.s32 v9, v0;
	_ =	sdelay $0x3  }
0x4e: {  	[tilespmem:s23+$0x0] =	vst v1  }
0x4f: {  	v1 =	vld.idx.msk [tilespmem:v2+s3+$0x0], $0xffff  }
0x50: {  	v2 =	vadd.s32 v10, v0;
	_ =	sdelay $0x3  }
0x51: {  	[tilespmem:s23+$0x10] =	vst v1  }
0x52: {  	v1 =	vld.idx.msk [tilespmem:v2+s3+$0x0], $0xffff  }
0x53: {  	v0 =	vadd.s32 v11, v0;
	_ =	sdelay $0x3  }
0x54: {  	s31 =	simm.s32 $0x1;
	[tilespmem:s23+$0x20] =	vst v1  }
0x55: {  	s24 =	simm.s32 $0x2;
	v1 =	vmov s31;
	v0 =	vld.idx.msk [tilespmem:v0+s3+$0x0], $0xffff  }
.LBB2_4:
0x56: {  	p0 =	sne.s32 s24, $0xC7;
	v1 =	vand.u32 $0xFF, v1  }
0x57: {  	v2 =	vadd.s32 v4, v1;
	_ =	sdelay $0x3  }
0x58: {  	[tilespmem:s23+$0x30] =	vst v0  }
0x59: {  	v0 =	vld.idx.msk [tilespmem:v2+s3+$0x0], $0xffff;
	_ =	sdelay $0x1  }
0x5a: {  	v2 =	vadd.s32 v5, v1;
	_ =	sdelay $0x2  }
0x5b: {  	s23 =	sadd.s32 $0x80, s23  }
0x5c: {  	[tilespmem:s23+$0xFFFFFFC0] =	vst v0  }
0x5d: {  	v0 =	vld.idx.msk [tilespmem:v2+s3+$0x0], $0xffff;
	_ =	sdelay $0x1  }
0x5e: {  	v2 =	vadd.s32 v6, v1;
	_ =	sdelay $0x3  }
0x5f: {  	[tilespmem:s23+$0xFFFFFFD0] =	vst v0  }
0x60: {  	v0 =	vld.idx.msk [tilespmem:v2+s3+$0x0], $0xffff;
	_ =	sdelay $0x1  }
0x61: {  	v2 =	vadd.s32 v7, v1;
	_ =	sdelay $0x3  }
0x62: {  	[tilespmem:s23+$0xFFFFFFE0] =	vst v0  }
0x63: {  	v0 =	vld.idx.msk [tilespmem:v2+s3+$0x0], $0xffff;
	_ =	sdelay $0x1  }
0x64: {  	v2 =	vadd.s32 v8, v1;
	_ =	sdelay $0x3  }
0x65: {  	[tilespmem:s23+$0xFFFFFFF0] =	vst v0  }
0x66: {  	v0 =	vld.idx.msk [tilespmem:v2+s3+$0x0], $0xffff;
	_ =	sdelay $0x1  }
0x67: {  	v2 =	vadd.s32 v9, v1;
	_ =	sdelay $0x3  }
0x68: {  	[tilespmem:s23+$0x0] =	vst v0  }
0x69: {  	v0 =	vld.idx.msk [tilespmem:v2+s3+$0x0], $0xffff;
	_ =	sdelay $0x1  }
0x6a: {  	v2 =	vadd.s32 v10, v1;
	_ =	sdelay $0x3  }
0x6b: {  	[tilespmem:s23+$0x10] =	vst v0  }
0x6c: {  	v0 =	vld.idx.msk [tilespmem:v2+s3+$0x0], $0xffff;
	_ =	sdelay $0x1  }
0x6d: {  	v2 =	vadd.s32 v11, v1  }
.Ltmp1:
0x6e: {  	(pc) =	sbr.rel @p0 .LBB2_4-.Ltmp1, $3  }
0x6f: {  	_ =	sdelay $0x1  }
0x70: {  	[tilespmem:s23+$0x20] =	vst v0  }
0x71: {  	v1 =	vmov s24;
	s24 =	sadd.s32 $0x1, s24;
	v0 =	vld.idx.msk [tilespmem:v2+s3+$0x0], $0xffff  }
0x72: {  	v1 =	vand.u32 $0xFF, v1  }
0x73: {  	v2 =	vadd.s32 v4, v1;
	_ =	sdelay $0x3  }
0x74: {  	[tilespmem:s23+$0x30] =	vst v0  }
0x75: {  	v0 =	vld.idx.msk [tilespmem:v2+s3+$0x0], $0xffff  }
0x76: {  	v2 =	vadd.s32 v5, v1;
	_ =	sdelay $0x2  }
0x77: {  	s31 =	sadd.s32 $0x80, s23  }
0x78: {  	[tilespmem:s31+$0xFFFFFFC0] =	vst v0  }
0x79: {  	v0 =	vld.idx.msk [tilespmem:v2+s3+$0x0], $0xffff  }
0x7a: {  	v2 =	vadd.s32 v6, v1;
	_ =	sdelay $0x3  }
0x7b: {  	[tilespmem:s31+$0xFFFFFFD0] =	vst v0  }
0x7c: {  	v0 =	vld.idx.msk [tilespmem:v2+s3+$0x0], $0xffff  }
0x7d: {  	v2 =	vadd.s32 v7, v1;
	_ =	sdelay $0x3  }
0x7e: {  	[tilespmem:s31+$0xFFFFFFE0] =	vst v0  }
0x7f: {  	v0 =	vld.idx.msk [tilespmem:v2+s3+$0x0], $0xffff  }
0x80: {  	v2 =	vadd.s32 v8, v1;
	_ =	sdelay $0x3  }
0x81: {  	[tilespmem:s31+$0xFFFFFFF0] =	vst v0  }
0x82: {  	v0 =	vld.idx.msk [tilespmem:v2+s3+$0x0], $0xffff  }
0x83: {  	v2 =	vadd.s32 v9, v1;
	_ =	sdelay $0x3  }
0x84: {  	[tilespmem:s31+$0x0] =	vst v0  }
0x85: {  	v0 =	vld.idx.msk [tilespmem:v2+s3+$0x0], $0xffff  }
0x86: {  	v2 =	vadd.s32 v10, v1;
	_ =	sdelay $0x3  }
0x87: {  	[tilespmem:s31+$0x10] =	vst v0  }
0x88: {  	v0 =	vld.idx.msk [tilespmem:v2+s3+$0x0], $0xffff  }
0x89: {  	v1 =	vadd.s32 v11, v1;
	_ =	sdelay $0x3  }
0x8a: {  	[tilespmem:s31+$0x20] =	vst v0  }
0x8b: {  	v0 =	vld.idx.msk [tilespmem:v1+s3+$0x0], $0xffff;
	_ =	sdelay $0x4  }
0x8c: {  	[tilespmem:s31+$0x30] =	vst v0  }
0x8d: {  	[tilespmem:s11], [sflag:$0x1] =	stream.indirect.gather [hbm4b:s4+s9], $0x20, s10, s9, $0xb8;
	[tilespmem:$0x15000] =	vst v63  }
0x8e: {  	s23 =	simm.s32 $0x0  }
0x8f: {  	[tilespmem:s13], [sflag:$0x1] =	stream.indirect.gather [hbm4b:s4+s9], $0x20, s12, s9, $0xb8;
	[tilespmem:$0x15000] =	vst v63  }
.LBB2_6:
0x90: {  	s24 =	sshllo.u32 s23, $0x1  }
0x91: {  	s25 =	sshll.u32 s24, $0x8  }
0x92: {  	s25 =	sand.u32 $0x3FFFFF00, s25  }
0x93: {  	s26 =	sadd.s32 $0x6800, s25  }
0x94: {  	[tilespmem:s14], [sflag:$0x2] =	stream.indirect.gather [hbm4b:s4+s9], $0x20, s26, s9, $0xb8;
	[tilespmem:$0x15000] =	vst v63  }
0x95: {  	p0 =	seq.s32 s23, $0x0;
	s25 =	sadd.s32 $0x6880, s25  }
0x96: {  	[tilespmem:s15], [sflag:$0x2] =	stream.indirect.gather [hbm4b:s4+s9], $0x20, s25, s9, $0xb8;
	[tilespmem:$0x15000] =	vst v63  }
0x97: {  	s25 =	simm.s32 @!p0 $0x3  }
0x98: {  	_ =	swait.ge @!p0 [sflag:s25], $0x2000  }
0x99: {  	[sflag:s25] =	ssyncset.done @!p0 $0x0  }
0x9a: {  	[sflag:s25] =	ssyncadd.s32 @!p0 $0xFFFFE000  }
0x9b: {  	_ =	swait.ge [sflag:s16], $0x1000  }
0x9c: {  	[sflag:s16] =	ssyncset.done $0x0  }
0x9d: {  	v0 =	vimm.s32 $0x0;
	s25 =	simm.s32 $0xCD00;
	[sflag:s16] =	ssyncadd.s32 $0xFFFFF000  }
0x9e: {  	v2 =	vadd.s32 v3, v0;
	v1 =	vld [tilespmem:s25+$0xFFFFFF00]  }
0x9f: {  	v4 =	vld [tilespmem:$0x1FD50];
	_ =	sdelay $0x3  }
0xa0: {  	[tilespmem:v2+s17+$0x0] =	vst.idx.msk $0xffff, v1  }
0xa1: {  	v2 =	vadd.s32 v4, v0;
	v1 =	vld [tilespmem:s25+$0xFFFFFF10];
	_ =	sdelay $0x4  }
0xa2: {  	[tilespmem:v2+s17+$0x0] =	vst.idx.msk $0xffff, v1  }
0xa3: {  	v2 =	vadd.s32 v12, v0;
	v1 =	vld [tilespmem:s25+$0xFFFFFF20];
	_ =	sdelay $0x4  }
0xa4: {  	[tilespmem:v2+s17+$0x0] =	vst.idx.msk $0xffff, v1  }
0xa5: {  	v2 =	vadd.s32 v13, v0;
	v1 =	vld [tilespmem:s25+$0xFFFFFF30];
	_ =	sdelay $0x4  }
0xa6: {  	[tilespmem:v2+s17+$0x0] =	vst.idx.msk $0xffff, v1  }
0xa7: {  	v2 =	vadd.s32 v14, v0;
	v1 =	vld [tilespmem:s25+$0xFFFFFF40];
	_ =	sdelay $0x4  }
0xa8: {  	[tilespmem:v2+s17+$0x0] =	vst.idx.msk $0xffff, v1  }
0xa9: {  	v2 =	vadd.s32 v15, v0;
	v1 =	vld [tilespmem:s25+$0xFFFFFF50];
	_ =	sdelay $0x4  }
0xaa: {  	[tilespmem:v2+s17+$0x0] =	vst.idx.msk $0xffff, v1  }
0xab: {  	v2 =	vadd.s32 v16, v0;
	v1 =	vld [tilespmem:s25+$0xFFFFFF60];
	_ =	sdelay $0x4  }
0xac: {  	[tilespmem:v2+s17+$0x0] =	vst.idx.msk $0xffff, v1  }
0xad: {  	v2 =	vadd.s32 v17, v0;
	v1 =	vld [tilespmem:s25+$0xFFFFFF70];
	_ =	sdelay $0x4  }
0xae: {  	[tilespmem:v2+s17+$0x0] =	vst.idx.msk $0xffff, v1  }
0xaf: {  	v2 =	vadd.s32 v18, v0;
	v1 =	vld [tilespmem:s25+$0xFFFFFF80];
	_ =	sdelay $0x4  }
0xb0: {  	[tilespmem:v2+s17+$0x0] =	vst.idx.msk $0xffff, v1  }
0xb1: {  	v2 =	vadd.s32 v19, v0;
	v1 =	vld [tilespmem:s25+$0xFFFFFF90];
	_ =	sdelay $0x4  }
0xb2: {  	[tilespmem:v2+s17+$0x0] =	vst.idx.msk $0xffff, v1  }
0xb3: {  	v2 =	vadd.s32 v20, v0;
	v1 =	vld [tilespmem:s25+$0xFFFFFFA0];
	_ =	sdelay $0x4  }
0xb4: {  	[tilespmem:v2+s17+$0x0] =	vst.idx.msk $0xffff, v1  }
0xb5: {  	v2 =	vadd.s32 v21, v0;
	v1 =	vld [tilespmem:s25+$0xFFFFFFB0];
	_ =	sdelay $0x4  }
0xb6: {  	[tilespmem:v2+s17+$0x0] =	vst.idx.msk $0xffff, v1  }
0xb7: {  	v2 =	vadd.s32 v22, v0;
	v1 =	vld [tilespmem:s25+$0xFFFFFFC0];
	_ =	sdelay $0x4  }
0xb8: {  	[tilespmem:v2+s17+$0x0] =	vst.idx.msk $0xffff, v1  }
0xb9: {  	v2 =	vadd.s32 v23, v0;
	v1 =	vld [tilespmem:s25+$0xFFFFFFD0];
	_ =	sdelay $0x4  }
0xba: {  	[tilespmem:v2+s17+$0x0] =	vst.idx.msk $0xffff, v1  }
0xbb: {  	v2 =	vadd.s32 v24, v0;
	v1 =	vld [tilespmem:s25+$0xFFFFFFE0];
	_ =	sdelay $0x4  }
0xbc: {  	[tilespmem:v2+s17+$0x0] =	vst.idx.msk $0xffff, v1  }
0xbd: {  	v2 =	vadd.s32 v25, v0;
	v1 =	vld [tilespmem:s25+$0xFFFFFFF0];
	_ =	sdelay $0x4  }
0xbe: {  	[tilespmem:v2+s17+$0x0] =	vst.idx.msk $0xffff, v1  }
0xbf: {  	v2 =	vadd.s32 v26, v0;
	v1 =	vld [tilespmem:s25+$0x0];
	_ =	sdelay $0x4  }
0xc0: {  	[tilespmem:v2+s17+$0x0] =	vst.idx.msk $0xffff, v1  }
0xc1: {  	v2 =	vadd.s32 v27, v0;
	v1 =	vld [tilespmem:s25+$0x10];
	_ =	sdelay $0x4  }
0xc2: {  	[tilespmem:v2+s17+$0x0] =	vst.idx.msk $0xffff, v1  }
0xc3: {  	v2 =	vadd.s32 v28, v0;
	v1 =	vld [tilespmem:s25+$0x20];
	_ =	sdelay $0x4  }
0xc4: {  	[tilespmem:v2+s17+$0x0] =	vst.idx.msk $0xffff, v1  }
0xc5: {  	v2 =	vadd.s32 v29, v0;
	v1 =	vld [tilespmem:s25+$0x30];
	_ =	sdelay $0x4  }
0xc6: {  	[tilespmem:v2+s17+$0x0] =	vst.idx.msk $0xffff, v1  }
0xc7: {  	v2 =	vadd.s32 v30, v0;
	v1 =	vld [tilespmem:s25+$0x40];
	_ =	sdelay $0x4  }
0xc8: {  	[tilespmem:v2+s17+$0x0] =	vst.idx.msk $0xffff, v1  }
0xc9: {  	v2 =	vadd.s32 v31, v0;
	v1 =	vld [tilespmem:s25+$0x50];
	_ =	sdelay $0x4  }
0xca: {  	[tilespmem:v2+s17+$0x0] =	vst.idx.msk $0xffff, v1  }
0xcb: {  	v2 =	vadd.s32 v32, v0;
	v1 =	vld [tilespmem:s25+$0x60];
	_ =	sdelay $0x4  }
0xcc: {  	[tilespmem:v2+s17+$0x0] =	vst.idx.msk $0xffff, v1  }
0xcd: {  	v2 =	vadd.s32 v33, v0;
	v1 =	vld [tilespmem:s25+$0x70];
	_ =	sdelay $0x4  }
0xce: {  	[tilespmem:v2+s17+$0x0] =	vst.idx.msk $0xffff, v1  }
0xcf: {  	v2 =	vadd.s32 v34, v0;
	v1 =	vld [tilespmem:s25+$0x80];
	_ =	sdelay $0x4  }
0xd0: {  	[tilespmem:v2+s17+$0x0] =	vst.idx.msk $0xffff, v1  }
0xd1: {  	v2 =	vadd.s32 v35, v0;
	v1 =	vld [tilespmem:s25+$0x90];
	_ =	sdelay $0x4  }
0xd2: {  	[tilespmem:v2+s17+$0x0] =	vst.idx.msk $0xffff, v1  }
0xd3: {  	v2 =	vadd.s32 v36, v0;
	v1 =	vld [tilespmem:s25+$0xA0];
	_ =	sdelay $0x4  }
0xd4: {  	[tilespmem:v2+s17+$0x0] =	vst.idx.msk $0xffff, v1  }
0xd5: {  	v2 =	vadd.s32 v37, v0;
	v1 =	vld [tilespmem:s25+$0xB0];
	_ =	sdelay $0x4  }
0xd6: {  	[tilespmem:v2+s17+$0x0] =	vst.idx.msk $0xffff, v1  }
0xd7: {  	v2 =	vadd.s32 v38, v0;
	v1 =	vld [tilespmem:s25+$0xC0];
	_ =	sdelay $0x4  }
0xd8: {  	[tilespmem:v2+s17+$0x0] =	vst.idx.msk $0xffff, v1  }
0xd9: {  	v2 =	vadd.s32 v39, v0;
	v1 =	vld [tilespmem:s25+$0xD0];
	_ =	sdelay $0x4  }
0xda: {  	[tilespmem:v2+s17+$0x0] =	vst.idx.msk $0xffff, v1  }
0xdb: {  	v2 =	vadd.s32 v40, v0;
	v1 =	vld [tilespmem:s25+$0xE0];
	_ =	sdelay $0x4  }
0xdc: {  	[tilespmem:v2+s17+$0x0] =	vst.idx.msk $0xffff, v1  }
0xdd: {  	s26 =	simm.s32 $0x0;
	v2 =	vadd.s32 v41, v0;
	v1 =	vld [tilespmem:s25+$0xF0]  }
.LBB2_7:
0xde: {  	_ =	sdelay $0x3  }
0xdf: {  	s26 =	sadd.s32 $0x10, s26;
	v0 =	vadd.s32 $0x10, v0;
	s25 =	sadd.s32 $0x200, s25;
	[tilespmem:v2+s17+$0x0] =	vst.idx.msk $0xffff, v1  }
0xe0: {  	p0 =	slt.u32 s26, $0x70;
	v2 =	vadd.s32 v3, v0;
	v1 =	vld [tilespmem:s25+$0xFFFFFF00];
	_ =	sdelay $0x4  }
0xe1: {  	[tilespmem:v2+s17+$0x0] =	vst.idx.msk $0xffff, v1  }
0xe2: {  	v2 =	vadd.s32 v4, v0;
	v1 =	vld [tilespmem:s25+$0xFFFFFF10];
	_ =	sdelay $0x4  }
0xe3: {  	[tilespmem:v2+s17+$0x0] =	vst.idx.msk $0xffff, v1  }
0xe4: {  	v2 =	vadd.s32 v12, v0;
	v1 =	vld [tilespmem:s25+$0xFFFFFF20];
	_ =	sdelay $0x4  }
0xe5: {  	[tilespmem:v2+s17+$0x0] =	vst.idx.msk $0xffff, v1  }
0xe6: {  	v2 =	vadd.s32 v13, v0;
	v1 =	vld [tilespmem:s25+$0xFFFFFF30];
	_ =	sdelay $0x4  }
0xe7: {  	[tilespmem:v2+s17+$0x0] =	vst.idx.msk $0xffff, v1  }
0xe8: {  	v2 =	vadd.s32 v14, v0;
	v1 =	vld [tilespmem:s25+$0xFFFFFF40];
	_ =	sdelay $0x4  }
0xe9: {  	[tilespmem:v2+s17+$0x0] =	vst.idx.msk $0xffff, v1  }
0xea: {  	v2 =	vadd.s32 v15, v0;
	v1 =	vld [tilespmem:s25+$0xFFFFFF50];
	_ =	sdelay $0x4  }
0xeb: {  	[tilespmem:v2+s17+$0x0] =	vst.idx.msk $0xffff, v1  }
0xec: {  	v2 =	vadd.s32 v16, v0;
	v1 =	vld [tilespmem:s25+$0xFFFFFF60];
	_ =	sdelay $0x4  }
0xed: {  	[tilespmem:v2+s17+$0x0] =	vst.idx.msk $0xffff, v1  }
0xee: {  	v2 =	vadd.s32 v17, v0;
	v1 =	vld [tilespmem:s25+$0xFFFFFF70];
	_ =	sdelay $0x4  }
0xef: {  	[tilespmem:v2+s17+$0x0] =	vst.idx.msk $0xffff, v1  }
0xf0: {  	v2 =	vadd.s32 v18, v0;
	v1 =	vld [tilespmem:s25+$0xFFFFFF80];
	_ =	sdelay $0x4  }
0xf1: {  	[tilespmem:v2+s17+$0x0] =	vst.idx.msk $0xffff, v1  }
0xf2: {  	v2 =	vadd.s32 v19, v0;
	v1 =	vld [tilespmem:s25+$0xFFFFFF90];
	_ =	sdelay $0x4  }
0xf3: {  	[tilespmem:v2+s17+$0x0] =	vst.idx.msk $0xffff, v1  }
0xf4: {  	v2 =	vadd.s32 v20, v0;
	v1 =	vld [tilespmem:s25+$0xFFFFFFA0];
	_ =	sdelay $0x4  }
0xf5: {  	[tilespmem:v2+s17+$0x0] =	vst.idx.msk $0xffff, v1  }
0xf6: {  	v2 =	vadd.s32 v21, v0;
	v1 =	vld [tilespmem:s25+$0xFFFFFFB0];
	_ =	sdelay $0x4  }
0xf7: {  	[tilespmem:v2+s17+$0x0] =	vst.idx.msk $0xffff, v1  }
0xf8: {  	v2 =	vadd.s32 v22, v0;
	v1 =	vld [tilespmem:s25+$0xFFFFFFC0];
	_ =	sdelay $0x4  }
0xf9: {  	[tilespmem:v2+s17+$0x0] =	vst.idx.msk $0xffff, v1  }
0xfa: {  	v2 =	vadd.s32 v23, v0;
	v1 =	vld [tilespmem:s25+$0xFFFFFFD0];
	_ =	sdelay $0x4  }
0xfb: {  	[tilespmem:v2+s17+$0x0] =	vst.idx.msk $0xffff, v1  }
0xfc: {  	v2 =	vadd.s32 v24, v0;
	v1 =	vld [tilespmem:s25+$0xFFFFFFE0];
	_ =	sdelay $0x4  }
0xfd: {  	[tilespmem:v2+s17+$0x0] =	vst.idx.msk $0xffff, v1  }
0xfe: {  	v2 =	vadd.s32 v25, v0;
	v1 =	vld [tilespmem:s25+$0xFFFFFFF0];
	_ =	sdelay $0x4  }
0xff: {  	[tilespmem:v2+s17+$0x0] =	vst.idx.msk $0xffff, v1  }
0x100: {  	v2 =	vadd.s32 v26, v0;
	v1 =	vld [tilespmem:s25+$0x0];
	_ =	sdelay $0x4  }
0x101: {  	[tilespmem:v2+s17+$0x0] =	vst.idx.msk $0xffff, v1  }
0x102: {  	v2 =	vadd.s32 v27, v0;
	v1 =	vld [tilespmem:s25+$0x10];
	_ =	sdelay $0x4  }
0x103: {  	[tilespmem:v2+s17+$0x0] =	vst.idx.msk $0xffff, v1  }
0x104: {  	v2 =	vadd.s32 v28, v0;
	v1 =	vld [tilespmem:s25+$0x20];
	_ =	sdelay $0x4  }
0x105: {  	[tilespmem:v2+s17+$0x0] =	vst.idx.msk $0xffff, v1  }
0x106: {  	v2 =	vadd.s32 v29, v0;
	v1 =	vld [tilespmem:s25+$0x30];
	_ =	sdelay $0x4  }
0x107: {  	[tilespmem:v2+s17+$0x0] =	vst.idx.msk $0xffff, v1  }
0x108: {  	v2 =	vadd.s32 v30, v0;
	v1 =	vld [tilespmem:s25+$0x40];
	_ =	sdelay $0x4  }
0x109: {  	[tilespmem:v2+s17+$0x0] =	vst.idx.msk $0xffff, v1  }
0x10a: {  	v2 =	vadd.s32 v31, v0;
	v1 =	vld [tilespmem:s25+$0x50];
	_ =	sdelay $0x4  }
0x10b: {  	[tilespmem:v2+s17+$0x0] =	vst.idx.msk $0xffff, v1  }
0x10c: {  	v2 =	vadd.s32 v32, v0;
	v1 =	vld [tilespmem:s25+$0x60];
	_ =	sdelay $0x4  }
0x10d: {  	[tilespmem:v2+s17+$0x0] =	vst.idx.msk $0xffff, v1  }
0x10e: {  	v2 =	vadd.s32 v33, v0;
	v1 =	vld [tilespmem:s25+$0x70];
	_ =	sdelay $0x4  }
0x10f: {  	[tilespmem:v2+s17+$0x0] =	vst.idx.msk $0xffff, v1  }
0x110: {  	v2 =	vadd.s32 v34, v0;
	v1 =	vld [tilespmem:s25+$0x80];
	_ =	sdelay $0x4  }
0x111: {  	[tilespmem:v2+s17+$0x0] =	vst.idx.msk $0xffff, v1  }
0x112: {  	v2 =	vadd.s32 v35, v0;
	v1 =	vld [tilespmem:s25+$0x90];
	_ =	sdelay $0x4  }
0x113: {  	[tilespmem:v2+s17+$0x0] =	vst.idx.msk $0xffff, v1  }
0x114: {  	v2 =	vadd.s32 v36, v0;
	v1 =	vld [tilespmem:s25+$0xA0];
	_ =	sdelay $0x4  }
0x115: {  	[tilespmem:v2+s17+$0x0] =	vst.idx.msk $0xffff, v1  }
0x116: {  	v2 =	vadd.s32 v37, v0;
	v1 =	vld [tilespmem:s25+$0xB0];
	_ =	sdelay $0x4  }
0x117: {  	[tilespmem:v2+s17+$0x0] =	vst.idx.msk $0xffff, v1  }
0x118: {  	v2 =	vadd.s32 v38, v0;
	v1 =	vld [tilespmem:s25+$0xC0];
	_ =	sdelay $0x4  }
0x119: {  	[tilespmem:v2+s17+$0x0] =	vst.idx.msk $0xffff, v1  }
0x11a: {  	v2 =	vadd.s32 v39, v0;
	v1 =	vld [tilespmem:s25+$0xD0];
	_ =	sdelay $0x4  }
0x11b: {  	[tilespmem:v2+s17+$0x0] =	vst.idx.msk $0xffff, v1  }
0x11c: {  	v2 =	vadd.s32 v40, v0;
	v1 =	vld [tilespmem:s25+$0xE0];
	_ =	sdelay $0x1  }
.Ltmp2:
0x11d: {  	(pc) =	sbr.rel @p0 .LBB2_7-.Ltmp2, $3  }
0x11e: {  	_ =	sdelay $0x1  }
0x11f: {  	[tilespmem:v2+s17+$0x0] =	vst.idx.msk $0xffff, v1  }
0x120: {  	v2 =	vadd.s32 v41, v0;
	v1 =	vld [tilespmem:s25+$0xF0]  }
0x121: {  	_ =	sdelay $0x3  }
0x122: {  	[tilespmem:v2+s17+$0x0] =	vst.idx.msk $0xffff, v1  }
0x123: {  	_ =	swait.ge [sflag:s16], $0x1000  }
0x124: {  	[sflag:s16] =	ssyncset.done $0x0  }
0x125: {  	v9 =	vimm.s32 $0x0;
	s25 =	simm.s32 $0xDDF0;
	[sflag:s16] =	ssyncadd.s32 $0xFFFFF000  }
0x126: {  	v1 =	vadd.s32 v42, v9;
	v0 =	vld [tilespmem:s25+$0xFFFFFE10]  }
0x127: {  	v12 =	vld [tilespmem:$0x1FD60];
	_ =	sdelay $0x3  }
0x128: {  	[tilespmem:v1+s17+$0x0] =	vst.idx.msk $0xffff, v0  }
0x129: {  	v1 =	vadd.s32 v12, v9;
	v0 =	vld [tilespmem:s25+$0xFFFFFE20]  }
0x12a: {  	v11 =	vmov v3;
	v3 =	vld [tilespmem:$0x1FD70];
	_ =	sdelay $0x3  }
0x12b: {  	[tilespmem:v1+s17+$0x0] =	vst.idx.msk $0xffff, v0  }
0x12c: {  	v1 =	vadd.s32 v3, v9;
	v0 =	vld [tilespmem:s25+$0xFFFFFE30];
	_ =	sdelay $0x4  }
0x12d: {  	[tilespmem:v1+s17+$0x0] =	vst.idx.msk $0xffff, v0  }
0x12e: {  	v1 =	vadd.s32 v43, v9;
	v0 =	vld [tilespmem:s25+$0xFFFFFE40];
	_ =	sdelay $0x4  }
0x12f: {  	[tilespmem:v1+s17+$0x0] =	vst.idx.msk $0xffff, v0  }
0x130: {  	v1 =	vadd.s32 v44, v9;
	v0 =	vld [tilespmem:s25+$0xFFFFFE50];
	_ =	sdelay $0x4  }
0x131: {  	[tilespmem:v1+s17+$0x0] =	vst.idx.msk $0xffff, v0  }
0x132: {  	v1 =	vadd.s32 v45, v9;
	v0 =	vld [tilespmem:s25+$0xFFFFFE60];
	_ =	sdelay $0x4  }
0x133: {  	[tilespmem:v1+s17+$0x0] =	vst.idx.msk $0xffff, v0  }
0x134: {  	v1 =	vadd.s32 v46, v9;
	v0 =	vld [tilespmem:s25+$0xFFFFFE70];
	_ =	sdelay $0x4  }
0x135: {  	[tilespmem:v1+s17+$0x0] =	vst.idx.msk $0xffff, v0  }
0x136: {  	v1 =	vadd.s32 v47, v9;
	v0 =	vld [tilespmem:s25+$0xFFFFFE80];
	_ =	sdelay $0x4  }
0x137: {  	[tilespmem:v1+s17+$0x0] =	vst.idx.msk $0xffff, v0  }
0x138: {  	v1 =	vadd.s32 v48, v9;
	v0 =	vld [tilespmem:s25+$0xFFFFFE90];
	_ =	sdelay $0x4  }
0x139: {  	[tilespmem:v1+s17+$0x0] =	vst.idx.msk $0xffff, v0  }
0x13a: {  	v1 =	vadd.s32 v49, v9;
	v0 =	vld [tilespmem:s25+$0xFFFFFEA0];
	_ =	sdelay $0x4  }
0x13b: {  	[tilespmem:v1+s17+$0x0] =	vst.idx.msk $0xffff, v0  }
0x13c: {  	v1 =	vadd.s32 v50, v9;
	v0 =	vld [tilespmem:s25+$0xFFFFFEB0];
	_ =	sdelay $0x4  }
0x13d: {  	[tilespmem:v1+s17+$0x0] =	vst.idx.msk $0xffff, v0  }
0x13e: {  	v1 =	vadd.s32 v51, v9;
	v0 =	vld [tilespmem:s25+$0xFFFFFEC0];
	_ =	sdelay $0x4  }
0x13f: {  	[tilespmem:v1+s17+$0x0] =	vst.idx.msk $0xffff, v0  }
0x140: {  	v1 =	vadd.s32 v52, v9;
	v0 =	vld [tilespmem:s25+$0xFFFFFED0];
	_ =	sdelay $0x4  }
0x141: {  	[tilespmem:v1+s17+$0x0] =	vst.idx.msk $0xffff, v0  }
0x142: {  	v1 =	vadd.s32 v53, v9;
	v0 =	vld [tilespmem:s25+$0xFFFFFEE0];
	_ =	sdelay $0x4  }
0x143: {  	[tilespmem:v1+s17+$0x0] =	vst.idx.msk $0xffff, v0  }
0x144: {  	v1 =	vadd.s32 v54, v9;
	v0 =	vld [tilespmem:s25+$0xFFFFFEF0];
	_ =	sdelay $0x4  }
0x145: {  	[tilespmem:v1+s17+$0x0] =	vst.idx.msk $0xffff, v0  }
0x146: {  	v1 =	vadd.s32 v55, v9;
	v0 =	vld [tilespmem:s25+$0xFFFFFF00];
	_ =	sdelay $0x4  }
0x147: {  	[tilespmem:v1+s17+$0x0] =	vst.idx.msk $0xffff, v0  }
0x148: {  	v1 =	vadd.s32 v56, v9;
	v0 =	vld [tilespmem:s25+$0xFFFFFF10];
	_ =	sdelay $0x4  }
0x149: {  	[tilespmem:v1+s17+$0x0] =	vst.idx.msk $0xffff, v0  }
0x14a: {  	v1 =	vadd.s32 v57, v9;
	v0 =	vld [tilespmem:s25+$0xFFFFFF20];
	_ =	sdelay $0x4  }
0x14b: {  	[tilespmem:v1+s17+$0x0] =	vst.idx.msk $0xffff, v0  }
0x14c: {  	v1 =	vadd.s32 v58, v9;
	v0 =	vld [tilespmem:s25+$0xFFFFFF30];
	_ =	sdelay $0x4  }
0x14d: {  	[tilespmem:v1+s17+$0x0] =	vst.idx.msk $0xffff, v0  }
0x14e: {  	v1 =	vadd.s32 v59, v9;
	v0 =	vld [tilespmem:s25+$0xFFFFFF40];
	_ =	sdelay $0x4  }
0x14f: {  	[tilespmem:v1+s17+$0x0] =	vst.idx.msk $0xffff, v0  }
0x150: {  	v1 =	vadd.s32 v60, v9;
	v0 =	vld [tilespmem:s25+$0xFFFFFF50];
	_ =	sdelay $0x4  }
0x151: {  	[tilespmem:v1+s17+$0x0] =	vst.idx.msk $0xffff, v0  }
0x152: {  	v1 =	vadd.s32 v61, v9;
	v0 =	vld [tilespmem:s25+$0xFFFFFF60];
	_ =	sdelay $0x4  }
0x153: {  	[tilespmem:v1+s17+$0x0] =	vst.idx.msk $0xffff, v0  }
0x154: {  	v1 =	vadd.s32 v62, v9;
	v0 =	vld [tilespmem:s25+$0xFFFFFF70];
	_ =	sdelay $0x4  }
0x155: {  	[tilespmem:v1+s17+$0x0] =	vst.idx.msk $0xffff, v0  }
0x156: {  	v1 =	vadd.s32 v63, v9;
	v0 =	vld [tilespmem:s25+$0xFFFFFF80];
	_ =	sdelay $0x4  }
0x157: {  	[tilespmem:v1+s17+$0x0] =	vst.idx.msk $0xffff, v0;
	v0 =	vadd.s32 $0x110C, v11  }
0x158: {  	v1 =	vld [tilespmem:s25+$0xFFFFFF90];
	v2 =	vadd.s32 v0, v9;
	_ =	sdelay $0x4  }
0x159: {  	[tilespmem:v2+s17+$0x0] =	vst.idx.msk $0xffff, v1;
	v1 =	vadd.s32 $0x198C, v11  }
0x15a: {  	v2 =	vld [tilespmem:s25+$0xFFFFFFA0];
	v4 =	vadd.s32 v1, v9;
	_ =	sdelay $0x4  }
0x15b: {  	[tilespmem:v4+s17+$0x0] =	vst.idx.msk $0xffff, v2;
	v2 =	vadd.s32 $0x110D, v11  }
0x15c: {  	v4 =	vld [tilespmem:s25+$0xFFFFFFB0];
	v5 =	vadd.s32 v2, v9;
	_ =	sdelay $0x4  }
0x15d: {  	[tilespmem:v5+s17+$0x0] =	vst.idx.msk $0xffff, v4;
	v4 =	vadd.s32 $0x198D, v11  }
0x15e: {  	v5 =	vld [tilespmem:s25+$0xFFFFFFC0];
	v6 =	vadd.s32 v4, v9;
	_ =	sdelay $0x4  }
0x15f: {  	[tilespmem:v6+s17+$0x0] =	vst.idx.msk $0xffff, v5;
	v5 =	vadd.s32 $0x110E, v11  }
0x160: {  	v6 =	vld [tilespmem:s25+$0xFFFFFFD0];
	v7 =	vadd.s32 v5, v9;
	_ =	sdelay $0x4  }
0x161: {  	[tilespmem:v7+s17+$0x0] =	vst.idx.msk $0xffff, v6;
	v6 =	vadd.s32 $0x198E, v11  }
0x162: {  	v7 =	vld [tilespmem:s25+$0xFFFFFFE0];
	v8 =	vadd.s32 v6, v9;
	_ =	sdelay $0x4  }
0x163: {  	[tilespmem:v8+s17+$0x0] =	vst.idx.msk $0xffff, v7;
	v7 =	vadd.s32 $0x110F, v11  }
0x164: {  	v8 =	vld [tilespmem:s25+$0xFFFFFFF0];
	v10 =	vadd.s32 v7, v9;
	_ =	sdelay $0x4  }
0x165: {  	[tilespmem:v10+s17+$0x0] =	vst.idx.msk $0xffff, v8;
	v8 =	vadd.s32 $0x198F, v11  }
0x166: {  	s26 =	simm.s32 $0x0;
	v10 =	vld [tilespmem:s25+$0x0];
	v11 =	vadd.s32 v8, v9  }
.LBB2_9:
0x167: {  	_ =	sdelay $0x3  }
0x168: {  	s26 =	sadd.s32 $0x10, s26;
	v9 =	vadd.s32 $0x10, v9;
	s25 =	sadd.s32 $0x200, s25;
	[tilespmem:v11+s17+$0x0] =	vst.idx.msk $0xffff, v10  }
0x169: {  	p0 =	slt.u32 s26, $0x70;
	v11 =	vadd.s32 v42, v9;
	v10 =	vld [tilespmem:s25+$0xFFFFFE10];
	_ =	sdelay $0x4  }
0x16a: {  	[tilespmem:v11+s17+$0x0] =	vst.idx.msk $0xffff, v10  }
0x16b: {  	v11 =	vadd.s32 v12, v9;
	v10 =	vld [tilespmem:s25+$0xFFFFFE20];
	_ =	sdelay $0x4  }
0x16c: {  	[tilespmem:v11+s17+$0x0] =	vst.idx.msk $0xffff, v10  }
0x16d: {  	v11 =	vadd.s32 v3, v9;
	v10 =	vld [tilespmem:s25+$0xFFFFFE30];
	_ =	sdelay $0x4  }
0x16e: {  	[tilespmem:v11+s17+$0x0] =	vst.idx.msk $0xffff, v10  }
0x16f: {  	v11 =	vadd.s32 v43, v9;
	v10 =	vld [tilespmem:s25+$0xFFFFFE40];
	_ =	sdelay $0x4  }
0x170: {  	[tilespmem:v11+s17+$0x0] =	vst.idx.msk $0xffff, v10  }
0x171: {  	v11 =	vadd.s32 v44, v9;
	v10 =	vld [tilespmem:s25+$0xFFFFFE50];
	_ =	sdelay $0x4  }
0x172: {  	[tilespmem:v11+s17+$0x0] =	vst.idx.msk $0xffff, v10  }
0x173: {  	v11 =	vadd.s32 v45, v9;
	v10 =	vld [tilespmem:s25+$0xFFFFFE60];
	_ =	sdelay $0x4  }
0x174: {  	[tilespmem:v11+s17+$0x0] =	vst.idx.msk $0xffff, v10  }
0x175: {  	v11 =	vadd.s32 v46, v9;
	v10 =	vld [tilespmem:s25+$0xFFFFFE70];
	_ =	sdelay $0x4  }
0x176: {  	[tilespmem:v11+s17+$0x0] =	vst.idx.msk $0xffff, v10  }
0x177: {  	v11 =	vadd.s32 v47, v9;
	v10 =	vld [tilespmem:s25+$0xFFFFFE80];
	_ =	sdelay $0x4  }
0x178: {  	[tilespmem:v11+s17+$0x0] =	vst.idx.msk $0xffff, v10  }
0x179: {  	v11 =	vadd.s32 v48, v9;
	v10 =	vld [tilespmem:s25+$0xFFFFFE90];
	_ =	sdelay $0x4  }
0x17a: {  	[tilespmem:v11+s17+$0x0] =	vst.idx.msk $0xffff, v10  }
0x17b: {  	v11 =	vadd.s32 v49, v9;
	v10 =	vld [tilespmem:s25+$0xFFFFFEA0];
	_ =	sdelay $0x4  }
0x17c: {  	[tilespmem:v11+s17+$0x0] =	vst.idx.msk $0xffff, v10  }
0x17d: {  	v11 =	vadd.s32 v50, v9;
	v10 =	vld [tilespmem:s25+$0xFFFFFEB0];
	_ =	sdelay $0x4  }
0x17e: {  	[tilespmem:v11+s17+$0x0] =	vst.idx.msk $0xffff, v10  }
0x17f: {  	v11 =	vadd.s32 v51, v9;
	v10 =	vld [tilespmem:s25+$0xFFFFFEC0];
	_ =	sdelay $0x4  }
0x180: {  	[tilespmem:v11+s17+$0x0] =	vst.idx.msk $0xffff, v10  }
0x181: {  	v11 =	vadd.s32 v52, v9;
	v10 =	vld [tilespmem:s25+$0xFFFFFED0];
	_ =	sdelay $0x4  }
0x182: {  	[tilespmem:v11+s17+$0x0] =	vst.idx.msk $0xffff, v10  }
0x183: {  	v11 =	vadd.s32 v53, v9;
	v10 =	vld [tilespmem:s25+$0xFFFFFEE0];
	_ =	sdelay $0x4  }
0x184: {  	[tilespmem:v11+s17+$0x0] =	vst.idx.msk $0xffff, v10  }
0x185: {  	v11 =	vadd.s32 v54, v9;
	v10 =	vld [tilespmem:s25+$0xFFFFFEF0];
	_ =	sdelay $0x4  }
0x186: {  	[tilespmem:v11+s17+$0x0] =	vst.idx.msk $0xffff, v10  }
0x187: {  	v11 =	vadd.s32 v55, v9;
	v10 =	vld [tilespmem:s25+$0xFFFFFF00];
	_ =	sdelay $0x4  }
0x188: {  	[tilespmem:v11+s17+$0x0] =	vst.idx.msk $0xffff, v10  }
0x189: {  	v11 =	vadd.s32 v56, v9;
	v10 =	vld [tilespmem:s25+$0xFFFFFF10];
	_ =	sdelay $0x4  }
0x18a: {  	[tilespmem:v11+s17+$0x0] =	vst.idx.msk $0xffff, v10  }
0x18b: {  	v11 =	vadd.s32 v57, v9;
	v10 =	vld [tilespmem:s25+$0xFFFFFF20];
	_ =	sdelay $0x4  }
0x18c: {  	[tilespmem:v11+s17+$0x0] =	vst.idx.msk $0xffff, v10  }
0x18d: {  	v11 =	vadd.s32 v58, v9;
	v10 =	vld [tilespmem:s25+$0xFFFFFF30];
	_ =	sdelay $0x4  }
0x18e: {  	[tilespmem:v11+s17+$0x0] =	vst.idx.msk $0xffff, v10  }
0x18f: {  	v11 =	vadd.s32 v59, v9;
	v10 =	vld [tilespmem:s25+$0xFFFFFF40];
	_ =	sdelay $0x4  }
0x190: {  	[tilespmem:v11+s17+$0x0] =	vst.idx.msk $0xffff, v10  }
0x191: {  	v11 =	vadd.s32 v60, v9;
	v10 =	vld [tilespmem:s25+$0xFFFFFF50];
	_ =	sdelay $0x4  }
0x192: {  	[tilespmem:v11+s17+$0x0] =	vst.idx.msk $0xffff, v10  }
0x193: {  	v11 =	vadd.s32 v61, v9;
	v10 =	vld [tilespmem:s25+$0xFFFFFF60];
	_ =	sdelay $0x4  }
0x194: {  	[tilespmem:v11+s17+$0x0] =	vst.idx.msk $0xffff, v10  }
0x195: {  	v11 =	vadd.s32 v62, v9;
	v10 =	vld [tilespmem:s25+$0xFFFFFF70];
	_ =	sdelay $0x4  }
0x196: {  	[tilespmem:v11+s17+$0x0] =	vst.idx.msk $0xffff, v10  }
0x197: {  	v11 =	vadd.s32 v63, v9;
	v10 =	vld [tilespmem:s25+$0xFFFFFF80];
	_ =	sdelay $0x4  }
0x198: {  	[tilespmem:v11+s17+$0x0] =	vst.idx.msk $0xffff, v10  }
0x199: {  	v11 =	vadd.s32 v0, v9;
	v10 =	vld [tilespmem:s25+$0xFFFFFF90];
	_ =	sdelay $0x4  }
0x19a: {  	[tilespmem:v11+s17+$0x0] =	vst.idx.msk $0xffff, v10  }
0x19b: {  	v11 =	vadd.s32 v1, v9;
	v10 =	vld [tilespmem:s25+$0xFFFFFFA0];
	_ =	sdelay $0x4  }
0x19c: {  	[tilespmem:v11+s17+$0x0] =	vst.idx.msk $0xffff, v10  }
0x19d: {  	v11 =	vadd.s32 v2, v9;
	v10 =	vld [tilespmem:s25+$0xFFFFFFB0];
	_ =	sdelay $0x4  }
0x19e: {  	[tilespmem:v11+s17+$0x0] =	vst.idx.msk $0xffff, v10  }
0x19f: {  	v11 =	vadd.s32 v4, v9;
	v10 =	vld [tilespmem:s25+$0xFFFFFFC0];
	_ =	sdelay $0x4  }
0x1a0: {  	[tilespmem:v11+s17+$0x0] =	vst.idx.msk $0xffff, v10  }
0x1a1: {  	v11 =	vadd.s32 v5, v9;
	v10 =	vld [tilespmem:s25+$0xFFFFFFD0];
	_ =	sdelay $0x4  }
0x1a2: {  	[tilespmem:v11+s17+$0x0] =	vst.idx.msk $0xffff, v10  }
0x1a3: {  	v11 =	vadd.s32 v6, v9;
	v10 =	vld [tilespmem:s25+$0xFFFFFFE0];
	_ =	sdelay $0x4  }
0x1a4: {  	[tilespmem:v11+s17+$0x0] =	vst.idx.msk $0xffff, v10  }
0x1a5: {  	v11 =	vadd.s32 v7, v9;
	v10 =	vld [tilespmem:s25+$0xFFFFFFF0];
	_ =	sdelay $0x1  }
.Ltmp3:
0x1a6: {  	(pc) =	sbr.rel @p0 .LBB2_9-.Ltmp3, $3  }
0x1a7: {  	_ =	sdelay $0x1  }
0x1a8: {  	[tilespmem:v11+s17+$0x0] =	vst.idx.msk $0xffff, v10  }
0x1a9: {  	v11 =	vadd.s32 v8, v9;
	v10 =	vld [tilespmem:s25+$0x0]  }
0x1aa: {  	_ = 	snop  }
0x1ab: {  	s25 =	sshll.u32 s23, $0x13  }
0x1ac: {  	s25 =	sor.u32 s6, s25  }
0x1ad: {  	s25 =	sshrl.u32 s25, $0x3  }
0x1ae: {  	s31 =	simm.s32 $0x10C00;
	s26 =	sadd.s32 s2, s25;
	[tilespmem:v11+s17+$0x0] =	vst.idx.msk $0xffff, v10  }
0x1af: {  	[hbm4b:s26+s3] =	stream.linear.scatter [tilespmem:s31], [sflag:$0x3], $0x80, $0x38;
	[tilespmem:$0x15000] =	vst v63  }
0x1b0: {  	s28 =	sadd.s32 $0x10, s26;
	s31 =	simm.s32 $0x10C88  }
0x1b1: {  	[hbm4b:s28+s3] =	stream.linear.scatter [tilespmem:s31], [sflag:$0x3], $0x80, $0x38;
	[tilespmem:$0x15000] =	vst v63  }
0x1b2: {  	s31 =	simm.s32 $0x10D10;
	s28 =	sadd.s32 $0x20, s26  }
0x1b3: {  	[hbm4b:s28+s3] =	stream.linear.scatter [tilespmem:s31], [sflag:$0x3], $0x80, $0x38;
	[tilespmem:$0x15000] =	vst v63  }
0x1b4: {  	s31 =	simm.s32 $0x10D98;
	s28 =	sadd.s32 $0x30, s26  }
0x1b5: {  	[hbm4b:s28+s3] =	stream.linear.scatter [tilespmem:s31], [sflag:$0x3], $0x80, $0x38;
	[tilespmem:$0x15000] =	vst v63  }
0x1b6: {  	s31 =	simm.s32 $0x10E20;
	s28 =	sadd.s32 $0x40, s26  }
0x1b7: {  	[hbm4b:s28+s3] =	stream.linear.scatter [tilespmem:s31], [sflag:$0x3], $0x80, $0x38;
	[tilespmem:$0x15000] =	vst v63  }
0x1b8: {  	s29 =	simm.s32 $0x10FB8;
	s31 =	simm.s32 $0x10EA8;
	s28 =	sadd.s32 $0x50, s26  }
0x1b9: {  	[hbm4b:s28+s3] =	stream.linear.scatter [tilespmem:s31], [sflag:$0x3], $0x80, $0x38;
	[tilespmem:$0x15000] =	vst v63  }
0x1ba: {  	s25 =	simm.s32 $0x440;
	s31 =	simm.s32 $0x10F30;
	s28 =	sadd.s32 $0x60, s26  }
0x1bb: {  	[hbm4b:s28+s3] =	stream.linear.scatter [tilespmem:s31], [sflag:$0x3], $0x80, $0x38;
	[tilespmem:$0x15000] =	vst v63  }
0x1bc: {  	s30 =	sadd.s32 $0x70, s26;
	s26 =	sadd.s32 $0x1000, s26;
	s28 =	simm.s32 $0x2200  }
.LBB2_11:
0x1bd: {  	[hbm4b:s30+s3] =	stream.linear.scatter [tilespmem:s29], [sflag:$0x3], $0x80, $0x38;
	[tilespmem:$0x15000] =	vst v63  }
0x1be: {  	s29 =	smov.u32 s25;
	s25 =	smov.u32 s28  }
0x1bf: {  	s31 =	sadd.s32 $0x1100, s28;
	s25 =	sshra.s32 s25, $0x2;
	s30 =	sadd.s32 $0x10C00, s29  }
0x1c0: {  	[hbm4b:s26+s3] =	stream.linear.scatter [tilespmem:s30], [sflag:$0x3], $0x80, $0x38;
	[tilespmem:$0x15000] =	vst v63  }
0x1c1: {  	p0 =	sne.s32 s28, $0x7700;
	s28 =	sadd.s32 $0x10C88, s29;
	s30 =	sadd.s32 $0x10, s26  }
0x1c2: {  	[hbm4b:s30+s3] =	stream.linear.scatter [tilespmem:s28], [sflag:$0x3], $0x80, $0x38;
	[tilespmem:$0x15000] =	vst v63  }
0x1c3: {  	s28 =	sadd.s32 $0x10D10, s29;
	s30 =	sadd.s32 $0x20, s26  }
0x1c4: {  	[hbm4b:s30+s3] =	stream.linear.scatter [tilespmem:s28], [sflag:$0x3], $0x80, $0x38;
	[tilespmem:$0x15000] =	vst v63  }
0x1c5: {  	s28 =	sadd.s32 $0x10D98, s29;
	s30 =	sadd.s32 $0x30, s26  }
0x1c6: {  	[hbm4b:s30+s3] =	stream.linear.scatter [tilespmem:s28], [sflag:$0x3], $0x80, $0x38;
	[tilespmem:$0x15000] =	vst v63  }
0x1c7: {  	s28 =	sadd.s32 $0x10E20, s29;
	s30 =	sadd.s32 $0x40, s26  }
0x1c8: {  	[hbm4b:s30+s3] =	stream.linear.scatter [tilespmem:s28], [sflag:$0x3], $0x80, $0x38;
	[tilespmem:$0x15000] =	vst v63  }
.Ltmp4:
0x1c9: {  	s28 =	sadd.s32 $0x10EA8, s29;
	s30 =	sadd.s32 $0x50, s26;
	(pc) =	sbr.rel @p0 .LBB2_11-.Ltmp4, $4  }
0x1ca: {  	[hbm4b:s30+s3] =	stream.linear.scatter [tilespmem:s28], [sflag:$0x3], $0x80, $0x38;
	[tilespmem:$0x15000] =	vst v63  }
0x1cb: {  	s28 =	sadd.s32 $0x10F30, s29;
	s30 =	sadd.s32 $0x60, s26;
	s29 =	sadd.s32 $0x10FB8, s29  }
0x1cc: {  	[hbm4b:s30+s3] =	stream.linear.scatter [tilespmem:s28], [sflag:$0x3], $0x80, $0x38;
	[tilespmem:$0x15000] =	vst v63  }
0x1cd: {  	s30 =	sadd.s32 $0x70, s26;
	s26 =	sadd.s32 $0x1000, s26;
	s28 =	smov.u32 s31  }
0x1ce: {  	[hbm4b:s30+s3] =	stream.linear.scatter [tilespmem:s29], [sflag:$0x3], $0x80, $0x38;
	[tilespmem:$0x15000] =	vst v63  }
0x1cf: {  	s28 =	sadd.s32 $0x10C00, s25  }
0x1d0: {  	[hbm4b:s26+s3] =	stream.linear.scatter [tilespmem:s28], [sflag:$0x3], $0x80, $0x38;
	[tilespmem:$0x15000] =	vst v63  }
0x1d1: {  	s30 =	sadd.s32 $0x10C88, s25;
	s31 =	sadd.s32 $0x10, s26  }
0x1d2: {  	[hbm4b:s31+s3] =	stream.linear.scatter [tilespmem:s30], [sflag:$0x3], $0x80, $0x38;
	[tilespmem:$0x15000] =	vst v63  }
0x1d3: {  	s30 =	sadd.s32 $0x10D10, s25;
	s31 =	sadd.s32 $0x20, s26  }
0x1d4: {  	[hbm4b:s31+s3] =	stream.linear.scatter [tilespmem:s30], [sflag:$0x3], $0x80, $0x38;
	[tilespmem:$0x15000] =	vst v63  }
0x1d5: {  	s30 =	sadd.s32 $0x10D98, s25;
	s31 =	sadd.s32 $0x30, s26  }
0x1d6: {  	[hbm4b:s31+s3] =	stream.linear.scatter [tilespmem:s30], [sflag:$0x3], $0x80, $0x38;
	[tilespmem:$0x15000] =	vst v63  }
0x1d7: {  	s30 =	sadd.s32 $0x10E20, s25;
	s31 =	sadd.s32 $0x40, s26  }
0x1d8: {  	[hbm4b:s31+s3] =	stream.linear.scatter [tilespmem:s30], [sflag:$0x3], $0x80, $0x38;
	[tilespmem:$0x15000] =	vst v63  }
0x1d9: {  	s30 =	sadd.s32 $0x10EA8, s25;
	s31 =	sadd.s32 $0x50, s26  }
0x1da: {  	[hbm4b:s31+s3] =	stream.linear.scatter [tilespmem:s30], [sflag:$0x3], $0x80, $0x38;
	[tilespmem:$0x15000] =	vst v63  }
0x1db: {  	p0 =	seq.s32 s23, $0x31;
	s30 =	sadd.s32 $0x10F30, s25;
	s31 =	sadd.s32 $0x60, s26  }
0x1dc: {  	[hbm4b:s31+s3] =	stream.linear.scatter [tilespmem:s30], [sflag:$0x3], $0x80, $0x38;
	[tilespmem:$0x15000] =	vst v63  }
0x1dd: {  	s30 =	sadd.s32 $0x10FB8, s25;
	s25 =	sshll.u32 @!p0 s23, $0x9  }
0x1de: {  	s31 =	sadd.s32 $0x70, s26;
	s25 =	sand.u32 @!p0 $0x3FFFFE00, s25  }
0x1df: {  	[hbm4b:s31+s3] =	stream.linear.scatter [tilespmem:s30], [sflag:$0x3], $0x80, $0x38;
	[tilespmem:$0x15000] =	vst v63  }
0x1e0: {  	s29 =	simm.s32 @!p0 $0xCC00;
	s28 =	simm.s32 @!p0 $0x80;
	s26 =	sadd.s32 @!p0 $0x6A00, s25  }
0x1e1: {  	[tilespmem:s29], [sflag:$0x1] =	stream.indirect.gather @!p0 [hbm4b:s4+s28], $0x20, s26, s28, $0xb8;
	[tilespmem:$0x15000] =	vst v63  }
0x1e2: {  	p1 =	seq.s32 @!p0 s23, $0x0;
	s25 =	sadd.s32 @!p0 $0x6A80, s25;
	s26 =	simm.s32 @!p0 $0xDC00  }
0x1e3: {  	[tilespmem:s26], [sflag:$0x1] =	stream.indirect.gather @!p0 [hbm4b:s4+s28], $0x20, s25, s28, $0xb8;
	[tilespmem:$0x15000] =	vst v63  }
0x1e4: {  	p0 =	por p0, !p1  }
0x1e5: {  	v12 =	vld [tilespmem:$0x1FFF0];
	_ =	swait.ge @p0 [sflag:s21], $0x2000  }
0x1e6: {  	[sflag:s21] =	ssyncset.done @p0 $0x0  }
0x1e7: {  	[sflag:s21] =	ssyncadd.s32 @p0 $0xFFFFE000  }
0x1e8: {  	_ =	swait.ge [sflag:s18], $0x1000  }
0x1e9: {  	[sflag:s18] =	ssyncset.done $0x0  }
0x1ea: {  	v9 =	vimm.s32 $0x0;
	s25 =	simm.s32 $0xEDF0;
	[sflag:s18] =	ssyncadd.s32 $0xFFFFF000  }
0x1eb: {  	v11 =	vadd.s32 v12, v9;
	v10 =	vld [tilespmem:s25+$0xFFFFFE10]  }
0x1ec: {  	v3 =	vld [tilespmem:$0x1FD50];
	_ =	sdelay $0x3  }
0x1ed: {  	[tilespmem:v11+s19+$0x0] =	vst.idx.msk $0xffff, v10  }
0x1ee: {  	v11 =	vadd.s32 v3, v9;
	v10 =	vld [tilespmem:s25+$0xFFFFFE20]  }
0x1ef: {  	v13 =	vld [tilespmem:$0x1FE00];
	_ =	sdelay $0x3  }
0x1f0: {  	[tilespmem:v11+s19+$0x0] =	vst.idx.msk $0xffff, v10  }
0x1f1: {  	v11 =	vadd.s32 v13, v9;
	v10 =	vld [tilespmem:s25+$0xFFFFFE30]  }
0x1f2: {  	v14 =	vld [tilespmem:$0x1FE10];
	_ =	sdelay $0x3  }
0x1f3: {  	[tilespmem:v11+s19+$0x0] =	vst.idx.msk $0xffff, v10  }
0x1f4: {  	v11 =	vadd.s32 v14, v9;
	v10 =	vld [tilespmem:s25+$0xFFFFFE40]  }
0x1f5: {  	v15 =	vld [tilespmem:$0x1FE20];
	_ =	sdelay $0x3  }
0x1f6: {  	[tilespmem:v11+s19+$0x0] =	vst.idx.msk $0xffff, v10  }
0x1f7: {  	v11 =	vadd.s32 v15, v9;
	v10 =	vld [tilespmem:s25+$0xFFFFFE50]  }
0x1f8: {  	v16 =	vld [tilespmem:$0x1FE30];
	_ =	sdelay $0x3  }
0x1f9: {  	[tilespmem:v11+s19+$0x0] =	vst.idx.msk $0xffff, v10  }
0x1fa: {  	v11 =	vadd.s32 v16, v9;
	v10 =	vld [tilespmem:s25+$0xFFFFFE60]  }
0x1fb: {  	v17 =	vld [tilespmem:$0x1FE40];
	_ =	sdelay $0x3  }
0x1fc: {  	[tilespmem:v11+s19+$0x0] =	vst.idx.msk $0xffff, v10  }
0x1fd: {  	v11 =	vadd.s32 v17, v9;
	v10 =	vld [tilespmem:s25+$0xFFFFFE70]  }
0x1fe: {  	v18 =	vld [tilespmem:$0x1FE50];
	_ =	sdelay $0x3  }
0x1ff: {  	[tilespmem:v11+s19+$0x0] =	vst.idx.msk $0xffff, v10  }
0x200: {  	v11 =	vadd.s32 v18, v9;
	v10 =	vld [tilespmem:s25+$0xFFFFFE80]  }
0x201: {  	v19 =	vld [tilespmem:$0x1FE60];
	_ =	sdelay $0x3  }
0x202: {  	[tilespmem:v11+s19+$0x0] =	vst.idx.msk $0xffff, v10  }
0x203: {  	v11 =	vadd.s32 v19, v9;
	v10 =	vld [tilespmem:s25+$0xFFFFFE90]  }
0x204: {  	v20 =	vld [tilespmem:$0x1FE70];
	_ =	sdelay $0x3  }
0x205: {  	[tilespmem:v11+s19+$0x0] =	vst.idx.msk $0xffff, v10  }
0x206: {  	v11 =	vadd.s32 v20, v9;
	v10 =	vld [tilespmem:s25+$0xFFFFFEA0]  }
0x207: {  	v21 =	vld [tilespmem:$0x1FE80];
	_ =	sdelay $0x3  }
0x208: {  	[tilespmem:v11+s19+$0x0] =	vst.idx.msk $0xffff, v10  }
0x209: {  	v11 =	vadd.s32 v21, v9;
	v10 =	vld [tilespmem:s25+$0xFFFFFEB0]  }
0x20a: {  	v22 =	vld [tilespmem:$0x1FE90];
	_ =	sdelay $0x3  }
0x20b: {  	[tilespmem:v11+s19+$0x0] =	vst.idx.msk $0xffff, v10  }
0x20c: {  	v11 =	vadd.s32 v22, v9;
	v10 =	vld [tilespmem:s25+$0xFFFFFEC0]  }
0x20d: {  	v23 =	vld [tilespmem:$0x1FEA0];
	_ =	sdelay $0x3  }
0x20e: {  	[tilespmem:v11+s19+$0x0] =	vst.idx.msk $0xffff, v10  }
0x20f: {  	v11 =	vadd.s32 v23, v9;
	v10 =	vld [tilespmem:s25+$0xFFFFFED0]  }
0x210: {  	v24 =	vld [tilespmem:$0x1FEB0];
	_ =	sdelay $0x3  }
0x211: {  	[tilespmem:v11+s19+$0x0] =	vst.idx.msk $0xffff, v10  }
0x212: {  	v11 =	vadd.s32 v24, v9;
	v10 =	vld [tilespmem:s25+$0xFFFFFEE0]  }
0x213: {  	v25 =	vld [tilespmem:$0x1FEC0];
	_ =	sdelay $0x3  }
0x214: {  	[tilespmem:v11+s19+$0x0] =	vst.idx.msk $0xffff, v10  }
0x215: {  	v11 =	vadd.s32 v25, v9;
	v10 =	vld [tilespmem:s25+$0xFFFFFEF0]  }
0x216: {  	v26 =	vld [tilespmem:$0x1FED0];
	_ =	sdelay $0x3  }
0x217: {  	[tilespmem:v11+s19+$0x0] =	vst.idx.msk $0xffff, v10  }
0x218: {  	v11 =	vadd.s32 v26, v9;
	v10 =	vld [tilespmem:s25+$0xFFFFFF00]  }
0x219: {  	v27 =	vld [tilespmem:$0x1FEE0];
	_ =	sdelay $0x3  }
0x21a: {  	[tilespmem:v11+s19+$0x0] =	vst.idx.msk $0xffff, v10  }
0x21b: {  	v11 =	vadd.s32 v27, v9;
	v10 =	vld [tilespmem:s25+$0xFFFFFF10]  }
0x21c: {  	v28 =	vld [tilespmem:$0x1FEF0];
	_ =	sdelay $0x3  }
0x21d: {  	[tilespmem:v11+s19+$0x0] =	vst.idx.msk $0xffff, v10  }
0x21e: {  	v11 =	vadd.s32 v28, v9;
	v10 =	vld [tilespmem:s25+$0xFFFFFF20]  }
0x21f: {  	v29 =	vld [tilespmem:$0x1FF00];
	_ =	sdelay $0x3  }
0x220: {  	[tilespmem:v11+s19+$0x0] =	vst.idx.msk $0xffff, v10  }
0x221: {  	v11 =	vadd.s32 v29, v9;
	v10 =	vld [tilespmem:s25+$0xFFFFFF30]  }
0x222: {  	v30 =	vld [tilespmem:$0x1FF10];
	_ =	sdelay $0x3  }
0x223: {  	[tilespmem:v11+s19+$0x0] =	vst.idx.msk $0xffff, v10  }
0x224: {  	v11 =	vadd.s32 v30, v9;
	v10 =	vld [tilespmem:s25+$0xFFFFFF40]  }
0x225: {  	v31 =	vld [tilespmem:$0x1FF20];
	_ =	sdelay $0x3  }
0x226: {  	[tilespmem:v11+s19+$0x0] =	vst.idx.msk $0xffff, v10  }
0x227: {  	v11 =	vadd.s32 v31, v9;
	v10 =	vld [tilespmem:s25+$0xFFFFFF50]  }
0x228: {  	v32 =	vld [tilespmem:$0x1FF30];
	_ =	sdelay $0x3  }
0x229: {  	[tilespmem:v11+s19+$0x0] =	vst.idx.msk $0xffff, v10  }
0x22a: {  	v11 =	vadd.s32 v32, v9;
	v10 =	vld [tilespmem:s25+$0xFFFFFF60]  }
0x22b: {  	v33 =	vld [tilespmem:$0x1FF40];
	_ =	sdelay $0x3  }
0x22c: {  	[tilespmem:v11+s19+$0x0] =	vst.idx.msk $0xffff, v10  }
0x22d: {  	v11 =	vadd.s32 v33, v9;
	v10 =	vld [tilespmem:s25+$0xFFFFFF70]  }
0x22e: {  	v34 =	vld [tilespmem:$0x1FF50];
	_ =	sdelay $0x3  }
0x22f: {  	[tilespmem:v11+s19+$0x0] =	vst.idx.msk $0xffff, v10  }
0x230: {  	v11 =	vadd.s32 v34, v9;
	v10 =	vld [tilespmem:s25+$0xFFFFFF80]  }
0x231: {  	v35 =	vld [tilespmem:$0x1FF60];
	_ =	sdelay $0x3  }
0x232: {  	[tilespmem:v11+s19+$0x0] =	vst.idx.msk $0xffff, v10  }
0x233: {  	v11 =	vadd.s32 v35, v9;
	v10 =	vld [tilespmem:s25+$0xFFFFFF90]  }
0x234: {  	v36 =	vld [tilespmem:$0x1FF70];
	_ =	sdelay $0x3  }
0x235: {  	[tilespmem:v11+s19+$0x0] =	vst.idx.msk $0xffff, v10  }
0x236: {  	v11 =	vadd.s32 v36, v9;
	v10 =	vld [tilespmem:s25+$0xFFFFFFA0]  }
0x237: {  	v37 =	vld [tilespmem:$0x1FF80];
	_ =	sdelay $0x3  }
0x238: {  	[tilespmem:v11+s19+$0x0] =	vst.idx.msk $0xffff, v10  }
0x239: {  	v11 =	vadd.s32 v37, v9;
	v10 =	vld [tilespmem:s25+$0xFFFFFFB0]  }
0x23a: {  	v38 =	vld [tilespmem:$0x1FF90];
	_ =	sdelay $0x3  }
0x23b: {  	[tilespmem:v11+s19+$0x0] =	vst.idx.msk $0xffff, v10  }
0x23c: {  	v11 =	vadd.s32 v38, v9;
	v10 =	vld [tilespmem:s25+$0xFFFFFFC0]  }
0x23d: {  	v39 =	vld [tilespmem:$0x1FFA0];
	_ =	sdelay $0x3  }
0x23e: {  	[tilespmem:v11+s19+$0x0] =	vst.idx.msk $0xffff, v10  }
0x23f: {  	v11 =	vadd.s32 v39, v9;
	v10 =	vld [tilespmem:s25+$0xFFFFFFD0]  }
0x240: {  	v40 =	vld [tilespmem:$0x1FFB0];
	_ =	sdelay $0x3  }
0x241: {  	[tilespmem:v11+s19+$0x0] =	vst.idx.msk $0xffff, v10  }
0x242: {  	v11 =	vadd.s32 v40, v9;
	v10 =	vld [tilespmem:s25+$0xFFFFFFE0]  }
0x243: {  	v41 =	vld [tilespmem:$0x1FFC0];
	_ =	sdelay $0x3  }
0x244: {  	[tilespmem:v11+s19+$0x0] =	vst.idx.msk $0xffff, v10  }
0x245: {  	v11 =	vadd.s32 v41, v9;
	v10 =	vld [tilespmem:s25+$0xFFFFFFF0]  }
0x246: {  	v42 =	vld [tilespmem:$0x1FFD0];
	_ =	sdelay $0x3  }
0x247: {  	[tilespmem:v11+s19+$0x0] =	vst.idx.msk $0xffff, v10  }
0x248: {  	s26 =	simm.s32 $0x0;
	v11 =	vadd.s32 v42, v9;
	v10 =	vld [tilespmem:s25+$0x0]  }
.LBB2_13:
0x249: {  	_ =	sdelay $0x3  }
0x24a: {  	s26 =	sadd.s32 $0x10, s26;
	v9 =	vadd.s32 $0x10, v9;
	s25 =	sadd.s32 $0x200, s25;
	[tilespmem:v11+s19+$0x0] =	vst.idx.msk $0xffff, v10  }
0x24b: {  	p0 =	slt.u32 s26, $0x70;
	v11 =	vadd.s32 v12, v9;
	v10 =	vld [tilespmem:s25+$0xFFFFFE10];
	_ =	sdelay $0x4  }
0x24c: {  	[tilespmem:v11+s19+$0x0] =	vst.idx.msk $0xffff, v10  }
0x24d: {  	v11 =	vadd.s32 v3, v9;
	v10 =	vld [tilespmem:s25+$0xFFFFFE20];
	_ =	sdelay $0x4  }
0x24e: {  	[tilespmem:v11+s19+$0x0] =	vst.idx.msk $0xffff, v10  }
0x24f: {  	v11 =	vadd.s32 v13, v9;
	v10 =	vld [tilespmem:s25+$0xFFFFFE30];
	_ =	sdelay $0x4  }
0x250: {  	[tilespmem:v11+s19+$0x0] =	vst.idx.msk $0xffff, v10  }
0x251: {  	v11 =	vadd.s32 v14, v9;
	v10 =	vld [tilespmem:s25+$0xFFFFFE40];
	_ =	sdelay $0x4  }
0x252: {  	[tilespmem:v11+s19+$0x0] =	vst.idx.msk $0xffff, v10  }
0x253: {  	v11 =	vadd.s32 v15, v9;
	v10 =	vld [tilespmem:s25+$0xFFFFFE50];
	_ =	sdelay $0x4  }
0x254: {  	[tilespmem:v11+s19+$0x0] =	vst.idx.msk $0xffff, v10  }
0x255: {  	v11 =	vadd.s32 v16, v9;
	v10 =	vld [tilespmem:s25+$0xFFFFFE60];
	_ =	sdelay $0x4  }
0x256: {  	[tilespmem:v11+s19+$0x0] =	vst.idx.msk $0xffff, v10  }
0x257: {  	v11 =	vadd.s32 v17, v9;
	v10 =	vld [tilespmem:s25+$0xFFFFFE70];
	_ =	sdelay $0x4  }
0x258: {  	[tilespmem:v11+s19+$0x0] =	vst.idx.msk $0xffff, v10  }
0x259: {  	v11 =	vadd.s32 v18, v9;
	v10 =	vld [tilespmem:s25+$0xFFFFFE80];
	_ =	sdelay $0x4  }
0x25a: {  	[tilespmem:v11+s19+$0x0] =	vst.idx.msk $0xffff, v10  }
0x25b: {  	v11 =	vadd.s32 v19, v9;
	v10 =	vld [tilespmem:s25+$0xFFFFFE90];
	_ =	sdelay $0x4  }
0x25c: {  	[tilespmem:v11+s19+$0x0] =	vst.idx.msk $0xffff, v10  }
0x25d: {  	v11 =	vadd.s32 v20, v9;
	v10 =	vld [tilespmem:s25+$0xFFFFFEA0];
	_ =	sdelay $0x4  }
0x25e: {  	[tilespmem:v11+s19+$0x0] =	vst.idx.msk $0xffff, v10  }
0x25f: {  	v11 =	vadd.s32 v21, v9;
	v10 =	vld [tilespmem:s25+$0xFFFFFEB0];
	_ =	sdelay $0x4  }
0x260: {  	[tilespmem:v11+s19+$0x0] =	vst.idx.msk $0xffff, v10  }
0x261: {  	v11 =	vadd.s32 v22, v9;
	v10 =	vld [tilespmem:s25+$0xFFFFFEC0];
	_ =	sdelay $0x4  }
0x262: {  	[tilespmem:v11+s19+$0x0] =	vst.idx.msk $0xffff, v10  }
0x263: {  	v11 =	vadd.s32 v23, v9;
	v10 =	vld [tilespmem:s25+$0xFFFFFED0];
	_ =	sdelay $0x4  }
0x264: {  	[tilespmem:v11+s19+$0x0] =	vst.idx.msk $0xffff, v10  }
0x265: {  	v11 =	vadd.s32 v24, v9;
	v10 =	vld [tilespmem:s25+$0xFFFFFEE0];
	_ =	sdelay $0x4  }
0x266: {  	[tilespmem:v11+s19+$0x0] =	vst.idx.msk $0xffff, v10  }
0x267: {  	v11 =	vadd.s32 v25, v9;
	v10 =	vld [tilespmem:s25+$0xFFFFFEF0];
	_ =	sdelay $0x4  }
0x268: {  	[tilespmem:v11+s19+$0x0] =	vst.idx.msk $0xffff, v10  }
0x269: {  	v11 =	vadd.s32 v26, v9;
	v10 =	vld [tilespmem:s25+$0xFFFFFF00];
	_ =	sdelay $0x4  }
0x26a: {  	[tilespmem:v11+s19+$0x0] =	vst.idx.msk $0xffff, v10  }
0x26b: {  	v11 =	vadd.s32 v27, v9;
	v10 =	vld [tilespmem:s25+$0xFFFFFF10];
	_ =	sdelay $0x4  }
0x26c: {  	[tilespmem:v11+s19+$0x0] =	vst.idx.msk $0xffff, v10  }
0x26d: {  	v11 =	vadd.s32 v28, v9;
	v10 =	vld [tilespmem:s25+$0xFFFFFF20];
	_ =	sdelay $0x4  }
0x26e: {  	[tilespmem:v11+s19+$0x0] =	vst.idx.msk $0xffff, v10  }
0x26f: {  	v11 =	vadd.s32 v29, v9;
	v10 =	vld [tilespmem:s25+$0xFFFFFF30];
	_ =	sdelay $0x4  }
0x270: {  	[tilespmem:v11+s19+$0x0] =	vst.idx.msk $0xffff, v10  }
0x271: {  	v11 =	vadd.s32 v30, v9;
	v10 =	vld [tilespmem:s25+$0xFFFFFF40];
	_ =	sdelay $0x4  }
0x272: {  	[tilespmem:v11+s19+$0x0] =	vst.idx.msk $0xffff, v10  }
0x273: {  	v11 =	vadd.s32 v31, v9;
	v10 =	vld [tilespmem:s25+$0xFFFFFF50];
	_ =	sdelay $0x4  }
0x274: {  	[tilespmem:v11+s19+$0x0] =	vst.idx.msk $0xffff, v10  }
0x275: {  	v11 =	vadd.s32 v32, v9;
	v10 =	vld [tilespmem:s25+$0xFFFFFF60];
	_ =	sdelay $0x4  }
0x276: {  	[tilespmem:v11+s19+$0x0] =	vst.idx.msk $0xffff, v10  }
0x277: {  	v11 =	vadd.s32 v33, v9;
	v10 =	vld [tilespmem:s25+$0xFFFFFF70];
	_ =	sdelay $0x4  }
0x278: {  	[tilespmem:v11+s19+$0x0] =	vst.idx.msk $0xffff, v10  }
0x279: {  	v11 =	vadd.s32 v34, v9;
	v10 =	vld [tilespmem:s25+$0xFFFFFF80];
	_ =	sdelay $0x4  }
0x27a: {  	[tilespmem:v11+s19+$0x0] =	vst.idx.msk $0xffff, v10  }
0x27b: {  	v11 =	vadd.s32 v35, v9;
	v10 =	vld [tilespmem:s25+$0xFFFFFF90];
	_ =	sdelay $0x4  }
0x27c: {  	[tilespmem:v11+s19+$0x0] =	vst.idx.msk $0xffff, v10  }
0x27d: {  	v11 =	vadd.s32 v36, v9;
	v10 =	vld [tilespmem:s25+$0xFFFFFFA0];
	_ =	sdelay $0x4  }
0x27e: {  	[tilespmem:v11+s19+$0x0] =	vst.idx.msk $0xffff, v10  }
0x27f: {  	v11 =	vadd.s32 v37, v9;
	v10 =	vld [tilespmem:s25+$0xFFFFFFB0];
	_ =	sdelay $0x4  }
0x280: {  	[tilespmem:v11+s19+$0x0] =	vst.idx.msk $0xffff, v10  }
0x281: {  	v11 =	vadd.s32 v38, v9;
	v10 =	vld [tilespmem:s25+$0xFFFFFFC0];
	_ =	sdelay $0x4  }
0x282: {  	[tilespmem:v11+s19+$0x0] =	vst.idx.msk $0xffff, v10  }
0x283: {  	v11 =	vadd.s32 v39, v9;
	v10 =	vld [tilespmem:s25+$0xFFFFFFD0];
	_ =	sdelay $0x4  }
0x284: {  	[tilespmem:v11+s19+$0x0] =	vst.idx.msk $0xffff, v10  }
0x285: {  	v11 =	vadd.s32 v40, v9;
	v10 =	vld [tilespmem:s25+$0xFFFFFFE0];
	_ =	sdelay $0x4  }
0x286: {  	[tilespmem:v11+s19+$0x0] =	vst.idx.msk $0xffff, v10  }
0x287: {  	v11 =	vadd.s32 v41, v9;
	v10 =	vld [tilespmem:s25+$0xFFFFFFF0];
	_ =	sdelay $0x1  }
.Ltmp5:
0x288: {  	(pc) =	sbr.rel @p0 .LBB2_13-.Ltmp5, $3  }
0x289: {  	_ =	sdelay $0x1  }
0x28a: {  	[tilespmem:v11+s19+$0x0] =	vst.idx.msk $0xffff, v10  }
0x28b: {  	v11 =	vadd.s32 v42, v9;
	v10 =	vld [tilespmem:s25+$0x0]  }
0x28c: {  	_ =	sdelay $0x3  }
0x28d: {  	[tilespmem:v11+s19+$0x0] =	vst.idx.msk $0xffff, v10  }
0x28e: {  	_ =	swait.ge [sflag:s18], $0x1000  }
0x28f: {  	v42 =	vld [tilespmem:$0x1FFE0];
	_ =	sdelay $0x2  }
0x290: {  	[sflag:s18] =	ssyncset.done $0x0  }
0x291: {  	v9 =	vimm.s32 $0x0;
	s25 =	simm.s32 $0xFDF0;
	[sflag:s18] =	ssyncadd.s32 $0xFFFFF000  }
0x292: {  	v10 =	vld [tilespmem:s25+$0xFFFFFE10];
	v11 =	vadd.s32 v42, v9  }
0x293: {  	v3 =	vmov v12;
	v12 =	vld [tilespmem:$0x1FD60];
	_ =	sdelay $0x3  }
0x294: {  	[tilespmem:v11+s19+$0x0] =	vst.idx.msk $0xffff, v10  }
0x295: {  	v11 =	vadd.s32 v12, v9;
	v10 =	vld [tilespmem:s25+$0xFFFFFE20]  }
0x296: {  	v13 =	vld [tilespmem:$0x1FD70];
	_ =	sdelay $0x3  }
0x297: {  	[tilespmem:v11+s19+$0x0] =	vst.idx.msk $0xffff, v10  }
0x298: {  	v11 =	vadd.s32 v13, v9;
	v10 =	vld [tilespmem:s25+$0xFFFFFE30];
	_ =	sdelay $0x4  }
0x299: {  	[tilespmem:v11+s19+$0x0] =	vst.idx.msk $0xffff, v10  }
0x29a: {  	v11 =	vadd.s32 v43, v9;
	v10 =	vld [tilespmem:s25+$0xFFFFFE40];
	_ =	sdelay $0x4  }
0x29b: {  	[tilespmem:v11+s19+$0x0] =	vst.idx.msk $0xffff, v10  }
0x29c: {  	v11 =	vadd.s32 v44, v9;
	v10 =	vld [tilespmem:s25+$0xFFFFFE50];
	_ =	sdelay $0x4  }
0x29d: {  	[tilespmem:v11+s19+$0x0] =	vst.idx.msk $0xffff, v10  }
0x29e: {  	v11 =	vadd.s32 v45, v9;
	v10 =	vld [tilespmem:s25+$0xFFFFFE60];
	_ =	sdelay $0x4  }
0x29f: {  	[tilespmem:v11+s19+$0x0] =	vst.idx.msk $0xffff, v10  }
0x2a0: {  	v11 =	vadd.s32 v46, v9;
	v10 =	vld [tilespmem:s25+$0xFFFFFE70];
	_ =	sdelay $0x4  }
0x2a1: {  	[tilespmem:v11+s19+$0x0] =	vst.idx.msk $0xffff, v10  }
0x2a2: {  	v11 =	vadd.s32 v47, v9;
	v10 =	vld [tilespmem:s25+$0xFFFFFE80];
	_ =	sdelay $0x4  }
0x2a3: {  	[tilespmem:v11+s19+$0x0] =	vst.idx.msk $0xffff, v10  }
0x2a4: {  	v11 =	vadd.s32 v48, v9;
	v10 =	vld [tilespmem:s25+$0xFFFFFE90];
	_ =	sdelay $0x4  }
0x2a5: {  	[tilespmem:v11+s19+$0x0] =	vst.idx.msk $0xffff, v10  }
0x2a6: {  	v11 =	vadd.s32 v49, v9;
	v10 =	vld [tilespmem:s25+$0xFFFFFEA0];
	_ =	sdelay $0x4  }
0x2a7: {  	[tilespmem:v11+s19+$0x0] =	vst.idx.msk $0xffff, v10  }
0x2a8: {  	v11 =	vadd.s32 v50, v9;
	v10 =	vld [tilespmem:s25+$0xFFFFFEB0];
	_ =	sdelay $0x4  }
0x2a9: {  	[tilespmem:v11+s19+$0x0] =	vst.idx.msk $0xffff, v10  }
0x2aa: {  	v11 =	vadd.s32 v51, v9;
	v10 =	vld [tilespmem:s25+$0xFFFFFEC0];
	_ =	sdelay $0x4  }
0x2ab: {  	[tilespmem:v11+s19+$0x0] =	vst.idx.msk $0xffff, v10  }
0x2ac: {  	v11 =	vadd.s32 v52, v9;
	v10 =	vld [tilespmem:s25+$0xFFFFFED0];
	_ =	sdelay $0x4  }
0x2ad: {  	[tilespmem:v11+s19+$0x0] =	vst.idx.msk $0xffff, v10  }
0x2ae: {  	v11 =	vadd.s32 v53, v9;
	v10 =	vld [tilespmem:s25+$0xFFFFFEE0];
	_ =	sdelay $0x4  }
0x2af: {  	[tilespmem:v11+s19+$0x0] =	vst.idx.msk $0xffff, v10  }
0x2b0: {  	v11 =	vadd.s32 v54, v9;
	v10 =	vld [tilespmem:s25+$0xFFFFFEF0];
	_ =	sdelay $0x4  }
0x2b1: {  	[tilespmem:v11+s19+$0x0] =	vst.idx.msk $0xffff, v10  }
0x2b2: {  	v11 =	vadd.s32 v55, v9;
	v10 =	vld [tilespmem:s25+$0xFFFFFF00];
	_ =	sdelay $0x4  }
0x2b3: {  	[tilespmem:v11+s19+$0x0] =	vst.idx.msk $0xffff, v10  }
0x2b4: {  	v11 =	vadd.s32 v56, v9;
	v10 =	vld [tilespmem:s25+$0xFFFFFF10];
	_ =	sdelay $0x4  }
0x2b5: {  	[tilespmem:v11+s19+$0x0] =	vst.idx.msk $0xffff, v10  }
0x2b6: {  	v11 =	vadd.s32 v57, v9;
	v10 =	vld [tilespmem:s25+$0xFFFFFF20];
	_ =	sdelay $0x4  }
0x2b7: {  	[tilespmem:v11+s19+$0x0] =	vst.idx.msk $0xffff, v10  }
0x2b8: {  	v11 =	vadd.s32 v58, v9;
	v10 =	vld [tilespmem:s25+$0xFFFFFF30];
	_ =	sdelay $0x4  }
0x2b9: {  	[tilespmem:v11+s19+$0x0] =	vst.idx.msk $0xffff, v10  }
0x2ba: {  	v11 =	vadd.s32 v59, v9;
	v10 =	vld [tilespmem:s25+$0xFFFFFF40];
	_ =	sdelay $0x4  }
0x2bb: {  	[tilespmem:v11+s19+$0x0] =	vst.idx.msk $0xffff, v10  }
0x2bc: {  	v11 =	vadd.s32 v60, v9;
	v10 =	vld [tilespmem:s25+$0xFFFFFF50];
	_ =	sdelay $0x4  }
0x2bd: {  	[tilespmem:v11+s19+$0x0] =	vst.idx.msk $0xffff, v10  }
0x2be: {  	v11 =	vadd.s32 v61, v9;
	v10 =	vld [tilespmem:s25+$0xFFFFFF60];
	_ =	sdelay $0x4  }
0x2bf: {  	[tilespmem:v11+s19+$0x0] =	vst.idx.msk $0xffff, v10  }
0x2c0: {  	v11 =	vadd.s32 v62, v9;
	v10 =	vld [tilespmem:s25+$0xFFFFFF70];
	_ =	sdelay $0x4  }
0x2c1: {  	[tilespmem:v11+s19+$0x0] =	vst.idx.msk $0xffff, v10  }
0x2c2: {  	v11 =	vadd.s32 v63, v9;
	v10 =	vld [tilespmem:s25+$0xFFFFFF80];
	_ =	sdelay $0x4  }
0x2c3: {  	[tilespmem:v11+s19+$0x0] =	vst.idx.msk $0xffff, v10  }
0x2c4: {  	v11 =	vadd.s32 v0, v9;
	v10 =	vld [tilespmem:s25+$0xFFFFFF90];
	_ =	sdelay $0x4  }
0x2c5: {  	[tilespmem:v11+s19+$0x0] =	vst.idx.msk $0xffff, v10  }
0x2c6: {  	v11 =	vadd.s32 v1, v9;
	v10 =	vld [tilespmem:s25+$0xFFFFFFA0];
	_ =	sdelay $0x4  }
0x2c7: {  	[tilespmem:v11+s19+$0x0] =	vst.idx.msk $0xffff, v10  }
0x2c8: {  	v11 =	vadd.s32 v2, v9;
	v10 =	vld [tilespmem:s25+$0xFFFFFFB0];
	_ =	sdelay $0x4  }
0x2c9: {  	[tilespmem:v11+s19+$0x0] =	vst.idx.msk $0xffff, v10  }
0x2ca: {  	v11 =	vadd.s32 v4, v9;
	v10 =	vld [tilespmem:s25+$0xFFFFFFC0];
	_ =	sdelay $0x4  }
0x2cb: {  	[tilespmem:v11+s19+$0x0] =	vst.idx.msk $0xffff, v10  }
0x2cc: {  	v11 =	vadd.s32 v5, v9;
	v10 =	vld [tilespmem:s25+$0xFFFFFFD0];
	_ =	sdelay $0x4  }
0x2cd: {  	[tilespmem:v11+s19+$0x0] =	vst.idx.msk $0xffff, v10  }
0x2ce: {  	v11 =	vadd.s32 v6, v9;
	v10 =	vld [tilespmem:s25+$0xFFFFFFE0];
	_ =	sdelay $0x4  }
0x2cf: {  	[tilespmem:v11+s19+$0x0] =	vst.idx.msk $0xffff, v10  }
0x2d0: {  	v11 =	vadd.s32 v7, v9;
	v10 =	vld [tilespmem:s25+$0xFFFFFFF0];
	_ =	sdelay $0x4  }
0x2d1: {  	[tilespmem:v11+s19+$0x0] =	vst.idx.msk $0xffff, v10  }
0x2d2: {  	s26 =	simm.s32 $0x0;
	v11 =	vadd.s32 v8, v9;
	v10 =	vld [tilespmem:s25+$0x0]  }
.LBB2_15:
0x2d3: {  	_ =	sdelay $0x3  }
0x2d4: {  	s26 =	sadd.s32 $0x10, s26;
	v9 =	vadd.s32 $0x10, v9;
	s25 =	sadd.s32 $0x200, s25;
	[tilespmem:v11+s19+$0x0] =	vst.idx.msk $0xffff, v10  }
0x2d5: {  	p0 =	slt.u32 s26, $0x70;
	v11 =	vadd.s32 v42, v9;
	v10 =	vld [tilespmem:s25+$0xFFFFFE10];
	_ =	sdelay $0x4  }
0x2d6: {  	[tilespmem:v11+s19+$0x0] =	vst.idx.msk $0xffff, v10  }
0x2d7: {  	v11 =	vadd.s32 v12, v9;
	v10 =	vld [tilespmem:s25+$0xFFFFFE20];
	_ =	sdelay $0x4  }
0x2d8: {  	[tilespmem:v11+s19+$0x0] =	vst.idx.msk $0xffff, v10  }
0x2d9: {  	v11 =	vadd.s32 v13, v9;
	v10 =	vld [tilespmem:s25+$0xFFFFFE30];
	_ =	sdelay $0x4  }
0x2da: {  	[tilespmem:v11+s19+$0x0] =	vst.idx.msk $0xffff, v10  }
0x2db: {  	v11 =	vadd.s32 v43, v9;
	v10 =	vld [tilespmem:s25+$0xFFFFFE40];
	_ =	sdelay $0x4  }
0x2dc: {  	[tilespmem:v11+s19+$0x0] =	vst.idx.msk $0xffff, v10  }
0x2dd: {  	v11 =	vadd.s32 v44, v9;
	v10 =	vld [tilespmem:s25+$0xFFFFFE50];
	_ =	sdelay $0x4  }
0x2de: {  	[tilespmem:v11+s19+$0x0] =	vst.idx.msk $0xffff, v10  }
0x2df: {  	v11 =	vadd.s32 v45, v9;
	v10 =	vld [tilespmem:s25+$0xFFFFFE60];
	_ =	sdelay $0x4  }
0x2e0: {  	[tilespmem:v11+s19+$0x0] =	vst.idx.msk $0xffff, v10  }
0x2e1: {  	v11 =	vadd.s32 v46, v9;
	v10 =	vld [tilespmem:s25+$0xFFFFFE70];
	_ =	sdelay $0x4  }
0x2e2: {  	[tilespmem:v11+s19+$0x0] =	vst.idx.msk $0xffff, v10  }
0x2e3: {  	v11 =	vadd.s32 v47, v9;
	v10 =	vld [tilespmem:s25+$0xFFFFFE80];
	_ =	sdelay $0x4  }
0x2e4: {  	[tilespmem:v11+s19+$0x0] =	vst.idx.msk $0xffff, v10  }
0x2e5: {  	v11 =	vadd.s32 v48, v9;
	v10 =	vld [tilespmem:s25+$0xFFFFFE90];
	_ =	sdelay $0x4  }
0x2e6: {  	[tilespmem:v11+s19+$0x0] =	vst.idx.msk $0xffff, v10  }
0x2e7: {  	v11 =	vadd.s32 v49, v9;
	v10 =	vld [tilespmem:s25+$0xFFFFFEA0];
	_ =	sdelay $0x4  }
0x2e8: {  	[tilespmem:v11+s19+$0x0] =	vst.idx.msk $0xffff, v10  }
0x2e9: {  	v11 =	vadd.s32 v50, v9;
	v10 =	vld [tilespmem:s25+$0xFFFFFEB0];
	_ =	sdelay $0x4  }
0x2ea: {  	[tilespmem:v11+s19+$0x0] =	vst.idx.msk $0xffff, v10  }
0x2eb: {  	v11 =	vadd.s32 v51, v9;
	v10 =	vld [tilespmem:s25+$0xFFFFFEC0];
	_ =	sdelay $0x4  }
0x2ec: {  	[tilespmem:v11+s19+$0x0] =	vst.idx.msk $0xffff, v10  }
0x2ed: {  	v11 =	vadd.s32 v52, v9;
	v10 =	vld [tilespmem:s25+$0xFFFFFED0];
	_ =	sdelay $0x4  }
0x2ee: {  	[tilespmem:v11+s19+$0x0] =	vst.idx.msk $0xffff, v10  }
0x2ef: {  	v11 =	vadd.s32 v53, v9;
	v10 =	vld [tilespmem:s25+$0xFFFFFEE0];
	_ =	sdelay $0x4  }
0x2f0: {  	[tilespmem:v11+s19+$0x0] =	vst.idx.msk $0xffff, v10  }
0x2f1: {  	v11 =	vadd.s32 v54, v9;
	v10 =	vld [tilespmem:s25+$0xFFFFFEF0];
	_ =	sdelay $0x4  }
0x2f2: {  	[tilespmem:v11+s19+$0x0] =	vst.idx.msk $0xffff, v10  }
0x2f3: {  	v11 =	vadd.s32 v55, v9;
	v10 =	vld [tilespmem:s25+$0xFFFFFF00];
	_ =	sdelay $0x4  }
0x2f4: {  	[tilespmem:v11+s19+$0x0] =	vst.idx.msk $0xffff, v10  }
0x2f5: {  	v11 =	vadd.s32 v56, v9;
	v10 =	vld [tilespmem:s25+$0xFFFFFF10];
	_ =	sdelay $0x4  }
0x2f6: {  	[tilespmem:v11+s19+$0x0] =	vst.idx.msk $0xffff, v10  }
0x2f7: {  	v11 =	vadd.s32 v57, v9;
	v10 =	vld [tilespmem:s25+$0xFFFFFF20];
	_ =	sdelay $0x4  }
0x2f8: {  	[tilespmem:v11+s19+$0x0] =	vst.idx.msk $0xffff, v10  }
0x2f9: {  	v11 =	vadd.s32 v58, v9;
	v10 =	vld [tilespmem:s25+$0xFFFFFF30];
	_ =	sdelay $0x4  }
0x2fa: {  	[tilespmem:v11+s19+$0x0] =	vst.idx.msk $0xffff, v10  }
0x2fb: {  	v11 =	vadd.s32 v59, v9;
	v10 =	vld [tilespmem:s25+$0xFFFFFF40];
	_ =	sdelay $0x4  }
0x2fc: {  	[tilespmem:v11+s19+$0x0] =	vst.idx.msk $0xffff, v10  }
0x2fd: {  	v11 =	vadd.s32 v60, v9;
	v10 =	vld [tilespmem:s25+$0xFFFFFF50];
	_ =	sdelay $0x4  }
0x2fe: {  	[tilespmem:v11+s19+$0x0] =	vst.idx.msk $0xffff, v10  }
0x2ff: {  	v11 =	vadd.s32 v61, v9;
	v10 =	vld [tilespmem:s25+$0xFFFFFF60];
	_ =	sdelay $0x4  }
0x300: {  	[tilespmem:v11+s19+$0x0] =	vst.idx.msk $0xffff, v10  }
0x301: {  	v11 =	vadd.s32 v62, v9;
	v10 =	vld [tilespmem:s25+$0xFFFFFF70];
	_ =	sdelay $0x4  }
0x302: {  	[tilespmem:v11+s19+$0x0] =	vst.idx.msk $0xffff, v10  }
0x303: {  	v11 =	vadd.s32 v63, v9;
	v10 =	vld [tilespmem:s25+$0xFFFFFF80];
	_ =	sdelay $0x4  }
0x304: {  	[tilespmem:v11+s19+$0x0] =	vst.idx.msk $0xffff, v10  }
0x305: {  	v11 =	vadd.s32 v0, v9;
	v10 =	vld [tilespmem:s25+$0xFFFFFF90];
	_ =	sdelay $0x4  }
0x306: {  	[tilespmem:v11+s19+$0x0] =	vst.idx.msk $0xffff, v10  }
0x307: {  	v11 =	vadd.s32 v1, v9;
	v10 =	vld [tilespmem:s25+$0xFFFFFFA0];
	_ =	sdelay $0x4  }
0x308: {  	[tilespmem:v11+s19+$0x0] =	vst.idx.msk $0xffff, v10  }
0x309: {  	v11 =	vadd.s32 v2, v9;
	v10 =	vld [tilespmem:s25+$0xFFFFFFB0];
	_ =	sdelay $0x4  }
0x30a: {  	[tilespmem:v11+s19+$0x0] =	vst.idx.msk $0xffff, v10  }
0x30b: {  	v11 =	vadd.s32 v4, v9;
	v10 =	vld [tilespmem:s25+$0xFFFFFFC0];
	_ =	sdelay $0x4  }
0x30c: {  	[tilespmem:v11+s19+$0x0] =	vst.idx.msk $0xffff, v10  }
0x30d: {  	v11 =	vadd.s32 v5, v9;
	v10 =	vld [tilespmem:s25+$0xFFFFFFD0];
	_ =	sdelay $0x4  }
0x30e: {  	[tilespmem:v11+s19+$0x0] =	vst.idx.msk $0xffff, v10  }
0x30f: {  	v11 =	vadd.s32 v6, v9;
	v10 =	vld [tilespmem:s25+$0xFFFFFFE0];
	_ =	sdelay $0x4  }
0x310: {  	[tilespmem:v11+s19+$0x0] =	vst.idx.msk $0xffff, v10  }
0x311: {  	v11 =	vadd.s32 v7, v9;
	v10 =	vld [tilespmem:s25+$0xFFFFFFF0];
	_ =	sdelay $0x1  }
.Ltmp6:
0x312: {  	(pc) =	sbr.rel @p0 .LBB2_15-.Ltmp6, $3  }
0x313: {  	_ =	sdelay $0x1  }
0x314: {  	[tilespmem:v11+s19+$0x0] =	vst.idx.msk $0xffff, v10  }
0x315: {  	v11 =	vadd.s32 v8, v9;
	v10 =	vld [tilespmem:s25+$0x0]  }
0x316: {  	v12 =	vld [tilespmem:$0x1FE00]  }
0x317: {  	v13 =	vld [tilespmem:$0x1FE10]  }
0x318: {  	v14 =	vld [tilespmem:$0x1FE20]  }
0x319: {  	v15 =	vld [tilespmem:$0x1FE30]  }
0x31a: {  	v16 =	vld [tilespmem:$0x1FE40]  }
0x31b: {  	v17 =	vld [tilespmem:$0x1FE50]  }
0x31c: {  	v18 =	vld [tilespmem:$0x1FE60]  }
0x31d: {  	v19 =	vld [tilespmem:$0x1FE70]  }
0x31e: {  	v20 =	vld [tilespmem:$0x1FE80]  }
0x31f: {  	v21 =	vld [tilespmem:$0x1FE90]  }
0x320: {  	v22 =	vld [tilespmem:$0x1FEA0]  }
0x321: {  	v23 =	vld [tilespmem:$0x1FEB0]  }
0x322: {  	v24 =	vld [tilespmem:$0x1FEC0]  }
0x323: {  	s24 =	sshll.u32 s24, $0x12;
	v25 =	vld [tilespmem:$0x1FED0]  }
0x324: {  	v26 =	vld [tilespmem:$0x1FEE0];
	s24 =	sor.u32 s6, s24  }
0x325: {  	v27 =	vld [tilespmem:$0x1FEF0];
	s24 =	sshrl.u32 s24, $0x3  }
0x326: {  	s30 =	simm.s32 $0x12E00;
	v28 =	vld [tilespmem:$0x1FF00];
	s25 =	sadd.s32 s2, s24;
	[tilespmem:v11+s19+$0x0] =	vst.idx.msk $0xffff, v10  }
0x327: {  	v29 =	vld [tilespmem:$0x1FF10];
	[hbm4b:s25+s3] =	stream.linear.scatter [tilespmem:s30], [sflag:$0x4], $0x80, $0x38  }
0x328: {  	s31 =	simm.s32 $0x12E88;
	v30 =	vld [tilespmem:$0x1FF20];
	s26 =	sadd.s32 $0x10, s25  }
0x329: {  	v31 =	vld [tilespmem:$0x1FF30];
	[hbm4b:s26+s3] =	stream.linear.scatter [tilespmem:s31], [sflag:$0x4], $0x80, $0x38  }
0x32a: {  	s28 =	simm.s32 $0x131B8;
	v32 =	vld [tilespmem:$0x1FF40];
	s30 =	simm.s32 $0x12F10;
	s31 =	sadd.s32 $0x20, s25  }
0x32b: {  	v33 =	vld [tilespmem:$0x1FF50];
	[hbm4b:s31+s3] =	stream.linear.scatter [tilespmem:s30], [sflag:$0x4], $0x80, $0x38  }
0x32c: {  	v34 =	vld [tilespmem:$0x1FF60];
	s24 =	simm.s32 $0x440;
	s30 =	simm.s32 $0x12F98;
	s31 =	sadd.s32 $0x30, s25  }
0x32d: {  	v35 =	vld [tilespmem:$0x1FF70];
	[hbm4b:s31+s3] =	stream.linear.scatter [tilespmem:s30], [sflag:$0x4], $0x80, $0x38  }
0x32e: {  	v36 =	vld [tilespmem:$0x1FF80];
	s29 =	sadd.s32 $0x70, s25;
	s30 =	simm.s32 $0x13020;
	s31 =	sadd.s32 $0x40, s25  }
0x32f: {  	v37 =	vld [tilespmem:$0x1FF90];
	[hbm4b:s31+s3] =	stream.linear.scatter [tilespmem:s30], [sflag:$0x4], $0x80, $0x38  }
0x330: {  	v38 =	vld [tilespmem:$0x1FFA0];
	s26 =	simm.s32 $0x2200;
	s30 =	simm.s32 $0x130A8;
	s31 =	sadd.s32 $0x50, s25  }
0x331: {  	v39 =	vld [tilespmem:$0x1FFB0];
	[hbm4b:s31+s3] =	stream.linear.scatter [tilespmem:s30], [sflag:$0x4], $0x80, $0x38  }
0x332: {  	v40 =	vld [tilespmem:$0x1FFC0];
	s30 =	simm.s32 $0x13130;
	s31 =	sadd.s32 $0x60, s25;
	s25 =	sadd.s32 $0x1000, s25  }
0x333: {  	v41 =	vld [tilespmem:$0x1FFD0];
	[hbm4b:s31+s3] =	stream.linear.scatter [tilespmem:s30], [sflag:$0x4], $0x80, $0x38  }
.LBB2_17:
0x334: {  	[hbm4b:s29+s3] =	stream.linear.scatter [tilespmem:s28], [sflag:$0x4], $0x80, $0x38;
	[tilespmem:$0x15000] =	vst v63  }
0x335: {  	s28 =	smov.u32 s24;
	s24 =	smov.u32 s26  }
0x336: {  	s30 =	sadd.s32 $0x1100, s26;
	s24 =	sshra.s32 s24, $0x2;
	s29 =	sadd.s32 $0x12E00, s28  }
0x337: {  	[hbm4b:s25+s3] =	stream.linear.scatter [tilespmem:s29], [sflag:$0x4], $0x80, $0x38;
	[tilespmem:$0x15000] =	vst v63  }
0x338: {  	p0 =	sne.s32 s26, $0x7700;
	s26 =	sadd.s32 $0x12E88, s28;
	s29 =	sadd.s32 $0x10, s25  }
0x339: {  	[hbm4b:s29+s3] =	stream.linear.scatter [tilespmem:s26], [sflag:$0x4], $0x80, $0x38;
	[tilespmem:$0x15000] =	vst v63  }
0x33a: {  	s26 =	sadd.s32 $0x12F10, s28;
	s29 =	sadd.s32 $0x20, s25  }
0x33b: {  	[hbm4b:s29+s3] =	stream.linear.scatter [tilespmem:s26], [sflag:$0x4], $0x80, $0x38;
	[tilespmem:$0x15000] =	vst v63  }
0x33c: {  	s26 =	sadd.s32 $0x12F98, s28;
	s29 =	sadd.s32 $0x30, s25  }
0x33d: {  	[hbm4b:s29+s3] =	stream.linear.scatter [tilespmem:s26], [sflag:$0x4], $0x80, $0x38;
	[tilespmem:$0x15000] =	vst v63  }
0x33e: {  	s26 =	sadd.s32 $0x13020, s28;
	s29 =	sadd.s32 $0x40, s25  }
0x33f: {  	[hbm4b:s29+s3] =	stream.linear.scatter [tilespmem:s26], [sflag:$0x4], $0x80, $0x38;
	[tilespmem:$0x15000] =	vst v63  }
.Ltmp7:
0x340: {  	s26 =	sadd.s32 $0x130A8, s28;
	s29 =	sadd.s32 $0x50, s25;
	(pc) =	sbr.rel @p0 .LBB2_17-.Ltmp7, $4  }
0x341: {  	[hbm4b:s29+s3] =	stream.linear.scatter [tilespmem:s26], [sflag:$0x4], $0x80, $0x38;
	[tilespmem:$0x15000] =	vst v63  }
0x342: {  	s26 =	sadd.s32 $0x13130, s28;
	s29 =	sadd.s32 $0x60, s25;
	s28 =	sadd.s32 $0x131B8, s28  }
0x343: {  	[hbm4b:s29+s3] =	stream.linear.scatter [tilespmem:s26], [sflag:$0x4], $0x80, $0x38;
	[tilespmem:$0x15000] =	vst v63  }
0x344: {  	s29 =	sadd.s32 $0x70, s25;
	s25 =	sadd.s32 $0x1000, s25;
	s26 =	smov.u32 s30  }
0x345: {  	[hbm4b:s29+s3] =	stream.linear.scatter [tilespmem:s28], [sflag:$0x4], $0x80, $0x38;
	[tilespmem:$0x15000] =	vst v63  }
0x346: {  	s26 =	sadd.s32 $0x12E00, s24  }
0x347: {  	[hbm4b:s25+s3] =	stream.linear.scatter [tilespmem:s26], [sflag:$0x4], $0x80, $0x38;
	[tilespmem:$0x15000] =	vst v63  }
0x348: {  	s30 =	sadd.s32 $0x12E88, s24;
	s31 =	sadd.s32 $0x10, s25  }
0x349: {  	[hbm4b:s31+s3] =	stream.linear.scatter [tilespmem:s30], [sflag:$0x4], $0x80, $0x38;
	[tilespmem:$0x15000] =	vst v63  }
0x34a: {  	s29 =	sadd.s32 $0x12F10, s24;
	s30 =	sadd.s32 $0x20, s25  }
0x34b: {  	[hbm4b:s30+s3] =	stream.linear.scatter [tilespmem:s29], [sflag:$0x4], $0x80, $0x38;
	[tilespmem:$0x15000] =	vst v63  }
0x34c: {  	s31 =	sadd.s32 $0x12F98, s24;
	s29 =	sadd.s32 $0x30, s25  }
0x34d: {  	[hbm4b:s29+s3] =	stream.linear.scatter [tilespmem:s31], [sflag:$0x4], $0x80, $0x38;
	[tilespmem:$0x15000] =	vst v63  }
0x34e: {  	s23 =	sadd.s32 $0x1, s23;
	s30 =	sadd.s32 $0x13020, s24;
	s31 =	sadd.s32 $0x40, s25  }
0x34f: {  	v4 =	vld [tilespmem:$0x1FD80];
	[hbm4b:s31+s3] =	stream.linear.scatter [tilespmem:s30], [sflag:$0x4], $0x80, $0x38  }
0x350: {  	v5 =	vld [tilespmem:$0x1FD90];
	p0 =	sne.s32 s23, $0x32;
	s29 =	sadd.s32 $0x130A8, s24;
	s30 =	sadd.s32 $0x50, s25  }
0x351: {  	v6 =	vld [tilespmem:$0x1FDA0];
	[hbm4b:s30+s3] =	stream.linear.scatter [tilespmem:s29], [sflag:$0x4], $0x80, $0x38  }
.Ltmp8:
0x352: {  	v7 =	vld [tilespmem:$0x1FDB0];
	(pc) =	sbr.rel @p0 .LBB2_6-.Ltmp8, $4  }
0x353: {  	v8 =	vld [tilespmem:$0x1FDC0];
	s31 =	sadd.s32 $0x13130, s24;
	s29 =	sadd.s32 $0x60, s25  }
0x354: {  	v9 =	vld [tilespmem:$0x1FDD0];
	[hbm4b:s29+s3] =	stream.linear.scatter [tilespmem:s31], [sflag:$0x4], $0x80, $0x38  }
0x355: {  	v10 =	vld [tilespmem:$0x1FDE0];
	s30 =	sadd.s32 $0x131B8, s24;
	s31 =	sadd.s32 $0x70, s25  }
0x356: {  	v11 =	vld [tilespmem:$0x1FDF0];
	[hbm4b:s31+s3] =	stream.linear.scatter [tilespmem:s30], [sflag:$0x4], $0x80, $0x38  }
0x357: {  	s22 =	sadd.s32 $0x1, s22  }
0x358: {  	_ =	swait.ge [sflag:s20], $0x2000;
	p0 =	sne.s32 s22, s7  }
.Ltmp9:
0x359: {  	[sflag:s20] =	ssyncset.done $0x0;
	(pc) =	sbr.rel @p0 .LBB2_1-.Ltmp9, $4  }
0x35a: {  	[sflag:s20] =	ssyncadd.s32 $0xFFFFE000  }
0x35b: {  	_ =	swait.ge [sflag:s21], $0x2000  }
0x35c: {  	[sflag:s21] =	ssyncset.done $0x0  }
0x35d: {  	[sflag:s21] =	ssyncadd.s32 $0xFFFFE000  }
0x35e: {  	_ =	sfence.sel $0x180000  }
0x35f: {  	[bflag:$0x0] =	sbarrier.arrive $0xFFFF  }
0x360: {  	p0 =	sne.s32 s0, $0x0;
	_ =	strace $0x90000047  }
0x361: {  	s0 =	sadd.s32 @!p0 $0x100000, s1;
	[bflag:$0x2] =	sbarrier.arrive $0xFFFF  }
0x362: {  	[sflag:s0] =	ssyncadd.tile.s32 @!p0 $0x1;
	_ =	shalt  }
.Lfunc_end2:
_tile_overlayer_lowered:
.L_overlay_start_2:
0x363: {  	(tag) =	ssettag $0x2  }
0x364: {  	s0 =	rddreg [dreg:$0x0];
	s2 =	stileid.u32  }
0x365: {  	s1 =	rddreg [dreg:$0x1];
	p0 =	sne.s32 s2, $0x0  }
0x366: {  	s3 =	rddreg [dreg:$0x2];
	[bflag:$0x3] =	sbarrier.arrive $0xFFFF;
	s2 =	simm.s32 @!p0 $0x1C05  }
0x367: {  	[timem:s3], [sflag:s2] =	dma.local @!p0 [hbm:s0], s1  }
0x368: {  	s0 =	simm.s32 @!p0 $0x5  }
0x369: {  	_ =	swait.ge @!p0 [sflag:s0], s1  }
0x36a: {  	s1 =	ssub.s32 @!p0 $0x0, s1;
	[sflag:s0] =	ssyncset.done @!p0 $0x0  }
0x36b: {  	[sflag:s0] =	ssyncadd.s32 @!p0 s1  }
0x36c: {  	[bflag:$0x3] =	sbarrier.arrive $0xFFFF  }
0x36d: {  	_ =	shalt  }

</sc_bundles>
